<compile_context>
chip_gen: v7x
topology: tpu7x:2x2x1
jax: 0.10.2.dev20260603
libtpu: 0.0.44.dev20260713+nightly
codegen_flags: <defaults>
</compile_context>

<pallas_src>
import jax
import jax.numpy as jnp
from jax import lax
from jax.experimental import pallas as pl
from jax.experimental.pallas import tpu as pltpu
from jax.experimental.pallas import tpu_sc as plsc

N = 10000
E = 320000
D = 128
CW = 16
DA = D + CW
EPS = 1e-5

NC = 2
NS = 16
K = 96
IB = 14
NB0 = 10
NB1 = 5
C0 = NB0 * IB
C1 = NB1 * IB
TOTC = NS * (C0 + C1)
EPAD = TOTC * K
PAD = EPAD - E
ACC_ROWS = 10112
RPS = ACC_ROWS // NS

_mesh = plsc.VectorSubcoreMesh(
    core_axis_name="c", subcore_axis_name="s", num_cores=NC, num_subcores=NS
)


def _agg_body(nbuf, tbl_hbm, srcw_hbm, dstw_hbm, out_hbm,
              srcb, dstb, *rest):
    rows = rest[:nbuf]
    acc = rest[nbuf]
    gsems = rest[nbuf + 1:2 * nbuf + 1]
    ssems = rest[2 * nbuf + 1:]
    rows0 = rows[0]
    cid = lax.axis_index("c")
    sid = lax.axis_index("s")
    da = rows0.shape[1]
    @pl.loop(0, K)
    def _(r):
        @pl.loop(0, da // 16)
        def _(c):
            rows0[r, pl.ds(c * 16, 16)] = jnp.zeros((16,), jnp.float32)

    base = sid * RPS
    for j in range(6):
        pltpu.sync_copy(rows0, acc.at[pl.ds(base + j * K, K)])
    pltpu.sync_copy(rows0.at[pl.ds(0, RPS - 6 * K)],
                    acc.at[pl.ds(base + 6 * K, RPS - 6 * K)])
    plsc.subcore_barrier()

    is0 = cid == 0
    nb = lax.select(is0, NB0, NB1)
    cbase = lax.select(is0, sid * C0, NS * C0 + sid * C1)

    @pl.loop(0, nb)
    def _(bk):
        off = cbase + bk * IB
        pltpu.sync_copy(srcw_hbm.at[pl.ds(off, IB)], srcb)
        pltpu.sync_copy(dstw_hbm.at[pl.ds(off, IB)], dstb)
        d_g = {}
        d_s = {}
        for j in range(nbuf - 1):
            if j < IB:
                d_g[j] = pltpu.async_copy(
                    tbl_hbm.at[srcb.at[j]], rows[j % nbuf], gsems[j % nbuf])
        for i in range(IB):
            b = i % nbuf
            j = i + nbuf - 1
            if j < IB:
                if i >= 1:
                    d_s[i - 1].wait()
                d_g[j] = pltpu.async_copy(
                    tbl_hbm.at[srcb.at[j]], rows[j % nbuf], gsems[j % nbuf])
            d_g[i].wait()
            d_s[i] = pltpu.async_copy(rows[b], acc.at[dstb.at[i]],
                                      ssems[b], add=True)
        for i in range(max(0, IB - nbuf), IB):
            d_s[i].wait()

    plsc.subcore_barrier()
    pltpu.sync_copy(acc.at[pl.ds(base, RPS)], out_hbm.at[cid].at[pl.ds(base, RPS)])


def _make_agg(da, nbuf):
    import functools
    return pl.kernel(
        functools.partial(_agg_body, nbuf),
        out_type=jax.ShapeDtypeStruct((NC, ACC_ROWS, da), jnp.float32),
        mesh=_mesh,
        scratch_types=(
            [pltpu.VMEM((IB, K), jnp.int32),
             pltpu.VMEM((IB, K), jnp.int32)]
            + [pltpu.VMEM((K, da), jnp.float32)] * nbuf
            + [pltpu.VMEM_SHARED((ACC_ROWS, da), jnp.float32)]
            + [pltpu.SemaphoreType.DMA] * (2 * nbuf)
        ),
        compiler_params=pltpu.CompilerParams(use_tc_tiling_on_sc=False),
    )


_agg_aug = _make_agg(DA, 2)
_agg_plain = _make_agg(D, 3)


def _lin_body(x_ref, w_ref, o_ref):
    o_ref[...] = lax.dot_general(
        x_ref[...], w_ref[...], (((1,), (1,)), ((), ())),
        preferred_element_type=jnp.float32)


def _linear(x, w):
    return pl.pallas_call(
        _lin_body,
        out_shape=jax.ShapeDtypeStruct((x.shape[0], w.shape[0]), jnp.float32),
    )(x, w)


def _sage_tail(aggr, cnt, xr, wl, bl, g, b):
    mean = aggr / jnp.maximum(cnt, 1.0)
    pre = lax.dot_general(
        mean, wl, (((1,), (1,)), ((), ())),
        preferred_element_type=jnp.float32)
    pre = pre + bl + xr
    mu = jnp.mean(pre, axis=0, keepdims=True)
    var = jnp.mean((pre - mu) ** 2, axis=0, keepdims=True)
    hn = (pre - mu) * lax.rsqrt(var + EPS) * g + b
    return jnp.maximum(hn, 0.0)


def _dense1_body(s_ref, xr_ref, wl_ref, bl_ref, g_ref, b_ref, o_ref):
    s = s_ref[...]
    aggr = s[0, :N, :D] + s[1, :N, :D]
    cnt = s[0, :N, D:D + 1] + s[1, :N, D:D + 1]
    o_ref[...] = _sage_tail(aggr, cnt, xr_ref[...], wl_ref[...],
                            bl_ref[...], g_ref[...], b_ref[...])


def _dense1(sums, xr, wl, bl, g, b):
    return pl.pallas_call(
        _dense1_body,
        out_shape=jax.ShapeDtypeStruct((N, D), jnp.float32),
    )(sums, xr, wl.reshape(D, D), bl.reshape(1, D),
      g.reshape(1, D), b.reshape(1, D))


def _dense2_body(s_ref, c_ref, xr_ref, wl_ref, bl_ref, g_ref, b_ref,
                 wlin_ref, blin_ref, o_ref):
    s = s_ref[...]
    c = c_ref[...]
    aggr = s[0, :N, :] + s[1, :N, :]
    cnt = c[0, :N, 0:1] + c[1, :N, 0:1]
    h = _sage_tail(aggr, cnt, xr_ref[...], wl_ref[...],
                   bl_ref[...], g_ref[...], b_ref[...])
    o_ref[...] = lax.dot_general(
        h, wlin_ref[...], (((1,), (1,)), ((), ())),
        preferred_element_type=jnp.float32) + blin_ref[...]


def _dense2(sums, cnts, xr, wl, bl, g, b, wlin, blin):
    return pl.pallas_call(
        _dense2_body,
        out_shape=jax.ShapeDtypeStruct((N, wlin.shape[0]), jnp.float32),
    )(sums, cnts, xr, wl.reshape(D, D), bl.reshape(1, D),
      g.reshape(1, D), b.reshape(1, D), wlin, blin.reshape(1, -1))


def kernel(x, edge_index, Wl1, bl1, Wr1, g1, b1, Wl2, bl2, Wr2, g2, b2, Wlin, blin):
    src = edge_index[0]
    dst = edge_index[1]
    srcw = jnp.concatenate([src, jnp.zeros((PAD,), jnp.int32)]).reshape(TOTC, K)
    junk = N + jnp.arange(PAD, dtype=jnp.int32) % (ACC_ROWS - N)
    dstw = jnp.concatenate([dst, junk]).reshape(TOTC, K)
    x_aug = jnp.concatenate([x, jnp.ones((N, CW), jnp.float32)], axis=1)

    sums1 = _agg_aug(x_aug, srcw, dstw)
    xr1 = _linear(x, Wr1)
    h = _dense1(sums1, xr1, Wl1, bl1, g1, b1)

    sums2 = _agg_plain(h, srcw, dstw)
    hr2 = _linear(h, Wr2)
    cnts = sums1[:, :, D:]
    return _dense2(sums2, cnts, hr2, Wl2, bl2, g2, b2, Wlin, blin)

# --- scband reference (transcript-rebuilt; emitter-appended) ---
"""Pipeline reference for scband-bus-stop-predictor-5050881540303 (READ-ONLY COPY).

The authoritative reference and input builder live on the scoring server;
editing this copy changes nothing except your own understanding.
"""

import jax, jax.numpy as jnp
import numpy as np

N = 10000
E = 320000
D_IN = 128
D_H = 128
D_OUT = 2
EPS = 1e-5


def sage_conv(x, edge_index, Wl, bl, Wr):
    # PyG SAGEConv(mean): out = lin_l(mean_aggr(x_src -> dst)) + lin_r(x)
    src = edge_index[0]
    dst = edge_index[1]
    msg = jnp.take(x, src, axis=0)
    aggr = jax.ops.segment_sum(msg, dst, num_segments=x.shape[0])
    cnt = jax.ops.segment_sum(jnp.ones((src.shape[0],), x.dtype), dst, num_segments=x.shape[0])
    aggr = aggr / jnp.clip(cnt, 1.0, None)[:, None]
    return aggr @ Wl.T + bl + x @ Wr.T


def batch_norm(x, gamma, beta):
    mean = jnp.mean(x, axis=0)
    var = jnp.var(x, axis=0)
    return (x - mean) / jnp.sqrt(var + EPS) * gamma + beta


def setup_inputs(seed: int = 0):
    key = jax.random.key(seed)
    ks = jax.random.split(key, 14)
    s_in = 1.0 / np.sqrt(D_IN)
    s_h = 1.0 / np.sqrt(D_H)
    return {
        "x": jax.random.normal(ks[0], (N, D_IN), jnp.float32),
        "edge_index": jax.random.randint(ks[1], (2, E), 0, N, jnp.int32),
        "Wl1": jax.random.normal(ks[2], (D_H, D_IN), jnp.float32) * s_in,
        "bl1": jnp.zeros((D_H,), jnp.float32),
        "Wr1": jax.random.normal(ks[3], (D_H, D_IN), jnp.float32) * s_in,
        "g1": jnp.ones((D_H,), jnp.float32),
        "b1": jnp.zeros((D_H,), jnp.float32),
        "Wl2": jax.random.normal(ks[4], (D_H, D_H), jnp.float32) * s_h,
        "bl2": jnp.zeros((D_H,), jnp.float32),
        "Wr2": jax.random.normal(ks[5], (D_H, D_H), jnp.float32) * s_h,
        "g2": jnp.ones((D_H,), jnp.float32),
        "b2": jnp.zeros((D_H,), jnp.float32),
        "Wlin": jax.random.normal(ks[6], (D_OUT, D_H), jnp.float32) * s_h,
        "blin": jnp.zeros((D_OUT,), jnp.float32),
    }


def reference(x, edge_index, Wl1, bl1, Wr1, g1, b1, Wl2, bl2, Wr2, g2, b2, Wlin, blin):
    h = sage_conv(x, edge_index, Wl1, bl1, Wr1)
    h = batch_norm(h, g1, b1)
    h = jax.nn.relu(h)
    # dropout is identity in eval mode
    h = sage_conv(h, edge_index, Wl2, bl2, Wr2)
    h = batch_norm(h, g2, b2)
    h = jax.nn.relu(h)
    return h @ Wlin.T + blin

if __name__ == "__main__":
    import jax
    _d = setup_inputs()
    print(jax.jit(kernel)(*tuple(_d.values())))

</pallas_src>

<mosaic_0001>
#map = affine_map<(d0, d1) -> (0, 0)>
#map1 = affine_map<(d0, d1) -> (0, 0, 0)>
module attributes {stable_mosaic.version = 14 : i64} {
  func.func @_agg_body(%arg0: i32, %arg1: i32, %arg2: memref<10000x128xf32, #tpu.memory_space<hbm>>, %arg3: memref<3360x96xi32, #tpu.memory_space<hbm>>, %arg4: memref<3360x96xi32, #tpu.memory_space<hbm>>, %arg5: memref<2x10112x128xf32, #tpu.memory_space<hbm>>, %arg6: memref<14x96xi32, #tpu.memory_space<vmem>>, %arg7: memref<14x96xi32, #tpu.memory_space<vmem>>, %arg8: memref<96x128xf32, #tpu.memory_space<vmem>>, %arg9: memref<96x128xf32, #tpu.memory_space<vmem>>, %arg10: memref<96x128xf32, #tpu.memory_space<vmem>>, %arg11: memref<10112x128xf32, #tpu.memory_space<vmem_shared>>, %arg12: memref<!tpu.dma_semaphore, #tpu.memory_space<semaphore_mem>>, %arg13: memref<!tpu.dma_semaphore, #tpu.memory_space<semaphore_mem>>, %arg14: memref<!tpu.dma_semaphore, #tpu.memory_space<semaphore_mem>>, %arg15: memref<!tpu.dma_semaphore, #tpu.memory_space<semaphore_mem>>, %arg16: memref<!tpu.dma_semaphore, #tpu.memory_space<semaphore_mem>>, %arg17: memref<!tpu.dma_semaphore, #tpu.memory_space<semaphore_mem>>) attributes {dimension_semantics = [#tpu.dimension_semantics<core_parallel>, #tpu.dimension_semantics<subcore_parallel>], iteration_bounds = array<i64: 2, 16>, scalar_prefetch = 0 : i64, scratch_operands = 12 : i64, tpu.core_type = #tpu.core_type<sc_vector_subcore>, window_params = [{transform_indices = #map}, {transform_indices = #map}, {transform_indices = #map}, {transform_indices = #map1}]} {
    %scan3A = arith.constant 0 : i32
    %scan3A_0 = arith.constant 96 : i32
    %scan3A_1 = arith.addi %scan3A, %scan3A_0 : i32
    %scan3A_2 = arith.constant 1 : i32
    scf.for %scan3A_45 = %scan3A to %scan3A_1 step %scan3A_2  : i32 {
      %mul3A_46 = arith.constant 1 : i32
      %mul3A_47 = arith.muli %scan3A_45, %mul3A_46 : i32
      %add3A_48 = arith.constant 0 : i32
      %add3A_49 = arith.addi %add3A_48, %mul3A_47 : i32
      %scan3A_50 = arith.constant 0 : i32
      %scan3A_51 = arith.constant 8 : i32
      %scan3A_52 = arith.addi %scan3A_50, %scan3A_51 : i32
      %scan3A_53 = arith.constant 1 : i32
      scf.for %scan3A_55 = %scan3A_50 to %scan3A_52 step %scan3A_53  : i32 {
        %mul3A_56 = arith.constant 1 : i32
        %mul3A_57 = arith.muli %scan3A_55, %mul3A_56 : i32
        %add3A_58 = arith.constant 0 : i32
        %add3A_59 = arith.addi %add3A_58, %mul3A_57 : i32
        %broadcast_in_dim3A = arith.constant 0.000000e+00 : f32
        %broadcast_in_dim3A_60 = vector.broadcast %broadcast_in_dim3A : f32 to vector<16xf32>
        %mul3A_61 = arith.constant 16 : i32
        %mul3A_62 = arith.muli %add3A_59, %mul3A_61 : i32
        %swap3A = arith.index_cast %add3A_49 : i32 to index
        %swap3A_63 = arith.index_cast %mul3A_62 : i32 to index
        %swap3A_64 = tpu.vector_load %arg8[%swap3A, %swap3A_63] {strides = array<i32>} : memref<96x128xf32, #tpu.memory_space<vmem>>, vector<1x16xf32>,
        %swap3A_65 = vector.shape_cast %swap3A_64 : vector<1x16xf32> to vector<16xf32>
        %swap3A_66 = vector.shape_cast %broadcast_in_dim3A_60 : vector<16xf32> to vector<1x16xf32>
        tpu.vector_store %arg8[%swap3A, %swap3A_63], %swap3A_66 {strides = array<i32>} : memref<96x128xf32, #tpu.memory_space<vmem>>, vector<1x16xf32>,
      }
      %scan3A_54 = arith.constant 8 : i32
    }
    %scan3A_3 = arith.constant 96 : i32
    %mul3A = arith.constant 632 : i32
    %mul3A_4 = arith.muli %arg1, %mul3A : i32
    %add3A = arith.constant 0 : i32
    %add3A_5 = arith.addi %mul3A_4, %add3A : i32
    "tpu.region"() ({
      %run_scoped3A = tpu.sem_alloc : memref<!tpu.dma_semaphore, #tpu.memory_space<semaphore_mem>>
      %dma_start3A = arith.constant 0 : i32
      %dma_start3A_45 = tpu.memref_slice %arg11[%add3A_5, %dma_start3A] : memref<10112x128xf32, #tpu.memory_space<vmem_shared>> -> memref<96x128xf32, #tpu.memory_space<vmem_shared>>
      %dma_start3A_46 = arith.constant 0 : i32
      %dma_start3A_47 = tpu.memref_slice %arg11[%add3A_5, %dma_start3A_46] : memref<10112x128xf32, #tpu.memory_space<vmem_shared>> -> memref<96x128xf32, #tpu.memory_space<vmem_shared>>
      tpu.enqueue_dma source(%arg8 : memref<96x128xf32, #tpu.memory_space<vmem>>) target(%dma_start3A_47 : memref<96x128xf32, #tpu.memory_space<vmem_shared>>) target_semaphore(%run_scoped3A : memref<!tpu.dma_semaphore, #tpu.memory_space<semaphore_mem>>)
      %dma_wait3A = arith.constant 0 : i32
      %dma_wait3A_48 = tpu.memref_slice %arg11[%add3A_5, %dma_wait3A] : memref<10112x128xf32, #tpu.memory_space<vmem_shared>> -> memref<96x128xf32, #tpu.memory_space<vmem_shared>>
      %dma_wait3A_49 = arith.constant 0 : i32
      %dma_wait3A_50 = tpu.memref_slice %arg11[%add3A_5, %dma_wait3A_49] : memref<10112x128xf32, #tpu.memory_space<vmem_shared>> -> memref<96x128xf32, #tpu.memory_space<vmem_shared>>
      tpu.wait_dma2 semaphore(%run_scoped3A : memref<!tpu.dma_semaphore, #tpu.memory_space<semaphore_mem>>) src(%arg8 : memref<96x128xf32, #tpu.memory_space<vmem>>) dst(%dma_wait3A_50 : memref<96x128xf32, #tpu.memory_space<vmem_shared>>)
      tpu.yield
    }) : () -> ()
    %add3A_6 = arith.constant 96 : i32
    %add3A_7 = arith.addi %mul3A_4, %add3A_6 : i32
    "tpu.region"() ({
      %run_scoped3A = tpu.sem_alloc : memref<!tpu.dma_semaphore, #tpu.memory_space<semaphore_mem>>
      %dma_start3A = arith.constant 0 : i32
      %dma_start3A_45 = tpu.memref_slice %arg11[%add3A_7, %dma_start3A] : memref<10112x128xf32, #tpu.memory_space<vmem_shared>> -> memref<96x128xf32, #tpu.memory_space<vmem_shared>>
      %dma_start3A_46 = arith.constant 0 : i32
      %dma_start3A_47 = tpu.memref_slice %arg11[%add3A_7, %dma_start3A_46] : memref<10112x128xf32, #tpu.memory_space<vmem_shared>> -> memref<96x128xf32, #tpu.memory_space<vmem_shared>>
      tpu.enqueue_dma source(%arg8 : memref<96x128xf32, #tpu.memory_space<vmem>>) target(%dma_start3A_47 : memref<96x128xf32, #tpu.memory_space<vmem_shared>>) target_semaphore(%run_scoped3A : memref<!tpu.dma_semaphore, #tpu.memory_space<semaphore_mem>>)
      %dma_wait3A = arith.constant 0 : i32
      %dma_wait3A_48 = tpu.memref_slice %arg11[%add3A_7, %dma_wait3A] : memref<10112x128xf32, #tpu.memory_space<vmem_shared>> -> memref<96x128xf32, #tpu.memory_space<vmem_shared>>
      %dma_wait3A_49 = arith.constant 0 : i32
      %dma_wait3A_50 = tpu.memref_slice %arg11[%add3A_7, %dma_wait3A_49] : memref<10112x128xf32, #tpu.memory_space<vmem_shared>> -> memref<96x128xf32, #tpu.memory_space<vmem_shared>>
      tpu.wait_dma2 semaphore(%run_scoped3A : memref<!tpu.dma_semaphore, #tpu.memory_space<semaphore_mem>>) src(%arg8 : memref<96x128xf32, #tpu.memory_space<vmem>>) dst(%dma_wait3A_50 : memref<96x128xf32, #tpu.memory_space<vmem_shared>>)
      tpu.yield
    }) : () -> ()
    %add3A_8 = arith.constant 192 : i32
    %add3A_9 = arith.addi %mul3A_4, %add3A_8 : i32
    "tpu.region"() ({
      %run_scoped3A = tpu.sem_alloc : memref<!tpu.dma_semaphore, #tpu.memory_space<semaphore_mem>>
      %dma_start3A = arith.constant 0 : i32
      %dma_start3A_45 = tpu.memref_slice %arg11[%add3A_9, %dma_start3A] : memref<10112x128xf32, #tpu.memory_space<vmem_shared>> -> memref<96x128xf32, #tpu.memory_space<vmem_shared>>
      %dma_start3A_46 = arith.constant 0 : i32
      %dma_start3A_47 = tpu.memref_slice %arg11[%add3A_9, %dma_start3A_46] : memref<10112x128xf32, #tpu.memory_space<vmem_shared>> -> memref<96x128xf32, #tpu.memory_space<vmem_shared>>
      tpu.enqueue_dma source(%arg8 : memref<96x128xf32, #tpu.memory_space<vmem>>) target(%dma_start3A_47 : memref<96x128xf32, #tpu.memory_space<vmem_shared>>) target_semaphore(%run_scoped3A : memref<!tpu.dma_semaphore, #tpu.memory_space<semaphore_mem>>)
      %dma_wait3A = arith.constant 0 : i32
      %dma_wait3A_48 = tpu.memref_slice %arg11[%add3A_9, %dma_wait3A] : memref<10112x128xf32, #tpu.memory_space<vmem_shared>> -> memref<96x128xf32, #tpu.memory_space<vmem_shared>>
      %dma_wait3A_49 = arith.constant 0 : i32
      %dma_wait3A_50 = tpu.memref_slice %arg11[%add3A_9, %dma_wait3A_49] : memref<10112x128xf32, #tpu.memory_space<vmem_shared>> -> memref<96x128xf32, #tpu.memory_space<vmem_shared>>
      tpu.wait_dma2 semaphore(%run_scoped3A : memref<!tpu.dma_semaphore, #tpu.memory_space<semaphore_mem>>) src(%arg8 : memref<96x128xf32, #tpu.memory_space<vmem>>) dst(%dma_wait3A_50 : memref<96x128xf32, #tpu.memory_space<vmem_shared>>)
      tpu.yield
    }) : () -> ()
    %add3A_10 = arith.constant 288 : i32
    %add3A_11 = arith.addi %mul3A_4, %add3A_10 : i32
    "tpu.region"() ({
      %run_scoped3A = tpu.sem_alloc : memref<!tpu.dma_semaphore, #tpu.memory_space<semaphore_mem>>
      %dma_start3A = arith.constant 0 : i32
      %dma_start3A_45 = tpu.memref_slice %arg11[%add3A_11, %dma_start3A] : memref<10112x128xf32, #tpu.memory_space<vmem_shared>> -> memref<96x128xf32, #tpu.memory_space<vmem_shared>>
      %dma_start3A_46 = arith.constant 0 : i32
      %dma_start3A_47 = tpu.memref_slice %arg11[%add3A_11, %dma_start3A_46] : memref<10112x128xf32, #tpu.memory_space<vmem_shared>> -> memref<96x128xf32, #tpu.memory_space<vmem_shared>>
      tpu.enqueue_dma source(%arg8 : memref<96x128xf32, #tpu.memory_space<vmem>>) target(%dma_start3A_47 : memref<96x128xf32, #tpu.memory_space<vmem_shared>>) target_semaphore(%run_scoped3A : memref<!tpu.dma_semaphore, #tpu.memory_space<semaphore_mem>>)
      %dma_wait3A = arith.constant 0 : i32
      %dma_wait3A_48 = tpu.memref_slice %arg11[%add3A_11, %dma_wait3A] : memref<10112x128xf32, #tpu.memory_space<vmem_shared>> -> memref<96x128xf32, #tpu.memory_space<vmem_shared>>
      %dma_wait3A_49 = arith.constant 0 : i32
      %dma_wait3A_50 = tpu.memref_slice %arg11[%add3A_11, %dma_wait3A_49] : memref<10112x128xf32, #tpu.memory_space<vmem_shared>> -> memref<96x128xf32, #tpu.memory_space<vmem_shared>>
      tpu.wait_dma2 semaphore(%run_scoped3A : memref<!tpu.dma_semaphore, #tpu.memory_space<semaphore_mem>>) src(%arg8 : memref<96x128xf32, #tpu.memory_space<vmem>>) dst(%dma_wait3A_50 : memref<96x128xf32, #tpu.memory_space<vmem_shared>>)
      tpu.yield
    }) : () -> ()
    %add3A_12 = arith.constant 384 : i32
    %add3A_13 = arith.addi %mul3A_4, %add3A_12 : i32
    "tpu.region"() ({
      %run_scoped3A = tpu.sem_alloc : memref<!tpu.dma_semaphore, #tpu.memory_space<semaphore_mem>>
      %dma_start3A = arith.constant 0 : i32
      %dma_start3A_45 = tpu.memref_slice %arg11[%add3A_13, %dma_start3A] : memref<10112x128xf32, #tpu.memory_space<vmem_shared>> -> memref<96x128xf32, #tpu.memory_space<vmem_shared>>
      %dma_start3A_46 = arith.constant 0 : i32
      %dma_start3A_47 = tpu.memref_slice %arg11[%add3A_13, %dma_start3A_46] : memref<10112x128xf32, #tpu.memory_space<vmem_shared>> -> memref<96x128xf32, #tpu.memory_space<vmem_shared>>
      tpu.enqueue_dma source(%arg8 : memref<96x128xf32, #tpu.memory_space<vmem>>) target(%dma_start3A_47 : memref<96x128xf32, #tpu.memory_space<vmem_shared>>) target_semaphore(%run_scoped3A : memref<!tpu.dma_semaphore, #tpu.memory_space<semaphore_mem>>)
      %dma_wait3A = arith.constant 0 : i32
      %dma_wait3A_48 = tpu.memref_slice %arg11[%add3A_13, %dma_wait3A] : memref<10112x128xf32, #tpu.memory_space<vmem_shared>> -> memref<96x128xf32, #tpu.memory_space<vmem_shared>>
      %dma_wait3A_49 = arith.constant 0 : i32
      %dma_wait3A_50 = tpu.memref_slice %arg11[%add3A_13, %dma_wait3A_49] : memref<10112x128xf32, #tpu.memory_space<vmem_shared>> -> memref<96x128xf32, #tpu.memory_space<vmem_shared>>
      tpu.wait_dma2 semaphore(%run_scoped3A : memref<!tpu.dma_semaphore, #tpu.memory_space<semaphore_mem>>) src(%arg8 : memref<96x128xf32, #tpu.memory_space<vmem>>) dst(%dma_wait3A_50 : memref<96x128xf32, #tpu.memory_space<vmem_shared>>)
      tpu.yield
    }) : () -> ()
    %add3A_14 = arith.constant 480 : i32
    %add3A_15 = arith.addi %mul3A_4, %add3A_14 : i32
    "tpu.region"() ({
      %run_scoped3A = tpu.sem_alloc : memref<!tpu.dma_semaphore, #tpu.memory_space<semaphore_mem>>
      %dma_start3A = arith.constant 0 : i32
      %dma_start3A_45 = tpu.memref_slice %arg11[%add3A_15, %dma_start3A] : memref<10112x128xf32, #tpu.memory_space<vmem_shared>> -> memref<96x128xf32, #tpu.memory_space<vmem_shared>>
      %dma_start3A_46 = arith.constant 0 : i32
      %dma_start3A_47 = tpu.memref_slice %arg11[%add3A_15, %dma_start3A_46] : memref<10112x128xf32, #tpu.memory_space<vmem_shared>> -> memref<96x128xf32, #tpu.memory_space<vmem_shared>>
      tpu.enqueue_dma source(%arg8 : memref<96x128xf32, #tpu.memory_space<vmem>>) target(%dma_start3A_47 : memref<96x128xf32, #tpu.memory_space<vmem_shared>>) target_semaphore(%run_scoped3A : memref<!tpu.dma_semaphore, #tpu.memory_space<semaphore_mem>>)
      %dma_wait3A = arith.constant 0 : i32
      %dma_wait3A_48 = tpu.memref_slice %arg11[%add3A_15, %dma_wait3A] : memref<10112x128xf32, #tpu.memory_space<vmem_shared>> -> memref<96x128xf32, #tpu.memory_space<vmem_shared>>
      %dma_wait3A_49 = arith.constant 0 : i32
      %dma_wait3A_50 = tpu.memref_slice %arg11[%add3A_15, %dma_wait3A_49] : memref<10112x128xf32, #tpu.memory_space<vmem_shared>> -> memref<96x128xf32, #tpu.memory_space<vmem_shared>>
      tpu.wait_dma2 semaphore(%run_scoped3A : memref<!tpu.dma_semaphore, #tpu.memory_space<semaphore_mem>>) src(%arg8 : memref<96x128xf32, #tpu.memory_space<vmem>>) dst(%dma_wait3A_50 : memref<96x128xf32, #tpu.memory_space<vmem_shared>>)
      tpu.yield
    }) : () -> ()
    %add3A_16 = arith.constant 576 : i32
    %add3A_17 = arith.addi %mul3A_4, %add3A_16 : i32
    "tpu.region"() ({
      %run_scoped3A = tpu.sem_alloc : memref<!tpu.dma_semaphore, #tpu.memory_space<semaphore_mem>>
      %dma_start3A = arith.constant 0 : i32
      %dma_start3A_45 = arith.constant 0 : i32
      %dma_start3A_46 = tpu.memref_slice %arg8[%dma_start3A, %dma_start3A_45] : memref<96x128xf32, #tpu.memory_space<vmem>> -> memref<56x128xf32, #tpu.memory_space<vmem>>
      %dma_start3A_47 = arith.constant 0 : i32
      %dma_start3A_48 = tpu.memref_slice %arg11[%add3A_17, %dma_start3A_47] : memref<10112x128xf32, #tpu.memory_space<vmem_shared>> -> memref<56x128xf32, #tpu.memory_space<vmem_shared>>
      %dma_start3A_49 = arith.constant 0 : i32
      %dma_start3A_50 = tpu.memref_slice %arg11[%add3A_17, %dma_start3A_49] : memref<10112x128xf32, #tpu.memory_space<vmem_shared>> -> memref<56x128xf32, #tpu.memory_space<vmem_shared>>
      %dma_start3A_51 = arith.constant 0 : i32
      %dma_start3A_52 = arith.constant 0 : i32
      %dma_start3A_53 = tpu.memref_slice %arg8[%dma_start3A_51, %dma_start3A_52] : memref<96x128xf32, #tpu.memory_space<vmem>> -> memref<56x128xf32, #tpu.memory_space<vmem>>
      tpu.enqueue_dma source(%dma_start3A_53 : memref<56x128xf32, #tpu.memory_space<vmem>>) target(%dma_start3A_50 : memref<56x128xf32, #tpu.memory_space<vmem_shared>>) target_semaphore(%run_scoped3A : memref<!tpu.dma_semaphore, #tpu.memory_space<semaphore_mem>>)
      %dma_wait3A = arith.constant 0 : i32
      %dma_wait3A_54 = arith.constant 0 : i32
      %dma_wait3A_55 = tpu.memref_slice %arg8[%dma_wait3A, %dma_wait3A_54] : memref<96x128xf32, #tpu.memory_space<vmem>> -> memref<56x128xf32, #tpu.memory_space<vmem>>
      %dma_wait3A_56 = arith.constant 0 : i32
      %dma_wait3A_57 = tpu.memref_slice %arg11[%add3A_17, %dma_wait3A_56] : memref<10112x128xf32, #tpu.memory_space<vmem_shared>> -> memref<56x128xf32, #tpu.memory_space<vmem_shared>>
      %dma_wait3A_58 = arith.constant 0 : i32
      %dma_wait3A_59 = tpu.memref_slice %arg11[%add3A_17, %dma_wait3A_58] : memref<10112x128xf32, #tpu.memory_space<vmem_shared>> -> memref<56x128xf32, #tpu.memory_space<vmem_shared>>
      %dma_wait3A_60 = arith.constant 0 : i32
      %dma_wait3A_61 = arith.constant 0 : i32
      %dma_wait3A_62 = tpu.memref_slice %arg8[%dma_wait3A_60, %dma_wait3A_61] : memref<96x128xf32, #tpu.memory_space<vmem>> -> memref<56x128xf32, #tpu.memory_space<vmem>>
      tpu.wait_dma2 semaphore(%run_scoped3A : memref<!tpu.dma_semaphore, #tpu.memory_space<semaphore_mem>>) src(%dma_wait3A_62 : memref<56x128xf32, #tpu.memory_space<vmem>>) dst(%dma_wait3A_59 : memref<56x128xf32, #tpu.memory_space<vmem_shared>>)
      tpu.yield
    }) : () -> ()
    %barrier3A = arith.constant 0 : index
    tpu.barrier barrier_id(%barrier3A)
    %eq3A = arith.constant 0 : i32
    %eq3A_18 = arith.cmpi eq, %arg0, %eq3A : i32
    %select_n3A = arith.constant 5 : i32
    %select_n3A_19 = arith.constant 10 : i32
    %select_n3A_20 = arith.select %eq3A_18, %select_n3A_19, %select_n3A : i32
    %mul3A_21 = arith.constant 140 : i32
    %mul3A_22 = arith.muli %arg1, %mul3A_21 : i32
    %mul3A_23 = arith.constant 70 : i32
    %mul3A_24 = arith.muli %arg1, %mul3A_23 : i32
    %add3A_25 = arith.constant 2240 : i32
    %add3A_26 = arith.addi %add3A_25, %mul3A_24 : i32
    %select_n3A_27 = arith.select %eq3A_18, %mul3A_22, %add3A_26 : i32
    %sub3A = arith.constant 0 : i32
    %sub3A_28 = arith.subi %select_n3A_20, %sub3A : i32
    %sub3A_29 = arith.constant 1 : i32
    %sub3A_30 = arith.constant 1 : i32
    %sub3A_31 = arith.subi %sub3A_29, %sub3A_30 : i32
    %add3A_32 = arith.addi %sub3A_28, %sub3A_31 : i32
    %div3A = arith.constant 1 : i32
    %div3A_33 = arith.divsi %add3A_32, %div3A : i32
    %while3A = arith.constant 1 : i32
    %while3A_34 = arith.constant 0 : i32
    %while3A_35 = arith.constant 0 : i32
    %while3A_36 = arith.subi %div3A_33, %while3A_35 : i32
    %while3A_37 = arith.addi %while3A_35, %while3A_36 : i32
    %while3A_38 = arith.constant 1 : i32
    %while3A_39 = arith.divsi %while3A_36, %while3A_38 : i32
    %while3A_40 = arith.muli %while3A_39, %while3A_38 : i32
    %while3A_41 = arith.addi %while3A_35, %while3A_40 : i32
    %while3A_42 = arith.constant 1 : i32
    scf.for %while3A_45 = %while3A_35 to %while3A_41 step %while3A_42  : i32 {
      %mul3A_46 = arith.muli %while3A_45, %while3A : i32
      %add3A_47 = arith.addi %while3A_34, %mul3A_46 : i32
      %mul3A_48 = arith.constant 14 : i32
      %mul3A_49 = arith.muli %add3A_47, %mul3A_48 : i32
      %add3A_50 = arith.addi %select_n3A_27, %mul3A_49 : i32
      "tpu.region"() ({
        %run_scoped3A = tpu.sem_alloc : memref<!tpu.dma_semaphore, #tpu.memory_space<semaphore_mem>>
        %dma_start3A_441 = arith.constant 0 : i32
        %dma_start3A_442 = tpu.memref_slice %arg3[%add3A_50, %dma_start3A_441] : memref<3360x96xi32, #tpu.memory_space<hbm>> -> memref<14x96xi32, #tpu.memory_space<hbm>>
        %dma_start3A_443 = arith.constant 0 : i32
        %dma_start3A_444 = tpu.memref_slice %arg3[%add3A_50, %dma_start3A_443] : memref<3360x96xi32, #tpu.memory_space<hbm>> -> memref<14x96xi32, #tpu.memory_space<hbm>>
        tpu.enqueue_dma source(%dma_start3A_444 : memref<14x96xi32, #tpu.memory_space<hbm>>) target(%arg6 : memref<14x96xi32, #tpu.memory_space<vmem>>) target_semaphore(%run_scoped3A : memref<!tpu.dma_semaphore, #tpu.memory_space<semaphore_mem>>)
        %dma_wait3A_445 = arith.constant 0 : i32
        %dma_wait3A_446 = tpu.memref_slice %arg3[%add3A_50, %dma_wait3A_445] : memref<3360x96xi32, #tpu.memory_space<hbm>> -> memref<14x96xi32, #tpu.memory_space<hbm>>
        %dma_wait3A_447 = arith.constant 0 : i32
        %dma_wait3A_448 = tpu.memref_slice %arg3[%add3A_50, %dma_wait3A_447] : memref<3360x96xi32, #tpu.memory_space<hbm>> -> memref<14x96xi32, #tpu.memory_space<hbm>>
        tpu.wait_dma2 semaphore(%run_scoped3A : memref<!tpu.dma_semaphore, #tpu.memory_space<semaphore_mem>>) src(%dma_wait3A_448 : memref<14x96xi32, #tpu.memory_space<hbm>>) dst(%arg6 : memref<14x96xi32, #tpu.memory_space<vmem>>)
        tpu.yield
      }) : () -> ()
      "tpu.region"() ({
        %run_scoped3A = tpu.sem_alloc : memref<!tpu.dma_semaphore, #tpu.memory_space<semaphore_mem>>
        %dma_start3A_441 = arith.constant 0 : i32
        %dma_start3A_442 = tpu.memref_slice %arg4[%add3A_50, %dma_start3A_441] : memref<3360x96xi32, #tpu.memory_space<hbm>> -> memref<14x96xi32, #tpu.memory_space<hbm>>
        %dma_start3A_443 = arith.constant 0 : i32
        %dma_start3A_444 = tpu.memref_slice %arg4[%add3A_50, %dma_start3A_443] : memref<3360x96xi32, #tpu.memory_space<hbm>> -> memref<14x96xi32, #tpu.memory_space<hbm>>
        tpu.enqueue_dma source(%dma_start3A_444 : memref<14x96xi32, #tpu.memory_space<hbm>>) target(%arg7 : memref<14x96xi32, #tpu.memory_space<vmem>>) target_semaphore(%run_scoped3A : memref<!tpu.dma_semaphore, #tpu.memory_space<semaphore_mem>>)
        %dma_wait3A_445 = arith.constant 0 : i32
        %dma_wait3A_446 = tpu.memref_slice %arg4[%add3A_50, %dma_wait3A_445] : memref<3360x96xi32, #tpu.memory_space<hbm>> -> memref<14x96xi32, #tpu.memory_space<hbm>>
        %dma_wait3A_447 = arith.constant 0 : i32
        %dma_wait3A_448 = tpu.memref_slice %arg4[%add3A_50, %dma_wait3A_447] : memref<3360x96xi32, #tpu.memory_space<hbm>> -> memref<14x96xi32, #tpu.memory_space<hbm>>
        tpu.wait_dma2 semaphore(%run_scoped3A : memref<!tpu.dma_semaphore, #tpu.memory_space<semaphore_mem>>) src(%dma_wait3A_448 : memref<14x96xi32, #tpu.memory_space<hbm>>) dst(%arg7 : memref<14x96xi32, #tpu.memory_space<vmem>>)
        tpu.yield
      }) : () -> ()
      %dma_start3A = arith.constant 0 : i32
      %dma_start3A_51 = arith.constant 0 : i32
      %dma_start3A_52 = tpu.memref_slice %arg6[%dma_start3A, %dma_start3A_51] : memref<14x96xi32, #tpu.memory_space<vmem>> -> memref<1x96xi32, #tpu.memory_space<vmem>>
      %dma_start3A_53 = tpu.memref_squeeze %dma_start3A_52 : memref<1x96xi32, #tpu.memory_space<vmem>> -> memref<96xi32, #tpu.memory_space<vmem>>
      %dma_start3A_54 = arith.constant 0 : i32
      %dma_start3A_55 = arith.constant 0 : i32
      %dma_start3A_56 = tpu.memref_slice %arg2[%dma_start3A_54, %dma_start3A_55] : memref<10000x128xf32, #tpu.memory_space<hbm>> -> memref<10000x128xf32, #tpu.memory_space<hbm>>
      tpu.enqueue_indirect_dma source(%dma_start3A_56 : memref<10000x128xf32, #tpu.memory_space<hbm>>) target(%arg8 : memref<96x128xf32, #tpu.memory_space<vmem>>) offsets(%dma_start3A_53 : memref<96xi32, #tpu.memory_space<vmem>>) semaphore(%arg12 : memref<!tpu.dma_semaphore, #tpu.memory_space<semaphore_mem>>)
      %dma_start3A_57 = arith.constant 1 : i32
      %dma_start3A_58 = arith.constant 0 : i32
      %dma_start3A_59 = tpu.memref_slice %arg6[%dma_start3A_57, %dma_start3A_58] : memref<14x96xi32, #tpu.memory_space<vmem>> -> memref<1x96xi32, #tpu.memory_space<vmem>>
      %dma_start3A_60 = tpu.memref_squeeze %dma_start3A_59 : memref<1x96xi32, #tpu.memory_space<vmem>> -> memref<96xi32, #tpu.memory_space<vmem>>
      %dma_start3A_61 = arith.constant 0 : i32
      %dma_start3A_62 = arith.constant 0 : i32
      %dma_start3A_63 = tpu.memref_slice %arg2[%dma_start3A_61, %dma_start3A_62] : memref<10000x128xf32, #tpu.memory_space<hbm>> -> memref<10000x128xf32, #tpu.memory_space<hbm>>
      tpu.enqueue_indirect_dma source(%dma_start3A_63 : memref<10000x128xf32, #tpu.memory_space<hbm>>) target(%arg9 : memref<96x128xf32, #tpu.memory_space<vmem>>) offsets(%dma_start3A_60 : memref<96xi32, #tpu.memory_space<vmem>>) semaphore(%arg13 : memref<!tpu.dma_semaphore, #tpu.memory_space<semaphore_mem>>)
      %dma_start3A_64 = arith.constant 2 : i32
      %dma_start3A_65 = arith.constant 0 : i32
      %dma_start3A_66 = tpu.memref_slice %arg6[%dma_start3A_64, %dma_start3A_65] : memref<14x96xi32, #tpu.memory_space<vmem>> -> memref<1x96xi32, #tpu.memory_space<vmem>>
      %dma_start3A_67 = tpu.memref_squeeze %dma_start3A_66 : memref<1x96xi32, #tpu.memory_space<vmem>> -> memref<96xi32, #tpu.memory_space<vmem>>
      %dma_start3A_68 = arith.constant 0 : i32
      %dma_start3A_69 = arith.constant 0 : i32
      %dma_start3A_70 = tpu.memref_slice %arg2[%dma_start3A_68, %dma_start3A_69] : memref<10000x128xf32, #tpu.memory_space<hbm>> -> memref<10000x128xf32, #tpu.memory_space<hbm>>
      tpu.enqueue_indirect_dma source(%dma_start3A_70 : memref<10000x128xf32, #tpu.memory_space<hbm>>) target(%arg10 : memref<96x128xf32, #tpu.memory_space<vmem>>) offsets(%dma_start3A_67 : memref<96xi32, #tpu.memory_space<vmem>>) semaphore(%arg14 : memref<!tpu.dma_semaphore, #tpu.memory_space<semaphore_mem>>)
      %dma_wait3A = arith.constant 0 : i32
      %dma_wait3A_71 = arith.constant 0 : i32
      %dma_wait3A_72 = tpu.memref_slice %arg6[%dma_wait3A, %dma_wait3A_71] : memref<14x96xi32, #tpu.memory_space<vmem>> -> memref<1x96xi32, #tpu.memory_space<vmem>>
      %dma_wait3A_73 = tpu.memref_squeeze %dma_wait3A_72 : memref<1x96xi32, #tpu.memory_space<vmem>> -> memref<96xi32, #tpu.memory_space<vmem>>
      %dma_wait3A_74 = arith.constant 0 : i32
      %dma_wait3A_75 = arith.constant 0 : i32
      %dma_wait3A_76 = tpu.memref_slice %arg2[%dma_wait3A_74, %dma_wait3A_75] : memref<10000x128xf32, #tpu.memory_space<hbm>> -> memref<10000x128xf32, #tpu.memory_space<hbm>>
      tpu.wait_indirect_dma semaphore(%arg12 : memref<!tpu.dma_semaphore, #tpu.memory_space<semaphore_mem>>) src(%dma_wait3A_76 : memref<10000x128xf32, #tpu.memory_space<hbm>>) dst(%arg8 : memref<96x128xf32, #tpu.memory_space<vmem>>)
      %dma_start3A_77 = arith.constant 0 : i32
      %dma_start3A_78 = arith.constant 0 : i32
      %dma_start3A_79 = tpu.memref_slice %arg7[%dma_start3A_77, %dma_start3A_78] : memref<14x96xi32, #tpu.memory_space<vmem>> -> memref<1x96xi32, #tpu.memory_space<vmem>>
      %dma_start3A_80 = tpu.memref_squeeze %dma_start3A_79 : memref<1x96xi32, #tpu.memory_space<vmem>> -> memref<96xi32, #tpu.memory_space<vmem>>
      %dma_start3A_81 = arith.constant 0 : i32
      %dma_start3A_82 = arith.constant 0 : i32
      %dma_start3A_83 = tpu.memref_slice %arg11[%dma_start3A_81, %dma_start3A_82] : memref<10112x128xf32, #tpu.memory_space<vmem_shared>> -> memref<10112x128xf32, #tpu.memory_space<vmem_shared>>
      tpu.enqueue_indirect_dma source(%arg8 : memref<96x128xf32, #tpu.memory_space<vmem>>) target(%dma_start3A_83 : memref<10112x128xf32, #tpu.memory_space<vmem_shared>>) offsets(%dma_start3A_80 : memref<96xi32, #tpu.memory_space<vmem>>) semaphore(%arg15 : memref<!tpu.dma_semaphore, #tpu.memory_space<semaphore_mem>>) {add = true}
      %dma_wait3A_84 = arith.constant 0 : i32
      %dma_wait3A_85 = arith.constant 0 : i32
      %dma_wait3A_86 = tpu.memref_slice %arg7[%dma_wait3A_84, %dma_wait3A_85] : memref<14x96xi32, #tpu.memory_space<vmem>> -> memref<1x96xi32, #tpu.memory_space<vmem>>
      %dma_wait3A_87 = tpu.memref_squeeze %dma_wait3A_86 : memref<1x96xi32, #tpu.memory_space<vmem>> -> memref<96xi32, #tpu.memory_space<vmem>>
      %dma_wait3A_88 = arith.constant 0 : i32
      %dma_wait3A_89 = arith.constant 0 : i32
      %dma_wait3A_90 = tpu.memref_slice %arg11[%dma_wait3A_88, %dma_wait3A_89] : memref<10112x128xf32, #tpu.memory_space<vmem_shared>> -> memref<10112x128xf32, #tpu.memory_space<vmem_shared>>
      tpu.wait_indirect_dma semaphore(%arg15 : memref<!tpu.dma_semaphore, #tpu.memory_space<semaphore_mem>>) src(%arg8 : memref<96x128xf32, #tpu.memory_space<vmem>>) dst(%dma_wait3A_90 : memref<10112x128xf32, #tpu.memory_space<vmem_shared>>)
      %dma_start3A_91 = arith.constant 3 : i32
      %dma_start3A_92 = arith.constant 0 : i32
      %dma_start3A_93 = tpu.memref_slice %arg6[%dma_start3A_91, %dma_start3A_92] : memref<14x96xi32, #tpu.memory_space<vmem>> -> memref<1x96xi32, #tpu.memory_space<vmem>>
      %dma_start3A_94 = tpu.memref_squeeze %dma_start3A_93 : memref<1x96xi32, #tpu.memory_space<vmem>> -> memref<96xi32, #tpu.memory_space<vmem>>
      %dma_start3A_95 = arith.constant 0 : i32
      %dma_start3A_96 = arith.constant 0 : i32
      %dma_start3A_97 = tpu.memref_slice %arg2[%dma_start3A_95, %dma_start3A_96] : memref<10000x128xf32, #tpu.memory_space<hbm>> -> memref<10000x128xf32, #tpu.memory_space<hbm>>
      tpu.enqueue_indirect_dma source(%dma_start3A_97 : memref<10000x128xf32, #tpu.memory_space<hbm>>) target(%arg8 : memref<96x128xf32, #tpu.memory_space<vmem>>) offsets(%dma_start3A_94 : memref<96xi32, #tpu.memory_space<vmem>>) semaphore(%arg12 : memref<!tpu.dma_semaphore, #tpu.memory_space<semaphore_mem>>)
      %dma_wait3A_98 = arith.constant 1 : i32
      %dma_wait3A_99 = arith.constant 0 : i32
      %dma_wait3A_100 = tpu.memref_slice %arg6[%dma_wait3A_98, %dma_wait3A_99] : memref<14x96xi32, #tpu.memory_space<vmem>> -> memref<1x96xi32, #tpu.memory_space<vmem>>
      %dma_wait3A_101 = tpu.memref_squeeze %dma_wait3A_100 : memref<1x96xi32, #tpu.memory_space<vmem>> -> memref<96xi32, #tpu.memory_space<vmem>>
      %dma_wait3A_102 = arith.constant 0 : i32
      %dma_wait3A_103 = arith.constant 0 : i32
      %dma_wait3A_104 = tpu.memref_slice %arg2[%dma_wait3A_102, %dma_wait3A_103] : memref<10000x128xf32, #tpu.memory_space<hbm>> -> memref<10000x128xf32, #tpu.memory_space<hbm>>
      tpu.wait_indirect_dma semaphore(%arg13 : memref<!tpu.dma_semaphore, #tpu.memory_space<semaphore_mem>>) src(%dma_wait3A_104 : memref<10000x128xf32, #tpu.memory_space<hbm>>) dst(%arg9 : memref<96x128xf32, #tpu.memory_space<vmem>>)
      %dma_start3A_105 = arith.constant 1 : i32
      %dma_start3A_106 = arith.constant 0 : i32
      %dma_start3A_107 = tpu.memref_slice %arg7[%dma_start3A_105, %dma_start3A_106] : memref<14x96xi32, #tpu.memory_space<vmem>> -> memref<1x96xi32, #tpu.memory_space<vmem>>
      %dma_start3A_108 = tpu.memref_squeeze %dma_start3A_107 : memref<1x96xi32, #tpu.memory_space<vmem>> -> memref<96xi32, #tpu.memory_space<vmem>>
      %dma_start3A_109 = arith.constant 0 : i32
      %dma_start3A_110 = arith.constant 0 : i32
      %dma_start3A_111 = tpu.memref_slice %arg11[%dma_start3A_109, %dma_start3A_110] : memref<10112x128xf32, #tpu.memory_space<vmem_shared>> -> memref<10112x128xf32, #tpu.memory_space<vmem_shared>>
      tpu.enqueue_indirect_dma source(%arg9 : memref<96x128xf32, #tpu.memory_space<vmem>>) target(%dma_start3A_111 : memref<10112x128xf32, #tpu.memory_space<vmem_shared>>) offsets(%dma_start3A_108 : memref<96xi32, #tpu.memory_space<vmem>>) semaphore(%arg16 : memref<!tpu.dma_semaphore, #tpu.memory_space<semaphore_mem>>) {add = true}
      %dma_wait3A_112 = arith.constant 1 : i32
      %dma_wait3A_113 = arith.constant 0 : i32
      %dma_wait3A_114 = tpu.memref_slice %arg7[%dma_wait3A_112, %dma_wait3A_113] : memref<14x96xi32, #tpu.memory_space<vmem>> -> memref<1x96xi32, #tpu.memory_space<vmem>>
      %dma_wait3A_115 = tpu.memref_squeeze %dma_wait3A_114 : memref<1x96xi32, #tpu.memory_space<vmem>> -> memref<96xi32, #tpu.memory_space<vmem>>
      %dma_wait3A_116 = arith.constant 0 : i32
      %dma_wait3A_117 = arith.constant 0 : i32
      %dma_wait3A_118 = tpu.memref_slice %arg11[%dma_wait3A_116, %dma_wait3A_117] : memref<10112x128xf32, #tpu.memory_space<vmem_shared>> -> memref<10112x128xf32, #tpu.memory_space<vmem_shared>>
      tpu.wait_indirect_dma semaphore(%arg16 : memref<!tpu.dma_semaphore, #tpu.memory_space<semaphore_mem>>) src(%arg9 : memref<96x128xf32, #tpu.memory_space<vmem>>) dst(%dma_wait3A_118 : memref<10112x128xf32, #tpu.memory_space<vmem_shared>>)
      %dma_start3A_119 = arith.constant 4 : i32
      %dma_start3A_120 = arith.constant 0 : i32
      %dma_start3A_121 = tpu.memref_slice %arg6[%dma_start3A_119, %dma_start3A_120] : memref<14x96xi32, #tpu.memory_space<vmem>> -> memref<1x96xi32, #tpu.memory_space<vmem>>
      %dma_start3A_122 = tpu.memref_squeeze %dma_start3A_121 : memref<1x96xi32, #tpu.memory_space<vmem>> -> memref<96xi32, #tpu.memory_space<vmem>>
      %dma_start3A_123 = arith.constant 0 : i32
      %dma_start3A_124 = arith.constant 0 : i32
      %dma_start3A_125 = tpu.memref_slice %arg2[%dma_start3A_123, %dma_start3A_124] : memref<10000x128xf32, #tpu.memory_space<hbm>> -> memref<10000x128xf32, #tpu.memory_space<hbm>>
      tpu.enqueue_indirect_dma source(%dma_start3A_125 : memref<10000x128xf32, #tpu.memory_space<hbm>>) target(%arg9 : memref<96x128xf32, #tpu.memory_space<vmem>>) offsets(%dma_start3A_122 : memref<96xi32, #tpu.memory_space<vmem>>) semaphore(%arg13 : memref<!tpu.dma_semaphore, #tpu.memory_space<semaphore_mem>>)
      %dma_wait3A_126 = arith.constant 2 : i32
      %dma_wait3A_127 = arith.constant 0 : i32
      %dma_wait3A_128 = tpu.memref_slice %arg6[%dma_wait3A_126, %dma_wait3A_127] : memref<14x96xi32, #tpu.memory_space<vmem>> -> memref<1x96xi32, #tpu.memory_space<vmem>>
      %dma_wait3A_129 = tpu.memref_squeeze %dma_wait3A_128 : memref<1x96xi32, #tpu.memory_space<vmem>> -> memref<96xi32, #tpu.memory_space<vmem>>
      %dma_wait3A_130 = arith.constant 0 : i32
      %dma_wait3A_131 = arith.constant 0 : i32
      %dma_wait3A_132 = tpu.memref_slice %arg2[%dma_wait3A_130, %dma_wait3A_131] : memref<10000x128xf32, #tpu.memory_space<hbm>> -> memref<10000x128xf32, #tpu.memory_space<hbm>>
      tpu.wait_indirect_dma semaphore(%arg14 : memref<!tpu.dma_semaphore, #tpu.memory_space<semaphore_mem>>) src(%dma_wait3A_132 : memref<10000x128xf32, #tpu.memory_space<hbm>>) dst(%arg10 : memref<96x128xf32, #tpu.memory_space<vmem>>)
      %dma_start3A_133 = arith.constant 2 : i32
      %dma_start3A_134 = arith.constant 0 : i32
      %dma_start3A_135 = tpu.memref_slice %arg7[%dma_start3A_133, %dma_start3A_134] : memref<14x96xi32, #tpu.memory_space<vmem>> -> memref<1x96xi32, #tpu.memory_space<vmem>>
      %dma_start3A_136 = tpu.memref_squeeze %dma_start3A_135 : memref<1x96xi32, #tpu.memory_space<vmem>> -> memref<96xi32, #tpu.memory_space<vmem>>
      %dma_start3A_137 = arith.constant 0 : i32
      %dma_start3A_138 = arith.constant 0 : i32
      %dma_start3A_139 = tpu.memref_slice %arg11[%dma_start3A_137, %dma_start3A_138] : memref<10112x128xf32, #tpu.memory_space<vmem_shared>> -> memref<10112x128xf32, #tpu.memory_space<vmem_shared>>
      tpu.enqueue_indirect_dma source(%arg10 : memref<96x128xf32, #tpu.memory_space<vmem>>) target(%dma_start3A_139 : memref<10112x128xf32, #tpu.memory_space<vmem_shared>>) offsets(%dma_start3A_136 : memref<96xi32, #tpu.memory_space<vmem>>) semaphore(%arg17 : memref<!tpu.dma_semaphore, #tpu.memory_space<semaphore_mem>>) {add = true}
      %dma_wait3A_140 = arith.constant 2 : i32
      %dma_wait3A_141 = arith.constant 0 : i32
      %dma_wait3A_142 = tpu.memref_slice %arg7[%dma_wait3A_140, %dma_wait3A_141] : memref<14x96xi32, #tpu.memory_space<vmem>> -> memref<1x96xi32, #tpu.memory_space<vmem>>
      %dma_wait3A_143 = tpu.memref_squeeze %dma_wait3A_142 : memref<1x96xi32, #tpu.memory_space<vmem>> -> memref<96xi32, #tpu.memory_space<vmem>>
      %dma_wait3A_144 = arith.constant 0 : i32
      %dma_wait3A_145 = arith.constant 0 : i32
      %dma_wait3A_146 = tpu.memref_slice %arg11[%dma_wait3A_144, %dma_wait3A_145] : memref<10112x128xf32, #tpu.memory_space<vmem_shared>> -> memref<10112x128xf32, #tpu.memory_space<vmem_shared>>
      tpu.wait_indirect_dma semaphore(%arg17 : memref<!tpu.dma_semaphore, #tpu.memory_space<semaphore_mem>>) src(%arg10 : memref<96x128xf32, #tpu.memory_space<vmem>>) dst(%dma_wait3A_146 : memref<10112x128xf32, #tpu.memory_space<vmem_shared>>)
      %dma_start3A_147 = arith.constant 5 : i32
      %dma_start3A_148 = arith.constant 0 : i32
      %dma_start3A_149 = tpu.memref_slice %arg6[%dma_start3A_147, %dma_start3A_148] : memref<14x96xi32, #tpu.memory_space<vmem>> -> memref<1x96xi32, #tpu.memory_space<vmem>>
      %dma_start3A_150 = tpu.memref_squeeze %dma_start3A_149 : memref<1x96xi32, #tpu.memory_space<vmem>> -> memref<96xi32, #tpu.memory_space<vmem>>
      %dma_start3A_151 = arith.constant 0 : i32
      %dma_start3A_152 = arith.constant 0 : i32
      %dma_start3A_153 = tpu.memref_slice %arg2[%dma_start3A_151, %dma_start3A_152] : memref<10000x128xf32, #tpu.memory_space<hbm>> -> memref<10000x128xf32, #tpu.memory_space<hbm>>
      tpu.enqueue_indirect_dma source(%dma_start3A_153 : memref<10000x128xf32, #tpu.memory_space<hbm>>) target(%arg10 : memref<96x128xf32, #tpu.memory_space<vmem>>) offsets(%dma_start3A_150 : memref<96xi32, #tpu.memory_space<vmem>>) semaphore(%arg14 : memref<!tpu.dma_semaphore, #tpu.memory_space<semaphore_mem>>)
      %dma_wait3A_154 = arith.constant 3 : i32
      %dma_wait3A_155 = arith.constant 0 : i32
      %dma_wait3A_156 = tpu.memref_slice %arg6[%dma_wait3A_154, %dma_wait3A_155] : memref<14x96xi32, #tpu.memory_space<vmem>> -> memref<1x96xi32, #tpu.memory_space<vmem>>
      %dma_wait3A_157 = tpu.memref_squeeze %dma_wait3A_156 : memref<1x96xi32, #tpu.memory_space<vmem>> -> memref<96xi32, #tpu.memory_space<vmem>>
      %dma_wait3A_158 = arith.constant 0 : i32
      %dma_wait3A_159 = arith.constant 0 : i32
      %dma_wait3A_160 = tpu.memref_slice %arg2[%dma_wait3A_158, %dma_wait3A_159] : memref<10000x128xf32, #tpu.memory_space<hbm>> -> memref<10000x128xf32, #tpu.memory_space<hbm>>
      tpu.wait_indirect_dma semaphore(%arg12 : memref<!tpu.dma_semaphore, #tpu.memory_space<semaphore_mem>>) src(%dma_wait3A_160 : memref<10000x128xf32, #tpu.memory_space<hbm>>) dst(%arg8 : memref<96x128xf32, #tpu.memory_space<vmem>>)
      %dma_start3A_161 = arith.constant 3 : i32
      %dma_start3A_162 = arith.constant 0 : i32
      %dma_start3A_163 = tpu.memref_slice %arg7[%dma_start3A_161, %dma_start3A_162] : memref<14x96xi32, #tpu.memory_space<vmem>> -> memref<1x96xi32, #tpu.memory_space<vmem>>
      %dma_start3A_164 = tpu.memref_squeeze %dma_start3A_163 : memref<1x96xi32, #tpu.memory_space<vmem>> -> memref<96xi32, #tpu.memory_space<vmem>>
      %dma_start3A_165 = arith.constant 0 : i32
      %dma_start3A_166 = arith.constant 0 : i32
      %dma_start3A_167 = tpu.memref_slice %arg11[%dma_start3A_165, %dma_start3A_166] : memref<10112x128xf32, #tpu.memory_space<vmem_shared>> -> memref<10112x128xf32, #tpu.memory_space<vmem_shared>>
      tpu.enqueue_indirect_dma source(%arg8 : memref<96x128xf32, #tpu.memory_space<vmem>>) target(%dma_start3A_167 : memref<10112x128xf32, #tpu.memory_space<vmem_shared>>) offsets(%dma_start3A_164 : memref<96xi32, #tpu.memory_space<vmem>>) semaphore(%arg15 : memref<!tpu.dma_semaphore, #tpu.memory_space<semaphore_mem>>) {add = true}
      %dma_wait3A_168 = arith.constant 3 : i32
      %dma_wait3A_169 = arith.constant 0 : i32
      %dma_wait3A_170 = tpu.memref_slice %arg7[%dma_wait3A_168, %dma_wait3A_169] : memref<14x96xi32, #tpu.memory_space<vmem>> -> memref<1x96xi32, #tpu.memory_space<vmem>>
      %dma_wait3A_171 = tpu.memref_squeeze %dma_wait3A_170 : memref<1x96xi32, #tpu.memory_space<vmem>> -> memref<96xi32, #tpu.memory_space<vmem>>
      %dma_wait3A_172 = arith.constant 0 : i32
      %dma_wait3A_173 = arith.constant 0 : i32
      %dma_wait3A_174 = tpu.memref_slice %arg11[%dma_wait3A_172, %dma_wait3A_173] : memref<10112x128xf32, #tpu.memory_space<vmem_shared>> -> memref<10112x128xf32, #tpu.memory_space<vmem_shared>>
      tpu.wait_indirect_dma semaphore(%arg15 : memref<!tpu.dma_semaphore, #tpu.memory_space<semaphore_mem>>) src(%arg8 : memref<96x128xf32, #tpu.memory_space<vmem>>) dst(%dma_wait3A_174 : memref<10112x128xf32, #tpu.memory_space<vmem_shared>>)
      %dma_start3A_175 = arith.constant 6 : i32
      %dma_start3A_176 = arith.constant 0 : i32
      %dma_start3A_177 = tpu.memref_slice %arg6[%dma_start3A_175, %dma_start3A_176] : memref<14x96xi32, #tpu.memory_space<vmem>> -> memref<1x96xi32, #tpu.memory_space<vmem>>
      %dma_start3A_178 = tpu.memref_squeeze %dma_start3A_177 : memref<1x96xi32, #tpu.memory_space<vmem>> -> memref<96xi32, #tpu.memory_space<vmem>>
      %dma_start3A_179 = arith.constant 0 : i32
      %dma_start3A_180 = arith.constant 0 : i32
      %dma_start3A_181 = tpu.memref_slice %arg2[%dma_start3A_179, %dma_start3A_180] : memref<10000x128xf32, #tpu.memory_space<hbm>> -> memref<10000x128xf32, #tpu.memory_space<hbm>>
      tpu.enqueue_indirect_dma source(%dma_start3A_181 : memref<10000x128xf32, #tpu.memory_space<hbm>>) target(%arg8 : memref<96x128xf32, #tpu.memory_space<vmem>>) offsets(%dma_start3A_178 : memref<96xi32, #tpu.memory_space<vmem>>) semaphore(%arg12 : memref<!tpu.dma_semaphore, #tpu.memory_space<semaphore_mem>>)
      %dma_wait3A_182 = arith.constant 4 : i32
      %dma_wait3A_183 = arith.constant 0 : i32
      %dma_wait3A_184 = tpu.memref_slice %arg6[%dma_wait3A_182, %dma_wait3A_183] : memref<14x96xi32, #tpu.memory_space<vmem>> -> memref<1x96xi32, #tpu.memory_space<vmem>>
      %dma_wait3A_185 = tpu.memref_squeeze %dma_wait3A_184 : memref<1x96xi32, #tpu.memory_space<vmem>> -> memref<96xi32, #tpu.memory_space<vmem>>
      %dma_wait3A_186 = arith.constant 0 : i32
      %dma_wait3A_187 = arith.constant 0 : i32
      %dma_wait3A_188 = tpu.memref_slice %arg2[%dma_wait3A_186, %dma_wait3A_187] : memref<10000x128xf32, #tpu.memory_space<hbm>> -> memref<10000x128xf32, #tpu.memory_space<hbm>>
      tpu.wait_indirect_dma semaphore(%arg13 : memref<!tpu.dma_semaphore, #tpu.memory_space<semaphore_mem>>) src(%dma_wait3A_188 : memref<10000x128xf32, #tpu.memory_space<hbm>>) dst(%arg9 : memref<96x128xf32, #tpu.memory_space<vmem>>)
      %dma_start3A_189 = arith.constant 4 : i32
      %dma_start3A_190 = arith.constant 0 : i32
      %dma_start3A_191 = tpu.memref_slice %arg7[%dma_start3A_189, %dma_start3A_190] : memref<14x96xi32, #tpu.memory_space<vmem>> -> memref<1x96xi32, #tpu.memory_space<vmem>>
      %dma_start3A_192 = tpu.memref_squeeze %dma_start3A_191 : memref<1x96xi32, #tpu.memory_space<vmem>> -> memref<96xi32, #tpu.memory_space<vmem>>
      %dma_start3A_193 = arith.constant 0 : i32
      %dma_start3A_194 = arith.constant 0 : i32
      %dma_start3A_195 = tpu.memref_slice %arg11[%dma_start3A_193, %dma_start3A_194] : memref<10112x128xf32, #tpu.memory_space<vmem_shared>> -> memref<10112x128xf32, #tpu.memory_space<vmem_shared>>
      tpu.enqueue_indirect_dma source(%arg9 : memref<96x128xf32, #tpu.memory_space<vmem>>) target(%dma_start3A_195 : memref<10112x128xf32, #tpu.memory_space<vmem_shared>>) offsets(%dma_start3A_192 : memref<96xi32, #tpu.memory_space<vmem>>) semaphore(%arg16 : memref<!tpu.dma_semaphore, #tpu.memory_space<semaphore_mem>>) {add = true}
      %dma_wait3A_196 = arith.constant 4 : i32
      %dma_wait3A_197 = arith.constant 0 : i32
      %dma_wait3A_198 = tpu.memref_slice %arg7[%dma_wait3A_196, %dma_wait3A_197] : memref<14x96xi32, #tpu.memory_space<vmem>> -> memref<1x96xi32, #tpu.memory_space<vmem>>
      %dma_wait3A_199 = tpu.memref_squeeze %dma_wait3A_198 : memref<1x96xi32, #tpu.memory_space<vmem>> -> memref<96xi32, #tpu.memory_space<vmem>>
      %dma_wait3A_200 = arith.constant 0 : i32
      %dma_wait3A_201 = arith.constant 0 : i32
      %dma_wait3A_202 = tpu.memref_slice %arg11[%dma_wait3A_200, %dma_wait3A_201] : memref<10112x128xf32, #tpu.memory_space<vmem_shared>> -> memref<10112x128xf32, #tpu.memory_space<vmem_shared>>
      tpu.wait_indirect_dma semaphore(%arg16 : memref<!tpu.dma_semaphore, #tpu.memory_space<semaphore_mem>>) src(%arg9 : memref<96x128xf32, #tpu.memory_space<vmem>>) dst(%dma_wait3A_202 : memref<10112x128xf32, #tpu.memory_space<vmem_shared>>)
      %dma_start3A_203 = arith.constant 7 : i32
      %dma_start3A_204 = arith.constant 0 : i32
      %dma_start3A_205 = tpu.memref_slice %arg6[%dma_start3A_203, %dma_start3A_204] : memref<14x96xi32, #tpu.memory_space<vmem>> -> memref<1x96xi32, #tpu.memory_space<vmem>>
      %dma_start3A_206 = tpu.memref_squeeze %dma_start3A_205 : memref<1x96xi32, #tpu.memory_space<vmem>> -> memref<96xi32, #tpu.memory_space<vmem>>
      %dma_start3A_207 = arith.constant 0 : i32
      %dma_start3A_208 = arith.constant 0 : i32
      %dma_start3A_209 = tpu.memref_slice %arg2[%dma_start3A_207, %dma_start3A_208] : memref<10000x128xf32, #tpu.memory_space<hbm>> -> memref<10000x128xf32, #tpu.memory_space<hbm>>
      tpu.enqueue_indirect_dma source(%dma_start3A_209 : memref<10000x128xf32, #tpu.memory_space<hbm>>) target(%arg9 : memref<96x128xf32, #tpu.memory_space<vmem>>) offsets(%dma_start3A_206 : memref<96xi32, #tpu.memory_space<vmem>>) semaphore(%arg13 : memref<!tpu.dma_semaphore, #tpu.memory_space<semaphore_mem>>)
      %dma_wait3A_210 = arith.constant 5 : i32
      %dma_wait3A_211 = arith.constant 0 : i32
      %dma_wait3A_212 = tpu.memref_slice %arg6[%dma_wait3A_210, %dma_wait3A_211] : memref<14x96xi32, #tpu.memory_space<vmem>> -> memref<1x96xi32, #tpu.memory_space<vmem>>
      %dma_wait3A_213 = tpu.memref_squeeze %dma_wait3A_212 : memref<1x96xi32, #tpu.memory_space<vmem>> -> memref<96xi32, #tpu.memory_space<vmem>>
      %dma_wait3A_214 = arith.constant 0 : i32
      %dma_wait3A_215 = arith.constant 0 : i32
      %dma_wait3A_216 = tpu.memref_slice %arg2[%dma_wait3A_214, %dma_wait3A_215] : memref<10000x128xf32, #tpu.memory_space<hbm>> -> memref<10000x128xf32, #tpu.memory_space<hbm>>
      tpu.wait_indirect_dma semaphore(%arg14 : memref<!tpu.dma_semaphore, #tpu.memory_space<semaphore_mem>>) src(%dma_wait3A_216 : memref<10000x128xf32, #tpu.memory_space<hbm>>) dst(%arg10 : memref<96x128xf32, #tpu.memory_space<vmem>>)
      %dma_start3A_217 = arith.constant 5 : i32
      %dma_start3A_218 = arith.constant 0 : i32
      %dma_start3A_219 = tpu.memref_slice %arg7[%dma_start3A_217, %dma_start3A_218] : memref<14x96xi32, #tpu.memory_space<vmem>> -> memref<1x96xi32, #tpu.memory_space<vmem>>
      %dma_start3A_220 = tpu.memref_squeeze %dma_start3A_219 : memref<1x96xi32, #tpu.memory_space<vmem>> -> memref<96xi32, #tpu.memory_space<vmem>>
      %dma_start3A_221 = arith.constant 0 : i32
      %dma_start3A_222 = arith.constant 0 : i32
      %dma_start3A_223 = tpu.memref_slice %arg11[%dma_start3A_221, %dma_start3A_222] : memref<10112x128xf32, #tpu.memory_space<vmem_shared>> -> memref<10112x128xf32, #tpu.memory_space<vmem_shared>>
      tpu.enqueue_indirect_dma source(%arg10 : memref<96x128xf32, #tpu.memory_space<vmem>>) target(%dma_start3A_223 : memref<10112x128xf32, #tpu.memory_space<vmem_shared>>) offsets(%dma_start3A_220 : memref<96xi32, #tpu.memory_space<vmem>>) semaphore(%arg17 : memref<!tpu.dma_semaphore, #tpu.memory_space<semaphore_mem>>) {add = true}
      %dma_wait3A_224 = arith.constant 5 : i32
      %dma_wait3A_225 = arith.constant 0 : i32
      %dma_wait3A_226 = tpu.memref_slice %arg7[%dma_wait3A_224, %dma_wait3A_225] : memref<14x96xi32, #tpu.memory_space<vmem>> -> memref<1x96xi32, #tpu.memory_space<vmem>>
      %dma_wait3A_227 = tpu.memref_squeeze %dma_wait3A_226 : memref<1x96xi32, #tpu.memory_space<vmem>> -> memref<96xi32, #tpu.memory_space<vmem>>
      %dma_wait3A_228 = arith.constant 0 : i32
      %dma_wait3A_229 = arith.constant 0 : i32
      %dma_wait3A_230 = tpu.memref_slice %arg11[%dma_wait3A_228, %dma_wait3A_229] : memref<10112x128xf32, #tpu.memory_space<vmem_shared>> -> memref<10112x128xf32, #tpu.memory_space<vmem_shared>>
      tpu.wait_indirect_dma semaphore(%arg17 : memref<!tpu.dma_semaphore, #tpu.memory_space<semaphore_mem>>) src(%arg10 : memref<96x128xf32, #tpu.memory_space<vmem>>) dst(%dma_wait3A_230 : memref<10112x128xf32, #tpu.memory_space<vmem_shared>>)
      %dma_start3A_231 = arith.constant 8 : i32
      %dma_start3A_232 = arith.constant 0 : i32
      %dma_start3A_233 = tpu.memref_slice %arg6[%dma_start3A_231, %dma_start3A_232] : memref<14x96xi32, #tpu.memory_space<vmem>> -> memref<1x96xi32, #tpu.memory_space<vmem>>
      %dma_start3A_234 = tpu.memref_squeeze %dma_start3A_233 : memref<1x96xi32, #tpu.memory_space<vmem>> -> memref<96xi32, #tpu.memory_space<vmem>>
      %dma_start3A_235 = arith.constant 0 : i32
      %dma_start3A_236 = arith.constant 0 : i32
      %dma_start3A_237 = tpu.memref_slice %arg2[%dma_start3A_235, %dma_start3A_236] : memref<10000x128xf32, #tpu.memory_space<hbm>> -> memref<10000x128xf32, #tpu.memory_space<hbm>>
      tpu.enqueue_indirect_dma source(%dma_start3A_237 : memref<10000x128xf32, #tpu.memory_space<hbm>>) target(%arg10 : memref<96x128xf32, #tpu.memory_space<vmem>>) offsets(%dma_start3A_234 : memref<96xi32, #tpu.memory_space<vmem>>) semaphore(%arg14 : memref<!tpu.dma_semaphore, #tpu.memory_space<semaphore_mem>>)
      %dma_wait3A_238 = arith.constant 6 : i32
      %dma_wait3A_239 = arith.constant 0 : i32
      %dma_wait3A_240 = tpu.memref_slice %arg6[%dma_wait3A_238, %dma_wait3A_239] : memref<14x96xi32, #tpu.memory_space<vmem>> -> memref<1x96xi32, #tpu.memory_space<vmem>>
      %dma_wait3A_241 = tpu.memref_squeeze %dma_wait3A_240 : memref<1x96xi32, #tpu.memory_space<vmem>> -> memref<96xi32, #tpu.memory_space<vmem>>
      %dma_wait3A_242 = arith.constant 0 : i32
      %dma_wait3A_243 = arith.constant 0 : i32
      %dma_wait3A_244 = tpu.memref_slice %arg2[%dma_wait3A_242, %dma_wait3A_243] : memref<10000x128xf32, #tpu.memory_space<hbm>> -> memref<10000x128xf32, #tpu.memory_space<hbm>>
      tpu.wait_indirect_dma semaphore(%arg12 : memref<!tpu.dma_semaphore, #tpu.memory_space<semaphore_mem>>) src(%dma_wait3A_244 : memref<10000x128xf32, #tpu.memory_space<hbm>>) dst(%arg8 : memref<96x128xf32, #tpu.memory_space<vmem>>)
      %dma_start3A_245 = arith.constant 6 : i32
      %dma_start3A_246 = arith.constant 0 : i32
      %dma_start3A_247 = tpu.memref_slice %arg7[%dma_start3A_245, %dma_start3A_246] : memref<14x96xi32, #tpu.memory_space<vmem>> -> memref<1x96xi32, #tpu.memory_space<vmem>>
      %dma_start3A_248 = tpu.memref_squeeze %dma_start3A_247 : memref<1x96xi32, #tpu.memory_space<vmem>> -> memref<96xi32, #tpu.memory_space<vmem>>
      %dma_start3A_249 = arith.constant 0 : i32
      %dma_start3A_250 = arith.constant 0 : i32
      %dma_start3A_251 = tpu.memref_slice %arg11[%dma_start3A_249, %dma_start3A_250] : memref<10112x128xf32, #tpu.memory_space<vmem_shared>> -> memref<10112x128xf32, #tpu.memory_space<vmem_shared>>
      tpu.enqueue_indirect_dma source(%arg8 : memref<96x128xf32, #tpu.memory_space<vmem>>) target(%dma_start3A_251 : memref<10112x128xf32, #tpu.memory_space<vmem_shared>>) offsets(%dma_start3A_248 : memref<96xi32, #tpu.memory_space<vmem>>) semaphore(%arg15 : memref<!tpu.dma_semaphore, #tpu.memory_space<semaphore_mem>>) {add = true}
      %dma_wait3A_252 = arith.constant 6 : i32
      %dma_wait3A_253 = arith.constant 0 : i32
      %dma_wait3A_254 = tpu.memref_slice %arg7[%dma_wait3A_252, %dma_wait3A_253] : memref<14x96xi32, #tpu.memory_space<vmem>> -> memref<1x96xi32, #tpu.memory_space<vmem>>
      %dma_wait3A_255 = tpu.memref_squeeze %dma_wait3A_254 : memref<1x96xi32, #tpu.memory_space<vmem>> -> memref<96xi32, #tpu.memory_space<vmem>>
      %dma_wait3A_256 = arith.constant 0 : i32
      %dma_wait3A_257 = arith.constant 0 : i32
      %dma_wait3A_258 = tpu.memref_slice %arg11[%dma_wait3A_256, %dma_wait3A_257] : memref<10112x128xf32, #tpu.memory_space<vmem_shared>> -> memref<10112x128xf32, #tpu.memory_space<vmem_shared>>
      tpu.wait_indirect_dma semaphore(%arg15 : memref<!tpu.dma_semaphore, #tpu.memory_space<semaphore_mem>>) src(%arg8 : memref<96x128xf32, #tpu.memory_space<vmem>>) dst(%dma_wait3A_258 : memref<10112x128xf32, #tpu.memory_space<vmem_shared>>)
      %dma_start3A_259 = arith.constant 9 : i32
      %dma_start3A_260 = arith.constant 0 : i32
      %dma_start3A_261 = tpu.memref_slice %arg6[%dma_start3A_259, %dma_start3A_260] : memref<14x96xi32, #tpu.memory_space<vmem>> -> memref<1x96xi32, #tpu.memory_space<vmem>>
      %dma_start3A_262 = tpu.memref_squeeze %dma_start3A_261 : memref<1x96xi32, #tpu.memory_space<vmem>> -> memref<96xi32, #tpu.memory_space<vmem>>
      %dma_start3A_263 = arith.constant 0 : i32
      %dma_start3A_264 = arith.constant 0 : i32
      %dma_start3A_265 = tpu.memref_slice %arg2[%dma_start3A_263, %dma_start3A_264] : memref<10000x128xf32, #tpu.memory_space<hbm>> -> memref<10000x128xf32, #tpu.memory_space<hbm>>
      tpu.enqueue_indirect_dma source(%dma_start3A_265 : memref<10000x128xf32, #tpu.memory_space<hbm>>) target(%arg8 : memref<96x128xf32, #tpu.memory_space<vmem>>) offsets(%dma_start3A_262 : memref<96xi32, #tpu.memory_space<vmem>>) semaphore(%arg12 : memref<!tpu.dma_semaphore, #tpu.memory_space<semaphore_mem>>)
      %dma_wait3A_266 = arith.constant 7 : i32
      %dma_wait3A_267 = arith.constant 0 : i32
      %dma_wait3A_268 = tpu.memref_slice %arg6[%dma_wait3A_266, %dma_wait3A_267] : memref<14x96xi32, #tpu.memory_space<vmem>> -> memref<1x96xi32, #tpu.memory_space<vmem>>
      %dma_wait3A_269 = tpu.memref_squeeze %dma_wait3A_268 : memref<1x96xi32, #tpu.memory_space<vmem>> -> memref<96xi32, #tpu.memory_space<vmem>>
      %dma_wait3A_270 = arith.constant 0 : i32
      %dma_wait3A_271 = arith.constant 0 : i32
      %dma_wait3A_272 = tpu.memref_slice %arg2[%dma_wait3A_270, %dma_wait3A_271] : memref<10000x128xf32, #tpu.memory_space<hbm>> -> memref<10000x128xf32, #tpu.memory_space<hbm>>
      tpu.wait_indirect_dma semaphore(%arg13 : memref<!tpu.dma_semaphore, #tpu.memory_space<semaphore_mem>>) src(%dma_wait3A_272 : memref<10000x128xf32, #tpu.memory_space<hbm>>) dst(%arg9 : memref<96x128xf32, #tpu.memory_space<vmem>>)
      %dma_start3A_273 = arith.constant 7 : i32
      %dma_start3A_274 = arith.constant 0 : i32
      %dma_start3A_275 = tpu.memref_slice %arg7[%dma_start3A_273, %dma_start3A_274] : memref<14x96xi32, #tpu.memory_space<vmem>> -> memref<1x96xi32, #tpu.memory_space<vmem>>
      %dma_start3A_276 = tpu.memref_squeeze %dma_start3A_275 : memref<1x96xi32, #tpu.memory_space<vmem>> -> memref<96xi32, #tpu.memory_space<vmem>>
      %dma_start3A_277 = arith.constant 0 : i32
      %dma_start3A_278 = arith.constant 0 : i32
      %dma_start3A_279 = tpu.memref_slice %arg11[%dma_start3A_277, %dma_start3A_278] : memref<10112x128xf32, #tpu.memory_space<vmem_shared>> -> memref<10112x128xf32, #tpu.memory_space<vmem_shared>>
      tpu.enqueue_indirect_dma source(%arg9 : memref<96x128xf32, #tpu.memory_space<vmem>>) target(%dma_start3A_279 : memref<10112x128xf32, #tpu.memory_space<vmem_shared>>) offsets(%dma_start3A_276 : memref<96xi32, #tpu.memory_space<vmem>>) semaphore(%arg16 : memref<!tpu.dma_semaphore, #tpu.memory_space<semaphore_mem>>) {add = true}
      %dma_wait3A_280 = arith.constant 7 : i32
      %dma_wait3A_281 = arith.constant 0 : i32
      %dma_wait3A_282 = tpu.memref_slice %arg7[%dma_wait3A_280, %dma_wait3A_281] : memref<14x96xi32, #tpu.memory_space<vmem>> -> memref<1x96xi32, #tpu.memory_space<vmem>>
      %dma_wait3A_283 = tpu.memref_squeeze %dma_wait3A_282 : memref<1x96xi32, #tpu.memory_space<vmem>> -> memref<96xi32, #tpu.memory_space<vmem>>
      %dma_wait3A_284 = arith.constant 0 : i32
      %dma_wait3A_285 = arith.constant 0 : i32
      %dma_wait3A_286 = tpu.memref_slice %arg11[%dma_wait3A_284, %dma_wait3A_285] : memref<10112x128xf32, #tpu.memory_space<vmem_shared>> -> memref<10112x128xf32, #tpu.memory_space<vmem_shared>>
      tpu.wait_indirect_dma semaphore(%arg16 : memref<!tpu.dma_semaphore, #tpu.memory_space<semaphore_mem>>) src(%arg9 : memref<96x128xf32, #tpu.memory_space<vmem>>) dst(%dma_wait3A_286 : memref<10112x128xf32, #tpu.memory_space<vmem_shared>>)
      %dma_start3A_287 = arith.constant 10 : i32
      %dma_start3A_288 = arith.constant 0 : i32
      %dma_start3A_289 = tpu.memref_slice %arg6[%dma_start3A_287, %dma_start3A_288] : memref<14x96xi32, #tpu.memory_space<vmem>> -> memref<1x96xi32, #tpu.memory_space<vmem>>
      %dma_start3A_290 = tpu.memref_squeeze %dma_start3A_289 : memref<1x96xi32, #tpu.memory_space<vmem>> -> memref<96xi32, #tpu.memory_space<vmem>>
      %dma_start3A_291 = arith.constant 0 : i32
      %dma_start3A_292 = arith.constant 0 : i32
      %dma_start3A_293 = tpu.memref_slice %arg2[%dma_start3A_291, %dma_start3A_292] : memref<10000x128xf32, #tpu.memory_space<hbm>> -> memref<10000x128xf32, #tpu.memory_space<hbm>>
      tpu.enqueue_indirect_dma source(%dma_start3A_293 : memref<10000x128xf32, #tpu.memory_space<hbm>>) target(%arg9 : memref<96x128xf32, #tpu.memory_space<vmem>>) offsets(%dma_start3A_290 : memref<96xi32, #tpu.memory_space<vmem>>) semaphore(%arg13 : memref<!tpu.dma_semaphore, #tpu.memory_space<semaphore_mem>>)
      %dma_wait3A_294 = arith.constant 8 : i32
      %dma_wait3A_295 = arith.constant 0 : i32
      %dma_wait3A_296 = tpu.memref_slice %arg6[%dma_wait3A_294, %dma_wait3A_295] : memref<14x96xi32, #tpu.memory_space<vmem>> -> memref<1x96xi32, #tpu.memory_space<vmem>>
      %dma_wait3A_297 = tpu.memref_squeeze %dma_wait3A_296 : memref<1x96xi32, #tpu.memory_space<vmem>> -> memref<96xi32, #tpu.memory_space<vmem>>
      %dma_wait3A_298 = arith.constant 0 : i32
      %dma_wait3A_299 = arith.constant 0 : i32
      %dma_wait3A_300 = tpu.memref_slice %arg2[%dma_wait3A_298, %dma_wait3A_299] : memref<10000x128xf32, #tpu.memory_space<hbm>> -> memref<10000x128xf32, #tpu.memory_space<hbm>>
      tpu.wait_indirect_dma semaphore(%arg14 : memref<!tpu.dma_semaphore, #tpu.memory_space<semaphore_mem>>) src(%dma_wait3A_300 : memref<10000x128xf32, #tpu.memory_space<hbm>>) dst(%arg10 : memref<96x128xf32, #tpu.memory_space<vmem>>)
      %dma_start3A_301 = arith.constant 8 : i32
      %dma_start3A_302 = arith.constant 0 : i32
      %dma_start3A_303 = tpu.memref_slice %arg7[%dma_start3A_301, %dma_start3A_302] : memref<14x96xi32, #tpu.memory_space<vmem>> -> memref<1x96xi32, #tpu.memory_space<vmem>>
      %dma_start3A_304 = tpu.memref_squeeze %dma_start3A_303 : memref<1x96xi32, #tpu.memory_space<vmem>> -> memref<96xi32, #tpu.memory_space<vmem>>
      %dma_start3A_305 = arith.constant 0 : i32
      %dma_start3A_306 = arith.constant 0 : i32
      %dma_start3A_307 = tpu.memref_slice %arg11[%dma_start3A_305, %dma_start3A_306] : memref<10112x128xf32, #tpu.memory_space<vmem_shared>> -> memref<10112x128xf32, #tpu.memory_space<vmem_shared>>
      tpu.enqueue_indirect_dma source(%arg10 : memref<96x128xf32, #tpu.memory_space<vmem>>) target(%dma_start3A_307 : memref<10112x128xf32, #tpu.memory_space<vmem_shared>>) offsets(%dma_start3A_304 : memref<96xi32, #tpu.memory_space<vmem>>) semaphore(%arg17 : memref<!tpu.dma_semaphore, #tpu.memory_space<semaphore_mem>>) {add = true}
      %dma_wait3A_308 = arith.constant 8 : i32
      %dma_wait3A_309 = arith.constant 0 : i32
      %dma_wait3A_310 = tpu.memref_slice %arg7[%dma_wait3A_308, %dma_wait3A_309] : memref<14x96xi32, #tpu.memory_space<vmem>> -> memref<1x96xi32, #tpu.memory_space<vmem>>
      %dma_wait3A_311 = tpu.memref_squeeze %dma_wait3A_310 : memref<1x96xi32, #tpu.memory_space<vmem>> -> memref<96xi32, #tpu.memory_space<vmem>>
      %dma_wait3A_312 = arith.constant 0 : i32
      %dma_wait3A_313 = arith.constant 0 : i32
      %dma_wait3A_314 = tpu.memref_slice %arg11[%dma_wait3A_312, %dma_wait3A_313] : memref<10112x128xf32, #tpu.memory_space<vmem_shared>> -> memref<10112x128xf32, #tpu.memory_space<vmem_shared>>
      tpu.wait_indirect_dma semaphore(%arg17 : memref<!tpu.dma_semaphore, #tpu.memory_space<semaphore_mem>>) src(%arg10 : memref<96x128xf32, #tpu.memory_space<vmem>>) dst(%dma_wait3A_314 : memref<10112x128xf32, #tpu.memory_space<vmem_shared>>)
      %dma_start3A_315 = arith.constant 11 : i32
      %dma_start3A_316 = arith.constant 0 : i32
      %dma_start3A_317 = tpu.memref_slice %arg6[%dma_start3A_315, %dma_start3A_316] : memref<14x96xi32, #tpu.memory_space<vmem>> -> memref<1x96xi32, #tpu.memory_space<vmem>>
      %dma_start3A_318 = tpu.memref_squeeze %dma_start3A_317 : memref<1x96xi32, #tpu.memory_space<vmem>> -> memref<96xi32, #tpu.memory_space<vmem>>
      %dma_start3A_319 = arith.constant 0 : i32
      %dma_start3A_320 = arith.constant 0 : i32
      %dma_start3A_321 = tpu.memref_slice %arg2[%dma_start3A_319, %dma_start3A_320] : memref<10000x128xf32, #tpu.memory_space<hbm>> -> memref<10000x128xf32, #tpu.memory_space<hbm>>
      tpu.enqueue_indirect_dma source(%dma_start3A_321 : memref<10000x128xf32, #tpu.memory_space<hbm>>) target(%arg10 : memref<96x128xf32, #tpu.memory_space<vmem>>) offsets(%dma_start3A_318 : memref<96xi32, #tpu.memory_space<vmem>>) semaphore(%arg14 : memref<!tpu.dma_semaphore, #tpu.memory_space<semaphore_mem>>)
      %dma_wait3A_322 = arith.constant 9 : i32
      %dma_wait3A_323 = arith.constant 0 : i32
      %dma_wait3A_324 = tpu.memref_slice %arg6[%dma_wait3A_322, %dma_wait3A_323] : memref<14x96xi32, #tpu.memory_space<vmem>> -> memref<1x96xi32, #tpu.memory_space<vmem>>
      %dma_wait3A_325 = tpu.memref_squeeze %dma_wait3A_324 : memref<1x96xi32, #tpu.memory_space<vmem>> -> memref<96xi32, #tpu.memory_space<vmem>>
      %dma_wait3A_326 = arith.constant 0 : i32
      %dma_wait3A_327 = arith.constant 0 : i32
      %dma_wait3A_328 = tpu.memref_slice %arg2[%dma_wait3A_326, %dma_wait3A_327] : memref<10000x128xf32, #tpu.memory_space<hbm>> -> memref<10000x128xf32, #tpu.memory_space<hbm>>
      tpu.wait_indirect_dma semaphore(%arg12 : memref<!tpu.dma_semaphore, #tpu.memory_space<semaphore_mem>>) src(%dma_wait3A_328 : memref<10000x128xf32, #tpu.memory_space<hbm>>) dst(%arg8 : memref<96x128xf32, #tpu.memory_space<vmem>>)
      %dma_start3A_329 = arith.constant 9 : i32
      %dma_start3A_330 = arith.constant 0 : i32
      %dma_start3A_331 = tpu.memref_slice %arg7[%dma_start3A_329, %dma_start3A_330] : memref<14x96xi32, #tpu.memory_space<vmem>> -> memref<1x96xi32, #tpu.memory_space<vmem>>
      %dma_start3A_332 = tpu.memref_squeeze %dma_start3A_331 : memref<1x96xi32, #tpu.memory_space<vmem>> -> memref<96xi32, #tpu.memory_space<vmem>>
      %dma_start3A_333 = arith.constant 0 : i32
      %dma_start3A_334 = arith.constant 0 : i32
      %dma_start3A_335 = tpu.memref_slice %arg11[%dma_start3A_333, %dma_start3A_334] : memref<10112x128xf32, #tpu.memory_space<vmem_shared>> -> memref<10112x128xf32, #tpu.memory_space<vmem_shared>>
      tpu.enqueue_indirect_dma source(%arg8 : memref<96x128xf32, #tpu.memory_space<vmem>>) target(%dma_start3A_335 : memref<10112x128xf32, #tpu.memory_space<vmem_shared>>) offsets(%dma_start3A_332 : memref<96xi32, #tpu.memory_space<vmem>>) semaphore(%arg15 : memref<!tpu.dma_semaphore, #tpu.memory_space<semaphore_mem>>) {add = true}
      %dma_wait3A_336 = arith.constant 9 : i32
      %dma_wait3A_337 = arith.constant 0 : i32
      %dma_wait3A_338 = tpu.memref_slice %arg7[%dma_wait3A_336, %dma_wait3A_337] : memref<14x96xi32, #tpu.memory_space<vmem>> -> memref<1x96xi32, #tpu.memory_space<vmem>>
      %dma_wait3A_339 = tpu.memref_squeeze %dma_wait3A_338 : memref<1x96xi32, #tpu.memory_space<vmem>> -> memref<96xi32, #tpu.memory_space<vmem>>
      %dma_wait3A_340 = arith.constant 0 : i32
      %dma_wait3A_341 = arith.constant 0 : i32
      %dma_wait3A_342 = tpu.memref_slice %arg11[%dma_wait3A_340, %dma_wait3A_341] : memref<10112x128xf32, #tpu.memory_space<vmem_shared>> -> memref<10112x128xf32, #tpu.memory_space<vmem_shared>>
      tpu.wait_indirect_dma semaphore(%arg15 : memref<!tpu.dma_semaphore, #tpu.memory_space<semaphore_mem>>) src(%arg8 : memref<96x128xf32, #tpu.memory_space<vmem>>) dst(%dma_wait3A_342 : memref<10112x128xf32, #tpu.memory_space<vmem_shared>>)
      %dma_start3A_343 = arith.constant 12 : i32
      %dma_start3A_344 = arith.constant 0 : i32
      %dma_start3A_345 = tpu.memref_slice %arg6[%dma_start3A_343, %dma_start3A_344] : memref<14x96xi32, #tpu.memory_space<vmem>> -> memref<1x96xi32, #tpu.memory_space<vmem>>
      %dma_start3A_346 = tpu.memref_squeeze %dma_start3A_345 : memref<1x96xi32, #tpu.memory_space<vmem>> -> memref<96xi32, #tpu.memory_space<vmem>>
      %dma_start3A_347 = arith.constant 0 : i32
      %dma_start3A_348 = arith.constant 0 : i32
      %dma_start3A_349 = tpu.memref_slice %arg2[%dma_start3A_347, %dma_start3A_348] : memref<10000x128xf32, #tpu.memory_space<hbm>> -> memref<10000x128xf32, #tpu.memory_space<hbm>>
      tpu.enqueue_indirect_dma source(%dma_start3A_349 : memref<10000x128xf32, #tpu.memory_space<hbm>>) target(%arg8 : memref<96x128xf32, #tpu.memory_space<vmem>>) offsets(%dma_start3A_346 : memref<96xi32, #tpu.memory_space<vmem>>) semaphore(%arg12 : memref<!tpu.dma_semaphore, #tpu.memory_space<semaphore_mem>>)
      %dma_wait3A_350 = arith.constant 10 : i32
      %dma_wait3A_351 = arith.constant 0 : i32
      %dma_wait3A_352 = tpu.memref_slice %arg6[%dma_wait3A_350, %dma_wait3A_351] : memref<14x96xi32, #tpu.memory_space<vmem>> -> memref<1x96xi32, #tpu.memory_space<vmem>>
      %dma_wait3A_353 = tpu.memref_squeeze %dma_wait3A_352 : memref<1x96xi32, #tpu.memory_space<vmem>> -> memref<96xi32, #tpu.memory_space<vmem>>
      %dma_wait3A_354 = arith.constant 0 : i32
      %dma_wait3A_355 = arith.constant 0 : i32
      %dma_wait3A_356 = tpu.memref_slice %arg2[%dma_wait3A_354, %dma_wait3A_355] : memref<10000x128xf32, #tpu.memory_space<hbm>> -> memref<10000x128xf32, #tpu.memory_space<hbm>>
      tpu.wait_indirect_dma semaphore(%arg13 : memref<!tpu.dma_semaphore, #tpu.memory_space<semaphore_mem>>) src(%dma_wait3A_356 : memref<10000x128xf32, #tpu.memory_space<hbm>>) dst(%arg9 : memref<96x128xf32, #tpu.memory_space<vmem>>)
      %dma_start3A_357 = arith.constant 10 : i32
      %dma_start3A_358 = arith.constant 0 : i32
      %dma_start3A_359 = tpu.memref_slice %arg7[%dma_start3A_357, %dma_start3A_358] : memref<14x96xi32, #tpu.memory_space<vmem>> -> memref<1x96xi32, #tpu.memory_space<vmem>>
      %dma_start3A_360 = tpu.memref_squeeze %dma_start3A_359 : memref<1x96xi32, #tpu.memory_space<vmem>> -> memref<96xi32, #tpu.memory_space<vmem>>
      %dma_start3A_361 = arith.constant 0 : i32
      %dma_start3A_362 = arith.constant 0 : i32
      %dma_start3A_363 = tpu.memref_slice %arg11[%dma_start3A_361, %dma_start3A_362] : memref<10112x128xf32, #tpu.memory_space<vmem_shared>> -> memref<10112x128xf32, #tpu.memory_space<vmem_shared>>
      tpu.enqueue_indirect_dma source(%arg9 : memref<96x128xf32, #tpu.memory_space<vmem>>) target(%dma_start3A_363 : memref<10112x128xf32, #tpu.memory_space<vmem_shared>>) offsets(%dma_start3A_360 : memref<96xi32, #tpu.memory_space<vmem>>) semaphore(%arg16 : memref<!tpu.dma_semaphore, #tpu.memory_space<semaphore_mem>>) {add = true}
      %dma_wait3A_364 = arith.constant 10 : i32
      %dma_wait3A_365 = arith.constant 0 : i32
      %dma_wait3A_366 = tpu.memref_slice %arg7[%dma_wait3A_364, %dma_wait3A_365] : memref<14x96xi32, #tpu.memory_space<vmem>> -> memref<1x96xi32, #tpu.memory_space<vmem>>
      %dma_wait3A_367 = tpu.memref_squeeze %dma_wait3A_366 : memref<1x96xi32, #tpu.memory_space<vmem>> -> memref<96xi32, #tpu.memory_space<vmem>>
      %dma_wait3A_368 = arith.constant 0 : i32
      %dma_wait3A_369 = arith.constant 0 : i32
      %dma_wait3A_370 = tpu.memref_slice %arg11[%dma_wait3A_368, %dma_wait3A_369] : memref<10112x128xf32, #tpu.memory_space<vmem_shared>> -> memref<10112x128xf32, #tpu.memory_space<vmem_shared>>
      tpu.wait_indirect_dma semaphore(%arg16 : memref<!tpu.dma_semaphore, #tpu.memory_space<semaphore_mem>>) src(%arg9 : memref<96x128xf32, #tpu.memory_space<vmem>>) dst(%dma_wait3A_370 : memref<10112x128xf32, #tpu.memory_space<vmem_shared>>)
      %dma_start3A_371 = arith.constant 13 : i32
      %dma_start3A_372 = arith.constant 0 : i32
      %dma_start3A_373 = tpu.memref_slice %arg6[%dma_start3A_371, %dma_start3A_372] : memref<14x96xi32, #tpu.memory_space<vmem>> -> memref<1x96xi32, #tpu.memory_space<vmem>>
      %dma_start3A_374 = tpu.memref_squeeze %dma_start3A_373 : memref<1x96xi32, #tpu.memory_space<vmem>> -> memref<96xi32, #tpu.memory_space<vmem>>
      %dma_start3A_375 = arith.constant 0 : i32
      %dma_start3A_376 = arith.constant 0 : i32
      %dma_start3A_377 = tpu.memref_slice %arg2[%dma_start3A_375, %dma_start3A_376] : memref<10000x128xf32, #tpu.memory_space<hbm>> -> memref<10000x128xf32, #tpu.memory_space<hbm>>
      tpu.enqueue_indirect_dma source(%dma_start3A_377 : memref<10000x128xf32, #tpu.memory_space<hbm>>) target(%arg9 : memref<96x128xf32, #tpu.memory_space<vmem>>) offsets(%dma_start3A_374 : memref<96xi32, #tpu.memory_space<vmem>>) semaphore(%arg13 : memref<!tpu.dma_semaphore, #tpu.memory_space<semaphore_mem>>)
      %dma_wait3A_378 = arith.constant 11 : i32
      %dma_wait3A_379 = arith.constant 0 : i32
      %dma_wait3A_380 = tpu.memref_slice %arg6[%dma_wait3A_378, %dma_wait3A_379] : memref<14x96xi32, #tpu.memory_space<vmem>> -> memref<1x96xi32, #tpu.memory_space<vmem>>
      %dma_wait3A_381 = tpu.memref_squeeze %dma_wait3A_380 : memref<1x96xi32, #tpu.memory_space<vmem>> -> memref<96xi32, #tpu.memory_space<vmem>>
      %dma_wait3A_382 = arith.constant 0 : i32
      %dma_wait3A_383 = arith.constant 0 : i32
      %dma_wait3A_384 = tpu.memref_slice %arg2[%dma_wait3A_382, %dma_wait3A_383] : memref<10000x128xf32, #tpu.memory_space<hbm>> -> memref<10000x128xf32, #tpu.memory_space<hbm>>
      tpu.wait_indirect_dma semaphore(%arg14 : memref<!tpu.dma_semaphore, #tpu.memory_space<semaphore_mem>>) src(%dma_wait3A_384 : memref<10000x128xf32, #tpu.memory_space<hbm>>) dst(%arg10 : memref<96x128xf32, #tpu.memory_space<vmem>>)
      %dma_start3A_385 = arith.constant 11 : i32
      %dma_start3A_386 = arith.constant 0 : i32
      %dma_start3A_387 = tpu.memref_slice %arg7[%dma_start3A_385, %dma_start3A_386] : memref<14x96xi32, #tpu.memory_space<vmem>> -> memref<1x96xi32, #tpu.memory_space<vmem>>
      %dma_start3A_388 = tpu.memref_squeeze %dma_start3A_387 : memref<1x96xi32, #tpu.memory_space<vmem>> -> memref<96xi32, #tpu.memory_space<vmem>>
      %dma_start3A_389 = arith.constant 0 : i32
      %dma_start3A_390 = arith.constant 0 : i32
      %dma_start3A_391 = tpu.memref_slice %arg11[%dma_start3A_389, %dma_start3A_390] : memref<10112x128xf32, #tpu.memory_space<vmem_shared>> -> memref<10112x128xf32, #tpu.memory_space<vmem_shared>>
      tpu.enqueue_indirect_dma source(%arg10 : memref<96x128xf32, #tpu.memory_space<vmem>>) target(%dma_start3A_391 : memref<10112x128xf32, #tpu.memory_space<vmem_shared>>) offsets(%dma_start3A_388 : memref<96xi32, #tpu.memory_space<vmem>>) semaphore(%arg17 : memref<!tpu.dma_semaphore, #tpu.memory_space<semaphore_mem>>) {add = true}
      %dma_wait3A_392 = arith.constant 12 : i32
      %dma_wait3A_393 = arith.constant 0 : i32
      %dma_wait3A_394 = tpu.memref_slice %arg6[%dma_wait3A_392, %dma_wait3A_393] : memref<14x96xi32, #tpu.memory_space<vmem>> -> memref<1x96xi32, #tpu.memory_space<vmem>>
      %dma_wait3A_395 = tpu.memref_squeeze %dma_wait3A_394 : memref<1x96xi32, #tpu.memory_space<vmem>> -> memref<96xi32, #tpu.memory_space<vmem>>
      %dma_wait3A_396 = arith.constant 0 : i32
      %dma_wait3A_397 = arith.constant 0 : i32
      %dma_wait3A_398 = tpu.memref_slice %arg2[%dma_wait3A_396, %dma_wait3A_397] : memref<10000x128xf32, #tpu.memory_space<hbm>> -> memref<10000x128xf32, #tpu.memory_space<hbm>>
      tpu.wait_indirect_dma semaphore(%arg12 : memref<!tpu.dma_semaphore, #tpu.memory_space<semaphore_mem>>) src(%dma_wait3A_398 : memref<10000x128xf32, #tpu.memory_space<hbm>>) dst(%arg8 : memref<96x128xf32, #tpu.memory_space<vmem>>)
      %dma_start3A_399 = arith.constant 12 : i32
      %dma_start3A_400 = arith.constant 0 : i32
      %dma_start3A_401 = tpu.memref_slice %arg7[%dma_start3A_399, %dma_start3A_400] : memref<14x96xi32, #tpu.memory_space<vmem>> -> memref<1x96xi32, #tpu.memory_space<vmem>>
      %dma_start3A_402 = tpu.memref_squeeze %dma_start3A_401 : memref<1x96xi32, #tpu.memory_space<vmem>> -> memref<96xi32, #tpu.memory_space<vmem>>
      %dma_start3A_403 = arith.constant 0 : i32
      %dma_start3A_404 = arith.constant 0 : i32
      %dma_start3A_405 = tpu.memref_slice %arg11[%dma_start3A_403, %dma_start3A_404] : memref<10112x128xf32, #tpu.memory_space<vmem_shared>> -> memref<10112x128xf32, #tpu.memory_space<vmem_shared>>
      tpu.enqueue_indirect_dma source(%arg8 : memref<96x128xf32, #tpu.memory_space<vmem>>) target(%dma_start3A_405 : memref<10112x128xf32, #tpu.memory_space<vmem_shared>>) offsets(%dma_start3A_402 : memref<96xi32, #tpu.memory_space<vmem>>) semaphore(%arg15 : memref<!tpu.dma_semaphore, #tpu.memory_space<semaphore_mem>>) {add = true}
      %dma_wait3A_406 = arith.constant 13 : i32
      %dma_wait3A_407 = arith.constant 0 : i32
      %dma_wait3A_408 = tpu.memref_slice %arg6[%dma_wait3A_406, %dma_wait3A_407] : memref<14x96xi32, #tpu.memory_space<vmem>> -> memref<1x96xi32, #tpu.memory_space<vmem>>
      %dma_wait3A_409 = tpu.memref_squeeze %dma_wait3A_408 : memref<1x96xi32, #tpu.memory_space<vmem>> -> memref<96xi32, #tpu.memory_space<vmem>>
      %dma_wait3A_410 = arith.constant 0 : i32
      %dma_wait3A_411 = arith.constant 0 : i32
      %dma_wait3A_412 = tpu.memref_slice %arg2[%dma_wait3A_410, %dma_wait3A_411] : memref<10000x128xf32, #tpu.memory_space<hbm>> -> memref<10000x128xf32, #tpu.memory_space<hbm>>
      tpu.wait_indirect_dma semaphore(%arg13 : memref<!tpu.dma_semaphore, #tpu.memory_space<semaphore_mem>>) src(%dma_wait3A_412 : memref<10000x128xf32, #tpu.memory_space<hbm>>) dst(%arg9 : memref<96x128xf32, #tpu.memory_space<vmem>>)
      %dma_start3A_413 = arith.constant 13 : i32
      %dma_start3A_414 = arith.constant 0 : i32
      %dma_start3A_415 = tpu.memref_slice %arg7[%dma_start3A_413, %dma_start3A_414] : memref<14x96xi32, #tpu.memory_space<vmem>> -> memref<1x96xi32, #tpu.memory_space<vmem>>
      %dma_start3A_416 = tpu.memref_squeeze %dma_start3A_415 : memref<1x96xi32, #tpu.memory_space<vmem>> -> memref<96xi32, #tpu.memory_space<vmem>>
      %dma_start3A_417 = arith.constant 0 : i32
      %dma_start3A_418 = arith.constant 0 : i32
      %dma_start3A_419 = tpu.memref_slice %arg11[%dma_start3A_417, %dma_start3A_418] : memref<10112x128xf32, #tpu.memory_space<vmem_shared>> -> memref<10112x128xf32, #tpu.memory_space<vmem_shared>>
      tpu.enqueue_indirect_dma source(%arg9 : memref<96x128xf32, #tpu.memory_space<vmem>>) target(%dma_start3A_419 : memref<10112x128xf32, #tpu.memory_space<vmem_shared>>) offsets(%dma_start3A_416 : memref<96xi32, #tpu.memory_space<vmem>>) semaphore(%arg16 : memref<!tpu.dma_semaphore, #tpu.memory_space<semaphore_mem>>) {add = true}
      %dma_wait3A_420 = arith.constant 11 : i32
      %dma_wait3A_421 = arith.constant 0 : i32
      %dma_wait3A_422 = tpu.memref_slice %arg7[%dma_wait3A_420, %dma_wait3A_421] : memref<14x96xi32, #tpu.memory_space<vmem>> -> memref<1x96xi32, #tpu.memory_space<vmem>>
      %dma_wait3A_423 = tpu.memref_squeeze %dma_wait3A_422 : memref<1x96xi32, #tpu.memory_space<vmem>> -> memref<96xi32, #tpu.memory_space<vmem>>
      %dma_wait3A_424 = arith.constant 0 : i32
      %dma_wait3A_425 = arith.constant 0 : i32
      %dma_wait3A_426 = tpu.memref_slice %arg11[%dma_wait3A_424, %dma_wait3A_425] : memref<10112x128xf32, #tpu.memory_space<vmem_shared>> -> memref<10112x128xf32, #tpu.memory_space<vmem_shared>>
      tpu.wait_indirect_dma semaphore(%arg17 : memref<!tpu.dma_semaphore, #tpu.memory_space<semaphore_mem>>) src(%arg10 : memref<96x128xf32, #tpu.memory_space<vmem>>) dst(%dma_wait3A_426 : memref<10112x128xf32, #tpu.memory_space<vmem_shared>>)
      %dma_wait3A_427 = arith.constant 12 : i32
      %dma_wait3A_428 = arith.constant 0 : i32
      %dma_wait3A_429 = tpu.memref_slice %arg7[%dma_wait3A_427, %dma_wait3A_428] : memref<14x96xi32, #tpu.memory_space<vmem>> -> memref<1x96xi32, #tpu.memory_space<vmem>>
      %dma_wait3A_430 = tpu.memref_squeeze %dma_wait3A_429 : memref<1x96xi32, #tpu.memory_space<vmem>> -> memref<96xi32, #tpu.memory_space<vmem>>
      %dma_wait3A_431 = arith.constant 0 : i32
      %dma_wait3A_432 = arith.constant 0 : i32
      %dma_wait3A_433 = tpu.memref_slice %arg11[%dma_wait3A_431, %dma_wait3A_432] : memref<10112x128xf32, #tpu.memory_space<vmem_shared>> -> memref<10112x128xf32, #tpu.memory_space<vmem_shared>>
      tpu.wait_indirect_dma semaphore(%arg15 : memref<!tpu.dma_semaphore, #tpu.memory_space<semaphore_mem>>) src(%arg8 : memref<96x128xf32, #tpu.memory_space<vmem>>) dst(%dma_wait3A_433 : memref<10112x128xf32, #tpu.memory_space<vmem_shared>>)
      %dma_wait3A_434 = arith.constant 13 : i32
      %dma_wait3A_435 = arith.constant 0 : i32
      %dma_wait3A_436 = tpu.memref_slice %arg7[%dma_wait3A_434, %dma_wait3A_435] : memref<14x96xi32, #tpu.memory_space<vmem>> -> memref<1x96xi32, #tpu.memory_space<vmem>>
      %dma_wait3A_437 = tpu.memref_squeeze %dma_wait3A_436 : memref<1x96xi32, #tpu.memory_space<vmem>> -> memref<96xi32, #tpu.memory_space<vmem>>
      %dma_wait3A_438 = arith.constant 0 : i32
      %dma_wait3A_439 = arith.constant 0 : i32
      %dma_wait3A_440 = tpu.memref_slice %arg11[%dma_wait3A_438, %dma_wait3A_439] : memref<10112x128xf32, #tpu.memory_space<vmem_shared>> -> memref<10112x128xf32, #tpu.memory_space<vmem_shared>>
      tpu.wait_indirect_dma semaphore(%arg16 : memref<!tpu.dma_semaphore, #tpu.memory_space<semaphore_mem>>) src(%arg9 : memref<96x128xf32, #tpu.memory_space<vmem>>) dst(%dma_wait3A_440 : memref<10112x128xf32, #tpu.memory_space<vmem_shared>>)
    }
    %while3A_43 = arith.constant 1 : i32
    scf.for %while3A_45 = %while3A_41 to %while3A_37 step %while3A_43  : i32 {
      %mul3A_46 = arith.muli %while3A_45, %while3A : i32
      %add3A_47 = arith.addi %while3A_34, %mul3A_46 : i32
      %mul3A_48 = arith.constant 14 : i32
      %mul3A_49 = arith.muli %add3A_47, %mul3A_48 : i32
      %add3A_50 = arith.addi %select_n3A_27, %mul3A_49 : i32
      "tpu.region"() ({
        %run_scoped3A = tpu.sem_alloc : memref<!tpu.dma_semaphore, #tpu.memory_space<semaphore_mem>>
        %dma_start3A_441 = arith.constant 0 : i32
        %dma_start3A_442 = tpu.memref_slice %arg3[%add3A_50, %dma_start3A_441] : memref<3360x96xi32, #tpu.memory_space<hbm>> -> memref<14x96xi32, #tpu.memory_space<hbm>>
        %dma_start3A_443 = arith.constant 0 : i32
        %dma_start3A_444 = tpu.memref_slice %arg3[%add3A_50, %dma_start3A_443] : memref<3360x96xi32, #tpu.memory_space<hbm>> -> memref<14x96xi32, #tpu.memory_space<hbm>>
        tpu.enqueue_dma source(%dma_start3A_444 : memref<14x96xi32, #tpu.memory_space<hbm>>) target(%arg6 : memref<14x96xi32, #tpu.memory_space<vmem>>) target_semaphore(%run_scoped3A : memref<!tpu.dma_semaphore, #tpu.memory_space<semaphore_mem>>)
        %dma_wait3A_445 = arith.constant 0 : i32
        %dma_wait3A_446 = tpu.memref_slice %arg3[%add3A_50, %dma_wait3A_445] : memref<3360x96xi32, #tpu.memory_space<hbm>> -> memref<14x96xi32, #tpu.memory_space<hbm>>
        %dma_wait3A_447 = arith.constant 0 : i32
        %dma_wait3A_448 = tpu.memref_slice %arg3[%add3A_50, %dma_wait3A_447] : memref<3360x96xi32, #tpu.memory_space<hbm>> -> memref<14x96xi32, #tpu.memory_space<hbm>>
        tpu.wait_dma2 semaphore(%run_scoped3A : memref<!tpu.dma_semaphore, #tpu.memory_space<semaphore_mem>>) src(%dma_wait3A_448 : memref<14x96xi32, #tpu.memory_space<hbm>>) dst(%arg6 : memref<14x96xi32, #tpu.memory_space<vmem>>)
        tpu.yield
      }) : () -> ()
      "tpu.region"() ({
        %run_scoped3A = tpu.sem_alloc : memref<!tpu.dma_semaphore, #tpu.memory_space<semaphore_mem>>
        %dma_start3A_441 = arith.constant 0 : i32
        %dma_start3A_442 = tpu.memref_slice %arg4[%add3A_50, %dma_start3A_441] : memref<3360x96xi32, #tpu.memory_space<hbm>> -> memref<14x96xi32, #tpu.memory_space<hbm>>
        %dma_start3A_443 = arith.constant 0 : i32
        %dma_start3A_444 = tpu.memref_slice %arg4[%add3A_50, %dma_start3A_443] : memref<3360x96xi32, #tpu.memory_space<hbm>> -> memref<14x96xi32, #tpu.memory_space<hbm>>
        tpu.enqueue_dma source(%dma_start3A_444 : memref<14x96xi32, #tpu.memory_space<hbm>>) target(%arg7 : memref<14x96xi32, #tpu.memory_space<vmem>>) target_semaphore(%run_scoped3A : memref<!tpu.dma_semaphore, #tpu.memory_space<semaphore_mem>>)
        %dma_wait3A_445 = arith.constant 0 : i32
        %dma_wait3A_446 = tpu.memref_slice %arg4[%add3A_50, %dma_wait3A_445] : memref<3360x96xi32, #tpu.memory_space<hbm>> -> memref<14x96xi32, #tpu.memory_space<hbm>>
        %dma_wait3A_447 = arith.constant 0 : i32
        %dma_wait3A_448 = tpu.memref_slice %arg4[%add3A_50, %dma_wait3A_447] : memref<3360x96xi32, #tpu.memory_space<hbm>> -> memref<14x96xi32, #tpu.memory_space<hbm>>
        tpu.wait_dma2 semaphore(%run_scoped3A : memref<!tpu.dma_semaphore, #tpu.memory_space<semaphore_mem>>) src(%dma_wait3A_448 : memref<14x96xi32, #tpu.memory_space<hbm>>) dst(%arg7 : memref<14x96xi32, #tpu.memory_space<vmem>>)
        tpu.yield
      }) : () -> ()
      %dma_start3A = arith.constant 0 : i32
      %dma_start3A_51 = arith.constant 0 : i32
      %dma_start3A_52 = tpu.memref_slice %arg6[%dma_start3A, %dma_start3A_51] : memref<14x96xi32, #tpu.memory_space<vmem>> -> memref<1x96xi32, #tpu.memory_space<vmem>>
      %dma_start3A_53 = tpu.memref_squeeze %dma_start3A_52 : memref<1x96xi32, #tpu.memory_space<vmem>> -> memref<96xi32, #tpu.memory_space<vmem>>
      %dma_start3A_54 = arith.constant 0 : i32
      %dma_start3A_55 = arith.constant 0 : i32
      %dma_start3A_56 = tpu.memref_slice %arg2[%dma_start3A_54, %dma_start3A_55] : memref<10000x128xf32, #tpu.memory_space<hbm>> -> memref<10000x128xf32, #tpu.memory_space<hbm>>
      tpu.enqueue_indirect_dma source(%dma_start3A_56 : memref<10000x128xf32, #tpu.memory_space<hbm>>) target(%arg8 : memref<96x128xf32, #tpu.memory_space<vmem>>) offsets(%dma_start3A_53 : memref<96xi32, #tpu.memory_space<vmem>>) semaphore(%arg12 : memref<!tpu.dma_semaphore, #tpu.memory_space<semaphore_mem>>)
      %dma_start3A_57 = arith.constant 1 : i32
      %dma_start3A_58 = arith.constant 0 : i32
      %dma_start3A_59 = tpu.memref_slice %arg6[%dma_start3A_57, %dma_start3A_58] : memref<14x96xi32, #tpu.memory_space<vmem>> -> memref<1x96xi32, #tpu.memory_space<vmem>>
      %dma_start3A_60 = tpu.memref_squeeze %dma_start3A_59 : memref<1x96xi32, #tpu.memory_space<vmem>> -> memref<96xi32, #tpu.memory_space<vmem>>
      %dma_start3A_61 = arith.constant 0 : i32
      %dma_start3A_62 = arith.constant 0 : i32
      %dma_start3A_63 = tpu.memref_slice %arg2[%dma_start3A_61, %dma_start3A_62] : memref<10000x128xf32, #tpu.memory_space<hbm>> -> memref<10000x128xf32, #tpu.memory_space<hbm>>
      tpu.enqueue_indirect_dma source(%dma_start3A_63 : memref<10000x128xf32, #tpu.memory_space<hbm>>) target(%arg9 : memref<96x128xf32, #tpu.memory_space<vmem>>) offsets(%dma_start3A_60 : memref<96xi32, #tpu.memory_space<vmem>>) semaphore(%arg13 : memref<!tpu.dma_semaphore, #tpu.memory_space<semaphore_mem>>)
      %dma_start3A_64 = arith.constant 2 : i32
      %dma_start3A_65 = arith.constant 0 : i32
      %dma_start3A_66 = tpu.memref_slice %arg6[%dma_start3A_64, %dma_start3A_65] : memref<14x96xi32, #tpu.memory_space<vmem>> -> memref<1x96xi32, #tpu.memory_space<vmem>>
      %dma_start3A_67 = tpu.memref_squeeze %dma_start3A_66 : memref<1x96xi32, #tpu.memory_space<vmem>> -> memref<96xi32, #tpu.memory_space<vmem>>
      %dma_start3A_68 = arith.constant 0 : i32
      %dma_start3A_69 = arith.constant 0 : i32
      %dma_start3A_70 = tpu.memref_slice %arg2[%dma_start3A_68, %dma_start3A_69] : memref<10000x128xf32, #tpu.memory_space<hbm>> -> memref<10000x128xf32, #tpu.memory_space<hbm>>
      tpu.enqueue_indirect_dma source(%dma_start3A_70 : memref<10000x128xf32, #tpu.memory_space<hbm>>) target(%arg10 : memref<96x128xf32, #tpu.memory_space<vmem>>) offsets(%dma_start3A_67 : memref<96xi32, #tpu.memory_space<vmem>>) semaphore(%arg14 : memref<!tpu.dma_semaphore, #tpu.memory_space<semaphore_mem>>)
      %dma_wait3A = arith.constant 0 : i32
      %dma_wait3A_71 = arith.constant 0 : i32
      %dma_wait3A_72 = tpu.memref_slice %arg6[%dma_wait3A, %dma_wait3A_71] : memref<14x96xi32, #tpu.memory_space<vmem>> -> memref<1x96xi32, #tpu.memory_space<vmem>>
      %dma_wait3A_73 = tpu.memref_squeeze %dma_wait3A_72 : memref<1x96xi32, #tpu.memory_space<vmem>> -> memref<96xi32, #tpu.memory_space<vmem>>
      %dma_wait3A_74 = arith.constant 0 : i32
      %dma_wait3A_75 = arith.constant 0 : i32
      %dma_wait3A_76 = tpu.memref_slice %arg2[%dma_wait3A_74, %dma_wait3A_75] : memref<10000x128xf32, #tpu.memory_space<hbm>> -> memref<10000x128xf32, #tpu.memory_space<hbm>>
      tpu.wait_indirect_dma semaphore(%arg12 : memref<!tpu.dma_semaphore, #tpu.memory_space<semaphore_mem>>) src(%dma_wait3A_76 : memref<10000x128xf32, #tpu.memory_space<hbm>>) dst(%arg8 : memref<96x128xf32, #tpu.memory_space<vmem>>)
      %dma_start3A_77 = arith.constant 0 : i32
      %dma_start3A_78 = arith.constant 0 : i32
      %dma_start3A_79 = tpu.memref_slice %arg7[%dma_start3A_77, %dma_start3A_78] : memref<14x96xi32, #tpu.memory_space<vmem>> -> memref<1x96xi32, #tpu.memory_space<vmem>>
      %dma_start3A_80 = tpu.memref_squeeze %dma_start3A_79 : memref<1x96xi32, #tpu.memory_space<vmem>> -> memref<96xi32, #tpu.memory_space<vmem>>
      %dma_start3A_81 = arith.constant 0 : i32
      %dma_start3A_82 = arith.constant 0 : i32
      %dma_start3A_83 = tpu.memref_slice %arg11[%dma_start3A_81, %dma_start3A_82] : memref<10112x128xf32, #tpu.memory_space<vmem_shared>> -> memref<10112x128xf32, #tpu.memory_space<vmem_shared>>
      tpu.enqueue_indirect_dma source(%arg8 : memref<96x128xf32, #tpu.memory_space<vmem>>) target(%dma_start3A_83 : memref<10112x128xf32, #tpu.memory_space<vmem_shared>>) offsets(%dma_start3A_80 : memref<96xi32, #tpu.memory_space<vmem>>) semaphore(%arg15 : memref<!tpu.dma_semaphore, #tpu.memory_space<semaphore_mem>>) {add = true}
      %dma_wait3A_84 = arith.constant 0 : i32
      %dma_wait3A_85 = arith.constant 0 : i32
      %dma_wait3A_86 = tpu.memref_slice %arg7[%dma_wait3A_84, %dma_wait3A_85] : memref<14x96xi32, #tpu.memory_space<vmem>> -> memref<1x96xi32, #tpu.memory_space<vmem>>
      %dma_wait3A_87 = tpu.memref_squeeze %dma_wait3A_86 : memref<1x96xi32, #tpu.memory_space<vmem>> -> memref<96xi32, #tpu.memory_space<vmem>>
      %dma_wait3A_88 = arith.constant 0 : i32
      %dma_wait3A_89 = arith.constant 0 : i32
      %dma_wait3A_90 = tpu.memref_slice %arg11[%dma_wait3A_88, %dma_wait3A_89] : memref<10112x128xf32, #tpu.memory_space<vmem_shared>> -> memref<10112x128xf32, #tpu.memory_space<vmem_shared>>
      tpu.wait_indirect_dma semaphore(%arg15 : memref<!tpu.dma_semaphore, #tpu.memory_space<semaphore_mem>>) src(%arg8 : memref<96x128xf32, #tpu.memory_space<vmem>>) dst(%dma_wait3A_90 : memref<10112x128xf32, #tpu.memory_space<vmem_shared>>)
      %dma_start3A_91 = arith.constant 3 : i32
      %dma_start3A_92 = arith.constant 0 : i32
      %dma_start3A_93 = tpu.memref_slice %arg6[%dma_start3A_91, %dma_start3A_92] : memref<14x96xi32, #tpu.memory_space<vmem>> -> memref<1x96xi32, #tpu.memory_space<vmem>>
      %dma_start3A_94 = tpu.memref_squeeze %dma_start3A_93 : memref<1x96xi32, #tpu.memory_space<vmem>> -> memref<96xi32, #tpu.memory_space<vmem>>
      %dma_start3A_95 = arith.constant 0 : i32
      %dma_start3A_96 = arith.constant 0 : i32
      %dma_start3A_97 = tpu.memref_slice %arg2[%dma_start3A_95, %dma_start3A_96] : memref<10000x128xf32, #tpu.memory_space<hbm>> -> memref<10000x128xf32, #tpu.memory_space<hbm>>
      tpu.enqueue_indirect_dma source(%dma_start3A_97 : memref<10000x128xf32, #tpu.memory_space<hbm>>) target(%arg8 : memref<96x128xf32, #tpu.memory_space<vmem>>) offsets(%dma_start3A_94 : memref<96xi32, #tpu.memory_space<vmem>>) semaphore(%arg12 : memref<!tpu.dma_semaphore, #tpu.memory_space<semaphore_mem>>)
      %dma_wait3A_98 = arith.constant 1 : i32
      %dma_wait3A_99 = arith.constant 0 : i32
      %dma_wait3A_100 = tpu.memref_slice %arg6[%dma_wait3A_98, %dma_wait3A_99] : memref<14x96xi32, #tpu.memory_space<vmem>> -> memref<1x96xi32, #tpu.memory_space<vmem>>
      %dma_wait3A_101 = tpu.memref_squeeze %dma_wait3A_100 : memref<1x96xi32, #tpu.memory_space<vmem>> -> memref<96xi32, #tpu.memory_space<vmem>>
      %dma_wait3A_102 = arith.constant 0 : i32
      %dma_wait3A_103 = arith.constant 0 : i32
      %dma_wait3A_104 = tpu.memref_slice %arg2[%dma_wait3A_102, %dma_wait3A_103] : memref<10000x128xf32, #tpu.memory_space<hbm>> -> memref<10000x128xf32, #tpu.memory_space<hbm>>
      tpu.wait_indirect_dma semaphore(%arg13 : memref<!tpu.dma_semaphore, #tpu.memory_space<semaphore_mem>>) src(%dma_wait3A_104 : memref<10000x128xf32, #tpu.memory_space<hbm>>) dst(%arg9 : memref<96x128xf32, #tpu.memory_space<vmem>>)
      %dma_start3A_105 = arith.constant 1 : i32
      %dma_start3A_106 = arith.constant 0 : i32
      %dma_start3A_107 = tpu.memref_slice %arg7[%dma_start3A_105, %dma_start3A_106] : memref<14x96xi32, #tpu.memory_space<vmem>> -> memref<1x96xi32, #tpu.memory_space<vmem>>
      %dma_start3A_108 = tpu.memref_squeeze %dma_start3A_107 : memref<1x96xi32, #tpu.memory_space<vmem>> -> memref<96xi32, #tpu.memory_space<vmem>>
      %dma_start3A_109 = arith.constant 0 : i32
      %dma_start3A_110 = arith.constant 0 : i32
      %dma_start3A_111 = tpu.memref_slice %arg11[%dma_start3A_109, %dma_start3A_110] : memref<10112x128xf32, #tpu.memory_space<vmem_shared>> -> memref<10112x128xf32, #tpu.memory_space<vmem_shared>>
      tpu.enqueue_indirect_dma source(%arg9 : memref<96x128xf32, #tpu.memory_space<vmem>>) target(%dma_start3A_111 : memref<10112x128xf32, #tpu.memory_space<vmem_shared>>) offsets(%dma_start3A_108 : memref<96xi32, #tpu.memory_space<vmem>>) semaphore(%arg16 : memref<!tpu.dma_semaphore, #tpu.memory_space<semaphore_mem>>) {add = true}
      %dma_wait3A_112 = arith.constant 1 : i32
      %dma_wait3A_113 = arith.constant 0 : i32
      %dma_wait3A_114 = tpu.memref_slice %arg7[%dma_wait3A_112, %dma_wait3A_113] : memref<14x96xi32, #tpu.memory_space<vmem>> -> memref<1x96xi32, #tpu.memory_space<vmem>>
      %dma_wait3A_115 = tpu.memref_squeeze %dma_wait3A_114 : memref<1x96xi32, #tpu.memory_space<vmem>> -> memref<96xi32, #tpu.memory_space<vmem>>
      %dma_wait3A_116 = arith.constant 0 : i32
      %dma_wait3A_117 = arith.constant 0 : i32
      %dma_wait3A_118 = tpu.memref_slice %arg11[%dma_wait3A_116, %dma_wait3A_117] : memref<10112x128xf32, #tpu.memory_space<vmem_shared>> -> memref<10112x128xf32, #tpu.memory_space<vmem_shared>>
      tpu.wait_indirect_dma semaphore(%arg16 : memref<!tpu.dma_semaphore, #tpu.memory_space<semaphore_mem>>) src(%arg9 : memref<96x128xf32, #tpu.memory_space<vmem>>) dst(%dma_wait3A_118 : memref<10112x128xf32, #tpu.memory_space<vmem_shared>>)
      %dma_start3A_119 = arith.constant 4 : i32
      %dma_start3A_120 = arith.constant 0 : i32
      %dma_start3A_121 = tpu.memref_slice %arg6[%dma_start3A_119, %dma_start3A_120] : memref<14x96xi32, #tpu.memory_space<vmem>> -> memref<1x96xi32, #tpu.memory_space<vmem>>
      %dma_start3A_122 = tpu.memref_squeeze %dma_start3A_121 : memref<1x96xi32, #tpu.memory_space<vmem>> -> memref<96xi32, #tpu.memory_space<vmem>>
      %dma_start3A_123 = arith.constant 0 : i32
      %dma_start3A_124 = arith.constant 0 : i32
      %dma_start3A_125 = tpu.memref_slice %arg2[%dma_start3A_123, %dma_start3A_124] : memref<10000x128xf32, #tpu.memory_space<hbm>> -> memref<10000x128xf32, #tpu.memory_space<hbm>>
      tpu.enqueue_indirect_dma source(%dma_start3A_125 : memref<10000x128xf32, #tpu.memory_space<hbm>>) target(%arg9 : memref<96x128xf32, #tpu.memory_space<vmem>>) offsets(%dma_start3A_122 : memref<96xi32, #tpu.memory_space<vmem>>) semaphore(%arg13 : memref<!tpu.dma_semaphore, #tpu.memory_space<semaphore_mem>>)
      %dma_wait3A_126 = arith.constant 2 : i32
      %dma_wait3A_127 = arith.constant 0 : i32
      %dma_wait3A_128 = tpu.memref_slice %arg6[%dma_wait3A_126, %dma_wait3A_127] : memref<14x96xi32, #tpu.memory_space<vmem>> -> memref<1x96xi32, #tpu.memory_space<vmem>>
      %dma_wait3A_129 = tpu.memref_squeeze %dma_wait3A_128 : memref<1x96xi32, #tpu.memory_space<vmem>> -> memref<96xi32, #tpu.memory_space<vmem>>
      %dma_wait3A_130 = arith.constant 0 : i32
      %dma_wait3A_131 = arith.constant 0 : i32
      %dma_wait3A_132 = tpu.memref_slice %arg2[%dma_wait3A_130, %dma_wait3A_131] : memref<10000x128xf32, #tpu.memory_space<hbm>> -> memref<10000x128xf32, #tpu.memory_space<hbm>>
      tpu.wait_indirect_dma semaphore(%arg14 : memref<!tpu.dma_semaphore, #tpu.memory_space<semaphore_mem>>) src(%dma_wait3A_132 : memref<10000x128xf32, #tpu.memory_space<hbm>>) dst(%arg10 : memref<96x128xf32, #tpu.memory_space<vmem>>)
      %dma_start3A_133 = arith.constant 2 : i32
      %dma_start3A_134 = arith.constant 0 : i32
      %dma_start3A_135 = tpu.memref_slice %arg7[%dma_start3A_133, %dma_start3A_134] : memref<14x96xi32, #tpu.memory_space<vmem>> -> memref<1x96xi32, #tpu.memory_space<vmem>>
      %dma_start3A_136 = tpu.memref_squeeze %dma_start3A_135 : memref<1x96xi32, #tpu.memory_space<vmem>> -> memref<96xi32, #tpu.memory_space<vmem>>
      %dma_start3A_137 = arith.constant 0 : i32
      %dma_start3A_138 = arith.constant 0 : i32
      %dma_start3A_139 = tpu.memref_slice %arg11[%dma_start3A_137, %dma_start3A_138] : memref<10112x128xf32, #tpu.memory_space<vmem_shared>> -> memref<10112x128xf32, #tpu.memory_space<vmem_shared>>
      tpu.enqueue_indirect_dma source(%arg10 : memref<96x128xf32, #tpu.memory_space<vmem>>) target(%dma_start3A_139 : memref<10112x128xf32, #tpu.memory_space<vmem_shared>>) offsets(%dma_start3A_136 : memref<96xi32, #tpu.memory_space<vmem>>) semaphore(%arg17 : memref<!tpu.dma_semaphore, #tpu.memory_space<semaphore_mem>>) {add = true}
      %dma_wait3A_140 = arith.constant 2 : i32
      %dma_wait3A_141 = arith.constant 0 : i32
      %dma_wait3A_142 = tpu.memref_slice %arg7[%dma_wait3A_140, %dma_wait3A_141] : memref<14x96xi32, #tpu.memory_space<vmem>> -> memref<1x96xi32, #tpu.memory_space<vmem>>
      %dma_wait3A_143 = tpu.memref_squeeze %dma_wait3A_142 : memref<1x96xi32, #tpu.memory_space<vmem>> -> memref<96xi32, #tpu.memory_space<vmem>>
      %dma_wait3A_144 = arith.constant 0 : i32
      %dma_wait3A_145 = arith.constant 0 : i32
      %dma_wait3A_146 = tpu.memref_slice %arg11[%dma_wait3A_144, %dma_wait3A_145] : memref<10112x128xf32, #tpu.memory_space<vmem_shared>> -> memref<10112x128xf32, #tpu.memory_space<vmem_shared>>
      tpu.wait_indirect_dma semaphore(%arg17 : memref<!tpu.dma_semaphore, #tpu.memory_space<semaphore_mem>>) src(%arg10 : memref<96x128xf32, #tpu.memory_space<vmem>>) dst(%dma_wait3A_146 : memref<10112x128xf32, #tpu.memory_space<vmem_shared>>)
      %dma_start3A_147 = arith.constant 5 : i32
      %dma_start3A_148 = arith.constant 0 : i32
      %dma_start3A_149 = tpu.memref_slice %arg6[%dma_start3A_147, %dma_start3A_148] : memref<14x96xi32, #tpu.memory_space<vmem>> -> memref<1x96xi32, #tpu.memory_space<vmem>>
      %dma_start3A_150 = tpu.memref_squeeze %dma_start3A_149 : memref<1x96xi32, #tpu.memory_space<vmem>> -> memref<96xi32, #tpu.memory_space<vmem>>
      %dma_start3A_151 = arith.constant 0 : i32
      %dma_start3A_152 = arith.constant 0 : i32
      %dma_start3A_153 = tpu.memref_slice %arg2[%dma_start3A_151, %dma_start3A_152] : memref<10000x128xf32, #tpu.memory_space<hbm>> -> memref<10000x128xf32, #tpu.memory_space<hbm>>
      tpu.enqueue_indirect_dma source(%dma_start3A_153 : memref<10000x128xf32, #tpu.memory_space<hbm>>) target(%arg10 : memref<96x128xf32, #tpu.memory_space<vmem>>) offsets(%dma_start3A_150 : memref<96xi32, #tpu.memory_space<vmem>>) semaphore(%arg14 : memref<!tpu.dma_semaphore, #tpu.memory_space<semaphore_mem>>)
      %dma_wait3A_154 = arith.constant 3 : i32
      %dma_wait3A_155 = arith.constant 0 : i32
      %dma_wait3A_156 = tpu.memref_slice %arg6[%dma_wait3A_154, %dma_wait3A_155] : memref<14x96xi32, #tpu.memory_space<vmem>> -> memref<1x96xi32, #tpu.memory_space<vmem>>
      %dma_wait3A_157 = tpu.memref_squeeze %dma_wait3A_156 : memref<1x96xi32, #tpu.memory_space<vmem>> -> memref<96xi32, #tpu.memory_space<vmem>>
      %dma_wait3A_158 = arith.constant 0 : i32
      %dma_wait3A_159 = arith.constant 0 : i32
      %dma_wait3A_160 = tpu.memref_slice %arg2[%dma_wait3A_158, %dma_wait3A_159] : memref<10000x128xf32, #tpu.memory_space<hbm>> -> memref<10000x128xf32, #tpu.memory_space<hbm>>
      tpu.wait_indirect_dma semaphore(%arg12 : memref<!tpu.dma_semaphore, #tpu.memory_space<semaphore_mem>>) src(%dma_wait3A_160 : memref<10000x128xf32, #tpu.memory_space<hbm>>) dst(%arg8 : memref<96x128xf32, #tpu.memory_space<vmem>>)
      %dma_start3A_161 = arith.constant 3 : i32
      %dma_start3A_162 = arith.constant 0 : i32
      %dma_start3A_163 = tpu.memref_slice %arg7[%dma_start3A_161, %dma_start3A_162] : memref<14x96xi32, #tpu.memory_space<vmem>> -> memref<1x96xi32, #tpu.memory_space<vmem>>
      %dma_start3A_164 = tpu.memref_squeeze %dma_start3A_163 : memref<1x96xi32, #tpu.memory_space<vmem>> -> memref<96xi32, #tpu.memory_space<vmem>>
      %dma_start3A_165 = arith.constant 0 : i32
      %dma_start3A_166 = arith.constant 0 : i32
      %dma_start3A_167 = tpu.memref_slice %arg11[%dma_start3A_165, %dma_start3A_166] : memref<10112x128xf32, #tpu.memory_space<vmem_shared>> -> memref<10112x128xf32, #tpu.memory_space<vmem_shared>>
      tpu.enqueue_indirect_dma source(%arg8 : memref<96x128xf32, #tpu.memory_space<vmem>>) target(%dma_start3A_167 : memref<10112x128xf32, #tpu.memory_space<vmem_shared>>) offsets(%dma_start3A_164 : memref<96xi32, #tpu.memory_space<vmem>>) semaphore(%arg15 : memref<!tpu.dma_semaphore, #tpu.memory_space<semaphore_mem>>) {add = true}
      %dma_wait3A_168 = arith.constant 3 : i32
      %dma_wait3A_169 = arith.constant 0 : i32
      %dma_wait3A_170 = tpu.memref_slice %arg7[%dma_wait3A_168, %dma_wait3A_169] : memref<14x96xi32, #tpu.memory_space<vmem>> -> memref<1x96xi32, #tpu.memory_space<vmem>>
      %dma_wait3A_171 = tpu.memref_squeeze %dma_wait3A_170 : memref<1x96xi32, #tpu.memory_space<vmem>> -> memref<96xi32, #tpu.memory_space<vmem>>
      %dma_wait3A_172 = arith.constant 0 : i32
      %dma_wait3A_173 = arith.constant 0 : i32
      %dma_wait3A_174 = tpu.memref_slice %arg11[%dma_wait3A_172, %dma_wait3A_173] : memref<10112x128xf32, #tpu.memory_space<vmem_shared>> -> memref<10112x128xf32, #tpu.memory_space<vmem_shared>>
      tpu.wait_indirect_dma semaphore(%arg15 : memref<!tpu.dma_semaphore, #tpu.memory_space<semaphore_mem>>) src(%arg8 : memref<96x128xf32, #tpu.memory_space<vmem>>) dst(%dma_wait3A_174 : memref<10112x128xf32, #tpu.memory_space<vmem_shared>>)
      %dma_start3A_175 = arith.constant 6 : i32
      %dma_start3A_176 = arith.constant 0 : i32
      %dma_start3A_177 = tpu.memref_slice %arg6[%dma_start3A_175, %dma_start3A_176] : memref<14x96xi32, #tpu.memory_space<vmem>> -> memref<1x96xi32, #tpu.memory_space<vmem>>
      %dma_start3A_178 = tpu.memref_squeeze %dma_start3A_177 : memref<1x96xi32, #tpu.memory_space<vmem>> -> memref<96xi32, #tpu.memory_space<vmem>>
      %dma_start3A_179 = arith.constant 0 : i32
      %dma_start3A_180 = arith.constant 0 : i32
      %dma_start3A_181 = tpu.memref_slice %arg2[%dma_start3A_179, %dma_start3A_180] : memref<10000x128xf32, #tpu.memory_space<hbm>> -> memref<10000x128xf32, #tpu.memory_space<hbm>>
      tpu.enqueue_indirect_dma source(%dma_start3A_181 : memref<10000x128xf32, #tpu.memory_space<hbm>>) target(%arg8 : memref<96x128xf32, #tpu.memory_space<vmem>>) offsets(%dma_start3A_178 : memref<96xi32, #tpu.memory_space<vmem>>) semaphore(%arg12 : memref<!tpu.dma_semaphore, #tpu.memory_space<semaphore_mem>>)
      %dma_wait3A_182 = arith.constant 4 : i32
      %dma_wait3A_183 = arith.constant 0 : i32
      %dma_wait3A_184 = tpu.memref_slice %arg6[%dma_wait3A_182, %dma_wait3A_183] : memref<14x96xi32, #tpu.memory_space<vmem>> -> memref<1x96xi32, #tpu.memory_space<vmem>>
      %dma_wait3A_185 = tpu.memref_squeeze %dma_wait3A_184 : memref<1x96xi32, #tpu.memory_space<vmem>> -> memref<96xi32, #tpu.memory_space<vmem>>
      %dma_wait3A_186 = arith.constant 0 : i32
      %dma_wait3A_187 = arith.constant 0 : i32
      %dma_wait3A_188 = tpu.memref_slice %arg2[%dma_wait3A_186, %dma_wait3A_187] : memref<10000x128xf32, #tpu.memory_space<hbm>> -> memref<10000x128xf32, #tpu.memory_space<hbm>>
      tpu.wait_indirect_dma semaphore(%arg13 : memref<!tpu.dma_semaphore, #tpu.memory_space<semaphore_mem>>) src(%dma_wait3A_188 : memref<10000x128xf32, #tpu.memory_space<hbm>>) dst(%arg9 : memref<96x128xf32, #tpu.memory_space<vmem>>)
      %dma_start3A_189 = arith.constant 4 : i32
      %dma_start3A_190 = arith.constant 0 : i32
      %dma_start3A_191 = tpu.memref_slice %arg7[%dma_start3A_189, %dma_start3A_190] : memref<14x96xi32, #tpu.memory_space<vmem>> -> memref<1x96xi32, #tpu.memory_space<vmem>>
      %dma_start3A_192 = tpu.memref_squeeze %dma_start3A_191 : memref<1x96xi32, #tpu.memory_space<vmem>> -> memref<96xi32, #tpu.memory_space<vmem>>
      %dma_start3A_193 = arith.constant 0 : i32
      %dma_start3A_194 = arith.constant 0 : i32
      %dma_start3A_195 = tpu.memref_slice %arg11[%dma_start3A_193, %dma_start3A_194] : memref<10112x128xf32, #tpu.memory_space<vmem_shared>> -> memref<10112x128xf32, #tpu.memory_space<vmem_shared>>
      tpu.enqueue_indirect_dma source(%arg9 : memref<96x128xf32, #tpu.memory_space<vmem>>) target(%dma_start3A_195 : memref<10112x128xf32, #tpu.memory_space<vmem_shared>>) offsets(%dma_start3A_192 : memref<96xi32, #tpu.memory_space<vmem>>) semaphore(%arg16 : memref<!tpu.dma_semaphore, #tpu.memory_space<semaphore_mem>>) {add = true}
      %dma_wait3A_196 = arith.constant 4 : i32
      %dma_wait3A_197 = arith.constant 0 : i32
      %dma_wait3A_198 = tpu.memref_slice %arg7[%dma_wait3A_196, %dma_wait3A_197] : memref<14x96xi32, #tpu.memory_space<vmem>> -> memref<1x96xi32, #tpu.memory_space<vmem>>
      %dma_wait3A_199 = tpu.memref_squeeze %dma_wait3A_198 : memref<1x96xi32, #tpu.memory_space<vmem>> -> memref<96xi32, #tpu.memory_space<vmem>>
      %dma_wait3A_200 = arith.constant 0 : i32
      %dma_wait3A_201 = arith.constant 0 : i32
      %dma_wait3A_202 = tpu.memref_slice %arg11[%dma_wait3A_200, %dma_wait3A_201] : memref<10112x128xf32, #tpu.memory_space<vmem_shared>> -> memref<10112x128xf32, #tpu.memory_space<vmem_shared>>
      tpu.wait_indirect_dma semaphore(%arg16 : memref<!tpu.dma_semaphore, #tpu.memory_space<semaphore_mem>>) src(%arg9 : memref<96x128xf32, #tpu.memory_space<vmem>>) dst(%dma_wait3A_202 : memref<10112x128xf32, #tpu.memory_space<vmem_shared>>)
      %dma_start3A_203 = arith.constant 7 : i32
      %dma_start3A_204 = arith.constant 0 : i32
      %dma_start3A_205 = tpu.memref_slice %arg6[%dma_start3A_203, %dma_start3A_204] : memref<14x96xi32, #tpu.memory_space<vmem>> -> memref<1x96xi32, #tpu.memory_space<vmem>>
      %dma_start3A_206 = tpu.memref_squeeze %dma_start3A_205 : memref<1x96xi32, #tpu.memory_space<vmem>> -> memref<96xi32, #tpu.memory_space<vmem>>
      %dma_start3A_207 = arith.constant 0 : i32
      %dma_start3A_208 = arith.constant 0 : i32
      %dma_start3A_209 = tpu.memref_slice %arg2[%dma_start3A_207, %dma_start3A_208] : memref<10000x128xf32, #tpu.memory_space<hbm>> -> memref<10000x128xf32, #tpu.memory_space<hbm>>
      tpu.enqueue_indirect_dma source(%dma_start3A_209 : memref<10000x128xf32, #tpu.memory_space<hbm>>) target(%arg9 : memref<96x128xf32, #tpu.memory_space<vmem>>) offsets(%dma_start3A_206 : memref<96xi32, #tpu.memory_space<vmem>>) semaphore(%arg13 : memref<!tpu.dma_semaphore, #tpu.memory_space<semaphore_mem>>)
      %dma_wait3A_210 = arith.constant 5 : i32
      %dma_wait3A_211 = arith.constant 0 : i32
      %dma_wait3A_212 = tpu.memref_slice %arg6[%dma_wait3A_210, %dma_wait3A_211] : memref<14x96xi32, #tpu.memory_space<vmem>> -> memref<1x96xi32, #tpu.memory_space<vmem>>
      %dma_wait3A_213 = tpu.memref_squeeze %dma_wait3A_212 : memref<1x96xi32, #tpu.memory_space<vmem>> -> memref<96xi32, #tpu.memory_space<vmem>>
      %dma_wait3A_214 = arith.constant 0 : i32
      %dma_wait3A_215 = arith.constant 0 : i32
      %dma_wait3A_216 = tpu.memref_slice %arg2[%dma_wait3A_214, %dma_wait3A_215] : memref<10000x128xf32, #tpu.memory_space<hbm>> -> memref<10000x128xf32, #tpu.memory_space<hbm>>
      tpu.wait_indirect_dma semaphore(%arg14 : memref<!tpu.dma_semaphore, #tpu.memory_space<semaphore_mem>>) src(%dma_wait3A_216 : memref<10000x128xf32, #tpu.memory_space<hbm>>) dst(%arg10 : memref<96x128xf32, #tpu.memory_space<vmem>>)
      %dma_start3A_217 = arith.constant 5 : i32
      %dma_start3A_218 = arith.constant 0 : i32
      %dma_start3A_219 = tpu.memref_slice %arg7[%dma_start3A_217, %dma_start3A_218] : memref<14x96xi32, #tpu.memory_space<vmem>> -> memref<1x96xi32, #tpu.memory_space<vmem>>
      %dma_start3A_220 = tpu.memref_squeeze %dma_start3A_219 : memref<1x96xi32, #tpu.memory_space<vmem>> -> memref<96xi32, #tpu.memory_space<vmem>>
      %dma_start3A_221 = arith.constant 0 : i32
      %dma_start3A_222 = arith.constant 0 : i32
      %dma_start3A_223 = tpu.memref_slice %arg11[%dma_start3A_221, %dma_start3A_222] : memref<10112x128xf32, #tpu.memory_space<vmem_shared>> -> memref<10112x128xf32, #tpu.memory_space<vmem_shared>>
      tpu.enqueue_indirect_dma source(%arg10 : memref<96x128xf32, #tpu.memory_space<vmem>>) target(%dma_start3A_223 : memref<10112x128xf32, #tpu.memory_space<vmem_shared>>) offsets(%dma_start3A_220 : memref<96xi32, #tpu.memory_space<vmem>>) semaphore(%arg17 : memref<!tpu.dma_semaphore, #tpu.memory_space<semaphore_mem>>) {add = true}
      %dma_wait3A_224 = arith.constant 5 : i32
      %dma_wait3A_225 = arith.constant 0 : i32
      %dma_wait3A_226 = tpu.memref_slice %arg7[%dma_wait3A_224, %dma_wait3A_225] : memref<14x96xi32, #tpu.memory_space<vmem>> -> memref<1x96xi32, #tpu.memory_space<vmem>>
      %dma_wait3A_227 = tpu.memref_squeeze %dma_wait3A_226 : memref<1x96xi32, #tpu.memory_space<vmem>> -> memref<96xi32, #tpu.memory_space<vmem>>
      %dma_wait3A_228 = arith.constant 0 : i32
      %dma_wait3A_229 = arith.constant 0 : i32
      %dma_wait3A_230 = tpu.memref_slice %arg11[%dma_wait3A_228, %dma_wait3A_229] : memref<10112x128xf32, #tpu.memory_space<vmem_shared>> -> memref<10112x128xf32, #tpu.memory_space<vmem_shared>>
      tpu.wait_indirect_dma semaphore(%arg17 : memref<!tpu.dma_semaphore, #tpu.memory_space<semaphore_mem>>) src(%arg10 : memref<96x128xf32, #tpu.memory_space<vmem>>) dst(%dma_wait3A_230 : memref<10112x128xf32, #tpu.memory_space<vmem_shared>>)
      %dma_start3A_231 = arith.constant 8 : i32
      %dma_start3A_232 = arith.constant 0 : i32
      %dma_start3A_233 = tpu.memref_slice %arg6[%dma_start3A_231, %dma_start3A_232] : memref<14x96xi32, #tpu.memory_space<vmem>> -> memref<1x96xi32, #tpu.memory_space<vmem>>
      %dma_start3A_234 = tpu.memref_squeeze %dma_start3A_233 : memref<1x96xi32, #tpu.memory_space<vmem>> -> memref<96xi32, #tpu.memory_space<vmem>>
      %dma_start3A_235 = arith.constant 0 : i32
      %dma_start3A_236 = arith.constant 0 : i32
      %dma_start3A_237 = tpu.memref_slice %arg2[%dma_start3A_235, %dma_start3A_236] : memref<10000x128xf32, #tpu.memory_space<hbm>> -> memref<10000x128xf32, #tpu.memory_space<hbm>>
      tpu.enqueue_indirect_dma source(%dma_start3A_237 : memref<10000x128xf32, #tpu.memory_space<hbm>>) target(%arg10 : memref<96x128xf32, #tpu.memory_space<vmem>>) offsets(%dma_start3A_234 : memref<96xi32, #tpu.memory_space<vmem>>) semaphore(%arg14 : memref<!tpu.dma_semaphore, #tpu.memory_space<semaphore_mem>>)
      %dma_wait3A_238 = arith.constant 6 : i32
      %dma_wait3A_239 = arith.constant 0 : i32
      %dma_wait3A_240 = tpu.memref_slice %arg6[%dma_wait3A_238, %dma_wait3A_239] : memref<14x96xi32, #tpu.memory_space<vmem>> -> memref<1x96xi32, #tpu.memory_space<vmem>>
      %dma_wait3A_241 = tpu.memref_squeeze %dma_wait3A_240 : memref<1x96xi32, #tpu.memory_space<vmem>> -> memref<96xi32, #tpu.memory_space<vmem>>
      %dma_wait3A_242 = arith.constant 0 : i32
      %dma_wait3A_243 = arith.constant 0 : i32
      %dma_wait3A_244 = tpu.memref_slice %arg2[%dma_wait3A_242, %dma_wait3A_243] : memref<10000x128xf32, #tpu.memory_space<hbm>> -> memref<10000x128xf32, #tpu.memory_space<hbm>>
      tpu.wait_indirect_dma semaphore(%arg12 : memref<!tpu.dma_semaphore, #tpu.memory_space<semaphore_mem>>) src(%dma_wait3A_244 : memref<10000x128xf32, #tpu.memory_space<hbm>>) dst(%arg8 : memref<96x128xf32, #tpu.memory_space<vmem>>)
      %dma_start3A_245 = arith.constant 6 : i32
      %dma_start3A_246 = arith.constant 0 : i32
      %dma_start3A_247 = tpu.memref_slice %arg7[%dma_start3A_245, %dma_start3A_246] : memref<14x96xi32, #tpu.memory_space<vmem>> -> memref<1x96xi32, #tpu.memory_space<vmem>>
      %dma_start3A_248 = tpu.memref_squeeze %dma_start3A_247 : memref<1x96xi32, #tpu.memory_space<vmem>> -> memref<96xi32, #tpu.memory_space<vmem>>
      %dma_start3A_249 = arith.constant 0 : i32
      %dma_start3A_250 = arith.constant 0 : i32
      %dma_start3A_251 = tpu.memref_slice %arg11[%dma_start3A_249, %dma_start3A_250] : memref<10112x128xf32, #tpu.memory_space<vmem_shared>> -> memref<10112x128xf32, #tpu.memory_space<vmem_shared>>
      tpu.enqueue_indirect_dma source(%arg8 : memref<96x128xf32, #tpu.memory_space<vmem>>) target(%dma_start3A_251 : memref<10112x128xf32, #tpu.memory_space<vmem_shared>>) offsets(%dma_start3A_248 : memref<96xi32, #tpu.memory_space<vmem>>) semaphore(%arg15 : memref<!tpu.dma_semaphore, #tpu.memory_space<semaphore_mem>>) {add = true}
      %dma_wait3A_252 = arith.constant 6 : i32
      %dma_wait3A_253 = arith.constant 0 : i32
      %dma_wait3A_254 = tpu.memref_slice %arg7[%dma_wait3A_252, %dma_wait3A_253] : memref<14x96xi32, #tpu.memory_space<vmem>> -> memref<1x96xi32, #tpu.memory_space<vmem>>
      %dma_wait3A_255 = tpu.memref_squeeze %dma_wait3A_254 : memref<1x96xi32, #tpu.memory_space<vmem>> -> memref<96xi32, #tpu.memory_space<vmem>>
      %dma_wait3A_256 = arith.constant 0 : i32
      %dma_wait3A_257 = arith.constant 0 : i32
      %dma_wait3A_258 = tpu.memref_slice %arg11[%dma_wait3A_256, %dma_wait3A_257] : memref<10112x128xf32, #tpu.memory_space<vmem_shared>> -> memref<10112x128xf32, #tpu.memory_space<vmem_shared>>
      tpu.wait_indirect_dma semaphore(%arg15 : memref<!tpu.dma_semaphore, #tpu.memory_space<semaphore_mem>>) src(%arg8 : memref<96x128xf32, #tpu.memory_space<vmem>>) dst(%dma_wait3A_258 : memref<10112x128xf32, #tpu.memory_space<vmem_shared>>)
      %dma_start3A_259 = arith.constant 9 : i32
      %dma_start3A_260 = arith.constant 0 : i32
      %dma_start3A_261 = tpu.memref_slice %arg6[%dma_start3A_259, %dma_start3A_260] : memref<14x96xi32, #tpu.memory_space<vmem>> -> memref<1x96xi32, #tpu.memory_space<vmem>>
      %dma_start3A_262 = tpu.memref_squeeze %dma_start3A_261 : memref<1x96xi32, #tpu.memory_space<vmem>> -> memref<96xi32, #tpu.memory_space<vmem>>
      %dma_start3A_263 = arith.constant 0 : i32
      %dma_start3A_264 = arith.constant 0 : i32
      %dma_start3A_265 = tpu.memref_slice %arg2[%dma_start3A_263, %dma_start3A_264] : memref<10000x128xf32, #tpu.memory_space<hbm>> -> memref<10000x128xf32, #tpu.memory_space<hbm>>
      tpu.enqueue_indirect_dma source(%dma_start3A_265 : memref<10000x128xf32, #tpu.memory_space<hbm>>) target(%arg8 : memref<96x128xf32, #tpu.memory_space<vmem>>) offsets(%dma_start3A_262 : memref<96xi32, #tpu.memory_space<vmem>>) semaphore(%arg12 : memref<!tpu.dma_semaphore, #tpu.memory_space<semaphore_mem>>)
      %dma_wait3A_266 = arith.constant 7 : i32
      %dma_wait3A_267 = arith.constant 0 : i32
      %dma_wait3A_268 = tpu.memref_slice %arg6[%dma_wait3A_266, %dma_wait3A_267] : memref<14x96xi32, #tpu.memory_space<vmem>> -> memref<1x96xi32, #tpu.memory_space<vmem>>
      %dma_wait3A_269 = tpu.memref_squeeze %dma_wait3A_268 : memref<1x96xi32, #tpu.memory_space<vmem>> -> memref<96xi32, #tpu.memory_space<vmem>>
      %dma_wait3A_270 = arith.constant 0 : i32
      %dma_wait3A_271 = arith.constant 0 : i32
      %dma_wait3A_272 = tpu.memref_slice %arg2[%dma_wait3A_270, %dma_wait3A_271] : memref<10000x128xf32, #tpu.memory_space<hbm>> -> memref<10000x128xf32, #tpu.memory_space<hbm>>
      tpu.wait_indirect_dma semaphore(%arg13 : memref<!tpu.dma_semaphore, #tpu.memory_space<semaphore_mem>>) src(%dma_wait3A_272 : memref<10000x128xf32, #tpu.memory_space<hbm>>) dst(%arg9 : memref<96x128xf32, #tpu.memory_space<vmem>>)
      %dma_start3A_273 = arith.constant 7 : i32
      %dma_start3A_274 = arith.constant 0 : i32
      %dma_start3A_275 = tpu.memref_slice %arg7[%dma_start3A_273, %dma_start3A_274] : memref<14x96xi32, #tpu.memory_space<vmem>> -> memref<1x96xi32, #tpu.memory_space<vmem>>
      %dma_start3A_276 = tpu.memref_squeeze %dma_start3A_275 : memref<1x96xi32, #tpu.memory_space<vmem>> -> memref<96xi32, #tpu.memory_space<vmem>>
      %dma_start3A_277 = arith.constant 0 : i32
      %dma_start3A_278 = arith.constant 0 : i32
      %dma_start3A_279 = tpu.memref_slice %arg11[%dma_start3A_277, %dma_start3A_278] : memref<10112x128xf32, #tpu.memory_space<vmem_shared>> -> memref<10112x128xf32, #tpu.memory_space<vmem_shared>>
      tpu.enqueue_indirect_dma source(%arg9 : memref<96x128xf32, #tpu.memory_space<vmem>>) target(%dma_start3A_279 : memref<10112x128xf32, #tpu.memory_space<vmem_shared>>) offsets(%dma_start3A_276 : memref<96xi32, #tpu.memory_space<vmem>>) semaphore(%arg16 : memref<!tpu.dma_semaphore, #tpu.memory_space<semaphore_mem>>) {add = true}
      %dma_wait3A_280 = arith.constant 7 : i32
      %dma_wait3A_281 = arith.constant 0 : i32
      %dma_wait3A_282 = tpu.memref_slice %arg7[%dma_wait3A_280, %dma_wait3A_281] : memref<14x96xi32, #tpu.memory_space<vmem>> -> memref<1x96xi32, #tpu.memory_space<vmem>>
      %dma_wait3A_283 = tpu.memref_squeeze %dma_wait3A_282 : memref<1x96xi32, #tpu.memory_space<vmem>> -> memref<96xi32, #tpu.memory_space<vmem>>
      %dma_wait3A_284 = arith.constant 0 : i32
      %dma_wait3A_285 = arith.constant 0 : i32
      %dma_wait3A_286 = tpu.memref_slice %arg11[%dma_wait3A_284, %dma_wait3A_285] : memref<10112x128xf32, #tpu.memory_space<vmem_shared>> -> memref<10112x128xf32, #tpu.memory_space<vmem_shared>>
      tpu.wait_indirect_dma semaphore(%arg16 : memref<!tpu.dma_semaphore, #tpu.memory_space<semaphore_mem>>) src(%arg9 : memref<96x128xf32, #tpu.memory_space<vmem>>) dst(%dma_wait3A_286 : memref<10112x128xf32, #tpu.memory_space<vmem_shared>>)
      %dma_start3A_287 = arith.constant 10 : i32
      %dma_start3A_288 = arith.constant 0 : i32
      %dma_start3A_289 = tpu.memref_slice %arg6[%dma_start3A_287, %dma_start3A_288] : memref<14x96xi32, #tpu.memory_space<vmem>> -> memref<1x96xi32, #tpu.memory_space<vmem>>
      %dma_start3A_290 = tpu.memref_squeeze %dma_start3A_289 : memref<1x96xi32, #tpu.memory_space<vmem>> -> memref<96xi32, #tpu.memory_space<vmem>>
      %dma_start3A_291 = arith.constant 0 : i32
      %dma_start3A_292 = arith.constant 0 : i32
      %dma_start3A_293 = tpu.memref_slice %arg2[%dma_start3A_291, %dma_start3A_292] : memref<10000x128xf32, #tpu.memory_space<hbm>> -> memref<10000x128xf32, #tpu.memory_space<hbm>>
      tpu.enqueue_indirect_dma source(%dma_start3A_293 : memref<10000x128xf32, #tpu.memory_space<hbm>>) target(%arg9 : memref<96x128xf32, #tpu.memory_space<vmem>>) offsets(%dma_start3A_290 : memref<96xi32, #tpu.memory_space<vmem>>) semaphore(%arg13 : memref<!tpu.dma_semaphore, #tpu.memory_space<semaphore_mem>>)
      %dma_wait3A_294 = arith.constant 8 : i32
      %dma_wait3A_295 = arith.constant 0 : i32
      %dma_wait3A_296 = tpu.memref_slice %arg6[%dma_wait3A_294, %dma_wait3A_295] : memref<14x96xi32, #tpu.memory_space<vmem>> -> memref<1x96xi32, #tpu.memory_space<vmem>>
      %dma_wait3A_297 = tpu.memref_squeeze %dma_wait3A_296 : memref<1x96xi32, #tpu.memory_space<vmem>> -> memref<96xi32, #tpu.memory_space<vmem>>
      %dma_wait3A_298 = arith.constant 0 : i32
      %dma_wait3A_299 = arith.constant 0 : i32
      %dma_wait3A_300 = tpu.memref_slice %arg2[%dma_wait3A_298, %dma_wait3A_299] : memref<10000x128xf32, #tpu.memory_space<hbm>> -> memref<10000x128xf32, #tpu.memory_space<hbm>>
      tpu.wait_indirect_dma semaphore(%arg14 : memref<!tpu.dma_semaphore, #tpu.memory_space<semaphore_mem>>) src(%dma_wait3A_300 : memref<10000x128xf32, #tpu.memory_space<hbm>>) dst(%arg10 : memref<96x128xf32, #tpu.memory_space<vmem>>)
      %dma_start3A_301 = arith.constant 8 : i32
      %dma_start3A_302 = arith.constant 0 : i32
      %dma_start3A_303 = tpu.memref_slice %arg7[%dma_start3A_301, %dma_start3A_302] : memref<14x96xi32, #tpu.memory_space<vmem>> -> memref<1x96xi32, #tpu.memory_space<vmem>>
      %dma_start3A_304 = tpu.memref_squeeze %dma_start3A_303 : memref<1x96xi32, #tpu.memory_space<vmem>> -> memref<96xi32, #tpu.memory_space<vmem>>
      %dma_start3A_305 = arith.constant 0 : i32
      %dma_start3A_306 = arith.constant 0 : i32
      %dma_start3A_307 = tpu.memref_slice %arg11[%dma_start3A_305, %dma_start3A_306] : memref<10112x128xf32, #tpu.memory_space<vmem_shared>> -> memref<10112x128xf32, #tpu.memory_space<vmem_shared>>
      tpu.enqueue_indirect_dma source(%arg10 : memref<96x128xf32, #tpu.memory_space<vmem>>) target(%dma_start3A_307 : memref<10112x128xf32, #tpu.memory_space<vmem_shared>>) offsets(%dma_start3A_304 : memref<96xi32, #tpu.memory_space<vmem>>) semaphore(%arg17 : memref<!tpu.dma_semaphore, #tpu.memory_space<semaphore_mem>>) {add = true}
      %dma_wait3A_308 = arith.constant 8 : i32
      %dma_wait3A_309 = arith.constant 0 : i32
      %dma_wait3A_310 = tpu.memref_slice %arg7[%dma_wait3A_308, %dma_wait3A_309] : memref<14x96xi32, #tpu.memory_space<vmem>> -> memref<1x96xi32, #tpu.memory_space<vmem>>
      %dma_wait3A_311 = tpu.memref_squeeze %dma_wait3A_310 : memref<1x96xi32, #tpu.memory_space<vmem>> -> memref<96xi32, #tpu.memory_space<vmem>>
      %dma_wait3A_312 = arith.constant 0 : i32
      %dma_wait3A_313 = arith.constant 0 : i32
      %dma_wait3A_314 = tpu.memref_slice %arg11[%dma_wait3A_312, %dma_wait3A_313] : memref<10112x128xf32, #tpu.memory_space<vmem_shared>> -> memref<10112x128xf32, #tpu.memory_space<vmem_shared>>
      tpu.wait_indirect_dma semaphore(%arg17 : memref<!tpu.dma_semaphore, #tpu.memory_space<semaphore_mem>>) src(%arg10 : memref<96x128xf32, #tpu.memory_space<vmem>>) dst(%dma_wait3A_314 : memref<10112x128xf32, #tpu.memory_space<vmem_shared>>)
      %dma_start3A_315 = arith.constant 11 : i32
      %dma_start3A_316 = arith.constant 0 : i32
      %dma_start3A_317 = tpu.memref_slice %arg6[%dma_start3A_315, %dma_start3A_316] : memref<14x96xi32, #tpu.memory_space<vmem>> -> memref<1x96xi32, #tpu.memory_space<vmem>>
      %dma_start3A_318 = tpu.memref_squeeze %dma_start3A_317 : memref<1x96xi32, #tpu.memory_space<vmem>> -> memref<96xi32, #tpu.memory_space<vmem>>
      %dma_start3A_319 = arith.constant 0 : i32
      %dma_start3A_320 = arith.constant 0 : i32
      %dma_start3A_321 = tpu.memref_slice %arg2[%dma_start3A_319, %dma_start3A_320] : memref<10000x128xf32, #tpu.memory_space<hbm>> -> memref<10000x128xf32, #tpu.memory_space<hbm>>
      tpu.enqueue_indirect_dma source(%dma_start3A_321 : memref<10000x128xf32, #tpu.memory_space<hbm>>) target(%arg10 : memref<96x128xf32, #tpu.memory_space<vmem>>) offsets(%dma_start3A_318 : memref<96xi32, #tpu.memory_space<vmem>>) semaphore(%arg14 : memref<!tpu.dma_semaphore, #tpu.memory_space<semaphore_mem>>)
      %dma_wait3A_322 = arith.constant 9 : i32
      %dma_wait3A_323 = arith.constant 0 : i32
      %dma_wait3A_324 = tpu.memref_slice %arg6[%dma_wait3A_322, %dma_wait3A_323] : memref<14x96xi32, #tpu.memory_space<vmem>> -> memref<1x96xi32, #tpu.memory_space<vmem>>
      %dma_wait3A_325 = tpu.memref_squeeze %dma_wait3A_324 : memref<1x96xi32, #tpu.memory_space<vmem>> -> memref<96xi32, #tpu.memory_space<vmem>>
      %dma_wait3A_326 = arith.constant 0 : i32
      %dma_wait3A_327 = arith.constant 0 : i32
      %dma_wait3A_328 = tpu.memref_slice %arg2[%dma_wait3A_326, %dma_wait3A_327] : memref<10000x128xf32, #tpu.memory_space<hbm>> -> memref<10000x128xf32, #tpu.memory_space<hbm>>
      tpu.wait_indirect_dma semaphore(%arg12 : memref<!tpu.dma_semaphore, #tpu.memory_space<semaphore_mem>>) src(%dma_wait3A_328 : memref<10000x128xf32, #tpu.memory_space<hbm>>) dst(%arg8 : memref<96x128xf32, #tpu.memory_space<vmem>>)
      %dma_start3A_329 = arith.constant 9 : i32
      %dma_start3A_330 = arith.constant 0 : i32
      %dma_start3A_331 = tpu.memref_slice %arg7[%dma_start3A_329, %dma_start3A_330] : memref<14x96xi32, #tpu.memory_space<vmem>> -> memref<1x96xi32, #tpu.memory_space<vmem>>
      %dma_start3A_332 = tpu.memref_squeeze %dma_start3A_331 : memref<1x96xi32, #tpu.memory_space<vmem>> -> memref<96xi32, #tpu.memory_space<vmem>>
      %dma_start3A_333 = arith.constant 0 : i32
      %dma_start3A_334 = arith.constant 0 : i32
      %dma_start3A_335 = tpu.memref_slice %arg11[%dma_start3A_333, %dma_start3A_334] : memref<10112x128xf32, #tpu.memory_space<vmem_shared>> -> memref<10112x128xf32, #tpu.memory_space<vmem_shared>>
      tpu.enqueue_indirect_dma source(%arg8 : memref<96x128xf32, #tpu.memory_space<vmem>>) target(%dma_start3A_335 : memref<10112x128xf32, #tpu.memory_space<vmem_shared>>) offsets(%dma_start3A_332 : memref<96xi32, #tpu.memory_space<vmem>>) semaphore(%arg15 : memref<!tpu.dma_semaphore, #tpu.memory_space<semaphore_mem>>) {add = true}
      %dma_wait3A_336 = arith.constant 9 : i32
      %dma_wait3A_337 = arith.constant 0 : i32
      %dma_wait3A_338 = tpu.memref_slice %arg7[%dma_wait3A_336, %dma_wait3A_337] : memref<14x96xi32, #tpu.memory_space<vmem>> -> memref<1x96xi32, #tpu.memory_space<vmem>>
      %dma_wait3A_339 = tpu.memref_squeeze %dma_wait3A_338 : memref<1x96xi32, #tpu.memory_space<vmem>> -> memref<96xi32, #tpu.memory_space<vmem>>
      %dma_wait3A_340 = arith.constant 0 : i32
      %dma_wait3A_341 = arith.constant 0 : i32
      %dma_wait3A_342 = tpu.memref_slice %arg11[%dma_wait3A_340, %dma_wait3A_341] : memref<10112x128xf32, #tpu.memory_space<vmem_shared>> -> memref<10112x128xf32, #tpu.memory_space<vmem_shared>>
      tpu.wait_indirect_dma semaphore(%arg15 : memref<!tpu.dma_semaphore, #tpu.memory_space<semaphore_mem>>) src(%arg8 : memref<96x128xf32, #tpu.memory_space<vmem>>) dst(%dma_wait3A_342 : memref<10112x128xf32, #tpu.memory_space<vmem_shared>>)
      %dma_start3A_343 = arith.constant 12 : i32
      %dma_start3A_344 = arith.constant 0 : i32
      %dma_start3A_345 = tpu.memref_slice %arg6[%dma_start3A_343, %dma_start3A_344] : memref<14x96xi32, #tpu.memory_space<vmem>> -> memref<1x96xi32, #tpu.memory_space<vmem>>
      %dma_start3A_346 = tpu.memref_squeeze %dma_start3A_345 : memref<1x96xi32, #tpu.memory_space<vmem>> -> memref<96xi32, #tpu.memory_space<vmem>>
      %dma_start3A_347 = arith.constant 0 : i32
      %dma_start3A_348 = arith.constant 0 : i32
      %dma_start3A_349 = tpu.memref_slice %arg2[%dma_start3A_347, %dma_start3A_348] : memref<10000x128xf32, #tpu.memory_space<hbm>> -> memref<10000x128xf32, #tpu.memory_space<hbm>>
      tpu.enqueue_indirect_dma source(%dma_start3A_349 : memref<10000x128xf32, #tpu.memory_space<hbm>>) target(%arg8 : memref<96x128xf32, #tpu.memory_space<vmem>>) offsets(%dma_start3A_346 : memref<96xi32, #tpu.memory_space<vmem>>) semaphore(%arg12 : memref<!tpu.dma_semaphore, #tpu.memory_space<semaphore_mem>>)
      %dma_wait3A_350 = arith.constant 10 : i32
      %dma_wait3A_351 = arith.constant 0 : i32
      %dma_wait3A_352 = tpu.memref_slice %arg6[%dma_wait3A_350, %dma_wait3A_351] : memref<14x96xi32, #tpu.memory_space<vmem>> -> memref<1x96xi32, #tpu.memory_space<vmem>>
      %dma_wait3A_353 = tpu.memref_squeeze %dma_wait3A_352 : memref<1x96xi32, #tpu.memory_space<vmem>> -> memref<96xi32, #tpu.memory_space<vmem>>
      %dma_wait3A_354 = arith.constant 0 : i32
      %dma_wait3A_355 = arith.constant 0 : i32
      %dma_wait3A_356 = tpu.memref_slice %arg2[%dma_wait3A_354, %dma_wait3A_355] : memref<10000x128xf32, #tpu.memory_space<hbm>> -> memref<10000x128xf32, #tpu.memory_space<hbm>>
      tpu.wait_indirect_dma semaphore(%arg13 : memref<!tpu.dma_semaphore, #tpu.memory_space<semaphore_mem>>) src(%dma_wait3A_356 : memref<10000x128xf32, #tpu.memory_space<hbm>>) dst(%arg9 : memref<96x128xf32, #tpu.memory_space<vmem>>)
      %dma_start3A_357 = arith.constant 10 : i32
      %dma_start3A_358 = arith.constant 0 : i32
      %dma_start3A_359 = tpu.memref_slice %arg7[%dma_start3A_357, %dma_start3A_358] : memref<14x96xi32, #tpu.memory_space<vmem>> -> memref<1x96xi32, #tpu.memory_space<vmem>>
      %dma_start3A_360 = tpu.memref_squeeze %dma_start3A_359 : memref<1x96xi32, #tpu.memory_space<vmem>> -> memref<96xi32, #tpu.memory_space<vmem>>
      %dma_start3A_361 = arith.constant 0 : i32
      %dma_start3A_362 = arith.constant 0 : i32
      %dma_start3A_363 = tpu.memref_slice %arg11[%dma_start3A_361, %dma_start3A_362] : memref<10112x128xf32, #tpu.memory_space<vmem_shared>> -> memref<10112x128xf32, #tpu.memory_space<vmem_shared>>
      tpu.enqueue_indirect_dma source(%arg9 : memref<96x128xf32, #tpu.memory_space<vmem>>) target(%dma_start3A_363 : memref<10112x128xf32, #tpu.memory_space<vmem_shared>>) offsets(%dma_start3A_360 : memref<96xi32, #tpu.memory_space<vmem>>) semaphore(%arg16 : memref<!tpu.dma_semaphore, #tpu.memory_space<semaphore_mem>>) {add = true}
      %dma_wait3A_364 = arith.constant 10 : i32
      %dma_wait3A_365 = arith.constant 0 : i32
      %dma_wait3A_366 = tpu.memref_slice %arg7[%dma_wait3A_364, %dma_wait3A_365] : memref<14x96xi32, #tpu.memory_space<vmem>> -> memref<1x96xi32, #tpu.memory_space<vmem>>
      %dma_wait3A_367 = tpu.memref_squeeze %dma_wait3A_366 : memref<1x96xi32, #tpu.memory_space<vmem>> -> memref<96xi32, #tpu.memory_space<vmem>>
      %dma_wait3A_368 = arith.constant 0 : i32
      %dma_wait3A_369 = arith.constant 0 : i32
      %dma_wait3A_370 = tpu.memref_slice %arg11[%dma_wait3A_368, %dma_wait3A_369] : memref<10112x128xf32, #tpu.memory_space<vmem_shared>> -> memref<10112x128xf32, #tpu.memory_space<vmem_shared>>
      tpu.wait_indirect_dma semaphore(%arg16 : memref<!tpu.dma_semaphore, #tpu.memory_space<semaphore_mem>>) src(%arg9 : memref<96x128xf32, #tpu.memory_space<vmem>>) dst(%dma_wait3A_370 : memref<10112x128xf32, #tpu.memory_space<vmem_shared>>)
      %dma_start3A_371 = arith.constant 13 : i32
      %dma_start3A_372 = arith.constant 0 : i32
      %dma_start3A_373 = tpu.memref_slice %arg6[%dma_start3A_371, %dma_start3A_372] : memref<14x96xi32, #tpu.memory_space<vmem>> -> memref<1x96xi32, #tpu.memory_space<vmem>>
      %dma_start3A_374 = tpu.memref_squeeze %dma_start3A_373 : memref<1x96xi32, #tpu.memory_space<vmem>> -> memref<96xi32, #tpu.memory_space<vmem>>
      %dma_start3A_375 = arith.constant 0 : i32
      %dma_start3A_376 = arith.constant 0 : i32
      %dma_start3A_377 = tpu.memref_slice %arg2[%dma_start3A_375, %dma_start3A_376] : memref<10000x128xf32, #tpu.memory_space<hbm>> -> memref<10000x128xf32, #tpu.memory_space<hbm>>
      tpu.enqueue_indirect_dma source(%dma_start3A_377 : memref<10000x128xf32, #tpu.memory_space<hbm>>) target(%arg9 : memref<96x128xf32, #tpu.memory_space<vmem>>) offsets(%dma_start3A_374 : memref<96xi32, #tpu.memory_space<vmem>>) semaphore(%arg13 : memref<!tpu.dma_semaphore, #tpu.memory_space<semaphore_mem>>)
      %dma_wait3A_378 = arith.constant 11 : i32
      %dma_wait3A_379 = arith.constant 0 : i32
      %dma_wait3A_380 = tpu.memref_slice %arg6[%dma_wait3A_378, %dma_wait3A_379] : memref<14x96xi32, #tpu.memory_space<vmem>> -> memref<1x96xi32, #tpu.memory_space<vmem>>
      %dma_wait3A_381 = tpu.memref_squeeze %dma_wait3A_380 : memref<1x96xi32, #tpu.memory_space<vmem>> -> memref<96xi32, #tpu.memory_space<vmem>>
      %dma_wait3A_382 = arith.constant 0 : i32
      %dma_wait3A_383 = arith.constant 0 : i32
      %dma_wait3A_384 = tpu.memref_slice %arg2[%dma_wait3A_382, %dma_wait3A_383] : memref<10000x128xf32, #tpu.memory_space<hbm>> -> memref<10000x128xf32, #tpu.memory_space<hbm>>
      tpu.wait_indirect_dma semaphore(%arg14 : memref<!tpu.dma_semaphore, #tpu.memory_space<semaphore_mem>>) src(%dma_wait3A_384 : memref<10000x128xf32, #tpu.memory_space<hbm>>) dst(%arg10 : memref<96x128xf32, #tpu.memory_space<vmem>>)
      %dma_start3A_385 = arith.constant 11 : i32
      %dma_start3A_386 = arith.constant 0 : i32
      %dma_start3A_387 = tpu.memref_slice %arg7[%dma_start3A_385, %dma_start3A_386] : memref<14x96xi32, #tpu.memory_space<vmem>> -> memref<1x96xi32, #tpu.memory_space<vmem>>
      %dma_start3A_388 = tpu.memref_squeeze %dma_start3A_387 : memref<1x96xi32, #tpu.memory_space<vmem>> -> memref<96xi32, #tpu.memory_space<vmem>>
      %dma_start3A_389 = arith.constant 0 : i32
      %dma_start3A_390 = arith.constant 0 : i32
      %dma_start3A_391 = tpu.memref_slice %arg11[%dma_start3A_389, %dma_start3A_390] : memref<10112x128xf32, #tpu.memory_space<vmem_shared>> -> memref<10112x128xf32, #tpu.memory_space<vmem_shared>>
      tpu.enqueue_indirect_dma source(%arg10 : memref<96x128xf32, #tpu.memory_space<vmem>>) target(%dma_start3A_391 : memref<10112x128xf32, #tpu.memory_space<vmem_shared>>) offsets(%dma_start3A_388 : memref<96xi32, #tpu.memory_space<vmem>>) semaphore(%arg17 : memref<!tpu.dma_semaphore, #tpu.memory_space<semaphore_mem>>) {add = true}
      %dma_wait3A_392 = arith.constant 12 : i32
      %dma_wait3A_393 = arith.constant 0 : i32
      %dma_wait3A_394 = tpu.memref_slice %arg6[%dma_wait3A_392, %dma_wait3A_393] : memref<14x96xi32, #tpu.memory_space<vmem>> -> memref<1x96xi32, #tpu.memory_space<vmem>>
      %dma_wait3A_395 = tpu.memref_squeeze %dma_wait3A_394 : memref<1x96xi32, #tpu.memory_space<vmem>> -> memref<96xi32, #tpu.memory_space<vmem>>
      %dma_wait3A_396 = arith.constant 0 : i32
      %dma_wait3A_397 = arith.constant 0 : i32
      %dma_wait3A_398 = tpu.memref_slice %arg2[%dma_wait3A_396, %dma_wait3A_397] : memref<10000x128xf32, #tpu.memory_space<hbm>> -> memref<10000x128xf32, #tpu.memory_space<hbm>>
      tpu.wait_indirect_dma semaphore(%arg12 : memref<!tpu.dma_semaphore, #tpu.memory_space<semaphore_mem>>) src(%dma_wait3A_398 : memref<10000x128xf32, #tpu.memory_space<hbm>>) dst(%arg8 : memref<96x128xf32, #tpu.memory_space<vmem>>)
      %dma_start3A_399 = arith.constant 12 : i32
      %dma_start3A_400 = arith.constant 0 : i32
      %dma_start3A_401 = tpu.memref_slice %arg7[%dma_start3A_399, %dma_start3A_400] : memref<14x96xi32, #tpu.memory_space<vmem>> -> memref<1x96xi32, #tpu.memory_space<vmem>>
      %dma_start3A_402 = tpu.memref_squeeze %dma_start3A_401 : memref<1x96xi32, #tpu.memory_space<vmem>> -> memref<96xi32, #tpu.memory_space<vmem>>
      %dma_start3A_403 = arith.constant 0 : i32
      %dma_start3A_404 = arith.constant 0 : i32
      %dma_start3A_405 = tpu.memref_slice %arg11[%dma_start3A_403, %dma_start3A_404] : memref<10112x128xf32, #tpu.memory_space<vmem_shared>> -> memref<10112x128xf32, #tpu.memory_space<vmem_shared>>
      tpu.enqueue_indirect_dma source(%arg8 : memref<96x128xf32, #tpu.memory_space<vmem>>) target(%dma_start3A_405 : memref<10112x128xf32, #tpu.memory_space<vmem_shared>>) offsets(%dma_start3A_402 : memref<96xi32, #tpu.memory_space<vmem>>) semaphore(%arg15 : memref<!tpu.dma_semaphore, #tpu.memory_space<semaphore_mem>>) {add = true}
      %dma_wait3A_406 = arith.constant 13 : i32
      %dma_wait3A_407 = arith.constant 0 : i32
      %dma_wait3A_408 = tpu.memref_slice %arg6[%dma_wait3A_406, %dma_wait3A_407] : memref<14x96xi32, #tpu.memory_space<vmem>> -> memref<1x96xi32, #tpu.memory_space<vmem>>
      %dma_wait3A_409 = tpu.memref_squeeze %dma_wait3A_408 : memref<1x96xi32, #tpu.memory_space<vmem>> -> memref<96xi32, #tpu.memory_space<vmem>>
      %dma_wait3A_410 = arith.constant 0 : i32
      %dma_wait3A_411 = arith.constant 0 : i32
      %dma_wait3A_412 = tpu.memref_slice %arg2[%dma_wait3A_410, %dma_wait3A_411] : memref<10000x128xf32, #tpu.memory_space<hbm>> -> memref<10000x128xf32, #tpu.memory_space<hbm>>
      tpu.wait_indirect_dma semaphore(%arg13 : memref<!tpu.dma_semaphore, #tpu.memory_space<semaphore_mem>>) src(%dma_wait3A_412 : memref<10000x128xf32, #tpu.memory_space<hbm>>) dst(%arg9 : memref<96x128xf32, #tpu.memory_space<vmem>>)
      %dma_start3A_413 = arith.constant 13 : i32
      %dma_start3A_414 = arith.constant 0 : i32
      %dma_start3A_415 = tpu.memref_slice %arg7[%dma_start3A_413, %dma_start3A_414] : memref<14x96xi32, #tpu.memory_space<vmem>> -> memref<1x96xi32, #tpu.memory_space<vmem>>
      %dma_start3A_416 = tpu.memref_squeeze %dma_start3A_415 : memref<1x96xi32, #tpu.memory_space<vmem>> -> memref<96xi32, #tpu.memory_space<vmem>>
      %dma_start3A_417 = arith.constant 0 : i32
      %dma_start3A_418 = arith.constant 0 : i32
      %dma_start3A_419 = tpu.memref_slice %arg11[%dma_start3A_417, %dma_start3A_418] : memref<10112x128xf32, #tpu.memory_space<vmem_shared>> -> memref<10112x128xf32, #tpu.memory_space<vmem_shared>>
      tpu.enqueue_indirect_dma source(%arg9 : memref<96x128xf32, #tpu.memory_space<vmem>>) target(%dma_start3A_419 : memref<10112x128xf32, #tpu.memory_space<vmem_shared>>) offsets(%dma_start3A_416 : memref<96xi32, #tpu.memory_space<vmem>>) semaphore(%arg16 : memref<!tpu.dma_semaphore, #tpu.memory_space<semaphore_mem>>) {add = true}
      %dma_wait3A_420 = arith.constant 11 : i32
      %dma_wait3A_421 = arith.constant 0 : i32
      %dma_wait3A_422 = tpu.memref_slice %arg7[%dma_wait3A_420, %dma_wait3A_421] : memref<14x96xi32, #tpu.memory_space<vmem>> -> memref<1x96xi32, #tpu.memory_space<vmem>>
      %dma_wait3A_423 = tpu.memref_squeeze %dma_wait3A_422 : memref<1x96xi32, #tpu.memory_space<vmem>> -> memref<96xi32, #tpu.memory_space<vmem>>
      %dma_wait3A_424 = arith.constant 0 : i32
      %dma_wait3A_425 = arith.constant 0 : i32
      %dma_wait3A_426 = tpu.memref_slice %arg11[%dma_wait3A_424, %dma_wait3A_425] : memref<10112x128xf32, #tpu.memory_space<vmem_shared>> -> memref<10112x128xf32, #tpu.memory_space<vmem_shared>>
      tpu.wait_indirect_dma semaphore(%arg17 : memref<!tpu.dma_semaphore, #tpu.memory_space<semaphore_mem>>) src(%arg10 : memref<96x128xf32, #tpu.memory_space<vmem>>) dst(%dma_wait3A_426 : memref<10112x128xf32, #tpu.memory_space<vmem_shared>>)
      %dma_wait3A_427 = arith.constant 12 : i32
      %dma_wait3A_428 = arith.constant 0 : i32
      %dma_wait3A_429 = tpu.memref_slice %arg7[%dma_wait3A_427, %dma_wait3A_428] : memref<14x96xi32, #tpu.memory_space<vmem>> -> memref<1x96xi32, #tpu.memory_space<vmem>>
      %dma_wait3A_430 = tpu.memref_squeeze %dma_wait3A_429 : memref<1x96xi32, #tpu.memory_space<vmem>> -> memref<96xi32, #tpu.memory_space<vmem>>
      %dma_wait3A_431 = arith.constant 0 : i32
      %dma_wait3A_432 = arith.constant 0 : i32
      %dma_wait3A_433 = tpu.memref_slice %arg11[%dma_wait3A_431, %dma_wait3A_432] : memref<10112x128xf32, #tpu.memory_space<vmem_shared>> -> memref<10112x128xf32, #tpu.memory_space<vmem_shared>>
      tpu.wait_indirect_dma semaphore(%arg15 : memref<!tpu.dma_semaphore, #tpu.memory_space<semaphore_mem>>) src(%arg8 : memref<96x128xf32, #tpu.memory_space<vmem>>) dst(%dma_wait3A_433 : memref<10112x128xf32, #tpu.memory_space<vmem_shared>>)
      %dma_wait3A_434 = arith.constant 13 : i32
      %dma_wait3A_435 = arith.constant 0 : i32
      %dma_wait3A_436 = tpu.memref_slice %arg7[%dma_wait3A_434, %dma_wait3A_435] : memref<14x96xi32, #tpu.memory_space<vmem>> -> memref<1x96xi32, #tpu.memory_space<vmem>>
      %dma_wait3A_437 = tpu.memref_squeeze %dma_wait3A_436 : memref<1x96xi32, #tpu.memory_space<vmem>> -> memref<96xi32, #tpu.memory_space<vmem>>
      %dma_wait3A_438 = arith.constant 0 : i32
      %dma_wait3A_439 = arith.constant 0 : i32
      %dma_wait3A_440 = tpu.memref_slice %arg11[%dma_wait3A_438, %dma_wait3A_439] : memref<10112x128xf32, #tpu.memory_space<vmem_shared>> -> memref<10112x128xf32, #tpu.memory_space<vmem_shared>>
      tpu.wait_indirect_dma semaphore(%arg16 : memref<!tpu.dma_semaphore, #tpu.memory_space<semaphore_mem>>) src(%arg9 : memref<96x128xf32, #tpu.memory_space<vmem>>) dst(%dma_wait3A_440 : memref<10112x128xf32, #tpu.memory_space<vmem_shared>>)
    }
    %barrier3A_44 = arith.constant 0 : index
    tpu.barrier barrier_id(%barrier3A_44)
    "tpu.region"() ({
      %run_scoped3A = tpu.sem_alloc : memref<!tpu.dma_semaphore, #tpu.memory_space<semaphore_mem>>
      %dma_start3A = arith.constant 0 : i32
      %dma_start3A_45 = arith.constant 0 : i32
      %dma_start3A_46 = tpu.memref_slice %arg5[%arg0, %dma_start3A, %dma_start3A_45] : memref<2x10112x128xf32, #tpu.memory_space<hbm>> -> memref<1x10112x128xf32, #tpu.memory_space<hbm>>
      %dma_start3A_47 = tpu.memref_squeeze %dma_start3A_46 : memref<1x10112x128xf32, #tpu.memory_space<hbm>> -> memref<10112x128xf32, #tpu.memory_space<hbm>>
      %dma_start3A_48 = arith.constant 0 : i32
      %dma_start3A_49 = tpu.memref_slice %dma_start3A_47[%mul3A_4, %dma_start3A_48] : memref<10112x128xf32, #tpu.memory_space<hbm>> -> memref<632x128xf32, #tpu.memory_space<hbm>>
      %dma_start3A_50 = arith.constant 0 : i32
      %dma_start3A_51 = tpu.memref_slice %arg11[%mul3A_4, %dma_start3A_50] : memref<10112x128xf32, #tpu.memory_space<vmem_shared>> -> memref<632x128xf32, #tpu.memory_space<vmem_shared>>
      tpu.enqueue_dma source(%dma_start3A_51 : memref<632x128xf32, #tpu.memory_space<vmem_shared>>) target(%dma_start3A_49 : memref<632x128xf32, #tpu.memory_space<hbm>>) target_semaphore(%run_scoped3A : memref<!tpu.dma_semaphore, #tpu.memory_space<semaphore_mem>>)
      %dma_wait3A = arith.constant 0 : i32
      %dma_wait3A_52 = arith.constant 0 : i32
      %dma_wait3A_53 = tpu.memref_slice %arg5[%arg0, %dma_wait3A, %dma_wait3A_52] : memref<2x10112x128xf32, #tpu.memory_space<hbm>> -> memref<1x10112x128xf32, #tpu.memory_space<hbm>>
      %dma_wait3A_54 = tpu.memref_squeeze %dma_wait3A_53 : memref<1x10112x128xf32, #tpu.memory_space<hbm>> -> memref<10112x128xf32, #tpu.memory_space<hbm>>
      %dma_wait3A_55 = arith.constant 0 : i32
      %dma_wait3A_56 = tpu.memref_slice %dma_wait3A_54[%mul3A_4, %dma_wait3A_55] : memref<10112x128xf32, #tpu.memory_space<hbm>> -> memref<632x128xf32, #tpu.memory_space<hbm>>
      %dma_wait3A_57 = arith.constant 0 : i32
      %dma_wait3A_58 = tpu.memref_slice %arg11[%mul3A_4, %dma_wait3A_57] : memref<10112x128xf32, #tpu.memory_space<vmem_shared>> -> memref<632x128xf32, #tpu.memory_space<vmem_shared>>
      tpu.wait_dma2 semaphore(%run_scoped3A : memref<!tpu.dma_semaphore, #tpu.memory_space<semaphore_mem>>) src(%dma_wait3A_58 : memref<632x128xf32, #tpu.memory_space<vmem_shared>>) dst(%dma_wait3A_56 : memref<632x128xf32, #tpu.memory_space<hbm>>)
      tpu.yield
    }) : () -> ()
    return
  }
}

#map = affine_map<(d0, d1) -> (0, 0)>
#map1 = affine_map<(d0, d1) -> (0, 0, 0)>
module attributes {stable_mosaic.version = 14 : i64} {
  func.func @_agg_body(%arg0: i32, %arg1: i32, %arg2: memref<10000x144xf32, #tpu.memory_space<hbm>>, %arg3: memref<3360x96xi32, #tpu.memory_space<hbm>>, %arg4: memref<3360x96xi32, #tpu.memory_space<hbm>>, %arg5: memref<2x10112x144xf32, #tpu.memory_space<hbm>>, %arg6: memref<14x96xi32, #tpu.memory_space<vmem>>, %arg7: memref<14x96xi32, #tpu.memory_space<vmem>>, %arg8: memref<96x144xf32, #tpu.memory_space<vmem>>, %arg9: memref<96x144xf32, #tpu.memory_space<vmem>>, %arg10: memref<10112x144xf32, #tpu.memory_space<vmem_shared>>, %arg11: memref<!tpu.dma_semaphore, #tpu.memory_space<semaphore_mem>>, %arg12: memref<!tpu.dma_semaphore, #tpu.memory_space<semaphore_mem>>, %arg13: memref<!tpu.dma_semaphore, #tpu.memory_space<semaphore_mem>>, %arg14: memref<!tpu.dma_semaphore, #tpu.memory_space<semaphore_mem>>) attributes {dimension_semantics = [#tpu.dimension_semantics<core_parallel>, #tpu.dimension_semantics<subcore_parallel>], iteration_bounds = array<i64: 2, 16>, scalar_prefetch = 0 : i64, scratch_operands = 9 : i64, tpu.core_type = #tpu.core_type<sc_vector_subcore>, window_params = [{transform_indices = #map}, {transform_indices = #map}, {transform_indices = #map}, {transform_indices = #map1}]} {
    %scan3A = arith.constant 0 : i32
    %scan3A_0 = arith.constant 96 : i32
    %scan3A_1 = arith.addi %scan3A, %scan3A_0 : i32
    %scan3A_2 = arith.constant 1 : i32
    scf.for %scan3A_45 = %scan3A to %scan3A_1 step %scan3A_2  : i32 {
      %mul3A_46 = arith.constant 1 : i32
      %mul3A_47 = arith.muli %scan3A_45, %mul3A_46 : i32
      %add3A_48 = arith.constant 0 : i32
      %add3A_49 = arith.addi %add3A_48, %mul3A_47 : i32
      %scan3A_50 = arith.constant 0 : i32
      %scan3A_51 = arith.constant 9 : i32
      %scan3A_52 = arith.addi %scan3A_50, %scan3A_51 : i32
      %scan3A_53 = arith.constant 1 : i32
      scf.for %scan3A_55 = %scan3A_50 to %scan3A_52 step %scan3A_53  : i32 {
        %mul3A_56 = arith.constant 1 : i32
        %mul3A_57 = arith.muli %scan3A_55, %mul3A_56 : i32
        %add3A_58 = arith.constant 0 : i32
        %add3A_59 = arith.addi %add3A_58, %mul3A_57 : i32
        %broadcast_in_dim3A = arith.constant 0.000000e+00 : f32
        %broadcast_in_dim3A_60 = vector.broadcast %broadcast_in_dim3A : f32 to vector<16xf32>
        %mul3A_61 = arith.constant 16 : i32
        %mul3A_62 = arith.muli %add3A_59, %mul3A_61 : i32
        %swap3A = arith.index_cast %add3A_49 : i32 to index
        %swap3A_63 = arith.index_cast %mul3A_62 : i32 to index
        %swap3A_64 = tpu.vector_load %arg8[%swap3A, %swap3A_63] {strides = array<i32>} : memref<96x144xf32, #tpu.memory_space<vmem>>, vector<1x16xf32>,
        %swap3A_65 = vector.shape_cast %swap3A_64 : vector<1x16xf32> to vector<16xf32>
        %swap3A_66 = vector.shape_cast %broadcast_in_dim3A_60 : vector<16xf32> to vector<1x16xf32>
        tpu.vector_store %arg8[%swap3A, %swap3A_63], %swap3A_66 {strides = array<i32>} : memref<96x144xf32, #tpu.memory_space<vmem>>, vector<1x16xf32>,
      }
      %scan3A_54 = arith.constant 9 : i32
    }
    %scan3A_3 = arith.constant 96 : i32
    %mul3A = arith.constant 632 : i32
    %mul3A_4 = arith.muli %arg1, %mul3A : i32
    %add3A = arith.constant 0 : i32
    %add3A_5 = arith.addi %mul3A_4, %add3A : i32
    "tpu.region"() ({
      %run_scoped3A = tpu.sem_alloc : memref<!tpu.dma_semaphore, #tpu.memory_space<semaphore_mem>>
      %dma_start3A = arith.constant 0 : i32
      %dma_start3A_45 = tpu.memref_slice %arg10[%add3A_5, %dma_start3A] : memref<10112x144xf32, #tpu.memory_space<vmem_shared>> -> memref<96x144xf32, #tpu.memory_space<vmem_shared>>
      %dma_start3A_46 = arith.constant 0 : i32
      %dma_start3A_47 = tpu.memref_slice %arg10[%add3A_5, %dma_start3A_46] : memref<10112x144xf32, #tpu.memory_space<vmem_shared>> -> memref<96x144xf32, #tpu.memory_space<vmem_shared>>
      tpu.enqueue_dma source(%arg8 : memref<96x144xf32, #tpu.memory_space<vmem>>) target(%dma_start3A_47 : memref<96x144xf32, #tpu.memory_space<vmem_shared>>) target_semaphore(%run_scoped3A : memref<!tpu.dma_semaphore, #tpu.memory_space<semaphore_mem>>)
      %dma_wait3A = arith.constant 0 : i32
      %dma_wait3A_48 = tpu.memref_slice %arg10[%add3A_5, %dma_wait3A] : memref<10112x144xf32, #tpu.memory_space<vmem_shared>> -> memref<96x144xf32, #tpu.memory_space<vmem_shared>>
      %dma_wait3A_49 = arith.constant 0 : i32
      %dma_wait3A_50 = tpu.memref_slice %arg10[%add3A_5, %dma_wait3A_49] : memref<10112x144xf32, #tpu.memory_space<vmem_shared>> -> memref<96x144xf32, #tpu.memory_space<vmem_shared>>
      tpu.wait_dma2 semaphore(%run_scoped3A : memref<!tpu.dma_semaphore, #tpu.memory_space<semaphore_mem>>) src(%arg8 : memref<96x144xf32, #tpu.memory_space<vmem>>) dst(%dma_wait3A_50 : memref<96x144xf32, #tpu.memory_space<vmem_shared>>)
      tpu.yield
    }) : () -> ()
    %add3A_6 = arith.constant 96 : i32
    %add3A_7 = arith.addi %mul3A_4, %add3A_6 : i32
    "tpu.region"() ({
      %run_scoped3A = tpu.sem_alloc : memref<!tpu.dma_semaphore, #tpu.memory_space<semaphore_mem>>
      %dma_start3A = arith.constant 0 : i32
      %dma_start3A_45 = tpu.memref_slice %arg10[%add3A_7, %dma_start3A] : memref<10112x144xf32, #tpu.memory_space<vmem_shared>> -> memref<96x144xf32, #tpu.memory_space<vmem_shared>>
      %dma_start3A_46 = arith.constant 0 : i32
      %dma_start3A_47 = tpu.memref_slice %arg10[%add3A_7, %dma_start3A_46] : memref<10112x144xf32, #tpu.memory_space<vmem_shared>> -> memref<96x144xf32, #tpu.memory_space<vmem_shared>>
      tpu.enqueue_dma source(%arg8 : memref<96x144xf32, #tpu.memory_space<vmem>>) target(%dma_start3A_47 : memref<96x144xf32, #tpu.memory_space<vmem_shared>>) target_semaphore(%run_scoped3A : memref<!tpu.dma_semaphore, #tpu.memory_space<semaphore_mem>>)
      %dma_wait3A = arith.constant 0 : i32
      %dma_wait3A_48 = tpu.memref_slice %arg10[%add3A_7, %dma_wait3A] : memref<10112x144xf32, #tpu.memory_space<vmem_shared>> -> memref<96x144xf32, #tpu.memory_space<vmem_shared>>
      %dma_wait3A_49 = arith.constant 0 : i32
      %dma_wait3A_50 = tpu.memref_slice %arg10[%add3A_7, %dma_wait3A_49] : memref<10112x144xf32, #tpu.memory_space<vmem_shared>> -> memref<96x144xf32, #tpu.memory_space<vmem_shared>>
      tpu.wait_dma2 semaphore(%run_scoped3A : memref<!tpu.dma_semaphore, #tpu.memory_space<semaphore_mem>>) src(%arg8 : memref<96x144xf32, #tpu.memory_space<vmem>>) dst(%dma_wait3A_50 : memref<96x144xf32, #tpu.memory_space<vmem_shared>>)
      tpu.yield
    }) : () -> ()
    %add3A_8 = arith.constant 192 : i32
    %add3A_9 = arith.addi %mul3A_4, %add3A_8 : i32
    "tpu.region"() ({
      %run_scoped3A = tpu.sem_alloc : memref<!tpu.dma_semaphore, #tpu.memory_space<semaphore_mem>>
      %dma_start3A = arith.constant 0 : i32
      %dma_start3A_45 = tpu.memref_slice %arg10[%add3A_9, %dma_start3A] : memref<10112x144xf32, #tpu.memory_space<vmem_shared>> -> memref<96x144xf32, #tpu.memory_space<vmem_shared>>
      %dma_start3A_46 = arith.constant 0 : i32
      %dma_start3A_47 = tpu.memref_slice %arg10[%add3A_9, %dma_start3A_46] : memref<10112x144xf32, #tpu.memory_space<vmem_shared>> -> memref<96x144xf32, #tpu.memory_space<vmem_shared>>
      tpu.enqueue_dma source(%arg8 : memref<96x144xf32, #tpu.memory_space<vmem>>) target(%dma_start3A_47 : memref<96x144xf32, #tpu.memory_space<vmem_shared>>) target_semaphore(%run_scoped3A : memref<!tpu.dma_semaphore, #tpu.memory_space<semaphore_mem>>)
      %dma_wait3A = arith.constant 0 : i32
      %dma_wait3A_48 = tpu.memref_slice %arg10[%add3A_9, %dma_wait3A] : memref<10112x144xf32, #tpu.memory_space<vmem_shared>> -> memref<96x144xf32, #tpu.memory_space<vmem_shared>>
      %dma_wait3A_49 = arith.constant 0 : i32
      %dma_wait3A_50 = tpu.memref_slice %arg10[%add3A_9, %dma_wait3A_49] : memref<10112x144xf32, #tpu.memory_space<vmem_shared>> -> memref<96x144xf32, #tpu.memory_space<vmem_shared>>
      tpu.wait_dma2 semaphore(%run_scoped3A : memref<!tpu.dma_semaphore, #tpu.memory_space<semaphore_mem>>) src(%arg8 : memref<96x144xf32, #tpu.memory_space<vmem>>) dst(%dma_wait3A_50 : memref<96x144xf32, #tpu.memory_space<vmem_shared>>)
      tpu.yield
    }) : () -> ()
    %add3A_10 = arith.constant 288 : i32
    %add3A_11 = arith.addi %mul3A_4, %add3A_10 : i32
    "tpu.region"() ({
      %run_scoped3A = tpu.sem_alloc : memref<!tpu.dma_semaphore, #tpu.memory_space<semaphore_mem>>
      %dma_start3A = arith.constant 0 : i32
      %dma_start3A_45 = tpu.memref_slice %arg10[%add3A_11, %dma_start3A] : memref<10112x144xf32, #tpu.memory_space<vmem_shared>> -> memref<96x144xf32, #tpu.memory_space<vmem_shared>>
      %dma_start3A_46 = arith.constant 0 : i32
      %dma_start3A_47 = tpu.memref_slice %arg10[%add3A_11, %dma_start3A_46] : memref<10112x144xf32, #tpu.memory_space<vmem_shared>> -> memref<96x144xf32, #tpu.memory_space<vmem_shared>>
      tpu.enqueue_dma source(%arg8 : memref<96x144xf32, #tpu.memory_space<vmem>>) target(%dma_start3A_47 : memref<96x144xf32, #tpu.memory_space<vmem_shared>>) target_semaphore(%run_scoped3A : memref<!tpu.dma_semaphore, #tpu.memory_space<semaphore_mem>>)
      %dma_wait3A = arith.constant 0 : i32
      %dma_wait3A_48 = tpu.memref_slice %arg10[%add3A_11, %dma_wait3A] : memref<10112x144xf32, #tpu.memory_space<vmem_shared>> -> memref<96x144xf32, #tpu.memory_space<vmem_shared>>
      %dma_wait3A_49 = arith.constant 0 : i32
      %dma_wait3A_50 = tpu.memref_slice %arg10[%add3A_11, %dma_wait3A_49] : memref<10112x144xf32, #tpu.memory_space<vmem_shared>> -> memref<96x144xf32, #tpu.memory_space<vmem_shared>>
      tpu.wait_dma2 semaphore(%run_scoped3A : memref<!tpu.dma_semaphore, #tpu.memory_space<semaphore_mem>>) src(%arg8 : memref<96x144xf32, #tpu.memory_space<vmem>>) dst(%dma_wait3A_50 : memref<96x144xf32, #tpu.memory_space<vmem_shared>>)
      tpu.yield
    }) : () -> ()
    %add3A_12 = arith.constant 384 : i32
    %add3A_13 = arith.addi %mul3A_4, %add3A_12 : i32
    "tpu.region"() ({
      %run_scoped3A = tpu.sem_alloc : memref<!tpu.dma_semaphore, #tpu.memory_space<semaphore_mem>>
      %dma_start3A = arith.constant 0 : i32
      %dma_start3A_45 = tpu.memref_slice %arg10[%add3A_13, %dma_start3A] : memref<10112x144xf32, #tpu.memory_space<vmem_shared>> -> memref<96x144xf32, #tpu.memory_space<vmem_shared>>
      %dma_start3A_46 = arith.constant 0 : i32
      %dma_start3A_47 = tpu.memref_slice %arg10[%add3A_13, %dma_start3A_46] : memref<10112x144xf32, #tpu.memory_space<vmem_shared>> -> memref<96x144xf32, #tpu.memory_space<vmem_shared>>
      tpu.enqueue_dma source(%arg8 : memref<96x144xf32, #tpu.memory_space<vmem>>) target(%dma_start3A_47 : memref<96x144xf32, #tpu.memory_space<vmem_shared>>) target_semaphore(%run_scoped3A : memref<!tpu.dma_semaphore, #tpu.memory_space<semaphore_mem>>)
      %dma_wait3A = arith.constant 0 : i32
      %dma_wait3A_48 = tpu.memref_slice %arg10[%add3A_13, %dma_wait3A] : memref<10112x144xf32, #tpu.memory_space<vmem_shared>> -> memref<96x144xf32, #tpu.memory_space<vmem_shared>>
      %dma_wait3A_49 = arith.constant 0 : i32
      %dma_wait3A_50 = tpu.memref_slice %arg10[%add3A_13, %dma_wait3A_49] : memref<10112x144xf32, #tpu.memory_space<vmem_shared>> -> memref<96x144xf32, #tpu.memory_space<vmem_shared>>
      tpu.wait_dma2 semaphore(%run_scoped3A : memref<!tpu.dma_semaphore, #tpu.memory_space<semaphore_mem>>) src(%arg8 : memref<96x144xf32, #tpu.memory_space<vmem>>) dst(%dma_wait3A_50 : memref<96x144xf32, #tpu.memory_space<vmem_shared>>)
      tpu.yield
    }) : () -> ()
    %add3A_14 = arith.constant 480 : i32
    %add3A_15 = arith.addi %mul3A_4, %add3A_14 : i32
    "tpu.region"() ({
      %run_scoped3A = tpu.sem_alloc : memref<!tpu.dma_semaphore, #tpu.memory_space<semaphore_mem>>
      %dma_start3A = arith.constant 0 : i32
      %dma_start3A_45 = tpu.memref_slice %arg10[%add3A_15, %dma_start3A] : memref<10112x144xf32, #tpu.memory_space<vmem_shared>> -> memref<96x144xf32, #tpu.memory_space<vmem_shared>>
      %dma_start3A_46 = arith.constant 0 : i32
      %dma_start3A_47 = tpu.memref_slice %arg10[%add3A_15, %dma_start3A_46] : memref<10112x144xf32, #tpu.memory_space<vmem_shared>> -> memref<96x144xf32, #tpu.memory_space<vmem_shared>>
      tpu.enqueue_dma source(%arg8 : memref<96x144xf32, #tpu.memory_space<vmem>>) target(%dma_start3A_47 : memref<96x144xf32, #tpu.memory_space<vmem_shared>>) target_semaphore(%run_scoped3A : memref<!tpu.dma_semaphore, #tpu.memory_space<semaphore_mem>>)
      %dma_wait3A = arith.constant 0 : i32
      %dma_wait3A_48 = tpu.memref_slice %arg10[%add3A_15, %dma_wait3A] : memref<10112x144xf32, #tpu.memory_space<vmem_shared>> -> memref<96x144xf32, #tpu.memory_space<vmem_shared>>
      %dma_wait3A_49 = arith.constant 0 : i32
      %dma_wait3A_50 = tpu.memref_slice %arg10[%add3A_15, %dma_wait3A_49] : memref<10112x144xf32, #tpu.memory_space<vmem_shared>> -> memref<96x144xf32, #tpu.memory_space<vmem_shared>>
      tpu.wait_dma2 semaphore(%run_scoped3A : memref<!tpu.dma_semaphore, #tpu.memory_space<semaphore_mem>>) src(%arg8 : memref<96x144xf32, #tpu.memory_space<vmem>>) dst(%dma_wait3A_50 : memref<96x144xf32, #tpu.memory_space<vmem_shared>>)
      tpu.yield
    }) : () -> ()
    %add3A_16 = arith.constant 576 : i32
    %add3A_17 = arith.addi %mul3A_4, %add3A_16 : i32
    "tpu.region"() ({
      %run_scoped3A = tpu.sem_alloc : memref<!tpu.dma_semaphore, #tpu.memory_space<semaphore_mem>>
      %dma_start3A = arith.constant 0 : i32
      %dma_start3A_45 = arith.constant 0 : i32
      %dma_start3A_46 = tpu.memref_slice %arg8[%dma_start3A, %dma_start3A_45] : memref<96x144xf32, #tpu.memory_space<vmem>> -> memref<56x144xf32, #tpu.memory_space<vmem>>
      %dma_start3A_47 = arith.constant 0 : i32
      %dma_start3A_48 = tpu.memref_slice %arg10[%add3A_17, %dma_start3A_47] : memref<10112x144xf32, #tpu.memory_space<vmem_shared>> -> memref<56x144xf32, #tpu.memory_space<vmem_shared>>
      %dma_start3A_49 = arith.constant 0 : i32
      %dma_start3A_50 = tpu.memref_slice %arg10[%add3A_17, %dma_start3A_49] : memref<10112x144xf32, #tpu.memory_space<vmem_shared>> -> memref<56x144xf32, #tpu.memory_space<vmem_shared>>
      %dma_start3A_51 = arith.constant 0 : i32
      %dma_start3A_52 = arith.constant 0 : i32
      %dma_start3A_53 = tpu.memref_slice %arg8[%dma_start3A_51, %dma_start3A_52] : memref<96x144xf32, #tpu.memory_space<vmem>> -> memref<56x144xf32, #tpu.memory_space<vmem>>
      tpu.enqueue_dma source(%dma_start3A_53 : memref<56x144xf32, #tpu.memory_space<vmem>>) target(%dma_start3A_50 : memref<56x144xf32, #tpu.memory_space<vmem_shared>>) target_semaphore(%run_scoped3A : memref<!tpu.dma_semaphore, #tpu.memory_space<semaphore_mem>>)
      %dma_wait3A = arith.constant 0 : i32
      %dma_wait3A_54 = arith.constant 0 : i32
      %dma_wait3A_55 = tpu.memref_slice %arg8[%dma_wait3A, %dma_wait3A_54] : memref<96x144xf32, #tpu.memory_space<vmem>> -> memref<56x144xf32, #tpu.memory_space<vmem>>
      %dma_wait3A_56 = arith.constant 0 : i32
      %dma_wait3A_57 = tpu.memref_slice %arg10[%add3A_17, %dma_wait3A_56] : memref<10112x144xf32, #tpu.memory_space<vmem_shared>> -> memref<56x144xf32, #tpu.memory_space<vmem_shared>>
      %dma_wait3A_58 = arith.constant 0 : i32
      %dma_wait3A_59 = tpu.memref_slice %arg10[%add3A_17, %dma_wait3A_58] : memref<10112x144xf32, #tpu.memory_space<vmem_shared>> -> memref<56x144xf32, #tpu.memory_space<vmem_shared>>
      %dma_wait3A_60 = arith.constant 0 : i32
      %dma_wait3A_61 = arith.constant 0 : i32
      %dma_wait3A_62 = tpu.memref_slice %arg8[%dma_wait3A_60, %dma_wait3A_61] : memref<96x144xf32, #tpu.memory_space<vmem>> -> memref<56x144xf32, #tpu.memory_space<vmem>>
      tpu.wait_dma2 semaphore(%run_scoped3A : memref<!tpu.dma_semaphore, #tpu.memory_space<semaphore_mem>>) src(%dma_wait3A_62 : memref<56x144xf32, #tpu.memory_space<vmem>>) dst(%dma_wait3A_59 : memref<56x144xf32, #tpu.memory_space<vmem_shared>>)
      tpu.yield
    }) : () -> ()
    %barrier3A = arith.constant 0 : index
    tpu.barrier barrier_id(%barrier3A)
    %eq3A = arith.constant 0 : i32
    %eq3A_18 = arith.cmpi eq, %arg0, %eq3A : i32
    %select_n3A = arith.constant 5 : i32
    %select_n3A_19 = arith.constant 10 : i32
    %select_n3A_20 = arith.select %eq3A_18, %select_n3A_19, %select_n3A : i32
    %mul3A_21 = arith.constant 140 : i32
    %mul3A_22 = arith.muli %arg1, %mul3A_21 : i32
    %mul3A_23 = arith.constant 70 : i32
    %mul3A_24 = arith.muli %arg1, %mul3A_23 : i32
    %add3A_25 = arith.constant 2240 : i32
    %add3A_26 = arith.addi %add3A_25, %mul3A_24 : i32
    %select_n3A_27 = arith.select %eq3A_18, %mul3A_22, %add3A_26 : i32
    %sub3A = arith.constant 0 : i32
    %sub3A_28 = arith.subi %select_n3A_20, %sub3A : i32
    %sub3A_29 = arith.constant 1 : i32
    %sub3A_30 = arith.constant 1 : i32
    %sub3A_31 = arith.subi %sub3A_29, %sub3A_30 : i32
    %add3A_32 = arith.addi %sub3A_28, %sub3A_31 : i32
    %div3A = arith.constant 1 : i32
    %div3A_33 = arith.divsi %add3A_32, %div3A : i32
    %while3A = arith.constant 1 : i32
    %while3A_34 = arith.constant 0 : i32
    %while3A_35 = arith.constant 0 : i32
    %while3A_36 = arith.subi %div3A_33, %while3A_35 : i32
    %while3A_37 = arith.addi %while3A_35, %while3A_36 : i32
    %while3A_38 = arith.constant 1 : i32
    %while3A_39 = arith.divsi %while3A_36, %while3A_38 : i32
    %while3A_40 = arith.muli %while3A_39, %while3A_38 : i32
    %while3A_41 = arith.addi %while3A_35, %while3A_40 : i32
    %while3A_42 = arith.constant 1 : i32
    scf.for %while3A_45 = %while3A_35 to %while3A_41 step %while3A_42  : i32 {
      %mul3A_46 = arith.muli %while3A_45, %while3A : i32
      %add3A_47 = arith.addi %while3A_34, %mul3A_46 : i32
      %mul3A_48 = arith.constant 14 : i32
      %mul3A_49 = arith.muli %add3A_47, %mul3A_48 : i32
      %add3A_50 = arith.addi %select_n3A_27, %mul3A_49 : i32
      "tpu.region"() ({
        %run_scoped3A = tpu.sem_alloc : memref<!tpu.dma_semaphore, #tpu.memory_space<semaphore_mem>>
        %dma_start3A_441 = arith.constant 0 : i32
        %dma_start3A_442 = tpu.memref_slice %arg3[%add3A_50, %dma_start3A_441] : memref<3360x96xi32, #tpu.memory_space<hbm>> -> memref<14x96xi32, #tpu.memory_space<hbm>>
        %dma_start3A_443 = arith.constant 0 : i32
        %dma_start3A_444 = tpu.memref_slice %arg3[%add3A_50, %dma_start3A_443] : memref<3360x96xi32, #tpu.memory_space<hbm>> -> memref<14x96xi32, #tpu.memory_space<hbm>>
        tpu.enqueue_dma source(%dma_start3A_444 : memref<14x96xi32, #tpu.memory_space<hbm>>) target(%arg6 : memref<14x96xi32, #tpu.memory_space<vmem>>) target_semaphore(%run_scoped3A : memref<!tpu.dma_semaphore, #tpu.memory_space<semaphore_mem>>)
        %dma_wait3A_445 = arith.constant 0 : i32
        %dma_wait3A_446 = tpu.memref_slice %arg3[%add3A_50, %dma_wait3A_445] : memref<3360x96xi32, #tpu.memory_space<hbm>> -> memref<14x96xi32, #tpu.memory_space<hbm>>
        %dma_wait3A_447 = arith.constant 0 : i32
        %dma_wait3A_448 = tpu.memref_slice %arg3[%add3A_50, %dma_wait3A_447] : memref<3360x96xi32, #tpu.memory_space<hbm>> -> memref<14x96xi32, #tpu.memory_space<hbm>>
        tpu.wait_dma2 semaphore(%run_scoped3A : memref<!tpu.dma_semaphore, #tpu.memory_space<semaphore_mem>>) src(%dma_wait3A_448 : memref<14x96xi32, #tpu.memory_space<hbm>>) dst(%arg6 : memref<14x96xi32, #tpu.memory_space<vmem>>)
        tpu.yield
      }) : () -> ()
      "tpu.region"() ({
        %run_scoped3A = tpu.sem_alloc : memref<!tpu.dma_semaphore, #tpu.memory_space<semaphore_mem>>
        %dma_start3A_441 = arith.constant 0 : i32
        %dma_start3A_442 = tpu.memref_slice %arg4[%add3A_50, %dma_start3A_441] : memref<3360x96xi32, #tpu.memory_space<hbm>> -> memref<14x96xi32, #tpu.memory_space<hbm>>
        %dma_start3A_443 = arith.constant 0 : i32
        %dma_start3A_444 = tpu.memref_slice %arg4[%add3A_50, %dma_start3A_443] : memref<3360x96xi32, #tpu.memory_space<hbm>> -> memref<14x96xi32, #tpu.memory_space<hbm>>
        tpu.enqueue_dma source(%dma_start3A_444 : memref<14x96xi32, #tpu.memory_space<hbm>>) target(%arg7 : memref<14x96xi32, #tpu.memory_space<vmem>>) target_semaphore(%run_scoped3A : memref<!tpu.dma_semaphore, #tpu.memory_space<semaphore_mem>>)
        %dma_wait3A_445 = arith.constant 0 : i32
        %dma_wait3A_446 = tpu.memref_slice %arg4[%add3A_50, %dma_wait3A_445] : memref<3360x96xi32, #tpu.memory_space<hbm>> -> memref<14x96xi32, #tpu.memory_space<hbm>>
        %dma_wait3A_447 = arith.constant 0 : i32
        %dma_wait3A_448 = tpu.memref_slice %arg4[%add3A_50, %dma_wait3A_447] : memref<3360x96xi32, #tpu.memory_space<hbm>> -> memref<14x96xi32, #tpu.memory_space<hbm>>
        tpu.wait_dma2 semaphore(%run_scoped3A : memref<!tpu.dma_semaphore, #tpu.memory_space<semaphore_mem>>) src(%dma_wait3A_448 : memref<14x96xi32, #tpu.memory_space<hbm>>) dst(%arg7 : memref<14x96xi32, #tpu.memory_space<vmem>>)
        tpu.yield
      }) : () -> ()
      %dma_start3A = arith.constant 0 : i32
      %dma_start3A_51 = arith.constant 0 : i32
      %dma_start3A_52 = tpu.memref_slice %arg6[%dma_start3A, %dma_start3A_51] : memref<14x96xi32, #tpu.memory_space<vmem>> -> memref<1x96xi32, #tpu.memory_space<vmem>>
      %dma_start3A_53 = tpu.memref_squeeze %dma_start3A_52 : memref<1x96xi32, #tpu.memory_space<vmem>> -> memref<96xi32, #tpu.memory_space<vmem>>
      %dma_start3A_54 = arith.constant 0 : i32
      %dma_start3A_55 = arith.constant 0 : i32
      %dma_start3A_56 = tpu.memref_slice %arg2[%dma_start3A_54, %dma_start3A_55] : memref<10000x144xf32, #tpu.memory_space<hbm>> -> memref<10000x144xf32, #tpu.memory_space<hbm>>
      tpu.enqueue_indirect_dma source(%dma_start3A_56 : memref<10000x144xf32, #tpu.memory_space<hbm>>) target(%arg8 : memref<96x144xf32, #tpu.memory_space<vmem>>) offsets(%dma_start3A_53 : memref<96xi32, #tpu.memory_space<vmem>>) semaphore(%arg11 : memref<!tpu.dma_semaphore, #tpu.memory_space<semaphore_mem>>)
      %dma_start3A_57 = arith.constant 1 : i32
      %dma_start3A_58 = arith.constant 0 : i32
      %dma_start3A_59 = tpu.memref_slice %arg6[%dma_start3A_57, %dma_start3A_58] : memref<14x96xi32, #tpu.memory_space<vmem>> -> memref<1x96xi32, #tpu.memory_space<vmem>>
      %dma_start3A_60 = tpu.memref_squeeze %dma_start3A_59 : memref<1x96xi32, #tpu.memory_space<vmem>> -> memref<96xi32, #tpu.memory_space<vmem>>
      %dma_start3A_61 = arith.constant 0 : i32
      %dma_start3A_62 = arith.constant 0 : i32
      %dma_start3A_63 = tpu.memref_slice %arg2[%dma_start3A_61, %dma_start3A_62] : memref<10000x144xf32, #tpu.memory_space<hbm>> -> memref<10000x144xf32, #tpu.memory_space<hbm>>
      tpu.enqueue_indirect_dma source(%dma_start3A_63 : memref<10000x144xf32, #tpu.memory_space<hbm>>) target(%arg9 : memref<96x144xf32, #tpu.memory_space<vmem>>) offsets(%dma_start3A_60 : memref<96xi32, #tpu.memory_space<vmem>>) semaphore(%arg12 : memref<!tpu.dma_semaphore, #tpu.memory_space<semaphore_mem>>)
      %dma_wait3A = arith.constant 0 : i32
      %dma_wait3A_64 = arith.constant 0 : i32
      %dma_wait3A_65 = tpu.memref_slice %arg6[%dma_wait3A, %dma_wait3A_64] : memref<14x96xi32, #tpu.memory_space<vmem>> -> memref<1x96xi32, #tpu.memory_space<vmem>>
      %dma_wait3A_66 = tpu.memref_squeeze %dma_wait3A_65 : memref<1x96xi32, #tpu.memory_space<vmem>> -> memref<96xi32, #tpu.memory_space<vmem>>
      %dma_wait3A_67 = arith.constant 0 : i32
      %dma_wait3A_68 = arith.constant 0 : i32
      %dma_wait3A_69 = tpu.memref_slice %arg2[%dma_wait3A_67, %dma_wait3A_68] : memref<10000x144xf32, #tpu.memory_space<hbm>> -> memref<10000x144xf32, #tpu.memory_space<hbm>>
      tpu.wait_indirect_dma semaphore(%arg11 : memref<!tpu.dma_semaphore, #tpu.memory_space<semaphore_mem>>) src(%dma_wait3A_69 : memref<10000x144xf32, #tpu.memory_space<hbm>>) dst(%arg8 : memref<96x144xf32, #tpu.memory_space<vmem>>)
      %dma_start3A_70 = arith.constant 0 : i32
      %dma_start3A_71 = arith.constant 0 : i32
      %dma_start3A_72 = tpu.memref_slice %arg7[%dma_start3A_70, %dma_start3A_71] : memref<14x96xi32, #tpu.memory_space<vmem>> -> memref<1x96xi32, #tpu.memory_space<vmem>>
      %dma_start3A_73 = tpu.memref_squeeze %dma_start3A_72 : memref<1x96xi32, #tpu.memory_space<vmem>> -> memref<96xi32, #tpu.memory_space<vmem>>
      %dma_start3A_74 = arith.constant 0 : i32
      %dma_start3A_75 = arith.constant 0 : i32
      %dma_start3A_76 = tpu.memref_slice %arg10[%dma_start3A_74, %dma_start3A_75] : memref<10112x144xf32, #tpu.memory_space<vmem_shared>> -> memref<10112x144xf32, #tpu.memory_space<vmem_shared>>
      tpu.enqueue_indirect_dma source(%arg8 : memref<96x144xf32, #tpu.memory_space<vmem>>) target(%dma_start3A_76 : memref<10112x144xf32, #tpu.memory_space<vmem_shared>>) offsets(%dma_start3A_73 : memref<96xi32, #tpu.memory_space<vmem>>) semaphore(%arg13 : memref<!tpu.dma_semaphore, #tpu.memory_space<semaphore_mem>>) {add = true}
      %dma_wait3A_77 = arith.constant 0 : i32
      %dma_wait3A_78 = arith.constant 0 : i32
      %dma_wait3A_79 = tpu.memref_slice %arg7[%dma_wait3A_77, %dma_wait3A_78] : memref<14x96xi32, #tpu.memory_space<vmem>> -> memref<1x96xi32, #tpu.memory_space<vmem>>
      %dma_wait3A_80 = tpu.memref_squeeze %dma_wait3A_79 : memref<1x96xi32, #tpu.memory_space<vmem>> -> memref<96xi32, #tpu.memory_space<vmem>>
      %dma_wait3A_81 = arith.constant 0 : i32
      %dma_wait3A_82 = arith.constant 0 : i32
      %dma_wait3A_83 = tpu.memref_slice %arg10[%dma_wait3A_81, %dma_wait3A_82] : memref<10112x144xf32, #tpu.memory_space<vmem_shared>> -> memref<10112x144xf32, #tpu.memory_space<vmem_shared>>
      tpu.wait_indirect_dma semaphore(%arg13 : memref<!tpu.dma_semaphore, #tpu.memory_space<semaphore_mem>>) src(%arg8 : memref<96x144xf32, #tpu.memory_space<vmem>>) dst(%dma_wait3A_83 : memref<10112x144xf32, #tpu.memory_space<vmem_shared>>)
      %dma_start3A_84 = arith.constant 2 : i32
      %dma_start3A_85 = arith.constant 0 : i32
      %dma_start3A_86 = tpu.memref_slice %arg6[%dma_start3A_84, %dma_start3A_85] : memref<14x96xi32, #tpu.memory_space<vmem>> -> memref<1x96xi32, #tpu.memory_space<vmem>>
      %dma_start3A_87 = tpu.memref_squeeze %dma_start3A_86 : memref<1x96xi32, #tpu.memory_space<vmem>> -> memref<96xi32, #tpu.memory_space<vmem>>
      %dma_start3A_88 = arith.constant 0 : i32
      %dma_start3A_89 = arith.constant 0 : i32
      %dma_start3A_90 = tpu.memref_slice %arg2[%dma_start3A_88, %dma_start3A_89] : memref<10000x144xf32, #tpu.memory_space<hbm>> -> memref<10000x144xf32, #tpu.memory_space<hbm>>
      tpu.enqueue_indirect_dma source(%dma_start3A_90 : memref<10000x144xf32, #tpu.memory_space<hbm>>) target(%arg8 : memref<96x144xf32, #tpu.memory_space<vmem>>) offsets(%dma_start3A_87 : memref<96xi32, #tpu.memory_space<vmem>>) semaphore(%arg11 : memref<!tpu.dma_semaphore, #tpu.memory_space<semaphore_mem>>)
      %dma_wait3A_91 = arith.constant 1 : i32
      %dma_wait3A_92 = arith.constant 0 : i32
      %dma_wait3A_93 = tpu.memref_slice %arg6[%dma_wait3A_91, %dma_wait3A_92] : memref<14x96xi32, #tpu.memory_space<vmem>> -> memref<1x96xi32, #tpu.memory_space<vmem>>
      %dma_wait3A_94 = tpu.memref_squeeze %dma_wait3A_93 : memref<1x96xi32, #tpu.memory_space<vmem>> -> memref<96xi32, #tpu.memory_space<vmem>>
      %dma_wait3A_95 = arith.constant 0 : i32
      %dma_wait3A_96 = arith.constant 0 : i32
      %dma_wait3A_97 = tpu.memref_slice %arg2[%dma_wait3A_95, %dma_wait3A_96] : memref<10000x144xf32, #tpu.memory_space<hbm>> -> memref<10000x144xf32, #tpu.memory_space<hbm>>
      tpu.wait_indirect_dma semaphore(%arg12 : memref<!tpu.dma_semaphore, #tpu.memory_space<semaphore_mem>>) src(%dma_wait3A_97 : memref<10000x144xf32, #tpu.memory_space<hbm>>) dst(%arg9 : memref<96x144xf32, #tpu.memory_space<vmem>>)
      %dma_start3A_98 = arith.constant 1 : i32
      %dma_start3A_99 = arith.constant 0 : i32
      %dma_start3A_100 = tpu.memref_slice %arg7[%dma_start3A_98, %dma_start3A_99] : memref<14x96xi32, #tpu.memory_space<vmem>> -> memref<1x96xi32, #tpu.memory_space<vmem>>
      %dma_start3A_101 = tpu.memref_squeeze %dma_start3A_100 : memref<1x96xi32, #tpu.memory_space<vmem>> -> memref<96xi32, #tpu.memory_space<vmem>>
      %dma_start3A_102 = arith.constant 0 : i32
      %dma_start3A_103 = arith.constant 0 : i32
      %dma_start3A_104 = tpu.memref_slice %arg10[%dma_start3A_102, %dma_start3A_103] : memref<10112x144xf32, #tpu.memory_space<vmem_shared>> -> memref<10112x144xf32, #tpu.memory_space<vmem_shared>>
      tpu.enqueue_indirect_dma source(%arg9 : memref<96x144xf32, #tpu.memory_space<vmem>>) target(%dma_start3A_104 : memref<10112x144xf32, #tpu.memory_space<vmem_shared>>) offsets(%dma_start3A_101 : memref<96xi32, #tpu.memory_space<vmem>>) semaphore(%arg14 : memref<!tpu.dma_semaphore, #tpu.memory_space<semaphore_mem>>) {add = true}
      %dma_wait3A_105 = arith.constant 1 : i32
      %dma_wait3A_106 = arith.constant 0 : i32
      %dma_wait3A_107 = tpu.memref_slice %arg7[%dma_wait3A_105, %dma_wait3A_106] : memref<14x96xi32, #tpu.memory_space<vmem>> -> memref<1x96xi32, #tpu.memory_space<vmem>>
      %dma_wait3A_108 = tpu.memref_squeeze %dma_wait3A_107 : memref<1x96xi32, #tpu.memory_space<vmem>> -> memref<96xi32, #tpu.memory_space<vmem>>
      %dma_wait3A_109 = arith.constant 0 : i32
      %dma_wait3A_110 = arith.constant 0 : i32
      %dma_wait3A_111 = tpu.memref_slice %arg10[%dma_wait3A_109, %dma_wait3A_110] : memref<10112x144xf32, #tpu.memory_space<vmem_shared>> -> memref<10112x144xf32, #tpu.memory_space<vmem_shared>>
      tpu.wait_indirect_dma semaphore(%arg14 : memref<!tpu.dma_semaphore, #tpu.memory_space<semaphore_mem>>) src(%arg9 : memref<96x144xf32, #tpu.memory_space<vmem>>) dst(%dma_wait3A_111 : memref<10112x144xf32, #tpu.memory_space<vmem_shared>>)
      %dma_start3A_112 = arith.constant 3 : i32
      %dma_start3A_113 = arith.constant 0 : i32
      %dma_start3A_114 = tpu.memref_slice %arg6[%dma_start3A_112, %dma_start3A_113] : memref<14x96xi32, #tpu.memory_space<vmem>> -> memref<1x96xi32, #tpu.memory_space<vmem>>
      %dma_start3A_115 = tpu.memref_squeeze %dma_start3A_114 : memref<1x96xi32, #tpu.memory_space<vmem>> -> memref<96xi32, #tpu.memory_space<vmem>>
      %dma_start3A_116 = arith.constant 0 : i32
      %dma_start3A_117 = arith.constant 0 : i32
      %dma_start3A_118 = tpu.memref_slice %arg2[%dma_start3A_116, %dma_start3A_117] : memref<10000x144xf32, #tpu.memory_space<hbm>> -> memref<10000x144xf32, #tpu.memory_space<hbm>>
      tpu.enqueue_indirect_dma source(%dma_start3A_118 : memref<10000x144xf32, #tpu.memory_space<hbm>>) target(%arg9 : memref<96x144xf32, #tpu.memory_space<vmem>>) offsets(%dma_start3A_115 : memref<96xi32, #tpu.memory_space<vmem>>) semaphore(%arg12 : memref<!tpu.dma_semaphore, #tpu.memory_space<semaphore_mem>>)
      %dma_wait3A_119 = arith.constant 2 : i32
      %dma_wait3A_120 = arith.constant 0 : i32
      %dma_wait3A_121 = tpu.memref_slice %arg6[%dma_wait3A_119, %dma_wait3A_120] : memref<14x96xi32, #tpu.memory_space<vmem>> -> memref<1x96xi32, #tpu.memory_space<vmem>>
      %dma_wait3A_122 = tpu.memref_squeeze %dma_wait3A_121 : memref<1x96xi32, #tpu.memory_space<vmem>> -> memref<96xi32, #tpu.memory_space<vmem>>
      %dma_wait3A_123 = arith.constant 0 : i32
      %dma_wait3A_124 = arith.constant 0 : i32
      %dma_wait3A_125 = tpu.memref_slice %arg2[%dma_wait3A_123, %dma_wait3A_124] : memref<10000x144xf32, #tpu.memory_space<hbm>> -> memref<10000x144xf32, #tpu.memory_space<hbm>>
      tpu.wait_indirect_dma semaphore(%arg11 : memref<!tpu.dma_semaphore, #tpu.memory_space<semaphore_mem>>) src(%dma_wait3A_125 : memref<10000x144xf32, #tpu.memory_space<hbm>>) dst(%arg8 : memref<96x144xf32, #tpu.memory_space<vmem>>)
      %dma_start3A_126 = arith.constant 2 : i32
      %dma_start3A_127 = arith.constant 0 : i32
      %dma_start3A_128 = tpu.memref_slice %arg7[%dma_start3A_126, %dma_start3A_127] : memref<14x96xi32, #tpu.memory_space<vmem>> -> memref<1x96xi32, #tpu.memory_space<vmem>>
      %dma_start3A_129 = tpu.memref_squeeze %dma_start3A_128 : memref<1x96xi32, #tpu.memory_space<vmem>> -> memref<96xi32, #tpu.memory_space<vmem>>
      %dma_start3A_130 = arith.constant 0 : i32
      %dma_start3A_131 = arith.constant 0 : i32
      %dma_start3A_132 = tpu.memref_slice %arg10[%dma_start3A_130, %dma_start3A_131] : memref<10112x144xf32, #tpu.memory_space<vmem_shared>> -> memref<10112x144xf32, #tpu.memory_space<vmem_shared>>
      tpu.enqueue_indirect_dma source(%arg8 : memref<96x144xf32, #tpu.memory_space<vmem>>) target(%dma_start3A_132 : memref<10112x144xf32, #tpu.memory_space<vmem_shared>>) offsets(%dma_start3A_129 : memref<96xi32, #tpu.memory_space<vmem>>) semaphore(%arg13 : memref<!tpu.dma_semaphore, #tpu.memory_space<semaphore_mem>>) {add = true}
      %dma_wait3A_133 = arith.constant 2 : i32
      %dma_wait3A_134 = arith.constant 0 : i32
      %dma_wait3A_135 = tpu.memref_slice %arg7[%dma_wait3A_133, %dma_wait3A_134] : memref<14x96xi32, #tpu.memory_space<vmem>> -> memref<1x96xi32, #tpu.memory_space<vmem>>
      %dma_wait3A_136 = tpu.memref_squeeze %dma_wait3A_135 : memref<1x96xi32, #tpu.memory_space<vmem>> -> memref<96xi32, #tpu.memory_space<vmem>>
      %dma_wait3A_137 = arith.constant 0 : i32
      %dma_wait3A_138 = arith.constant 0 : i32
      %dma_wait3A_139 = tpu.memref_slice %arg10[%dma_wait3A_137, %dma_wait3A_138] : memref<10112x144xf32, #tpu.memory_space<vmem_shared>> -> memref<10112x144xf32, #tpu.memory_space<vmem_shared>>
      tpu.wait_indirect_dma semaphore(%arg13 : memref<!tpu.dma_semaphore, #tpu.memory_space<semaphore_mem>>) src(%arg8 : memref<96x144xf32, #tpu.memory_space<vmem>>) dst(%dma_wait3A_139 : memref<10112x144xf32, #tpu.memory_space<vmem_shared>>)
      %dma_start3A_140 = arith.constant 4 : i32
      %dma_start3A_141 = arith.constant 0 : i32
      %dma_start3A_142 = tpu.memref_slice %arg6[%dma_start3A_140, %dma_start3A_141] : memref<14x96xi32, #tpu.memory_space<vmem>> -> memref<1x96xi32, #tpu.memory_space<vmem>>
      %dma_start3A_143 = tpu.memref_squeeze %dma_start3A_142 : memref<1x96xi32, #tpu.memory_space<vmem>> -> memref<96xi32, #tpu.memory_space<vmem>>
      %dma_start3A_144 = arith.constant 0 : i32
      %dma_start3A_145 = arith.constant 0 : i32
      %dma_start3A_146 = tpu.memref_slice %arg2[%dma_start3A_144, %dma_start3A_145] : memref<10000x144xf32, #tpu.memory_space<hbm>> -> memref<10000x144xf32, #tpu.memory_space<hbm>>
      tpu.enqueue_indirect_dma source(%dma_start3A_146 : memref<10000x144xf32, #tpu.memory_space<hbm>>) target(%arg8 : memref<96x144xf32, #tpu.memory_space<vmem>>) offsets(%dma_start3A_143 : memref<96xi32, #tpu.memory_space<vmem>>) semaphore(%arg11 : memref<!tpu.dma_semaphore, #tpu.memory_space<semaphore_mem>>)
      %dma_wait3A_147 = arith.constant 3 : i32
      %dma_wait3A_148 = arith.constant 0 : i32
      %dma_wait3A_149 = tpu.memref_slice %arg6[%dma_wait3A_147, %dma_wait3A_148] : memref<14x96xi32, #tpu.memory_space<vmem>> -> memref<1x96xi32, #tpu.memory_space<vmem>>
      %dma_wait3A_150 = tpu.memref_squeeze %dma_wait3A_149 : memref<1x96xi32, #tpu.memory_space<vmem>> -> memref<96xi32, #tpu.memory_space<vmem>>
      %dma_wait3A_151 = arith.constant 0 : i32
      %dma_wait3A_152 = arith.constant 0 : i32
      %dma_wait3A_153 = tpu.memref_slice %arg2[%dma_wait3A_151, %dma_wait3A_152] : memref<10000x144xf32, #tpu.memory_space<hbm>> -> memref<10000x144xf32, #tpu.memory_space<hbm>>
      tpu.wait_indirect_dma semaphore(%arg12 : memref<!tpu.dma_semaphore, #tpu.memory_space<semaphore_mem>>) src(%dma_wait3A_153 : memref<10000x144xf32, #tpu.memory_space<hbm>>) dst(%arg9 : memref<96x144xf32, #tpu.memory_space<vmem>>)
      %dma_start3A_154 = arith.constant 3 : i32
      %dma_start3A_155 = arith.constant 0 : i32
      %dma_start3A_156 = tpu.memref_slice %arg7[%dma_start3A_154, %dma_start3A_155] : memref<14x96xi32, #tpu.memory_space<vmem>> -> memref<1x96xi32, #tpu.memory_space<vmem>>
      %dma_start3A_157 = tpu.memref_squeeze %dma_start3A_156 : memref<1x96xi32, #tpu.memory_space<vmem>> -> memref<96xi32, #tpu.memory_space<vmem>>
      %dma_start3A_158 = arith.constant 0 : i32
      %dma_start3A_159 = arith.constant 0 : i32
      %dma_start3A_160 = tpu.memref_slice %arg10[%dma_start3A_158, %dma_start3A_159] : memref<10112x144xf32, #tpu.memory_space<vmem_shared>> -> memref<10112x144xf32, #tpu.memory_space<vmem_shared>>
      tpu.enqueue_indirect_dma source(%arg9 : memref<96x144xf32, #tpu.memory_space<vmem>>) target(%dma_start3A_160 : memref<10112x144xf32, #tpu.memory_space<vmem_shared>>) offsets(%dma_start3A_157 : memref<96xi32, #tpu.memory_space<vmem>>) semaphore(%arg14 : memref<!tpu.dma_semaphore, #tpu.memory_space<semaphore_mem>>) {add = true}
      %dma_wait3A_161 = arith.constant 3 : i32
      %dma_wait3A_162 = arith.constant 0 : i32
      %dma_wait3A_163 = tpu.memref_slice %arg7[%dma_wait3A_161, %dma_wait3A_162] : memref<14x96xi32, #tpu.memory_space<vmem>> -> memref<1x96xi32, #tpu.memory_space<vmem>>
      %dma_wait3A_164 = tpu.memref_squeeze %dma_wait3A_163 : memref<1x96xi32, #tpu.memory_space<vmem>> -> memref<96xi32, #tpu.memory_space<vmem>>
      %dma_wait3A_165 = arith.constant 0 : i32
      %dma_wait3A_166 = arith.constant 0 : i32
      %dma_wait3A_167 = tpu.memref_slice %arg10[%dma_wait3A_165, %dma_wait3A_166] : memref<10112x144xf32, #tpu.memory_space<vmem_shared>> -> memref<10112x144xf32, #tpu.memory_space<vmem_shared>>
      tpu.wait_indirect_dma semaphore(%arg14 : memref<!tpu.dma_semaphore, #tpu.memory_space<semaphore_mem>>) src(%arg9 : memref<96x144xf32, #tpu.memory_space<vmem>>) dst(%dma_wait3A_167 : memref<10112x144xf32, #tpu.memory_space<vmem_shared>>)
      %dma_start3A_168 = arith.constant 5 : i32
      %dma_start3A_169 = arith.constant 0 : i32
      %dma_start3A_170 = tpu.memref_slice %arg6[%dma_start3A_168, %dma_start3A_169] : memref<14x96xi32, #tpu.memory_space<vmem>> -> memref<1x96xi32, #tpu.memory_space<vmem>>
      %dma_start3A_171 = tpu.memref_squeeze %dma_start3A_170 : memref<1x96xi32, #tpu.memory_space<vmem>> -> memref<96xi32, #tpu.memory_space<vmem>>
      %dma_start3A_172 = arith.constant 0 : i32
      %dma_start3A_173 = arith.constant 0 : i32
      %dma_start3A_174 = tpu.memref_slice %arg2[%dma_start3A_172, %dma_start3A_173] : memref<10000x144xf32, #tpu.memory_space<hbm>> -> memref<10000x144xf32, #tpu.memory_space<hbm>>
      tpu.enqueue_indirect_dma source(%dma_start3A_174 : memref<10000x144xf32, #tpu.memory_space<hbm>>) target(%arg9 : memref<96x144xf32, #tpu.memory_space<vmem>>) offsets(%dma_start3A_171 : memref<96xi32, #tpu.memory_space<vmem>>) semaphore(%arg12 : memref<!tpu.dma_semaphore, #tpu.memory_space<semaphore_mem>>)
      %dma_wait3A_175 = arith.constant 4 : i32
      %dma_wait3A_176 = arith.constant 0 : i32
      %dma_wait3A_177 = tpu.memref_slice %arg6[%dma_wait3A_175, %dma_wait3A_176] : memref<14x96xi32, #tpu.memory_space<vmem>> -> memref<1x96xi32, #tpu.memory_space<vmem>>
      %dma_wait3A_178 = tpu.memref_squeeze %dma_wait3A_177 : memref<1x96xi32, #tpu.memory_space<vmem>> -> memref<96xi32, #tpu.memory_space<vmem>>
      %dma_wait3A_179 = arith.constant 0 : i32
      %dma_wait3A_180 = arith.constant 0 : i32
      %dma_wait3A_181 = tpu.memref_slice %arg2[%dma_wait3A_179, %dma_wait3A_180] : memref<10000x144xf32, #tpu.memory_space<hbm>> -> memref<10000x144xf32, #tpu.memory_space<hbm>>
      tpu.wait_indirect_dma semaphore(%arg11 : memref<!tpu.dma_semaphore, #tpu.memory_space<semaphore_mem>>) src(%dma_wait3A_181 : memref<10000x144xf32, #tpu.memory_space<hbm>>) dst(%arg8 : memref<96x144xf32, #tpu.memory_space<vmem>>)
      %dma_start3A_182 = arith.constant 4 : i32
      %dma_start3A_183 = arith.constant 0 : i32
      %dma_start3A_184 = tpu.memref_slice %arg7[%dma_start3A_182, %dma_start3A_183] : memref<14x96xi32, #tpu.memory_space<vmem>> -> memref<1x96xi32, #tpu.memory_space<vmem>>
      %dma_start3A_185 = tpu.memref_squeeze %dma_start3A_184 : memref<1x96xi32, #tpu.memory_space<vmem>> -> memref<96xi32, #tpu.memory_space<vmem>>
      %dma_start3A_186 = arith.constant 0 : i32
      %dma_start3A_187 = arith.constant 0 : i32
      %dma_start3A_188 = tpu.memref_slice %arg10[%dma_start3A_186, %dma_start3A_187] : memref<10112x144xf32, #tpu.memory_space<vmem_shared>> -> memref<10112x144xf32, #tpu.memory_space<vmem_shared>>
      tpu.enqueue_indirect_dma source(%arg8 : memref<96x144xf32, #tpu.memory_space<vmem>>) target(%dma_start3A_188 : memref<10112x144xf32, #tpu.memory_space<vmem_shared>>) offsets(%dma_start3A_185 : memref<96xi32, #tpu.memory_space<vmem>>) semaphore(%arg13 : memref<!tpu.dma_semaphore, #tpu.memory_space<semaphore_mem>>) {add = true}
      %dma_wait3A_189 = arith.constant 4 : i32
      %dma_wait3A_190 = arith.constant 0 : i32
      %dma_wait3A_191 = tpu.memref_slice %arg7[%dma_wait3A_189, %dma_wait3A_190] : memref<14x96xi32, #tpu.memory_space<vmem>> -> memref<1x96xi32, #tpu.memory_space<vmem>>
      %dma_wait3A_192 = tpu.memref_squeeze %dma_wait3A_191 : memref<1x96xi32, #tpu.memory_space<vmem>> -> memref<96xi32, #tpu.memory_space<vmem>>
      %dma_wait3A_193 = arith.constant 0 : i32
      %dma_wait3A_194 = arith.constant 0 : i32
      %dma_wait3A_195 = tpu.memref_slice %arg10[%dma_wait3A_193, %dma_wait3A_194] : memref<10112x144xf32, #tpu.memory_space<vmem_shared>> -> memref<10112x144xf32, #tpu.memory_space<vmem_shared>>
      tpu.wait_indirect_dma semaphore(%arg13 : memref<!tpu.dma_semaphore, #tpu.memory_space<semaphore_mem>>) src(%arg8 : memref<96x144xf32, #tpu.memory_space<vmem>>) dst(%dma_wait3A_195 : memref<10112x144xf32, #tpu.memory_space<vmem_shared>>)
      %dma_start3A_196 = arith.constant 6 : i32
      %dma_start3A_197 = arith.constant 0 : i32
      %dma_start3A_198 = tpu.memref_slice %arg6[%dma_start3A_196, %dma_start3A_197] : memref<14x96xi32, #tpu.memory_space<vmem>> -> memref<1x96xi32, #tpu.memory_space<vmem>>
      %dma_start3A_199 = tpu.memref_squeeze %dma_start3A_198 : memref<1x96xi32, #tpu.memory_space<vmem>> -> memref<96xi32, #tpu.memory_space<vmem>>
      %dma_start3A_200 = arith.constant 0 : i32
      %dma_start3A_201 = arith.constant 0 : i32
      %dma_start3A_202 = tpu.memref_slice %arg2[%dma_start3A_200, %dma_start3A_201] : memref<10000x144xf32, #tpu.memory_space<hbm>> -> memref<10000x144xf32, #tpu.memory_space<hbm>>
      tpu.enqueue_indirect_dma source(%dma_start3A_202 : memref<10000x144xf32, #tpu.memory_space<hbm>>) target(%arg8 : memref<96x144xf32, #tpu.memory_space<vmem>>) offsets(%dma_start3A_199 : memref<96xi32, #tpu.memory_space<vmem>>) semaphore(%arg11 : memref<!tpu.dma_semaphore, #tpu.memory_space<semaphore_mem>>)
      %dma_wait3A_203 = arith.constant 5 : i32
      %dma_wait3A_204 = arith.constant 0 : i32
      %dma_wait3A_205 = tpu.memref_slice %arg6[%dma_wait3A_203, %dma_wait3A_204] : memref<14x96xi32, #tpu.memory_space<vmem>> -> memref<1x96xi32, #tpu.memory_space<vmem>>
      %dma_wait3A_206 = tpu.memref_squeeze %dma_wait3A_205 : memref<1x96xi32, #tpu.memory_space<vmem>> -> memref<96xi32, #tpu.memory_space<vmem>>
      %dma_wait3A_207 = arith.constant 0 : i32
      %dma_wait3A_208 = arith.constant 0 : i32
      %dma_wait3A_209 = tpu.memref_slice %arg2[%dma_wait3A_207, %dma_wait3A_208] : memref<10000x144xf32, #tpu.memory_space<hbm>> -> memref<10000x144xf32, #tpu.memory_space<hbm>>
      tpu.wait_indirect_dma semaphore(%arg12 : memref<!tpu.dma_semaphore, #tpu.memory_space<semaphore_mem>>) src(%dma_wait3A_209 : memref<10000x144xf32, #tpu.memory_space<hbm>>) dst(%arg9 : memref<96x144xf32, #tpu.memory_space<vmem>>)
      %dma_start3A_210 = arith.constant 5 : i32
      %dma_start3A_211 = arith.constant 0 : i32
      %dma_start3A_212 = tpu.memref_slice %arg7[%dma_start3A_210, %dma_start3A_211] : memref<14x96xi32, #tpu.memory_space<vmem>> -> memref<1x96xi32, #tpu.memory_space<vmem>>
      %dma_start3A_213 = tpu.memref_squeeze %dma_start3A_212 : memref<1x96xi32, #tpu.memory_space<vmem>> -> memref<96xi32, #tpu.memory_space<vmem>>
      %dma_start3A_214 = arith.constant 0 : i32
      %dma_start3A_215 = arith.constant 0 : i32
      %dma_start3A_216 = tpu.memref_slice %arg10[%dma_start3A_214, %dma_start3A_215] : memref<10112x144xf32, #tpu.memory_space<vmem_shared>> -> memref<10112x144xf32, #tpu.memory_space<vmem_shared>>
      tpu.enqueue_indirect_dma source(%arg9 : memref<96x144xf32, #tpu.memory_space<vmem>>) target(%dma_start3A_216 : memref<10112x144xf32, #tpu.memory_space<vmem_shared>>) offsets(%dma_start3A_213 : memref<96xi32, #tpu.memory_space<vmem>>) semaphore(%arg14 : memref<!tpu.dma_semaphore, #tpu.memory_space<semaphore_mem>>) {add = true}
      %dma_wait3A_217 = arith.constant 5 : i32
      %dma_wait3A_218 = arith.constant 0 : i32
      %dma_wait3A_219 = tpu.memref_slice %arg7[%dma_wait3A_217, %dma_wait3A_218] : memref<14x96xi32, #tpu.memory_space<vmem>> -> memref<1x96xi32, #tpu.memory_space<vmem>>
      %dma_wait3A_220 = tpu.memref_squeeze %dma_wait3A_219 : memref<1x96xi32, #tpu.memory_space<vmem>> -> memref<96xi32, #tpu.memory_space<vmem>>
      %dma_wait3A_221 = arith.constant 0 : i32
      %dma_wait3A_222 = arith.constant 0 : i32
      %dma_wait3A_223 = tpu.memref_slice %arg10[%dma_wait3A_221, %dma_wait3A_222] : memref<10112x144xf32, #tpu.memory_space<vmem_shared>> -> memref<10112x144xf32, #tpu.memory_space<vmem_shared>>
      tpu.wait_indirect_dma semaphore(%arg14 : memref<!tpu.dma_semaphore, #tpu.memory_space<semaphore_mem>>) src(%arg9 : memref<96x144xf32, #tpu.memory_space<vmem>>) dst(%dma_wait3A_223 : memref<10112x144xf32, #tpu.memory_space<vmem_shared>>)
      %dma_start3A_224 = arith.constant 7 : i32
      %dma_start3A_225 = arith.constant 0 : i32
      %dma_start3A_226 = tpu.memref_slice %arg6[%dma_start3A_224, %dma_start3A_225] : memref<14x96xi32, #tpu.memory_space<vmem>> -> memref<1x96xi32, #tpu.memory_space<vmem>>
      %dma_start3A_227 = tpu.memref_squeeze %dma_start3A_226 : memref<1x96xi32, #tpu.memory_space<vmem>> -> memref<96xi32, #tpu.memory_space<vmem>>
      %dma_start3A_228 = arith.constant 0 : i32
      %dma_start3A_229 = arith.constant 0 : i32
      %dma_start3A_230 = tpu.memref_slice %arg2[%dma_start3A_228, %dma_start3A_229] : memref<10000x144xf32, #tpu.memory_space<hbm>> -> memref<10000x144xf32, #tpu.memory_space<hbm>>
      tpu.enqueue_indirect_dma source(%dma_start3A_230 : memref<10000x144xf32, #tpu.memory_space<hbm>>) target(%arg9 : memref<96x144xf32, #tpu.memory_space<vmem>>) offsets(%dma_start3A_227 : memref<96xi32, #tpu.memory_space<vmem>>) semaphore(%arg12 : memref<!tpu.dma_semaphore, #tpu.memory_space<semaphore_mem>>)
      %dma_wait3A_231 = arith.constant 6 : i32
      %dma_wait3A_232 = arith.constant 0 : i32
      %dma_wait3A_233 = tpu.memref_slice %arg6[%dma_wait3A_231, %dma_wait3A_232] : memref<14x96xi32, #tpu.memory_space<vmem>> -> memref<1x96xi32, #tpu.memory_space<vmem>>
      %dma_wait3A_234 = tpu.memref_squeeze %dma_wait3A_233 : memref<1x96xi32, #tpu.memory_space<vmem>> -> memref<96xi32, #tpu.memory_space<vmem>>
      %dma_wait3A_235 = arith.constant 0 : i32
      %dma_wait3A_236 = arith.constant 0 : i32
      %dma_wait3A_237 = tpu.memref_slice %arg2[%dma_wait3A_235, %dma_wait3A_236] : memref<10000x144xf32, #tpu.memory_space<hbm>> -> memref<10000x144xf32, #tpu.memory_space<hbm>>
      tpu.wait_indirect_dma semaphore(%arg11 : memref<!tpu.dma_semaphore, #tpu.memory_space<semaphore_mem>>) src(%dma_wait3A_237 : memref<10000x144xf32, #tpu.memory_space<hbm>>) dst(%arg8 : memref<96x144xf32, #tpu.memory_space<vmem>>)
      %dma_start3A_238 = arith.constant 6 : i32
      %dma_start3A_239 = arith.constant 0 : i32
      %dma_start3A_240 = tpu.memref_slice %arg7[%dma_start3A_238, %dma_start3A_239] : memref<14x96xi32, #tpu.memory_space<vmem>> -> memref<1x96xi32, #tpu.memory_space<vmem>>
      %dma_start3A_241 = tpu.memref_squeeze %dma_start3A_240 : memref<1x96xi32, #tpu.memory_space<vmem>> -> memref<96xi32, #tpu.memory_space<vmem>>
      %dma_start3A_242 = arith.constant 0 : i32
      %dma_start3A_243 = arith.constant 0 : i32
      %dma_start3A_244 = tpu.memref_slice %arg10[%dma_start3A_242, %dma_start3A_243] : memref<10112x144xf32, #tpu.memory_space<vmem_shared>> -> memref<10112x144xf32, #tpu.memory_space<vmem_shared>>
      tpu.enqueue_indirect_dma source(%arg8 : memref<96x144xf32, #tpu.memory_space<vmem>>) target(%dma_start3A_244 : memref<10112x144xf32, #tpu.memory_space<vmem_shared>>) offsets(%dma_start3A_241 : memref<96xi32, #tpu.memory_space<vmem>>) semaphore(%arg13 : memref<!tpu.dma_semaphore, #tpu.memory_space<semaphore_mem>>) {add = true}
      %dma_wait3A_245 = arith.constant 6 : i32
      %dma_wait3A_246 = arith.constant 0 : i32
      %dma_wait3A_247 = tpu.memref_slice %arg7[%dma_wait3A_245, %dma_wait3A_246] : memref<14x96xi32, #tpu.memory_space<vmem>> -> memref<1x96xi32, #tpu.memory_space<vmem>>
      %dma_wait3A_248 = tpu.memref_squeeze %dma_wait3A_247 : memref<1x96xi32, #tpu.memory_space<vmem>> -> memref<96xi32, #tpu.memory_space<vmem>>
      %dma_wait3A_249 = arith.constant 0 : i32
      %dma_wait3A_250 = arith.constant 0 : i32
      %dma_wait3A_251 = tpu.memref_slice %arg10[%dma_wait3A_249, %dma_wait3A_250] : memref<10112x144xf32, #tpu.memory_space<vmem_shared>> -> memref<10112x144xf32, #tpu.memory_space<vmem_shared>>
      tpu.wait_indirect_dma semaphore(%arg13 : memref<!tpu.dma_semaphore, #tpu.memory_space<semaphore_mem>>) src(%arg8 : memref<96x144xf32, #tpu.memory_space<vmem>>) dst(%dma_wait3A_251 : memref<10112x144xf32, #tpu.memory_space<vmem_shared>>)
      %dma_start3A_252 = arith.constant 8 : i32
      %dma_start3A_253 = arith.constant 0 : i32
      %dma_start3A_254 = tpu.memref_slice %arg6[%dma_start3A_252, %dma_start3A_253] : memref<14x96xi32, #tpu.memory_space<vmem>> -> memref<1x96xi32, #tpu.memory_space<vmem>>
      %dma_start3A_255 = tpu.memref_squeeze %dma_start3A_254 : memref<1x96xi32, #tpu.memory_space<vmem>> -> memref<96xi32, #tpu.memory_space<vmem>>
      %dma_start3A_256 = arith.constant 0 : i32
      %dma_start3A_257 = arith.constant 0 : i32
      %dma_start3A_258 = tpu.memref_slice %arg2[%dma_start3A_256, %dma_start3A_257] : memref<10000x144xf32, #tpu.memory_space<hbm>> -> memref<10000x144xf32, #tpu.memory_space<hbm>>
      tpu.enqueue_indirect_dma source(%dma_start3A_258 : memref<10000x144xf32, #tpu.memory_space<hbm>>) target(%arg8 : memref<96x144xf32, #tpu.memory_space<vmem>>) offsets(%dma_start3A_255 : memref<96xi32, #tpu.memory_space<vmem>>) semaphore(%arg11 : memref<!tpu.dma_semaphore, #tpu.memory_space<semaphore_mem>>)
      %dma_wait3A_259 = arith.constant 7 : i32
      %dma_wait3A_260 = arith.constant 0 : i32
      %dma_wait3A_261 = tpu.memref_slice %arg6[%dma_wait3A_259, %dma_wait3A_260] : memref<14x96xi32, #tpu.memory_space<vmem>> -> memref<1x96xi32, #tpu.memory_space<vmem>>
      %dma_wait3A_262 = tpu.memref_squeeze %dma_wait3A_261 : memref<1x96xi32, #tpu.memory_space<vmem>> -> memref<96xi32, #tpu.memory_space<vmem>>
      %dma_wait3A_263 = arith.constant 0 : i32
      %dma_wait3A_264 = arith.constant 0 : i32
      %dma_wait3A_265 = tpu.memref_slice %arg2[%dma_wait3A_263, %dma_wait3A_264] : memref<10000x144xf32, #tpu.memory_space<hbm>> -> memref<10000x144xf32, #tpu.memory_space<hbm>>
      tpu.wait_indirect_dma semaphore(%arg12 : memref<!tpu.dma_semaphore, #tpu.memory_space<semaphore_mem>>) src(%dma_wait3A_265 : memref<10000x144xf32, #tpu.memory_space<hbm>>) dst(%arg9 : memref<96x144xf32, #tpu.memory_space<vmem>>)
      %dma_start3A_266 = arith.constant 7 : i32
      %dma_start3A_267 = arith.constant 0 : i32
      %dma_start3A_268 = tpu.memref_slice %arg7[%dma_start3A_266, %dma_start3A_267] : memref<14x96xi32, #tpu.memory_space<vmem>> -> memref<1x96xi32, #tpu.memory_space<vmem>>
      %dma_start3A_269 = tpu.memref_squeeze %dma_start3A_268 : memref<1x96xi32, #tpu.memory_space<vmem>> -> memref<96xi32, #tpu.memory_space<vmem>>
      %dma_start3A_270 = arith.constant 0 : i32
      %dma_start3A_271 = arith.constant 0 : i32
      %dma_start3A_272 = tpu.memref_slice %arg10[%dma_start3A_270, %dma_start3A_271] : memref<10112x144xf32, #tpu.memory_space<vmem_shared>> -> memref<10112x144xf32, #tpu.memory_space<vmem_shared>>
      tpu.enqueue_indirect_dma source(%arg9 : memref<96x144xf32, #tpu.memory_space<vmem>>) target(%dma_start3A_272 : memref<10112x144xf32, #tpu.memory_space<vmem_shared>>) offsets(%dma_start3A_269 : memref<96xi32, #tpu.memory_space<vmem>>) semaphore(%arg14 : memref<!tpu.dma_semaphore, #tpu.memory_space<semaphore_mem>>) {add = true}
      %dma_wait3A_273 = arith.constant 7 : i32
      %dma_wait3A_274 = arith.constant 0 : i32
      %dma_wait3A_275 = tpu.memref_slice %arg7[%dma_wait3A_273, %dma_wait3A_274] : memref<14x96xi32, #tpu.memory_space<vmem>> -> memref<1x96xi32, #tpu.memory_space<vmem>>
      %dma_wait3A_276 = tpu.memref_squeeze %dma_wait3A_275 : memref<1x96xi32, #tpu.memory_space<vmem>> -> memref<96xi32, #tpu.memory_space<vmem>>
      %dma_wait3A_277 = arith.constant 0 : i32
      %dma_wait3A_278 = arith.constant 0 : i32
      %dma_wait3A_279 = tpu.memref_slice %arg10[%dma_wait3A_277, %dma_wait3A_278] : memref<10112x144xf32, #tpu.memory_space<vmem_shared>> -> memref<10112x144xf32, #tpu.memory_space<vmem_shared>>
      tpu.wait_indirect_dma semaphore(%arg14 : memref<!tpu.dma_semaphore, #tpu.memory_space<semaphore_mem>>) src(%arg9 : memref<96x144xf32, #tpu.memory_space<vmem>>) dst(%dma_wait3A_279 : memref<10112x144xf32, #tpu.memory_space<vmem_shared>>)
      %dma_start3A_280 = arith.constant 9 : i32
      %dma_start3A_281 = arith.constant 0 : i32
      %dma_start3A_282 = tpu.memref_slice %arg6[%dma_start3A_280, %dma_start3A_281] : memref<14x96xi32, #tpu.memory_space<vmem>> -> memref<1x96xi32, #tpu.memory_space<vmem>>
      %dma_start3A_283 = tpu.memref_squeeze %dma_start3A_282 : memref<1x96xi32, #tpu.memory_space<vmem>> -> memref<96xi32, #tpu.memory_space<vmem>>
      %dma_start3A_284 = arith.constant 0 : i32
      %dma_start3A_285 = arith.constant 0 : i32
      %dma_start3A_286 = tpu.memref_slice %arg2[%dma_start3A_284, %dma_start3A_285] : memref<10000x144xf32, #tpu.memory_space<hbm>> -> memref<10000x144xf32, #tpu.memory_space<hbm>>
      tpu.enqueue_indirect_dma source(%dma_start3A_286 : memref<10000x144xf32, #tpu.memory_space<hbm>>) target(%arg9 : memref<96x144xf32, #tpu.memory_space<vmem>>) offsets(%dma_start3A_283 : memref<96xi32, #tpu.memory_space<vmem>>) semaphore(%arg12 : memref<!tpu.dma_semaphore, #tpu.memory_space<semaphore_mem>>)
      %dma_wait3A_287 = arith.constant 8 : i32
      %dma_wait3A_288 = arith.constant 0 : i32
      %dma_wait3A_289 = tpu.memref_slice %arg6[%dma_wait3A_287, %dma_wait3A_288] : memref<14x96xi32, #tpu.memory_space<vmem>> -> memref<1x96xi32, #tpu.memory_space<vmem>>
      %dma_wait3A_290 = tpu.memref_squeeze %dma_wait3A_289 : memref<1x96xi32, #tpu.memory_space<vmem>> -> memref<96xi32, #tpu.memory_space<vmem>>
      %dma_wait3A_291 = arith.constant 0 : i32
      %dma_wait3A_292 = arith.constant 0 : i32
      %dma_wait3A_293 = tpu.memref_slice %arg2[%dma_wait3A_291, %dma_wait3A_292] : memref<10000x144xf32, #tpu.memory_space<hbm>> -> memref<10000x144xf32, #tpu.memory_space<hbm>>
      tpu.wait_indirect_dma semaphore(%arg11 : memref<!tpu.dma_semaphore, #tpu.memory_space<semaphore_mem>>) src(%dma_wait3A_293 : memref<10000x144xf32, #tpu.memory_space<hbm>>) dst(%arg8 : memref<96x144xf32, #tpu.memory_space<vmem>>)
      %dma_start3A_294 = arith.constant 8 : i32
      %dma_start3A_295 = arith.constant 0 : i32
      %dma_start3A_296 = tpu.memref_slice %arg7[%dma_start3A_294, %dma_start3A_295] : memref<14x96xi32, #tpu.memory_space<vmem>> -> memref<1x96xi32, #tpu.memory_space<vmem>>
      %dma_start3A_297 = tpu.memref_squeeze %dma_start3A_296 : memref<1x96xi32, #tpu.memory_space<vmem>> -> memref<96xi32, #tpu.memory_space<vmem>>
      %dma_start3A_298 = arith.constant 0 : i32
      %dma_start3A_299 = arith.constant 0 : i32
      %dma_start3A_300 = tpu.memref_slice %arg10[%dma_start3A_298, %dma_start3A_299] : memref<10112x144xf32, #tpu.memory_space<vmem_shared>> -> memref<10112x144xf32, #tpu.memory_space<vmem_shared>>
      tpu.enqueue_indirect_dma source(%arg8 : memref<96x144xf32, #tpu.memory_space<vmem>>) target(%dma_start3A_300 : memref<10112x144xf32, #tpu.memory_space<vmem_shared>>) offsets(%dma_start3A_297 : memref<96xi32, #tpu.memory_space<vmem>>) semaphore(%arg13 : memref<!tpu.dma_semaphore, #tpu.memory_space<semaphore_mem>>) {add = true}
      %dma_wait3A_301 = arith.constant 8 : i32
      %dma_wait3A_302 = arith.constant 0 : i32
      %dma_wait3A_303 = tpu.memref_slice %arg7[%dma_wait3A_301, %dma_wait3A_302] : memref<14x96xi32, #tpu.memory_space<vmem>> -> memref<1x96xi32, #tpu.memory_space<vmem>>
      %dma_wait3A_304 = tpu.memref_squeeze %dma_wait3A_303 : memref<1x96xi32, #tpu.memory_space<vmem>> -> memref<96xi32, #tpu.memory_space<vmem>>
      %dma_wait3A_305 = arith.constant 0 : i32
      %dma_wait3A_306 = arith.constant 0 : i32
      %dma_wait3A_307 = tpu.memref_slice %arg10[%dma_wait3A_305, %dma_wait3A_306] : memref<10112x144xf32, #tpu.memory_space<vmem_shared>> -> memref<10112x144xf32, #tpu.memory_space<vmem_shared>>
      tpu.wait_indirect_dma semaphore(%arg13 : memref<!tpu.dma_semaphore, #tpu.memory_space<semaphore_mem>>) src(%arg8 : memref<96x144xf32, #tpu.memory_space<vmem>>) dst(%dma_wait3A_307 : memref<10112x144xf32, #tpu.memory_space<vmem_shared>>)
      %dma_start3A_308 = arith.constant 10 : i32
      %dma_start3A_309 = arith.constant 0 : i32
      %dma_start3A_310 = tpu.memref_slice %arg6[%dma_start3A_308, %dma_start3A_309] : memref<14x96xi32, #tpu.memory_space<vmem>> -> memref<1x96xi32, #tpu.memory_space<vmem>>
      %dma_start3A_311 = tpu.memref_squeeze %dma_start3A_310 : memref<1x96xi32, #tpu.memory_space<vmem>> -> memref<96xi32, #tpu.memory_space<vmem>>
      %dma_start3A_312 = arith.constant 0 : i32
      %dma_start3A_313 = arith.constant 0 : i32
      %dma_start3A_314 = tpu.memref_slice %arg2[%dma_start3A_312, %dma_start3A_313] : memref<10000x144xf32, #tpu.memory_space<hbm>> -> memref<10000x144xf32, #tpu.memory_space<hbm>>
      tpu.enqueue_indirect_dma source(%dma_start3A_314 : memref<10000x144xf32, #tpu.memory_space<hbm>>) target(%arg8 : memref<96x144xf32, #tpu.memory_space<vmem>>) offsets(%dma_start3A_311 : memref<96xi32, #tpu.memory_space<vmem>>) semaphore(%arg11 : memref<!tpu.dma_semaphore, #tpu.memory_space<semaphore_mem>>)
      %dma_wait3A_315 = arith.constant 9 : i32
      %dma_wait3A_316 = arith.constant 0 : i32
      %dma_wait3A_317 = tpu.memref_slice %arg6[%dma_wait3A_315, %dma_wait3A_316] : memref<14x96xi32, #tpu.memory_space<vmem>> -> memref<1x96xi32, #tpu.memory_space<vmem>>
      %dma_wait3A_318 = tpu.memref_squeeze %dma_wait3A_317 : memref<1x96xi32, #tpu.memory_space<vmem>> -> memref<96xi32, #tpu.memory_space<vmem>>
      %dma_wait3A_319 = arith.constant 0 : i32
      %dma_wait3A_320 = arith.constant 0 : i32
      %dma_wait3A_321 = tpu.memref_slice %arg2[%dma_wait3A_319, %dma_wait3A_320] : memref<10000x144xf32, #tpu.memory_space<hbm>> -> memref<10000x144xf32, #tpu.memory_space<hbm>>
      tpu.wait_indirect_dma semaphore(%arg12 : memref<!tpu.dma_semaphore, #tpu.memory_space<semaphore_mem>>) src(%dma_wait3A_321 : memref<10000x144xf32, #tpu.memory_space<hbm>>) dst(%arg9 : memref<96x144xf32, #tpu.memory_space<vmem>>)
      %dma_start3A_322 = arith.constant 9 : i32
      %dma_start3A_323 = arith.constant 0 : i32
      %dma_start3A_324 = tpu.memref_slice %arg7[%dma_start3A_322, %dma_start3A_323] : memref<14x96xi32, #tpu.memory_space<vmem>> -> memref<1x96xi32, #tpu.memory_space<vmem>>
      %dma_start3A_325 = tpu.memref_squeeze %dma_start3A_324 : memref<1x96xi32, #tpu.memory_space<vmem>> -> memref<96xi32, #tpu.memory_space<vmem>>
      %dma_start3A_326 = arith.constant 0 : i32
      %dma_start3A_327 = arith.constant 0 : i32
      %dma_start3A_328 = tpu.memref_slice %arg10[%dma_start3A_326, %dma_start3A_327] : memref<10112x144xf32, #tpu.memory_space<vmem_shared>> -> memref<10112x144xf32, #tpu.memory_space<vmem_shared>>
      tpu.enqueue_indirect_dma source(%arg9 : memref<96x144xf32, #tpu.memory_space<vmem>>) target(%dma_start3A_328 : memref<10112x144xf32, #tpu.memory_space<vmem_shared>>) offsets(%dma_start3A_325 : memref<96xi32, #tpu.memory_space<vmem>>) semaphore(%arg14 : memref<!tpu.dma_semaphore, #tpu.memory_space<semaphore_mem>>) {add = true}
      %dma_wait3A_329 = arith.constant 9 : i32
      %dma_wait3A_330 = arith.constant 0 : i32
      %dma_wait3A_331 = tpu.memref_slice %arg7[%dma_wait3A_329, %dma_wait3A_330] : memref<14x96xi32, #tpu.memory_space<vmem>> -> memref<1x96xi32, #tpu.memory_space<vmem>>
      %dma_wait3A_332 = tpu.memref_squeeze %dma_wait3A_331 : memref<1x96xi32, #tpu.memory_space<vmem>> -> memref<96xi32, #tpu.memory_space<vmem>>
      %dma_wait3A_333 = arith.constant 0 : i32
      %dma_wait3A_334 = arith.constant 0 : i32
      %dma_wait3A_335 = tpu.memref_slice %arg10[%dma_wait3A_333, %dma_wait3A_334] : memref<10112x144xf32, #tpu.memory_space<vmem_shared>> -> memref<10112x144xf32, #tpu.memory_space<vmem_shared>>
      tpu.wait_indirect_dma semaphore(%arg14 : memref<!tpu.dma_semaphore, #tpu.memory_space<semaphore_mem>>) src(%arg9 : memref<96x144xf32, #tpu.memory_space<vmem>>) dst(%dma_wait3A_335 : memref<10112x144xf32, #tpu.memory_space<vmem_shared>>)
      %dma_start3A_336 = arith.constant 11 : i32
      %dma_start3A_337 = arith.constant 0 : i32
      %dma_start3A_338 = tpu.memref_slice %arg6[%dma_start3A_336, %dma_start3A_337] : memref<14x96xi32, #tpu.memory_space<vmem>> -> memref<1x96xi32, #tpu.memory_space<vmem>>
      %dma_start3A_339 = tpu.memref_squeeze %dma_start3A_338 : memref<1x96xi32, #tpu.memory_space<vmem>> -> memref<96xi32, #tpu.memory_space<vmem>>
      %dma_start3A_340 = arith.constant 0 : i32
      %dma_start3A_341 = arith.constant 0 : i32
      %dma_start3A_342 = tpu.memref_slice %arg2[%dma_start3A_340, %dma_start3A_341] : memref<10000x144xf32, #tpu.memory_space<hbm>> -> memref<10000x144xf32, #tpu.memory_space<hbm>>
      tpu.enqueue_indirect_dma source(%dma_start3A_342 : memref<10000x144xf32, #tpu.memory_space<hbm>>) target(%arg9 : memref<96x144xf32, #tpu.memory_space<vmem>>) offsets(%dma_start3A_339 : memref<96xi32, #tpu.memory_space<vmem>>) semaphore(%arg12 : memref<!tpu.dma_semaphore, #tpu.memory_space<semaphore_mem>>)
      %dma_wait3A_343 = arith.constant 10 : i32
      %dma_wait3A_344 = arith.constant 0 : i32
      %dma_wait3A_345 = tpu.memref_slice %arg6[%dma_wait3A_343, %dma_wait3A_344] : memref<14x96xi32, #tpu.memory_space<vmem>> -> memref<1x96xi32, #tpu.memory_space<vmem>>
      %dma_wait3A_346 = tpu.memref_squeeze %dma_wait3A_345 : memref<1x96xi32, #tpu.memory_space<vmem>> -> memref<96xi32, #tpu.memory_space<vmem>>
      %dma_wait3A_347 = arith.constant 0 : i32
      %dma_wait3A_348 = arith.constant 0 : i32
      %dma_wait3A_349 = tpu.memref_slice %arg2[%dma_wait3A_347, %dma_wait3A_348] : memref<10000x144xf32, #tpu.memory_space<hbm>> -> memref<10000x144xf32, #tpu.memory_space<hbm>>
      tpu.wait_indirect_dma semaphore(%arg11 : memref<!tpu.dma_semaphore, #tpu.memory_space<semaphore_mem>>) src(%dma_wait3A_349 : memref<10000x144xf32, #tpu.memory_space<hbm>>) dst(%arg8 : memref<96x144xf32, #tpu.memory_space<vmem>>)
      %dma_start3A_350 = arith.constant 10 : i32
      %dma_start3A_351 = arith.constant 0 : i32
      %dma_start3A_352 = tpu.memref_slice %arg7[%dma_start3A_350, %dma_start3A_351] : memref<14x96xi32, #tpu.memory_space<vmem>> -> memref<1x96xi32, #tpu.memory_space<vmem>>
      %dma_start3A_353 = tpu.memref_squeeze %dma_start3A_352 : memref<1x96xi32, #tpu.memory_space<vmem>> -> memref<96xi32, #tpu.memory_space<vmem>>
      %dma_start3A_354 = arith.constant 0 : i32
      %dma_start3A_355 = arith.constant 0 : i32
      %dma_start3A_356 = tpu.memref_slice %arg10[%dma_start3A_354, %dma_start3A_355] : memref<10112x144xf32, #tpu.memory_space<vmem_shared>> -> memref<10112x144xf32, #tpu.memory_space<vmem_shared>>
      tpu.enqueue_indirect_dma source(%arg8 : memref<96x144xf32, #tpu.memory_space<vmem>>) target(%dma_start3A_356 : memref<10112x144xf32, #tpu.memory_space<vmem_shared>>) offsets(%dma_start3A_353 : memref<96xi32, #tpu.memory_space<vmem>>) semaphore(%arg13 : memref<!tpu.dma_semaphore, #tpu.memory_space<semaphore_mem>>) {add = true}
      %dma_wait3A_357 = arith.constant 10 : i32
      %dma_wait3A_358 = arith.constant 0 : i32
      %dma_wait3A_359 = tpu.memref_slice %arg7[%dma_wait3A_357, %dma_wait3A_358] : memref<14x96xi32, #tpu.memory_space<vmem>> -> memref<1x96xi32, #tpu.memory_space<vmem>>
      %dma_wait3A_360 = tpu.memref_squeeze %dma_wait3A_359 : memref<1x96xi32, #tpu.memory_space<vmem>> -> memref<96xi32, #tpu.memory_space<vmem>>
      %dma_wait3A_361 = arith.constant 0 : i32
      %dma_wait3A_362 = arith.constant 0 : i32
      %dma_wait3A_363 = tpu.memref_slice %arg10[%dma_wait3A_361, %dma_wait3A_362] : memref<10112x144xf32, #tpu.memory_space<vmem_shared>> -> memref<10112x144xf32, #tpu.memory_space<vmem_shared>>
      tpu.wait_indirect_dma semaphore(%arg13 : memref<!tpu.dma_semaphore, #tpu.memory_space<semaphore_mem>>) src(%arg8 : memref<96x144xf32, #tpu.memory_space<vmem>>) dst(%dma_wait3A_363 : memref<10112x144xf32, #tpu.memory_space<vmem_shared>>)
      %dma_start3A_364 = arith.constant 12 : i32
      %dma_start3A_365 = arith.constant 0 : i32
      %dma_start3A_366 = tpu.memref_slice %arg6[%dma_start3A_364, %dma_start3A_365] : memref<14x96xi32, #tpu.memory_space<vmem>> -> memref<1x96xi32, #tpu.memory_space<vmem>>
      %dma_start3A_367 = tpu.memref_squeeze %dma_start3A_366 : memref<1x96xi32, #tpu.memory_space<vmem>> -> memref<96xi32, #tpu.memory_space<vmem>>
      %dma_start3A_368 = arith.constant 0 : i32
      %dma_start3A_369 = arith.constant 0 : i32
      %dma_start3A_370 = tpu.memref_slice %arg2[%dma_start3A_368, %dma_start3A_369] : memref<10000x144xf32, #tpu.memory_space<hbm>> -> memref<10000x144xf32, #tpu.memory_space<hbm>>
      tpu.enqueue_indirect_dma source(%dma_start3A_370 : memref<10000x144xf32, #tpu.memory_space<hbm>>) target(%arg8 : memref<96x144xf32, #tpu.memory_space<vmem>>) offsets(%dma_start3A_367 : memref<96xi32, #tpu.memory_space<vmem>>) semaphore(%arg11 : memref<!tpu.dma_semaphore, #tpu.memory_space<semaphore_mem>>)
      %dma_wait3A_371 = arith.constant 11 : i32
      %dma_wait3A_372 = arith.constant 0 : i32
      %dma_wait3A_373 = tpu.memref_slice %arg6[%dma_wait3A_371, %dma_wait3A_372] : memref<14x96xi32, #tpu.memory_space<vmem>> -> memref<1x96xi32, #tpu.memory_space<vmem>>
      %dma_wait3A_374 = tpu.memref_squeeze %dma_wait3A_373 : memref<1x96xi32, #tpu.memory_space<vmem>> -> memref<96xi32, #tpu.memory_space<vmem>>
      %dma_wait3A_375 = arith.constant 0 : i32
      %dma_wait3A_376 = arith.constant 0 : i32
      %dma_wait3A_377 = tpu.memref_slice %arg2[%dma_wait3A_375, %dma_wait3A_376] : memref<10000x144xf32, #tpu.memory_space<hbm>> -> memref<10000x144xf32, #tpu.memory_space<hbm>>
      tpu.wait_indirect_dma semaphore(%arg12 : memref<!tpu.dma_semaphore, #tpu.memory_space<semaphore_mem>>) src(%dma_wait3A_377 : memref<10000x144xf32, #tpu.memory_space<hbm>>) dst(%arg9 : memref<96x144xf32, #tpu.memory_space<vmem>>)
      %dma_start3A_378 = arith.constant 11 : i32
      %dma_start3A_379 = arith.constant 0 : i32
      %dma_start3A_380 = tpu.memref_slice %arg7[%dma_start3A_378, %dma_start3A_379] : memref<14x96xi32, #tpu.memory_space<vmem>> -> memref<1x96xi32, #tpu.memory_space<vmem>>
      %dma_start3A_381 = tpu.memref_squeeze %dma_start3A_380 : memref<1x96xi32, #tpu.memory_space<vmem>> -> memref<96xi32, #tpu.memory_space<vmem>>
      %dma_start3A_382 = arith.constant 0 : i32
      %dma_start3A_383 = arith.constant 0 : i32
      %dma_start3A_384 = tpu.memref_slice %arg10[%dma_start3A_382, %dma_start3A_383] : memref<10112x144xf32, #tpu.memory_space<vmem_shared>> -> memref<10112x144xf32, #tpu.memory_space<vmem_shared>>
      tpu.enqueue_indirect_dma source(%arg9 : memref<96x144xf32, #tpu.memory_space<vmem>>) target(%dma_start3A_384 : memref<10112x144xf32, #tpu.memory_space<vmem_shared>>) offsets(%dma_start3A_381 : memref<96xi32, #tpu.memory_space<vmem>>) semaphore(%arg14 : memref<!tpu.dma_semaphore, #tpu.memory_space<semaphore_mem>>) {add = true}
      %dma_wait3A_385 = arith.constant 11 : i32
      %dma_wait3A_386 = arith.constant 0 : i32
      %dma_wait3A_387 = tpu.memref_slice %arg7[%dma_wait3A_385, %dma_wait3A_386] : memref<14x96xi32, #tpu.memory_space<vmem>> -> memref<1x96xi32, #tpu.memory_space<vmem>>
      %dma_wait3A_388 = tpu.memref_squeeze %dma_wait3A_387 : memref<1x96xi32, #tpu.memory_space<vmem>> -> memref<96xi32, #tpu.memory_space<vmem>>
      %dma_wait3A_389 = arith.constant 0 : i32
      %dma_wait3A_390 = arith.constant 0 : i32
      %dma_wait3A_391 = tpu.memref_slice %arg10[%dma_wait3A_389, %dma_wait3A_390] : memref<10112x144xf32, #tpu.memory_space<vmem_shared>> -> memref<10112x144xf32, #tpu.memory_space<vmem_shared>>
      tpu.wait_indirect_dma semaphore(%arg14 : memref<!tpu.dma_semaphore, #tpu.memory_space<semaphore_mem>>) src(%arg9 : memref<96x144xf32, #tpu.memory_space<vmem>>) dst(%dma_wait3A_391 : memref<10112x144xf32, #tpu.memory_space<vmem_shared>>)
      %dma_start3A_392 = arith.constant 13 : i32
      %dma_start3A_393 = arith.constant 0 : i32
      %dma_start3A_394 = tpu.memref_slice %arg6[%dma_start3A_392, %dma_start3A_393] : memref<14x96xi32, #tpu.memory_space<vmem>> -> memref<1x96xi32, #tpu.memory_space<vmem>>
      %dma_start3A_395 = tpu.memref_squeeze %dma_start3A_394 : memref<1x96xi32, #tpu.memory_space<vmem>> -> memref<96xi32, #tpu.memory_space<vmem>>
      %dma_start3A_396 = arith.constant 0 : i32
      %dma_start3A_397 = arith.constant 0 : i32
      %dma_start3A_398 = tpu.memref_slice %arg2[%dma_start3A_396, %dma_start3A_397] : memref<10000x144xf32, #tpu.memory_space<hbm>> -> memref<10000x144xf32, #tpu.memory_space<hbm>>
      tpu.enqueue_indirect_dma source(%dma_start3A_398 : memref<10000x144xf32, #tpu.memory_space<hbm>>) target(%arg9 : memref<96x144xf32, #tpu.memory_space<vmem>>) offsets(%dma_start3A_395 : memref<96xi32, #tpu.memory_space<vmem>>) semaphore(%arg12 : memref<!tpu.dma_semaphore, #tpu.memory_space<semaphore_mem>>)
      %dma_wait3A_399 = arith.constant 12 : i32
      %dma_wait3A_400 = arith.constant 0 : i32
      %dma_wait3A_401 = tpu.memref_slice %arg6[%dma_wait3A_399, %dma_wait3A_400] : memref<14x96xi32, #tpu.memory_space<vmem>> -> memref<1x96xi32, #tpu.memory_space<vmem>>
      %dma_wait3A_402 = tpu.memref_squeeze %dma_wait3A_401 : memref<1x96xi32, #tpu.memory_space<vmem>> -> memref<96xi32, #tpu.memory_space<vmem>>
      %dma_wait3A_403 = arith.constant 0 : i32
      %dma_wait3A_404 = arith.constant 0 : i32
      %dma_wait3A_405 = tpu.memref_slice %arg2[%dma_wait3A_403, %dma_wait3A_404] : memref<10000x144xf32, #tpu.memory_space<hbm>> -> memref<10000x144xf32, #tpu.memory_space<hbm>>
      tpu.wait_indirect_dma semaphore(%arg11 : memref<!tpu.dma_semaphore, #tpu.memory_space<semaphore_mem>>) src(%dma_wait3A_405 : memref<10000x144xf32, #tpu.memory_space<hbm>>) dst(%arg8 : memref<96x144xf32, #tpu.memory_space<vmem>>)
      %dma_start3A_406 = arith.constant 12 : i32
      %dma_start3A_407 = arith.constant 0 : i32
      %dma_start3A_408 = tpu.memref_slice %arg7[%dma_start3A_406, %dma_start3A_407] : memref<14x96xi32, #tpu.memory_space<vmem>> -> memref<1x96xi32, #tpu.memory_space<vmem>>
      %dma_start3A_409 = tpu.memref_squeeze %dma_start3A_408 : memref<1x96xi32, #tpu.memory_space<vmem>> -> memref<96xi32, #tpu.memory_space<vmem>>
      %dma_start3A_410 = arith.constant 0 : i32
      %dma_start3A_411 = arith.constant 0 : i32
      %dma_start3A_412 = tpu.memref_slice %arg10[%dma_start3A_410, %dma_start3A_411] : memref<10112x144xf32, #tpu.memory_space<vmem_shared>> -> memref<10112x144xf32, #tpu.memory_space<vmem_shared>>
      tpu.enqueue_indirect_dma source(%arg8 : memref<96x144xf32, #tpu.memory_space<vmem>>) target(%dma_start3A_412 : memref<10112x144xf32, #tpu.memory_space<vmem_shared>>) offsets(%dma_start3A_409 : memref<96xi32, #tpu.memory_space<vmem>>) semaphore(%arg13 : memref<!tpu.dma_semaphore, #tpu.memory_space<semaphore_mem>>) {add = true}
      %dma_wait3A_413 = arith.constant 13 : i32
      %dma_wait3A_414 = arith.constant 0 : i32
      %dma_wait3A_415 = tpu.memref_slice %arg6[%dma_wait3A_413, %dma_wait3A_414] : memref<14x96xi32, #tpu.memory_space<vmem>> -> memref<1x96xi32, #tpu.memory_space<vmem>>
      %dma_wait3A_416 = tpu.memref_squeeze %dma_wait3A_415 : memref<1x96xi32, #tpu.memory_space<vmem>> -> memref<96xi32, #tpu.memory_space<vmem>>
      %dma_wait3A_417 = arith.constant 0 : i32
      %dma_wait3A_418 = arith.constant 0 : i32
      %dma_wait3A_419 = tpu.memref_slice %arg2[%dma_wait3A_417, %dma_wait3A_418] : memref<10000x144xf32, #tpu.memory_space<hbm>> -> memref<10000x144xf32, #tpu.memory_space<hbm>>
      tpu.wait_indirect_dma semaphore(%arg12 : memref<!tpu.dma_semaphore, #tpu.memory_space<semaphore_mem>>) src(%dma_wait3A_419 : memref<10000x144xf32, #tpu.memory_space<hbm>>) dst(%arg9 : memref<96x144xf32, #tpu.memory_space<vmem>>)
      %dma_start3A_420 = arith.constant 13 : i32
      %dma_start3A_421 = arith.constant 0 : i32
      %dma_start3A_422 = tpu.memref_slice %arg7[%dma_start3A_420, %dma_start3A_421] : memref<14x96xi32, #tpu.memory_space<vmem>> -> memref<1x96xi32, #tpu.memory_space<vmem>>
      %dma_start3A_423 = tpu.memref_squeeze %dma_start3A_422 : memref<1x96xi32, #tpu.memory_space<vmem>> -> memref<96xi32, #tpu.memory_space<vmem>>
      %dma_start3A_424 = arith.constant 0 : i32
      %dma_start3A_425 = arith.constant 0 : i32
      %dma_start3A_426 = tpu.memref_slice %arg10[%dma_start3A_424, %dma_start3A_425] : memref<10112x144xf32, #tpu.memory_space<vmem_shared>> -> memref<10112x144xf32, #tpu.memory_space<vmem_shared>>
      tpu.enqueue_indirect_dma source(%arg9 : memref<96x144xf32, #tpu.memory_space<vmem>>) target(%dma_start3A_426 : memref<10112x144xf32, #tpu.memory_space<vmem_shared>>) offsets(%dma_start3A_423 : memref<96xi32, #tpu.memory_space<vmem>>) semaphore(%arg14 : memref<!tpu.dma_semaphore, #tpu.memory_space<semaphore_mem>>) {add = true}
      %dma_wait3A_427 = arith.constant 12 : i32
      %dma_wait3A_428 = arith.constant 0 : i32
      %dma_wait3A_429 = tpu.memref_slice %arg7[%dma_wait3A_427, %dma_wait3A_428] : memref<14x96xi32, #tpu.memory_space<vmem>> -> memref<1x96xi32, #tpu.memory_space<vmem>>
      %dma_wait3A_430 = tpu.memref_squeeze %dma_wait3A_429 : memref<1x96xi32, #tpu.memory_space<vmem>> -> memref<96xi32, #tpu.memory_space<vmem>>
      %dma_wait3A_431 = arith.constant 0 : i32
      %dma_wait3A_432 = arith.constant 0 : i32
      %dma_wait3A_433 = tpu.memref_slice %arg10[%dma_wait3A_431, %dma_wait3A_432] : memref<10112x144xf32, #tpu.memory_space<vmem_shared>> -> memref<10112x144xf32, #tpu.memory_space<vmem_shared>>
      tpu.wait_indirect_dma semaphore(%arg13 : memref<!tpu.dma_semaphore, #tpu.memory_space<semaphore_mem>>) src(%arg8 : memref<96x144xf32, #tpu.memory_space<vmem>>) dst(%dma_wait3A_433 : memref<10112x144xf32, #tpu.memory_space<vmem_shared>>)
      %dma_wait3A_434 = arith.constant 13 : i32
      %dma_wait3A_435 = arith.constant 0 : i32
      %dma_wait3A_436 = tpu.memref_slice %arg7[%dma_wait3A_434, %dma_wait3A_435] : memref<14x96xi32, #tpu.memory_space<vmem>> -> memref<1x96xi32, #tpu.memory_space<vmem>>
      %dma_wait3A_437 = tpu.memref_squeeze %dma_wait3A_436 : memref<1x96xi32, #tpu.memory_space<vmem>> -> memref<96xi32, #tpu.memory_space<vmem>>
      %dma_wait3A_438 = arith.constant 0 : i32
      %dma_wait3A_439 = arith.constant 0 : i32
      %dma_wait3A_440 = tpu.memref_slice %arg10[%dma_wait3A_438, %dma_wait3A_439] : memref<10112x144xf32, #tpu.memory_space<vmem_shared>> -> memref<10112x144xf32, #tpu.memory_space<vmem_shared>>
      tpu.wait_indirect_dma semaphore(%arg14 : memref<!tpu.dma_semaphore, #tpu.memory_space<semaphore_mem>>) src(%arg9 : memref<96x144xf32, #tpu.memory_space<vmem>>) dst(%dma_wait3A_440 : memref<10112x144xf32, #tpu.memory_space<vmem_shared>>)
    }
    %while3A_43 = arith.constant 1 : i32
    scf.for %while3A_45 = %while3A_41 to %while3A_37 step %while3A_43  : i32 {
      %mul3A_46 = arith.muli %while3A_45, %while3A : i32
      %add3A_47 = arith.addi %while3A_34, %mul3A_46 : i32
      %mul3A_48 = arith.constant 14 : i32
      %mul3A_49 = arith.muli %add3A_47, %mul3A_48 : i32
      %add3A_50 = arith.addi %select_n3A_27, %mul3A_49 : i32
      "tpu.region"() ({
        %run_scoped3A = tpu.sem_alloc : memref<!tpu.dma_semaphore, #tpu.memory_space<semaphore_mem>>
        %dma_start3A_441 = arith.constant 0 : i32
        %dma_start3A_442 = tpu.memref_slice %arg3[%add3A_50, %dma_start3A_441] : memref<3360x96xi32, #tpu.memory_space<hbm>> -> memref<14x96xi32, #tpu.memory_space<hbm>>
        %dma_start3A_443 = arith.constant 0 : i32
        %dma_start3A_444 = tpu.memref_slice %arg3[%add3A_50, %dma_start3A_443] : memref<3360x96xi32, #tpu.memory_space<hbm>> -> memref<14x96xi32, #tpu.memory_space<hbm>>
        tpu.enqueue_dma source(%dma_start3A_444 : memref<14x96xi32, #tpu.memory_space<hbm>>) target(%arg6 : memref<14x96xi32, #tpu.memory_space<vmem>>) target_semaphore(%run_scoped3A : memref<!tpu.dma_semaphore, #tpu.memory_space<semaphore_mem>>)
        %dma_wait3A_445 = arith.constant 0 : i32
        %dma_wait3A_446 = tpu.memref_slice %arg3[%add3A_50, %dma_wait3A_445] : memref<3360x96xi32, #tpu.memory_space<hbm>> -> memref<14x96xi32, #tpu.memory_space<hbm>>
        %dma_wait3A_447 = arith.constant 0 : i32
        %dma_wait3A_448 = tpu.memref_slice %arg3[%add3A_50, %dma_wait3A_447] : memref<3360x96xi32, #tpu.memory_space<hbm>> -> memref<14x96xi32, #tpu.memory_space<hbm>>
        tpu.wait_dma2 semaphore(%run_scoped3A : memref<!tpu.dma_semaphore, #tpu.memory_space<semaphore_mem>>) src(%dma_wait3A_448 : memref<14x96xi32, #tpu.memory_space<hbm>>) dst(%arg6 : memref<14x96xi32, #tpu.memory_space<vmem>>)
        tpu.yield
      }) : () -> ()
      "tpu.region"() ({
        %run_scoped3A = tpu.sem_alloc : memref<!tpu.dma_semaphore, #tpu.memory_space<semaphore_mem>>
        %dma_start3A_441 = arith.constant 0 : i32
        %dma_start3A_442 = tpu.memref_slice %arg4[%add3A_50, %dma_start3A_441] : memref<3360x96xi32, #tpu.memory_space<hbm>> -> memref<14x96xi32, #tpu.memory_space<hbm>>
        %dma_start3A_443 = arith.constant 0 : i32
        %dma_start3A_444 = tpu.memref_slice %arg4[%add3A_50, %dma_start3A_443] : memref<3360x96xi32, #tpu.memory_space<hbm>> -> memref<14x96xi32, #tpu.memory_space<hbm>>
        tpu.enqueue_dma source(%dma_start3A_444 : memref<14x96xi32, #tpu.memory_space<hbm>>) target(%arg7 : memref<14x96xi32, #tpu.memory_space<vmem>>) target_semaphore(%run_scoped3A : memref<!tpu.dma_semaphore, #tpu.memory_space<semaphore_mem>>)
        %dma_wait3A_445 = arith.constant 0 : i32
        %dma_wait3A_446 = tpu.memref_slice %arg4[%add3A_50, %dma_wait3A_445] : memref<3360x96xi32, #tpu.memory_space<hbm>> -> memref<14x96xi32, #tpu.memory_space<hbm>>
        %dma_wait3A_447 = arith.constant 0 : i32
        %dma_wait3A_448 = tpu.memref_slice %arg4[%add3A_50, %dma_wait3A_447] : memref<3360x96xi32, #tpu.memory_space<hbm>> -> memref<14x96xi32, #tpu.memory_space<hbm>>
        tpu.wait_dma2 semaphore(%run_scoped3A : memref<!tpu.dma_semaphore, #tpu.memory_space<semaphore_mem>>) src(%dma_wait3A_448 : memref<14x96xi32, #tpu.memory_space<hbm>>) dst(%arg7 : memref<14x96xi32, #tpu.memory_space<vmem>>)
        tpu.yield
      }) : () -> ()
      %dma_start3A = arith.constant 0 : i32
      %dma_start3A_51 = arith.constant 0 : i32
      %dma_start3A_52 = tpu.memref_slice %arg6[%dma_start3A, %dma_start3A_51] : memref<14x96xi32, #tpu.memory_space<vmem>> -> memref<1x96xi32, #tpu.memory_space<vmem>>
      %dma_start3A_53 = tpu.memref_squeeze %dma_start3A_52 : memref<1x96xi32, #tpu.memory_space<vmem>> -> memref<96xi32, #tpu.memory_space<vmem>>
      %dma_start3A_54 = arith.constant 0 : i32
      %dma_start3A_55 = arith.constant 0 : i32
      %dma_start3A_56 = tpu.memref_slice %arg2[%dma_start3A_54, %dma_start3A_55] : memref<10000x144xf32, #tpu.memory_space<hbm>> -> memref<10000x144xf32, #tpu.memory_space<hbm>>
      tpu.enqueue_indirect_dma source(%dma_start3A_56 : memref<10000x144xf32, #tpu.memory_space<hbm>>) target(%arg8 : memref<96x144xf32, #tpu.memory_space<vmem>>) offsets(%dma_start3A_53 : memref<96xi32, #tpu.memory_space<vmem>>) semaphore(%arg11 : memref<!tpu.dma_semaphore, #tpu.memory_space<semaphore_mem>>)
      %dma_start3A_57 = arith.constant 1 : i32
      %dma_start3A_58 = arith.constant 0 : i32
      %dma_start3A_59 = tpu.memref_slice %arg6[%dma_start3A_57, %dma_start3A_58] : memref<14x96xi32, #tpu.memory_space<vmem>> -> memref<1x96xi32, #tpu.memory_space<vmem>>
      %dma_start3A_60 = tpu.memref_squeeze %dma_start3A_59 : memref<1x96xi32, #tpu.memory_space<vmem>> -> memref<96xi32, #tpu.memory_space<vmem>>
      %dma_start3A_61 = arith.constant 0 : i32
      %dma_start3A_62 = arith.constant 0 : i32
      %dma_start3A_63 = tpu.memref_slice %arg2[%dma_start3A_61, %dma_start3A_62] : memref<10000x144xf32, #tpu.memory_space<hbm>> -> memref<10000x144xf32, #tpu.memory_space<hbm>>
      tpu.enqueue_indirect_dma source(%dma_start3A_63 : memref<10000x144xf32, #tpu.memory_space<hbm>>) target(%arg9 : memref<96x144xf32, #tpu.memory_space<vmem>>) offsets(%dma_start3A_60 : memref<96xi32, #tpu.memory_space<vmem>>) semaphore(%arg12 : memref<!tpu.dma_semaphore, #tpu.memory_space<semaphore_mem>>)
      %dma_wait3A = arith.constant 0 : i32
      %dma_wait3A_64 = arith.constant 0 : i32
      %dma_wait3A_65 = tpu.memref_slice %arg6[%dma_wait3A, %dma_wait3A_64] : memref<14x96xi32, #tpu.memory_space<vmem>> -> memref<1x96xi32, #tpu.memory_space<vmem>>
      %dma_wait3A_66 = tpu.memref_squeeze %dma_wait3A_65 : memref<1x96xi32, #tpu.memory_space<vmem>> -> memref<96xi32, #tpu.memory_space<vmem>>
      %dma_wait3A_67 = arith.constant 0 : i32
      %dma_wait3A_68 = arith.constant 0 : i32
      %dma_wait3A_69 = tpu.memref_slice %arg2[%dma_wait3A_67, %dma_wait3A_68] : memref<10000x144xf32, #tpu.memory_space<hbm>> -> memref<10000x144xf32, #tpu.memory_space<hbm>>
      tpu.wait_indirect_dma semaphore(%arg11 : memref<!tpu.dma_semaphore, #tpu.memory_space<semaphore_mem>>) src(%dma_wait3A_69 : memref<10000x144xf32, #tpu.memory_space<hbm>>) dst(%arg8 : memref<96x144xf32, #tpu.memory_space<vmem>>)
      %dma_start3A_70 = arith.constant 0 : i32
      %dma_start3A_71 = arith.constant 0 : i32
      %dma_start3A_72 = tpu.memref_slice %arg7[%dma_start3A_70, %dma_start3A_71] : memref<14x96xi32, #tpu.memory_space<vmem>> -> memref<1x96xi32, #tpu.memory_space<vmem>>
      %dma_start3A_73 = tpu.memref_squeeze %dma_start3A_72 : memref<1x96xi32, #tpu.memory_space<vmem>> -> memref<96xi32, #tpu.memory_space<vmem>>
      %dma_start3A_74 = arith.constant 0 : i32
      %dma_start3A_75 = arith.constant 0 : i32
      %dma_start3A_76 = tpu.memref_slice %arg10[%dma_start3A_74, %dma_start3A_75] : memref<10112x144xf32, #tpu.memory_space<vmem_shared>> -> memref<10112x144xf32, #tpu.memory_space<vmem_shared>>
      tpu.enqueue_indirect_dma source(%arg8 : memref<96x144xf32, #tpu.memory_space<vmem>>) target(%dma_start3A_76 : memref<10112x144xf32, #tpu.memory_space<vmem_shared>>) offsets(%dma_start3A_73 : memref<96xi32, #tpu.memory_space<vmem>>) semaphore(%arg13 : memref<!tpu.dma_semaphore, #tpu.memory_space<semaphore_mem>>) {add = true}
      %dma_wait3A_77 = arith.constant 0 : i32
      %dma_wait3A_78 = arith.constant 0 : i32
      %dma_wait3A_79 = tpu.memref_slice %arg7[%dma_wait3A_77, %dma_wait3A_78] : memref<14x96xi32, #tpu.memory_space<vmem>> -> memref<1x96xi32, #tpu.memory_space<vmem>>
      %dma_wait3A_80 = tpu.memref_squeeze %dma_wait3A_79 : memref<1x96xi32, #tpu.memory_space<vmem>> -> memref<96xi32, #tpu.memory_space<vmem>>
      %dma_wait3A_81 = arith.constant 0 : i32
      %dma_wait3A_82 = arith.constant 0 : i32
      %dma_wait3A_83 = tpu.memref_slice %arg10[%dma_wait3A_81, %dma_wait3A_82] : memref<10112x144xf32, #tpu.memory_space<vmem_shared>> -> memref<10112x144xf32, #tpu.memory_space<vmem_shared>>
      tpu.wait_indirect_dma semaphore(%arg13 : memref<!tpu.dma_semaphore, #tpu.memory_space<semaphore_mem>>) src(%arg8 : memref<96x144xf32, #tpu.memory_space<vmem>>) dst(%dma_wait3A_83 : memref<10112x144xf32, #tpu.memory_space<vmem_shared>>)
      %dma_start3A_84 = arith.constant 2 : i32
      %dma_start3A_85 = arith.constant 0 : i32
      %dma_start3A_86 = tpu.memref_slice %arg6[%dma_start3A_84, %dma_start3A_85] : memref<14x96xi32, #tpu.memory_space<vmem>> -> memref<1x96xi32, #tpu.memory_space<vmem>>
      %dma_start3A_87 = tpu.memref_squeeze %dma_start3A_86 : memref<1x96xi32, #tpu.memory_space<vmem>> -> memref<96xi32, #tpu.memory_space<vmem>>
      %dma_start3A_88 = arith.constant 0 : i32
      %dma_start3A_89 = arith.constant 0 : i32
      %dma_start3A_90 = tpu.memref_slice %arg2[%dma_start3A_88, %dma_start3A_89] : memref<10000x144xf32, #tpu.memory_space<hbm>> -> memref<10000x144xf32, #tpu.memory_space<hbm>>
      tpu.enqueue_indirect_dma source(%dma_start3A_90 : memref<10000x144xf32, #tpu.memory_space<hbm>>) target(%arg8 : memref<96x144xf32, #tpu.memory_space<vmem>>) offsets(%dma_start3A_87 : memref<96xi32, #tpu.memory_space<vmem>>) semaphore(%arg11 : memref<!tpu.dma_semaphore, #tpu.memory_space<semaphore_mem>>)
      %dma_wait3A_91 = arith.constant 1 : i32
      %dma_wait3A_92 = arith.constant 0 : i32
      %dma_wait3A_93 = tpu.memref_slice %arg6[%dma_wait3A_91, %dma_wait3A_92] : memref<14x96xi32, #tpu.memory_space<vmem>> -> memref<1x96xi32, #tpu.memory_space<vmem>>
      %dma_wait3A_94 = tpu.memref_squeeze %dma_wait3A_93 : memref<1x96xi32, #tpu.memory_space<vmem>> -> memref<96xi32, #tpu.memory_space<vmem>>
      %dma_wait3A_95 = arith.constant 0 : i32
      %dma_wait3A_96 = arith.constant 0 : i32
      %dma_wait3A_97 = tpu.memref_slice %arg2[%dma_wait3A_95, %dma_wait3A_96] : memref<10000x144xf32, #tpu.memory_space<hbm>> -> memref<10000x144xf32, #tpu.memory_space<hbm>>
      tpu.wait_indirect_dma semaphore(%arg12 : memref<!tpu.dma_semaphore, #tpu.memory_space<semaphore_mem>>) src(%dma_wait3A_97 : memref<10000x144xf32, #tpu.memory_space<hbm>>) dst(%arg9 : memref<96x144xf32, #tpu.memory_space<vmem>>)
      %dma_start3A_98 = arith.constant 1 : i32
      %dma_start3A_99 = arith.constant 0 : i32
      %dma_start3A_100 = tpu.memref_slice %arg7[%dma_start3A_98, %dma_start3A_99] : memref<14x96xi32, #tpu.memory_space<vmem>> -> memref<1x96xi32, #tpu.memory_space<vmem>>
      %dma_start3A_101 = tpu.memref_squeeze %dma_start3A_100 : memref<1x96xi32, #tpu.memory_space<vmem>> -> memref<96xi32, #tpu.memory_space<vmem>>
      %dma_start3A_102 = arith.constant 0 : i32
      %dma_start3A_103 = arith.constant 0 : i32
      %dma_start3A_104 = tpu.memref_slice %arg10[%dma_start3A_102, %dma_start3A_103] : memref<10112x144xf32, #tpu.memory_space<vmem_shared>> -> memref<10112x144xf32, #tpu.memory_space<vmem_shared>>
      tpu.enqueue_indirect_dma source(%arg9 : memref<96x144xf32, #tpu.memory_space<vmem>>) target(%dma_start3A_104 : memref<10112x144xf32, #tpu.memory_space<vmem_shared>>) offsets(%dma_start3A_101 : memref<96xi32, #tpu.memory_space<vmem>>) semaphore(%arg14 : memref<!tpu.dma_semaphore, #tpu.memory_space<semaphore_mem>>) {add = true}
      %dma_wait3A_105 = arith.constant 1 : i32
      %dma_wait3A_106 = arith.constant 0 : i32
      %dma_wait3A_107 = tpu.memref_slice %arg7[%dma_wait3A_105, %dma_wait3A_106] : memref<14x96xi32, #tpu.memory_space<vmem>> -> memref<1x96xi32, #tpu.memory_space<vmem>>
      %dma_wait3A_108 = tpu.memref_squeeze %dma_wait3A_107 : memref<1x96xi32, #tpu.memory_space<vmem>> -> memref<96xi32, #tpu.memory_space<vmem>>
      %dma_wait3A_109 = arith.constant 0 : i32
      %dma_wait3A_110 = arith.constant 0 : i32
      %dma_wait3A_111 = tpu.memref_slice %arg10[%dma_wait3A_109, %dma_wait3A_110] : memref<10112x144xf32, #tpu.memory_space<vmem_shared>> -> memref<10112x144xf32, #tpu.memory_space<vmem_shared>>
      tpu.wait_indirect_dma semaphore(%arg14 : memref<!tpu.dma_semaphore, #tpu.memory_space<semaphore_mem>>) src(%arg9 : memref<96x144xf32, #tpu.memory_space<vmem>>) dst(%dma_wait3A_111 : memref<10112x144xf32, #tpu.memory_space<vmem_shared>>)
      %dma_start3A_112 = arith.constant 3 : i32
      %dma_start3A_113 = arith.constant 0 : i32
      %dma_start3A_114 = tpu.memref_slice %arg6[%dma_start3A_112, %dma_start3A_113] : memref<14x96xi32, #tpu.memory_space<vmem>> -> memref<1x96xi32, #tpu.memory_space<vmem>>
      %dma_start3A_115 = tpu.memref_squeeze %dma_start3A_114 : memref<1x96xi32, #tpu.memory_space<vmem>> -> memref<96xi32, #tpu.memory_space<vmem>>
      %dma_start3A_116 = arith.constant 0 : i32
      %dma_start3A_117 = arith.constant 0 : i32
      %dma_start3A_118 = tpu.memref_slice %arg2[%dma_start3A_116, %dma_start3A_117] : memref<10000x144xf32, #tpu.memory_space<hbm>> -> memref<10000x144xf32, #tpu.memory_space<hbm>>
      tpu.enqueue_indirect_dma source(%dma_start3A_118 : memref<10000x144xf32, #tpu.memory_space<hbm>>) target(%arg9 : memref<96x144xf32, #tpu.memory_space<vmem>>) offsets(%dma_start3A_115 : memref<96xi32, #tpu.memory_space<vmem>>) semaphore(%arg12 : memref<!tpu.dma_semaphore, #tpu.memory_space<semaphore_mem>>)
      %dma_wait3A_119 = arith.constant 2 : i32
      %dma_wait3A_120 = arith.constant 0 : i32
      %dma_wait3A_121 = tpu.memref_slice %arg6[%dma_wait3A_119, %dma_wait3A_120] : memref<14x96xi32, #tpu.memory_space<vmem>> -> memref<1x96xi32, #tpu.memory_space<vmem>>
      %dma_wait3A_122 = tpu.memref_squeeze %dma_wait3A_121 : memref<1x96xi32, #tpu.memory_space<vmem>> -> memref<96xi32, #tpu.memory_space<vmem>>
      %dma_wait3A_123 = arith.constant 0 : i32
      %dma_wait3A_124 = arith.constant 0 : i32
      %dma_wait3A_125 = tpu.memref_slice %arg2[%dma_wait3A_123, %dma_wait3A_124] : memref<10000x144xf32, #tpu.memory_space<hbm>> -> memref<10000x144xf32, #tpu.memory_space<hbm>>
      tpu.wait_indirect_dma semaphore(%arg11 : memref<!tpu.dma_semaphore, #tpu.memory_space<semaphore_mem>>) src(%dma_wait3A_125 : memref<10000x144xf32, #tpu.memory_space<hbm>>) dst(%arg8 : memref<96x144xf32, #tpu.memory_space<vmem>>)
      %dma_start3A_126 = arith.constant 2 : i32
      %dma_start3A_127 = arith.constant 0 : i32
      %dma_start3A_128 = tpu.memref_slice %arg7[%dma_start3A_126, %dma_start3A_127] : memref<14x96xi32, #tpu.memory_space<vmem>> -> memref<1x96xi32, #tpu.memory_space<vmem>>
      %dma_start3A_129 = tpu.memref_squeeze %dma_start3A_128 : memref<1x96xi32, #tpu.memory_space<vmem>> -> memref<96xi32, #tpu.memory_space<vmem>>
      %dma_start3A_130 = arith.constant 0 : i32
      %dma_start3A_131 = arith.constant 0 : i32
      %dma_start3A_132 = tpu.memref_slice %arg10[%dma_start3A_130, %dma_start3A_131] : memref<10112x144xf32, #tpu.memory_space<vmem_shared>> -> memref<10112x144xf32, #tpu.memory_space<vmem_shared>>
      tpu.enqueue_indirect_dma source(%arg8 : memref<96x144xf32, #tpu.memory_space<vmem>>) target(%dma_start3A_132 : memref<10112x144xf32, #tpu.memory_space<vmem_shared>>) offsets(%dma_start3A_129 : memref<96xi32, #tpu.memory_space<vmem>>) semaphore(%arg13 : memref<!tpu.dma_semaphore, #tpu.memory_space<semaphore_mem>>) {add = true}
      %dma_wait3A_133 = arith.constant 2 : i32
      %dma_wait3A_134 = arith.constant 0 : i32
      %dma_wait3A_135 = tpu.memref_slice %arg7[%dma_wait3A_133, %dma_wait3A_134] : memref<14x96xi32, #tpu.memory_space<vmem>> -> memref<1x96xi32, #tpu.memory_space<vmem>>
      %dma_wait3A_136 = tpu.memref_squeeze %dma_wait3A_135 : memref<1x96xi32, #tpu.memory_space<vmem>> -> memref<96xi32, #tpu.memory_space<vmem>>
      %dma_wait3A_137 = arith.constant 0 : i32
      %dma_wait3A_138 = arith.constant 0 : i32
      %dma_wait3A_139 = tpu.memref_slice %arg10[%dma_wait3A_137, %dma_wait3A_138] : memref<10112x144xf32, #tpu.memory_space<vmem_shared>> -> memref<10112x144xf32, #tpu.memory_space<vmem_shared>>
      tpu.wait_indirect_dma semaphore(%arg13 : memref<!tpu.dma_semaphore, #tpu.memory_space<semaphore_mem>>) src(%arg8 : memref<96x144xf32, #tpu.memory_space<vmem>>) dst(%dma_wait3A_139 : memref<10112x144xf32, #tpu.memory_space<vmem_shared>>)
      %dma_start3A_140 = arith.constant 4 : i32
      %dma_start3A_141 = arith.constant 0 : i32
      %dma_start3A_142 = tpu.memref_slice %arg6[%dma_start3A_140, %dma_start3A_141] : memref<14x96xi32, #tpu.memory_space<vmem>> -> memref<1x96xi32, #tpu.memory_space<vmem>>
      %dma_start3A_143 = tpu.memref_squeeze %dma_start3A_142 : memref<1x96xi32, #tpu.memory_space<vmem>> -> memref<96xi32, #tpu.memory_space<vmem>>
      %dma_start3A_144 = arith.constant 0 : i32
      %dma_start3A_145 = arith.constant 0 : i32
      %dma_start3A_146 = tpu.memref_slice %arg2[%dma_start3A_144, %dma_start3A_145] : memref<10000x144xf32, #tpu.memory_space<hbm>> -> memref<10000x144xf32, #tpu.memory_space<hbm>>
      tpu.enqueue_indirect_dma source(%dma_start3A_146 : memref<10000x144xf32, #tpu.memory_space<hbm>>) target(%arg8 : memref<96x144xf32, #tpu.memory_space<vmem>>) offsets(%dma_start3A_143 : memref<96xi32, #tpu.memory_space<vmem>>) semaphore(%arg11 : memref<!tpu.dma_semaphore, #tpu.memory_space<semaphore_mem>>)
      %dma_wait3A_147 = arith.constant 3 : i32
      %dma_wait3A_148 = arith.constant 0 : i32
      %dma_wait3A_149 = tpu.memref_slice %arg6[%dma_wait3A_147, %dma_wait3A_148] : memref<14x96xi32, #tpu.memory_space<vmem>> -> memref<1x96xi32, #tpu.memory_space<vmem>>
      %dma_wait3A_150 = tpu.memref_squeeze %dma_wait3A_149 : memref<1x96xi32, #tpu.memory_space<vmem>> -> memref<96xi32, #tpu.memory_space<vmem>>
      %dma_wait3A_151 = arith.constant 0 : i32
      %dma_wait3A_152 = arith.constant 0 : i32
      %dma_wait3A_153 = tpu.memref_slice %arg2[%dma_wait3A_151, %dma_wait3A_152] : memref<10000x144xf32, #tpu.memory_space<hbm>> -> memref<10000x144xf32, #tpu.memory_space<hbm>>
      tpu.wait_indirect_dma semaphore(%arg12 : memref<!tpu.dma_semaphore, #tpu.memory_space<semaphore_mem>>) src(%dma_wait3A_153 : memref<10000x144xf32, #tpu.memory_space<hbm>>) dst(%arg9 : memref<96x144xf32, #tpu.memory_space<vmem>>)
      %dma_start3A_154 = arith.constant 3 : i32
      %dma_start3A_155 = arith.constant 0 : i32
      %dma_start3A_156 = tpu.memref_slice %arg7[%dma_start3A_154, %dma_start3A_155] : memref<14x96xi32, #tpu.memory_space<vmem>> -> memref<1x96xi32, #tpu.memory_space<vmem>>
      %dma_start3A_157 = tpu.memref_squeeze %dma_start3A_156 : memref<1x96xi32, #tpu.memory_space<vmem>> -> memref<96xi32, #tpu.memory_space<vmem>>
      %dma_start3A_158 = arith.constant 0 : i32
      %dma_start3A_159 = arith.constant 0 : i32
      %dma_start3A_160 = tpu.memref_slice %arg10[%dma_start3A_158, %dma_start3A_159] : memref<10112x144xf32, #tpu.memory_space<vmem_shared>> -> memref<10112x144xf32, #tpu.memory_space<vmem_shared>>
      tpu.enqueue_indirect_dma source(%arg9 : memref<96x144xf32, #tpu.memory_space<vmem>>) target(%dma_start3A_160 : memref<10112x144xf32, #tpu.memory_space<vmem_shared>>) offsets(%dma_start3A_157 : memref<96xi32, #tpu.memory_space<vmem>>) semaphore(%arg14 : memref<!tpu.dma_semaphore, #tpu.memory_space<semaphore_mem>>) {add = true}
      %dma_wait3A_161 = arith.constant 3 : i32
      %dma_wait3A_162 = arith.constant 0 : i32
      %dma_wait3A_163 = tpu.memref_slice %arg7[%dma_wait3A_161, %dma_wait3A_162] : memref<14x96xi32, #tpu.memory_space<vmem>> -> memref<1x96xi32, #tpu.memory_space<vmem>>
      %dma_wait3A_164 = tpu.memref_squeeze %dma_wait3A_163 : memref<1x96xi32, #tpu.memory_space<vmem>> -> memref<96xi32, #tpu.memory_space<vmem>>
      %dma_wait3A_165 = arith.constant 0 : i32
      %dma_wait3A_166 = arith.constant 0 : i32
      %dma_wait3A_167 = tpu.memref_slice %arg10[%dma_wait3A_165, %dma_wait3A_166] : memref<10112x144xf32, #tpu.memory_space<vmem_shared>> -> memref<10112x144xf32, #tpu.memory_space<vmem_shared>>
      tpu.wait_indirect_dma semaphore(%arg14 : memref<!tpu.dma_semaphore, #tpu.memory_space<semaphore_mem>>) src(%arg9 : memref<96x144xf32, #tpu.memory_space<vmem>>) dst(%dma_wait3A_167 : memref<10112x144xf32, #tpu.memory_space<vmem_shared>>)
      %dma_start3A_168 = arith.constant 5 : i32
      %dma_start3A_169 = arith.constant 0 : i32
      %dma_start3A_170 = tpu.memref_slice %arg6[%dma_start3A_168, %dma_start3A_169] : memref<14x96xi32, #tpu.memory_space<vmem>> -> memref<1x96xi32, #tpu.memory_space<vmem>>
      %dma_start3A_171 = tpu.memref_squeeze %dma_start3A_170 : memref<1x96xi32, #tpu.memory_space<vmem>> -> memref<96xi32, #tpu.memory_space<vmem>>
      %dma_start3A_172 = arith.constant 0 : i32
      %dma_start3A_173 = arith.constant 0 : i32
      %dma_start3A_174 = tpu.memref_slice %arg2[%dma_start3A_172, %dma_start3A_173] : memref<10000x144xf32, #tpu.memory_space<hbm>> -> memref<10000x144xf32, #tpu.memory_space<hbm>>
      tpu.enqueue_indirect_dma source(%dma_start3A_174 : memref<10000x144xf32, #tpu.memory_space<hbm>>) target(%arg9 : memref<96x144xf32, #tpu.memory_space<vmem>>) offsets(%dma_start3A_171 : memref<96xi32, #tpu.memory_space<vmem>>) semaphore(%arg12 : memref<!tpu.dma_semaphore, #tpu.memory_space<semaphore_mem>>)
      %dma_wait3A_175 = arith.constant 4 : i32
      %dma_wait3A_176 = arith.constant 0 : i32
      %dma_wait3A_177 = tpu.memref_slice %arg6[%dma_wait3A_175, %dma_wait3A_176] : memref<14x96xi32, #tpu.memory_space<vmem>> -> memref<1x96xi32, #tpu.memory_space<vmem>>
      %dma_wait3A_178 = tpu.memref_squeeze %dma_wait3A_177 : memref<1x96xi32, #tpu.memory_space<vmem>> -> memref<96xi32, #tpu.memory_space<vmem>>
      %dma_wait3A_179 = arith.constant 0 : i32
      %dma_wait3A_180 = arith.constant 0 : i32
      %dma_wait3A_181 = tpu.memref_slice %arg2[%dma_wait3A_179, %dma_wait3A_180] : memref<10000x144xf32, #tpu.memory_space<hbm>> -> memref<10000x144xf32, #tpu.memory_space<hbm>>
      tpu.wait_indirect_dma semaphore(%arg11 : memref<!tpu.dma_semaphore, #tpu.memory_space<semaphore_mem>>) src(%dma_wait3A_181 : memref<10000x144xf32, #tpu.memory_space<hbm>>) dst(%arg8 : memref<96x144xf32, #tpu.memory_space<vmem>>)
      %dma_start3A_182 = arith.constant 4 : i32
      %dma_start3A_183 = arith.constant 0 : i32
      %dma_start3A_184 = tpu.memref_slice %arg7[%dma_start3A_182, %dma_start3A_183] : memref<14x96xi32, #tpu.memory_space<vmem>> -> memref<1x96xi32, #tpu.memory_space<vmem>>
      %dma_start3A_185 = tpu.memref_squeeze %dma_start3A_184 : memref<1x96xi32, #tpu.memory_space<vmem>> -> memref<96xi32, #tpu.memory_space<vmem>>
      %dma_start3A_186 = arith.constant 0 : i32
      %dma_start3A_187 = arith.constant 0 : i32
      %dma_start3A_188 = tpu.memref_slice %arg10[%dma_start3A_186, %dma_start3A_187] : memref<10112x144xf32, #tpu.memory_space<vmem_shared>> -> memref<10112x144xf32, #tpu.memory_space<vmem_shared>>
      tpu.enqueue_indirect_dma source(%arg8 : memref<96x144xf32, #tpu.memory_space<vmem>>) target(%dma_start3A_188 : memref<10112x144xf32, #tpu.memory_space<vmem_shared>>) offsets(%dma_start3A_185 : memref<96xi32, #tpu.memory_space<vmem>>) semaphore(%arg13 : memref<!tpu.dma_semaphore, #tpu.memory_space<semaphore_mem>>) {add = true}
      %dma_wait3A_189 = arith.constant 4 : i32
      %dma_wait3A_190 = arith.constant 0 : i32
      %dma_wait3A_191 = tpu.memref_slice %arg7[%dma_wait3A_189, %dma_wait3A_190] : memref<14x96xi32, #tpu.memory_space<vmem>> -> memref<1x96xi32, #tpu.memory_space<vmem>>
      %dma_wait3A_192 = tpu.memref_squeeze %dma_wait3A_191 : memref<1x96xi32, #tpu.memory_space<vmem>> -> memref<96xi32, #tpu.memory_space<vmem>>
      %dma_wait3A_193 = arith.constant 0 : i32
      %dma_wait3A_194 = arith.constant 0 : i32
      %dma_wait3A_195 = tpu.memref_slice %arg10[%dma_wait3A_193, %dma_wait3A_194] : memref<10112x144xf32, #tpu.memory_space<vmem_shared>> -> memref<10112x144xf32, #tpu.memory_space<vmem_shared>>
      tpu.wait_indirect_dma semaphore(%arg13 : memref<!tpu.dma_semaphore, #tpu.memory_space<semaphore_mem>>) src(%arg8 : memref<96x144xf32, #tpu.memory_space<vmem>>) dst(%dma_wait3A_195 : memref<10112x144xf32, #tpu.memory_space<vmem_shared>>)
      %dma_start3A_196 = arith.constant 6 : i32
      %dma_start3A_197 = arith.constant 0 : i32
      %dma_start3A_198 = tpu.memref_slice %arg6[%dma_start3A_196, %dma_start3A_197] : memref<14x96xi32, #tpu.memory_space<vmem>> -> memref<1x96xi32, #tpu.memory_space<vmem>>
      %dma_start3A_199 = tpu.memref_squeeze %dma_start3A_198 : memref<1x96xi32, #tpu.memory_space<vmem>> -> memref<96xi32, #tpu.memory_space<vmem>>
      %dma_start3A_200 = arith.constant 0 : i32
      %dma_start3A_201 = arith.constant 0 : i32
      %dma_start3A_202 = tpu.memref_slice %arg2[%dma_start3A_200, %dma_start3A_201] : memref<10000x144xf32, #tpu.memory_space<hbm>> -> memref<10000x144xf32, #tpu.memory_space<hbm>>
      tpu.enqueue_indirect_dma source(%dma_start3A_202 : memref<10000x144xf32, #tpu.memory_space<hbm>>) target(%arg8 : memref<96x144xf32, #tpu.memory_space<vmem>>) offsets(%dma_start3A_199 : memref<96xi32, #tpu.memory_space<vmem>>) semaphore(%arg11 : memref<!tpu.dma_semaphore, #tpu.memory_space<semaphore_mem>>)
      %dma_wait3A_203 = arith.constant 5 : i32
      %dma_wait3A_204 = arith.constant 0 : i32
      %dma_wait3A_205 = tpu.memref_slice %arg6[%dma_wait3A_203, %dma_wait3A_204] : memref<14x96xi32, #tpu.memory_space<vmem>> -> memref<1x96xi32, #tpu.memory_space<vmem>>
      %dma_wait3A_206 = tpu.memref_squeeze %dma_wait3A_205 : memref<1x96xi32, #tpu.memory_space<vmem>> -> memref<96xi32, #tpu.memory_space<vmem>>
      %dma_wait3A_207 = arith.constant 0 : i32
      %dma_wait3A_208 = arith.constant 0 : i32
      %dma_wait3A_209 = tpu.memref_slice %arg2[%dma_wait3A_207, %dma_wait3A_208] : memref<10000x144xf32, #tpu.memory_space<hbm>> -> memref<10000x144xf32, #tpu.memory_space<hbm>>
      tpu.wait_indirect_dma semaphore(%arg12 : memref<!tpu.dma_semaphore, #tpu.memory_space<semaphore_mem>>) src(%dma_wait3A_209 : memref<10000x144xf32, #tpu.memory_space<hbm>>) dst(%arg9 : memref<96x144xf32, #tpu.memory_space<vmem>>)
      %dma_start3A_210 = arith.constant 5 : i32
      %dma_start3A_211 = arith.constant 0 : i32
      %dma_start3A_212 = tpu.memref_slice %arg7[%dma_start3A_210, %dma_start3A_211] : memref<14x96xi32, #tpu.memory_space<vmem>> -> memref<1x96xi32, #tpu.memory_space<vmem>>
      %dma_start3A_213 = tpu.memref_squeeze %dma_start3A_212 : memref<1x96xi32, #tpu.memory_space<vmem>> -> memref<96xi32, #tpu.memory_space<vmem>>
      %dma_start3A_214 = arith.constant 0 : i32
      %dma_start3A_215 = arith.constant 0 : i32
      %dma_start3A_216 = tpu.memref_slice %arg10[%dma_start3A_214, %dma_start3A_215] : memref<10112x144xf32, #tpu.memory_space<vmem_shared>> -> memref<10112x144xf32, #tpu.memory_space<vmem_shared>>
      tpu.enqueue_indirect_dma source(%arg9 : memref<96x144xf32, #tpu.memory_space<vmem>>) target(%dma_start3A_216 : memref<10112x144xf32, #tpu.memory_space<vmem_shared>>) offsets(%dma_start3A_213 : memref<96xi32, #tpu.memory_space<vmem>>) semaphore(%arg14 : memref<!tpu.dma_semaphore, #tpu.memory_space<semaphore_mem>>) {add = true}
      %dma_wait3A_217 = arith.constant 5 : i32
      %dma_wait3A_218 = arith.constant 0 : i32
      %dma_wait3A_219 = tpu.memref_slice %arg7[%dma_wait3A_217, %dma_wait3A_218] : memref<14x96xi32, #tpu.memory_space<vmem>> -> memref<1x96xi32, #tpu.memory_space<vmem>>
      %dma_wait3A_220 = tpu.memref_squeeze %dma_wait3A_219 : memref<1x96xi32, #tpu.memory_space<vmem>> -> memref<96xi32, #tpu.memory_space<vmem>>
      %dma_wait3A_221 = arith.constant 0 : i32
      %dma_wait3A_222 = arith.constant 0 : i32
      %dma_wait3A_223 = tpu.memref_slice %arg10[%dma_wait3A_221, %dma_wait3A_222] : memref<10112x144xf32, #tpu.memory_space<vmem_shared>> -> memref<10112x144xf32, #tpu.memory_space<vmem_shared>>
      tpu.wait_indirect_dma semaphore(%arg14 : memref<!tpu.dma_semaphore, #tpu.memory_space<semaphore_mem>>) src(%arg9 : memref<96x144xf32, #tpu.memory_space<vmem>>) dst(%dma_wait3A_223 : memref<10112x144xf32, #tpu.memory_space<vmem_shared>>)
      %dma_start3A_224 = arith.constant 7 : i32
      %dma_start3A_225 = arith.constant 0 : i32
      %dma_start3A_226 = tpu.memref_slice %arg6[%dma_start3A_224, %dma_start3A_225] : memref<14x96xi32, #tpu.memory_space<vmem>> -> memref<1x96xi32, #tpu.memory_space<vmem>>
      %dma_start3A_227 = tpu.memref_squeeze %dma_start3A_226 : memref<1x96xi32, #tpu.memory_space<vmem>> -> memref<96xi32, #tpu.memory_space<vmem>>
      %dma_start3A_228 = arith.constant 0 : i32
      %dma_start3A_229 = arith.constant 0 : i32
      %dma_start3A_230 = tpu.memref_slice %arg2[%dma_start3A_228, %dma_start3A_229] : memref<10000x144xf32, #tpu.memory_space<hbm>> -> memref<10000x144xf32, #tpu.memory_space<hbm>>
      tpu.enqueue_indirect_dma source(%dma_start3A_230 : memref<10000x144xf32, #tpu.memory_space<hbm>>) target(%arg9 : memref<96x144xf32, #tpu.memory_space<vmem>>) offsets(%dma_start3A_227 : memref<96xi32, #tpu.memory_space<vmem>>) semaphore(%arg12 : memref<!tpu.dma_semaphore, #tpu.memory_space<semaphore_mem>>)
      %dma_wait3A_231 = arith.constant 6 : i32
      %dma_wait3A_232 = arith.constant 0 : i32
      %dma_wait3A_233 = tpu.memref_slice %arg6[%dma_wait3A_231, %dma_wait3A_232] : memref<14x96xi32, #tpu.memory_space<vmem>> -> memref<1x96xi32, #tpu.memory_space<vmem>>
      %dma_wait3A_234 = tpu.memref_squeeze %dma_wait3A_233 : memref<1x96xi32, #tpu.memory_space<vmem>> -> memref<96xi32, #tpu.memory_space<vmem>>
      %dma_wait3A_235 = arith.constant 0 : i32
      %dma_wait3A_236 = arith.constant 0 : i32
      %dma_wait3A_237 = tpu.memref_slice %arg2[%dma_wait3A_235, %dma_wait3A_236] : memref<10000x144xf32, #tpu.memory_space<hbm>> -> memref<10000x144xf32, #tpu.memory_space<hbm>>
      tpu.wait_indirect_dma semaphore(%arg11 : memref<!tpu.dma_semaphore, #tpu.memory_space<semaphore_mem>>) src(%dma_wait3A_237 : memref<10000x144xf32, #tpu.memory_space<hbm>>) dst(%arg8 : memref<96x144xf32, #tpu.memory_space<vmem>>)
      %dma_start3A_238 = arith.constant 6 : i32
      %dma_start3A_239 = arith.constant 0 : i32
      %dma_start3A_240 = tpu.memref_slice %arg7[%dma_start3A_238, %dma_start3A_239] : memref<14x96xi32, #tpu.memory_space<vmem>> -> memref<1x96xi32, #tpu.memory_space<vmem>>
      %dma_start3A_241 = tpu.memref_squeeze %dma_start3A_240 : memref<1x96xi32, #tpu.memory_space<vmem>> -> memref<96xi32, #tpu.memory_space<vmem>>
      %dma_start3A_242 = arith.constant 0 : i32
      %dma_start3A_243 = arith.constant 0 : i32
      %dma_start3A_244 = tpu.memref_slice %arg10[%dma_start3A_242, %dma_start3A_243] : memref<10112x144xf32, #tpu.memory_space<vmem_shared>> -> memref<10112x144xf32, #tpu.memory_space<vmem_shared>>
      tpu.enqueue_indirect_dma source(%arg8 : memref<96x144xf32, #tpu.memory_space<vmem>>) target(%dma_start3A_244 : memref<10112x144xf32, #tpu.memory_space<vmem_shared>>) offsets(%dma_start3A_241 : memref<96xi32, #tpu.memory_space<vmem>>) semaphore(%arg13 : memref<!tpu.dma_semaphore, #tpu.memory_space<semaphore_mem>>) {add = true}
      %dma_wait3A_245 = arith.constant 6 : i32
      %dma_wait3A_246 = arith.constant 0 : i32
      %dma_wait3A_247 = tpu.memref_slice %arg7[%dma_wait3A_245, %dma_wait3A_246] : memref<14x96xi32, #tpu.memory_space<vmem>> -> memref<1x96xi32, #tpu.memory_space<vmem>>
      %dma_wait3A_248 = tpu.memref_squeeze %dma_wait3A_247 : memref<1x96xi32, #tpu.memory_space<vmem>> -> memref<96xi32, #tpu.memory_space<vmem>>
      %dma_wait3A_249 = arith.constant 0 : i32
      %dma_wait3A_250 = arith.constant 0 : i32
      %dma_wait3A_251 = tpu.memref_slice %arg10[%dma_wait3A_249, %dma_wait3A_250] : memref<10112x144xf32, #tpu.memory_space<vmem_shared>> -> memref<10112x144xf32, #tpu.memory_space<vmem_shared>>
      tpu.wait_indirect_dma semaphore(%arg13 : memref<!tpu.dma_semaphore, #tpu.memory_space<semaphore_mem>>) src(%arg8 : memref<96x144xf32, #tpu.memory_space<vmem>>) dst(%dma_wait3A_251 : memref<10112x144xf32, #tpu.memory_space<vmem_shared>>)
      %dma_start3A_252 = arith.constant 8 : i32
      %dma_start3A_253 = arith.constant 0 : i32
      %dma_start3A_254 = tpu.memref_slice %arg6[%dma_start3A_252, %dma_start3A_253] : memref<14x96xi32, #tpu.memory_space<vmem>> -> memref<1x96xi32, #tpu.memory_space<vmem>>
      %dma_start3A_255 = tpu.memref_squeeze %dma_start3A_254 : memref<1x96xi32, #tpu.memory_space<vmem>> -> memref<96xi32, #tpu.memory_space<vmem>>
      %dma_start3A_256 = arith.constant 0 : i32
      %dma_start3A_257 = arith.constant 0 : i32
      %dma_start3A_258 = tpu.memref_slice %arg2[%dma_start3A_256, %dma_start3A_257] : memref<10000x144xf32, #tpu.memory_space<hbm>> -> memref<10000x144xf32, #tpu.memory_space<hbm>>
      tpu.enqueue_indirect_dma source(%dma_start3A_258 : memref<10000x144xf32, #tpu.memory_space<hbm>>) target(%arg8 : memref<96x144xf32, #tpu.memory_space<vmem>>) offsets(%dma_start3A_255 : memref<96xi32, #tpu.memory_space<vmem>>) semaphore(%arg11 : memref<!tpu.dma_semaphore, #tpu.memory_space<semaphore_mem>>)
      %dma_wait3A_259 = arith.constant 7 : i32
      %dma_wait3A_260 = arith.constant 0 : i32
      %dma_wait3A_261 = tpu.memref_slice %arg6[%dma_wait3A_259, %dma_wait3A_260] : memref<14x96xi32, #tpu.memory_space<vmem>> -> memref<1x96xi32, #tpu.memory_space<vmem>>
      %dma_wait3A_262 = tpu.memref_squeeze %dma_wait3A_261 : memref<1x96xi32, #tpu.memory_space<vmem>> -> memref<96xi32, #tpu.memory_space<vmem>>
      %dma_wait3A_263 = arith.constant 0 : i32
      %dma_wait3A_264 = arith.constant 0 : i32
      %dma_wait3A_265 = tpu.memref_slice %arg2[%dma_wait3A_263, %dma_wait3A_264] : memref<10000x144xf32, #tpu.memory_space<hbm>> -> memref<10000x144xf32, #tpu.memory_space<hbm>>
      tpu.wait_indirect_dma semaphore(%arg12 : memref<!tpu.dma_semaphore, #tpu.memory_space<semaphore_mem>>) src(%dma_wait3A_265 : memref<10000x144xf32, #tpu.memory_space<hbm>>) dst(%arg9 : memref<96x144xf32, #tpu.memory_space<vmem>>)
      %dma_start3A_266 = arith.constant 7 : i32
      %dma_start3A_267 = arith.constant 0 : i32
      %dma_start3A_268 = tpu.memref_slice %arg7[%dma_start3A_266, %dma_start3A_267] : memref<14x96xi32, #tpu.memory_space<vmem>> -> memref<1x96xi32, #tpu.memory_space<vmem>>
      %dma_start3A_269 = tpu.memref_squeeze %dma_start3A_268 : memref<1x96xi32, #tpu.memory_space<vmem>> -> memref<96xi32, #tpu.memory_space<vmem>>
      %dma_start3A_270 = arith.constant 0 : i32
      %dma_start3A_271 = arith.constant 0 : i32
      %dma_start3A_272 = tpu.memref_slice %arg10[%dma_start3A_270, %dma_start3A_271] : memref<10112x144xf32, #tpu.memory_space<vmem_shared>> -> memref<10112x144xf32, #tpu.memory_space<vmem_shared>>
      tpu.enqueue_indirect_dma source(%arg9 : memref<96x144xf32, #tpu.memory_space<vmem>>) target(%dma_start3A_272 : memref<10112x144xf32, #tpu.memory_space<vmem_shared>>) offsets(%dma_start3A_269 : memref<96xi32, #tpu.memory_space<vmem>>) semaphore(%arg14 : memref<!tpu.dma_semaphore, #tpu.memory_space<semaphore_mem>>) {add = true}
      %dma_wait3A_273 = arith.constant 7 : i32
      %dma_wait3A_274 = arith.constant 0 : i32
      %dma_wait3A_275 = tpu.memref_slice %arg7[%dma_wait3A_273, %dma_wait3A_274] : memref<14x96xi32, #tpu.memory_space<vmem>> -> memref<1x96xi32, #tpu.memory_space<vmem>>
      %dma_wait3A_276 = tpu.memref_squeeze %dma_wait3A_275 : memref<1x96xi32, #tpu.memory_space<vmem>> -> memref<96xi32, #tpu.memory_space<vmem>>
      %dma_wait3A_277 = arith.constant 0 : i32
      %dma_wait3A_278 = arith.constant 0 : i32
      %dma_wait3A_279 = tpu.memref_slice %arg10[%dma_wait3A_277, %dma_wait3A_278] : memref<10112x144xf32, #tpu.memory_space<vmem_shared>> -> memref<10112x144xf32, #tpu.memory_space<vmem_shared>>
      tpu.wait_indirect_dma semaphore(%arg14 : memref<!tpu.dma_semaphore, #tpu.memory_space<semaphore_mem>>) src(%arg9 : memref<96x144xf32, #tpu.memory_space<vmem>>) dst(%dma_wait3A_279 : memref<10112x144xf32, #tpu.memory_space<vmem_shared>>)
      %dma_start3A_280 = arith.constant 9 : i32
      %dma_start3A_281 = arith.constant 0 : i32
      %dma_start3A_282 = tpu.memref_slice %arg6[%dma_start3A_280, %dma_start3A_281] : memref<14x96xi32, #tpu.memory_space<vmem>> -> memref<1x96xi32, #tpu.memory_space<vmem>>
      %dma_start3A_283 = tpu.memref_squeeze %dma_start3A_282 : memref<1x96xi32, #tpu.memory_space<vmem>> -> memref<96xi32, #tpu.memory_space<vmem>>
      %dma_start3A_284 = arith.constant 0 : i32
      %dma_start3A_285 = arith.constant 0 : i32
      %dma_start3A_286 = tpu.memref_slice %arg2[%dma_start3A_284, %dma_start3A_285] : memref<10000x144xf32, #tpu.memory_space<hbm>> -> memref<10000x144xf32, #tpu.memory_space<hbm>>
      tpu.enqueue_indirect_dma source(%dma_start3A_286 : memref<10000x144xf32, #tpu.memory_space<hbm>>) target(%arg9 : memref<96x144xf32, #tpu.memory_space<vmem>>) offsets(%dma_start3A_283 : memref<96xi32, #tpu.memory_space<vmem>>) semaphore(%arg12 : memref<!tpu.dma_semaphore, #tpu.memory_space<semaphore_mem>>)
      %dma_wait3A_287 = arith.constant 8 : i32
      %dma_wait3A_288 = arith.constant 0 : i32
      %dma_wait3A_289 = tpu.memref_slice %arg6[%dma_wait3A_287, %dma_wait3A_288] : memref<14x96xi32, #tpu.memory_space<vmem>> -> memref<1x96xi32, #tpu.memory_space<vmem>>
      %dma_wait3A_290 = tpu.memref_squeeze %dma_wait3A_289 : memref<1x96xi32, #tpu.memory_space<vmem>> -> memref<96xi32, #tpu.memory_space<vmem>>
      %dma_wait3A_291 = arith.constant 0 : i32
      %dma_wait3A_292 = arith.constant 0 : i32
      %dma_wait3A_293 = tpu.memref_slice %arg2[%dma_wait3A_291, %dma_wait3A_292] : memref<10000x144xf32, #tpu.memory_space<hbm>> -> memref<10000x144xf32, #tpu.memory_space<hbm>>
      tpu.wait_indirect_dma semaphore(%arg11 : memref<!tpu.dma_semaphore, #tpu.memory_space<semaphore_mem>>) src(%dma_wait3A_293 : memref<10000x144xf32, #tpu.memory_space<hbm>>) dst(%arg8 : memref<96x144xf32, #tpu.memory_space<vmem>>)
      %dma_start3A_294 = arith.constant 8 : i32
      %dma_start3A_295 = arith.constant 0 : i32
      %dma_start3A_296 = tpu.memref_slice %arg7[%dma_start3A_294, %dma_start3A_295] : memref<14x96xi32, #tpu.memory_space<vmem>> -> memref<1x96xi32, #tpu.memory_space<vmem>>
      %dma_start3A_297 = tpu.memref_squeeze %dma_start3A_296 : memref<1x96xi32, #tpu.memory_space<vmem>> -> memref<96xi32, #tpu.memory_space<vmem>>
      %dma_start3A_298 = arith.constant 0 : i32
      %dma_start3A_299 = arith.constant 0 : i32
      %dma_start3A_300 = tpu.memref_slice %arg10[%dma_start3A_298, %dma_start3A_299] : memref<10112x144xf32, #tpu.memory_space<vmem_shared>> -> memref<10112x144xf32, #tpu.memory_space<vmem_shared>>
      tpu.enqueue_indirect_dma source(%arg8 : memref<96x144xf32, #tpu.memory_space<vmem>>) target(%dma_start3A_300 : memref<10112x144xf32, #tpu.memory_space<vmem_shared>>) offsets(%dma_start3A_297 : memref<96xi32, #tpu.memory_space<vmem>>) semaphore(%arg13 : memref<!tpu.dma_semaphore, #tpu.memory_space<semaphore_mem>>) {add = true}
      %dma_wait3A_301 = arith.constant 8 : i32
      %dma_wait3A_302 = arith.constant 0 : i32
      %dma_wait3A_303 = tpu.memref_slice %arg7[%dma_wait3A_301, %dma_wait3A_302] : memref<14x96xi32, #tpu.memory_space<vmem>> -> memref<1x96xi32, #tpu.memory_space<vmem>>
      %dma_wait3A_304 = tpu.memref_squeeze %dma_wait3A_303 : memref<1x96xi32, #tpu.memory_space<vmem>> -> memref<96xi32, #tpu.memory_space<vmem>>
      %dma_wait3A_305 = arith.constant 0 : i32
      %dma_wait3A_306 = arith.constant 0 : i32
      %dma_wait3A_307 = tpu.memref_slice %arg10[%dma_wait3A_305, %dma_wait3A_306] : memref<10112x144xf32, #tpu.memory_space<vmem_shared>> -> memref<10112x144xf32, #tpu.memory_space<vmem_shared>>
      tpu.wait_indirect_dma semaphore(%arg13 : memref<!tpu.dma_semaphore, #tpu.memory_space<semaphore_mem>>) src(%arg8 : memref<96x144xf32, #tpu.memory_space<vmem>>) dst(%dma_wait3A_307 : memref<10112x144xf32, #tpu.memory_space<vmem_shared>>)
      %dma_start3A_308 = arith.constant 10 : i32
      %dma_start3A_309 = arith.constant 0 : i32
      %dma_start3A_310 = tpu.memref_slice %arg6[%dma_start3A_308, %dma_start3A_309] : memref<14x96xi32, #tpu.memory_space<vmem>> -> memref<1x96xi32, #tpu.memory_space<vmem>>
      %dma_start3A_311 = tpu.memref_squeeze %dma_start3A_310 : memref<1x96xi32, #tpu.memory_space<vmem>> -> memref<96xi32, #tpu.memory_space<vmem>>
      %dma_start3A_312 = arith.constant 0 : i32
      %dma_start3A_313 = arith.constant 0 : i32
      %dma_start3A_314 = tpu.memref_slice %arg2[%dma_start3A_312, %dma_start3A_313] : memref<10000x144xf32, #tpu.memory_space<hbm>> -> memref<10000x144xf32, #tpu.memory_space<hbm>>
      tpu.enqueue_indirect_dma source(%dma_start3A_314 : memref<10000x144xf32, #tpu.memory_space<hbm>>) target(%arg8 : memref<96x144xf32, #tpu.memory_space<vmem>>) offsets(%dma_start3A_311 : memref<96xi32, #tpu.memory_space<vmem>>) semaphore(%arg11 : memref<!tpu.dma_semaphore, #tpu.memory_space<semaphore_mem>>)
      %dma_wait3A_315 = arith.constant 9 : i32
      %dma_wait3A_316 = arith.constant 0 : i32
      %dma_wait3A_317 = tpu.memref_slice %arg6[%dma_wait3A_315, %dma_wait3A_316] : memref<14x96xi32, #tpu.memory_space<vmem>> -> memref<1x96xi32, #tpu.memory_space<vmem>>
      %dma_wait3A_318 = tpu.memref_squeeze %dma_wait3A_317 : memref<1x96xi32, #tpu.memory_space<vmem>> -> memref<96xi32, #tpu.memory_space<vmem>>
      %dma_wait3A_319 = arith.constant 0 : i32
      %dma_wait3A_320 = arith.constant 0 : i32
      %dma_wait3A_321 = tpu.memref_slice %arg2[%dma_wait3A_319, %dma_wait3A_320] : memref<10000x144xf32, #tpu.memory_space<hbm>> -> memref<10000x144xf32, #tpu.memory_space<hbm>>
      tpu.wait_indirect_dma semaphore(%arg12 : memref<!tpu.dma_semaphore, #tpu.memory_space<semaphore_mem>>) src(%dma_wait3A_321 : memref<10000x144xf32, #tpu.memory_space<hbm>>) dst(%arg9 : memref<96x144xf32, #tpu.memory_space<vmem>>)
      %dma_start3A_322 = arith.constant 9 : i32
      %dma_start3A_323 = arith.constant 0 : i32
      %dma_start3A_324 = tpu.memref_slice %arg7[%dma_start3A_322, %dma_start3A_323] : memref<14x96xi32, #tpu.memory_space<vmem>> -> memref<1x96xi32, #tpu.memory_space<vmem>>
      %dma_start3A_325 = tpu.memref_squeeze %dma_start3A_324 : memref<1x96xi32, #tpu.memory_space<vmem>> -> memref<96xi32, #tpu.memory_space<vmem>>
      %dma_start3A_326 = arith.constant 0 : i32
      %dma_start3A_327 = arith.constant 0 : i32
      %dma_start3A_328 = tpu.memref_slice %arg10[%dma_start3A_326, %dma_start3A_327] : memref<10112x144xf32, #tpu.memory_space<vmem_shared>> -> memref<10112x144xf32, #tpu.memory_space<vmem_shared>>
      tpu.enqueue_indirect_dma source(%arg9 : memref<96x144xf32, #tpu.memory_space<vmem>>) target(%dma_start3A_328 : memref<10112x144xf32, #tpu.memory_space<vmem_shared>>) offsets(%dma_start3A_325 : memref<96xi32, #tpu.memory_space<vmem>>) semaphore(%arg14 : memref<!tpu.dma_semaphore, #tpu.memory_space<semaphore_mem>>) {add = true}
      %dma_wait3A_329 = arith.constant 9 : i32
      %dma_wait3A_330 = arith.constant 0 : i32
      %dma_wait3A_331 = tpu.memref_slice %arg7[%dma_wait3A_329, %dma_wait3A_330] : memref<14x96xi32, #tpu.memory_space<vmem>> -> memref<1x96xi32, #tpu.memory_space<vmem>>
      %dma_wait3A_332 = tpu.memref_squeeze %dma_wait3A_331 : memref<1x96xi32, #tpu.memory_space<vmem>> -> memref<96xi32, #tpu.memory_space<vmem>>
      %dma_wait3A_333 = arith.constant 0 : i32
      %dma_wait3A_334 = arith.constant 0 : i32
      %dma_wait3A_335 = tpu.memref_slice %arg10[%dma_wait3A_333, %dma_wait3A_334] : memref<10112x144xf32, #tpu.memory_space<vmem_shared>> -> memref<10112x144xf32, #tpu.memory_space<vmem_shared>>
      tpu.wait_indirect_dma semaphore(%arg14 : memref<!tpu.dma_semaphore, #tpu.memory_space<semaphore_mem>>) src(%arg9 : memref<96x144xf32, #tpu.memory_space<vmem>>) dst(%dma_wait3A_335 : memref<10112x144xf32, #tpu.memory_space<vmem_shared>>)
      %dma_start3A_336 = arith.constant 11 : i32
      %dma_start3A_337 = arith.constant 0 : i32
      %dma_start3A_338 = tpu.memref_slice %arg6[%dma_start3A_336, %dma_start3A_337] : memref<14x96xi32, #tpu.memory_space<vmem>> -> memref<1x96xi32, #tpu.memory_space<vmem>>
      %dma_start3A_339 = tpu.memref_squeeze %dma_start3A_338 : memref<1x96xi32, #tpu.memory_space<vmem>> -> memref<96xi32, #tpu.memory_space<vmem>>
      %dma_start3A_340 = arith.constant 0 : i32
      %dma_start3A_341 = arith.constant 0 : i32
      %dma_start3A_342 = tpu.memref_slice %arg2[%dma_start3A_340, %dma_start3A_341] : memref<10000x144xf32, #tpu.memory_space<hbm>> -> memref<10000x144xf32, #tpu.memory_space<hbm>>
      tpu.enqueue_indirect_dma source(%dma_start3A_342 : memref<10000x144xf32, #tpu.memory_space<hbm>>) target(%arg9 : memref<96x144xf32, #tpu.memory_space<vmem>>) offsets(%dma_start3A_339 : memref<96xi32, #tpu.memory_space<vmem>>) semaphore(%arg12 : memref<!tpu.dma_semaphore, #tpu.memory_space<semaphore_mem>>)
      %dma_wait3A_343 = arith.constant 10 : i32
      %dma_wait3A_344 = arith.constant 0 : i32
      %dma_wait3A_345 = tpu.memref_slice %arg6[%dma_wait3A_343, %dma_wait3A_344] : memref<14x96xi32, #tpu.memory_space<vmem>> -> memref<1x96xi32, #tpu.memory_space<vmem>>
      %dma_wait3A_346 = tpu.memref_squeeze %dma_wait3A_345 : memref<1x96xi32, #tpu.memory_space<vmem>> -> memref<96xi32, #tpu.memory_space<vmem>>
      %dma_wait3A_347 = arith.constant 0 : i32
      %dma_wait3A_348 = arith.constant 0 : i32
      %dma_wait3A_349 = tpu.memref_slice %arg2[%dma_wait3A_347, %dma_wait3A_348] : memref<10000x144xf32, #tpu.memory_space<hbm>> -> memref<10000x144xf32, #tpu.memory_space<hbm>>
      tpu.wait_indirect_dma semaphore(%arg11 : memref<!tpu.dma_semaphore, #tpu.memory_space<semaphore_mem>>) src(%dma_wait3A_349 : memref<10000x144xf32, #tpu.memory_space<hbm>>) dst(%arg8 : memref<96x144xf32, #tpu.memory_space<vmem>>)
      %dma_start3A_350 = arith.constant 10 : i32
      %dma_start3A_351 = arith.constant 0 : i32
      %dma_start3A_352 = tpu.memref_slice %arg7[%dma_start3A_350, %dma_start3A_351] : memref<14x96xi32, #tpu.memory_space<vmem>> -> memref<1x96xi32, #tpu.memory_space<vmem>>
      %dma_start3A_353 = tpu.memref_squeeze %dma_start3A_352 : memref<1x96xi32, #tpu.memory_space<vmem>> -> memref<96xi32, #tpu.memory_space<vmem>>
      %dma_start3A_354 = arith.constant 0 : i32
      %dma_start3A_355 = arith.constant 0 : i32
      %dma_start3A_356 = tpu.memref_slice %arg10[%dma_start3A_354, %dma_start3A_355] : memref<10112x144xf32, #tpu.memory_space<vmem_shared>> -> memref<10112x144xf32, #tpu.memory_space<vmem_shared>>
      tpu.enqueue_indirect_dma source(%arg8 : memref<96x144xf32, #tpu.memory_space<vmem>>) target(%dma_start3A_356 : memref<10112x144xf32, #tpu.memory_space<vmem_shared>>) offsets(%dma_start3A_353 : memref<96xi32, #tpu.memory_space<vmem>>) semaphore(%arg13 : memref<!tpu.dma_semaphore, #tpu.memory_space<semaphore_mem>>) {add = true}
      %dma_wait3A_357 = arith.constant 10 : i32
      %dma_wait3A_358 = arith.constant 0 : i32
      %dma_wait3A_359 = tpu.memref_slice %arg7[%dma_wait3A_357, %dma_wait3A_358] : memref<14x96xi32, #tpu.memory_space<vmem>> -> memref<1x96xi32, #tpu.memory_space<vmem>>
      %dma_wait3A_360 = tpu.memref_squeeze %dma_wait3A_359 : memref<1x96xi32, #tpu.memory_space<vmem>> -> memref<96xi32, #tpu.memory_space<vmem>>
      %dma_wait3A_361 = arith.constant 0 : i32
      %dma_wait3A_362 = arith.constant 0 : i32
      %dma_wait3A_363 = tpu.memref_slice %arg10[%dma_wait3A_361, %dma_wait3A_362] : memref<10112x144xf32, #tpu.memory_space<vmem_shared>> -> memref<10112x144xf32, #tpu.memory_space<vmem_shared>>
      tpu.wait_indirect_dma semaphore(%arg13 : memref<!tpu.dma_semaphore, #tpu.memory_space<semaphore_mem>>) src(%arg8 : memref<96x144xf32, #tpu.memory_space<vmem>>) dst(%dma_wait3A_363 : memref<10112x144xf32, #tpu.memory_space<vmem_shared>>)
      %dma_start3A_364 = arith.constant 12 : i32
      %dma_start3A_365 = arith.constant 0 : i32
      %dma_start3A_366 = tpu.memref_slice %arg6[%dma_start3A_364, %dma_start3A_365] : memref<14x96xi32, #tpu.memory_space<vmem>> -> memref<1x96xi32, #tpu.memory_space<vmem>>
      %dma_start3A_367 = tpu.memref_squeeze %dma_start3A_366 : memref<1x96xi32, #tpu.memory_space<vmem>> -> memref<96xi32, #tpu.memory_space<vmem>>
      %dma_start3A_368 = arith.constant 0 : i32
      %dma_start3A_369 = arith.constant 0 : i32
      %dma_start3A_370 = tpu.memref_slice %arg2[%dma_start3A_368, %dma_start3A_369] : memref<10000x144xf32, #tpu.memory_space<hbm>> -> memref<10000x144xf32, #tpu.memory_space<hbm>>
      tpu.enqueue_indirect_dma source(%dma_start3A_370 : memref<10000x144xf32, #tpu.memory_space<hbm>>) target(%arg8 : memref<96x144xf32, #tpu.memory_space<vmem>>) offsets(%dma_start3A_367 : memref<96xi32, #tpu.memory_space<vmem>>) semaphore(%arg11 : memref<!tpu.dma_semaphore, #tpu.memory_space<semaphore_mem>>)
      %dma_wait3A_371 = arith.constant 11 : i32
      %dma_wait3A_372 = arith.constant 0 : i32
      %dma_wait3A_373 = tpu.memref_slice %arg6[%dma_wait3A_371, %dma_wait3A_372] : memref<14x96xi32, #tpu.memory_space<vmem>> -> memref<1x96xi32, #tpu.memory_space<vmem>>
      %dma_wait3A_374 = tpu.memref_squeeze %dma_wait3A_373 : memref<1x96xi32, #tpu.memory_space<vmem>> -> memref<96xi32, #tpu.memory_space<vmem>>
      %dma_wait3A_375 = arith.constant 0 : i32
      %dma_wait3A_376 = arith.constant 0 : i32
      %dma_wait3A_377 = tpu.memref_slice %arg2[%dma_wait3A_375, %dma_wait3A_376] : memref<10000x144xf32, #tpu.memory_space<hbm>> -> memref<10000x144xf32, #tpu.memory_space<hbm>>
      tpu.wait_indirect_dma semaphore(%arg12 : memref<!tpu.dma_semaphore, #tpu.memory_space<semaphore_mem>>) src(%dma_wait3A_377 : memref<10000x144xf32, #tpu.memory_space<hbm>>) dst(%arg9 : memref<96x144xf32, #tpu.memory_space<vmem>>)
      %dma_start3A_378 = arith.constant 11 : i32
      %dma_start3A_379 = arith.constant 0 : i32
      %dma_start3A_380 = tpu.memref_slice %arg7[%dma_start3A_378, %dma_start3A_379] : memref<14x96xi32, #tpu.memory_space<vmem>> -> memref<1x96xi32, #tpu.memory_space<vmem>>
      %dma_start3A_381 = tpu.memref_squeeze %dma_start3A_380 : memref<1x96xi32, #tpu.memory_space<vmem>> -> memref<96xi32, #tpu.memory_space<vmem>>
      %dma_start3A_382 = arith.constant 0 : i32
      %dma_start3A_383 = arith.constant 0 : i32
      %dma_start3A_384 = tpu.memref_slice %arg10[%dma_start3A_382, %dma_start3A_383] : memref<10112x144xf32, #tpu.memory_space<vmem_shared>> -> memref<10112x144xf32, #tpu.memory_space<vmem_shared>>
      tpu.enqueue_indirect_dma source(%arg9 : memref<96x144xf32, #tpu.memory_space<vmem>>) target(%dma_start3A_384 : memref<10112x144xf32, #tpu.memory_space<vmem_shared>>) offsets(%dma_start3A_381 : memref<96xi32, #tpu.memory_space<vmem>>) semaphore(%arg14 : memref<!tpu.dma_semaphore, #tpu.memory_space<semaphore_mem>>) {add = true}
      %dma_wait3A_385 = arith.constant 11 : i32
      %dma_wait3A_386 = arith.constant 0 : i32
      %dma_wait3A_387 = tpu.memref_slice %arg7[%dma_wait3A_385, %dma_wait3A_386] : memref<14x96xi32, #tpu.memory_space<vmem>> -> memref<1x96xi32, #tpu.memory_space<vmem>>
      %dma_wait3A_388 = tpu.memref_squeeze %dma_wait3A_387 : memref<1x96xi32, #tpu.memory_space<vmem>> -> memref<96xi32, #tpu.memory_space<vmem>>
      %dma_wait3A_389 = arith.constant 0 : i32
      %dma_wait3A_390 = arith.constant 0 : i32
      %dma_wait3A_391 = tpu.memref_slice %arg10[%dma_wait3A_389, %dma_wait3A_390] : memref<10112x144xf32, #tpu.memory_space<vmem_shared>> -> memref<10112x144xf32, #tpu.memory_space<vmem_shared>>
      tpu.wait_indirect_dma semaphore(%arg14 : memref<!tpu.dma_semaphore, #tpu.memory_space<semaphore_mem>>) src(%arg9 : memref<96x144xf32, #tpu.memory_space<vmem>>) dst(%dma_wait3A_391 : memref<10112x144xf32, #tpu.memory_space<vmem_shared>>)
      %dma_start3A_392 = arith.constant 13 : i32
      %dma_start3A_393 = arith.constant 0 : i32
      %dma_start3A_394 = tpu.memref_slice %arg6[%dma_start3A_392, %dma_start3A_393] : memref<14x96xi32, #tpu.memory_space<vmem>> -> memref<1x96xi32, #tpu.memory_space<vmem>>
      %dma_start3A_395 = tpu.memref_squeeze %dma_start3A_394 : memref<1x96xi32, #tpu.memory_space<vmem>> -> memref<96xi32, #tpu.memory_space<vmem>>
      %dma_start3A_396 = arith.constant 0 : i32
      %dma_start3A_397 = arith.constant 0 : i32
      %dma_start3A_398 = tpu.memref_slice %arg2[%dma_start3A_396, %dma_start3A_397] : memref<10000x144xf32, #tpu.memory_space<hbm>> -> memref<10000x144xf32, #tpu.memory_space<hbm>>
      tpu.enqueue_indirect_dma source(%dma_start3A_398 : memref<10000x144xf32, #tpu.memory_space<hbm>>) target(%arg9 : memref<96x144xf32, #tpu.memory_space<vmem>>) offsets(%dma_start3A_395 : memref<96xi32, #tpu.memory_space<vmem>>) semaphore(%arg12 : memref<!tpu.dma_semaphore, #tpu.memory_space<semaphore_mem>>)
      %dma_wait3A_399 = arith.constant 12 : i32
      %dma_wait3A_400 = arith.constant 0 : i32
      %dma_wait3A_401 = tpu.memref_slice %arg6[%dma_wait3A_399, %dma_wait3A_400] : memref<14x96xi32, #tpu.memory_space<vmem>> -> memref<1x96xi32, #tpu.memory_space<vmem>>
      %dma_wait3A_402 = tpu.memref_squeeze %dma_wait3A_401 : memref<1x96xi32, #tpu.memory_space<vmem>> -> memref<96xi32, #tpu.memory_space<vmem>>
      %dma_wait3A_403 = arith.constant 0 : i32
      %dma_wait3A_404 = arith.constant 0 : i32
      %dma_wait3A_405 = tpu.memref_slice %arg2[%dma_wait3A_403, %dma_wait3A_404] : memref<10000x144xf32, #tpu.memory_space<hbm>> -> memref<10000x144xf32, #tpu.memory_space<hbm>>
      tpu.wait_indirect_dma semaphore(%arg11 : memref<!tpu.dma_semaphore, #tpu.memory_space<semaphore_mem>>) src(%dma_wait3A_405 : memref<10000x144xf32, #tpu.memory_space<hbm>>) dst(%arg8 : memref<96x144xf32, #tpu.memory_space<vmem>>)
      %dma_start3A_406 = arith.constant 12 : i32
      %dma_start3A_407 = arith.constant 0 : i32
      %dma_start3A_408 = tpu.memref_slice %arg7[%dma_start3A_406, %dma_start3A_407] : memref<14x96xi32, #tpu.memory_space<vmem>> -> memref<1x96xi32, #tpu.memory_space<vmem>>
      %dma_start3A_409 = tpu.memref_squeeze %dma_start3A_408 : memref<1x96xi32, #tpu.memory_space<vmem>> -> memref<96xi32, #tpu.memory_space<vmem>>
      %dma_start3A_410 = arith.constant 0 : i32
      %dma_start3A_411 = arith.constant 0 : i32
      %dma_start3A_412 = tpu.memref_slice %arg10[%dma_start3A_410, %dma_start3A_411] : memref<10112x144xf32, #tpu.memory_space<vmem_shared>> -> memref<10112x144xf32, #tpu.memory_space<vmem_shared>>
      tpu.enqueue_indirect_dma source(%arg8 : memref<96x144xf32, #tpu.memory_space<vmem>>) target(%dma_start3A_412 : memref<10112x144xf32, #tpu.memory_space<vmem_shared>>) offsets(%dma_start3A_409 : memref<96xi32, #tpu.memory_space<vmem>>) semaphore(%arg13 : memref<!tpu.dma_semaphore, #tpu.memory_space<semaphore_mem>>) {add = true}
      %dma_wait3A_413 = arith.constant 13 : i32
      %dma_wait3A_414 = arith.constant 0 : i32
      %dma_wait3A_415 = tpu.memref_slice %arg6[%dma_wait3A_413, %dma_wait3A_414] : memref<14x96xi32, #tpu.memory_space<vmem>> -> memref<1x96xi32, #tpu.memory_space<vmem>>
      %dma_wait3A_416 = tpu.memref_squeeze %dma_wait3A_415 : memref<1x96xi32, #tpu.memory_space<vmem>> -> memref<96xi32, #tpu.memory_space<vmem>>
      %dma_wait3A_417 = arith.constant 0 : i32
      %dma_wait3A_418 = arith.constant 0 : i32
      %dma_wait3A_419 = tpu.memref_slice %arg2[%dma_wait3A_417, %dma_wait3A_418] : memref<10000x144xf32, #tpu.memory_space<hbm>> -> memref<10000x144xf32, #tpu.memory_space<hbm>>
      tpu.wait_indirect_dma semaphore(%arg12 : memref<!tpu.dma_semaphore, #tpu.memory_space<semaphore_mem>>) src(%dma_wait3A_419 : memref<10000x144xf32, #tpu.memory_space<hbm>>) dst(%arg9 : memref<96x144xf32, #tpu.memory_space<vmem>>)
      %dma_start3A_420 = arith.constant 13 : i32
      %dma_start3A_421 = arith.constant 0 : i32
      %dma_start3A_422 = tpu.memref_slice %arg7[%dma_start3A_420, %dma_start3A_421] : memref<14x96xi32, #tpu.memory_space<vmem>> -> memref<1x96xi32, #tpu.memory_space<vmem>>
      %dma_start3A_423 = tpu.memref_squeeze %dma_start3A_422 : memref<1x96xi32, #tpu.memory_space<vmem>> -> memref<96xi32, #tpu.memory_space<vmem>>
      %dma_start3A_424 = arith.constant 0 : i32
      %dma_start3A_425 = arith.constant 0 : i32
      %dma_start3A_426 = tpu.memref_slice %arg10[%dma_start3A_424, %dma_start3A_425] : memref<10112x144xf32, #tpu.memory_space<vmem_shared>> -> memref<10112x144xf32, #tpu.memory_space<vmem_shared>>
      tpu.enqueue_indirect_dma source(%arg9 : memref<96x144xf32, #tpu.memory_space<vmem>>) target(%dma_start3A_426 : memref<10112x144xf32, #tpu.memory_space<vmem_shared>>) offsets(%dma_start3A_423 : memref<96xi32, #tpu.memory_space<vmem>>) semaphore(%arg14 : memref<!tpu.dma_semaphore, #tpu.memory_space<semaphore_mem>>) {add = true}
      %dma_wait3A_427 = arith.constant 12 : i32
      %dma_wait3A_428 = arith.constant 0 : i32
      %dma_wait3A_429 = tpu.memref_slice %arg7[%dma_wait3A_427, %dma_wait3A_428] : memref<14x96xi32, #tpu.memory_space<vmem>> -> memref<1x96xi32, #tpu.memory_space<vmem>>
      %dma_wait3A_430 = tpu.memref_squeeze %dma_wait3A_429 : memref<1x96xi32, #tpu.memory_space<vmem>> -> memref<96xi32, #tpu.memory_space<vmem>>
      %dma_wait3A_431 = arith.constant 0 : i32
      %dma_wait3A_432 = arith.constant 0 : i32
      %dma_wait3A_433 = tpu.memref_slice %arg10[%dma_wait3A_431, %dma_wait3A_432] : memref<10112x144xf32, #tpu.memory_space<vmem_shared>> -> memref<10112x144xf32, #tpu.memory_space<vmem_shared>>
      tpu.wait_indirect_dma semaphore(%arg13 : memref<!tpu.dma_semaphore, #tpu.memory_space<semaphore_mem>>) src(%arg8 : memref<96x144xf32, #tpu.memory_space<vmem>>) dst(%dma_wait3A_433 : memref<10112x144xf32, #tpu.memory_space<vmem_shared>>)
      %dma_wait3A_434 = arith.constant 13 : i32
      %dma_wait3A_435 = arith.constant 0 : i32
      %dma_wait3A_436 = tpu.memref_slice %arg7[%dma_wait3A_434, %dma_wait3A_435] : memref<14x96xi32, #tpu.memory_space<vmem>> -> memref<1x96xi32, #tpu.memory_space<vmem>>
      %dma_wait3A_437 = tpu.memref_squeeze %dma_wait3A_436 : memref<1x96xi32, #tpu.memory_space<vmem>> -> memref<96xi32, #tpu.memory_space<vmem>>
      %dma_wait3A_438 = arith.constant 0 : i32
      %dma_wait3A_439 = arith.constant 0 : i32
      %dma_wait3A_440 = tpu.memref_slice %arg10[%dma_wait3A_438, %dma_wait3A_439] : memref<10112x144xf32, #tpu.memory_space<vmem_shared>> -> memref<10112x144xf32, #tpu.memory_space<vmem_shared>>
      tpu.wait_indirect_dma semaphore(%arg14 : memref<!tpu.dma_semaphore, #tpu.memory_space<semaphore_mem>>) src(%arg9 : memref<96x144xf32, #tpu.memory_space<vmem>>) dst(%dma_wait3A_440 : memref<10112x144xf32, #tpu.memory_space<vmem_shared>>)
    }
    %barrier3A_44 = arith.constant 0 : index
    tpu.barrier barrier_id(%barrier3A_44)
    "tpu.region"() ({
      %run_scoped3A = tpu.sem_alloc : memref<!tpu.dma_semaphore, #tpu.memory_space<semaphore_mem>>
      %dma_start3A = arith.constant 0 : i32
      %dma_start3A_45 = arith.constant 0 : i32
      %dma_start3A_46 = tpu.memref_slice %arg5[%arg0, %dma_start3A, %dma_start3A_45] : memref<2x10112x144xf32, #tpu.memory_space<hbm>> -> memref<1x10112x144xf32, #tpu.memory_space<hbm>>
      %dma_start3A_47 = tpu.memref_squeeze %dma_start3A_46 : memref<1x10112x144xf32, #tpu.memory_space<hbm>> -> memref<10112x144xf32, #tpu.memory_space<hbm>>
      %dma_start3A_48 = arith.constant 0 : i32
      %dma_start3A_49 = tpu.memref_slice %dma_start3A_47[%mul3A_4, %dma_start3A_48] : memref<10112x144xf32, #tpu.memory_space<hbm>> -> memref<632x144xf32, #tpu.memory_space<hbm>>
      %dma_start3A_50 = arith.constant 0 : i32
      %dma_start3A_51 = tpu.memref_slice %arg10[%mul3A_4, %dma_start3A_50] : memref<10112x144xf32, #tpu.memory_space<vmem_shared>> -> memref<632x144xf32, #tpu.memory_space<vmem_shared>>
      tpu.enqueue_dma source(%dma_start3A_51 : memref<632x144xf32, #tpu.memory_space<vmem_shared>>) target(%dma_start3A_49 : memref<632x144xf32, #tpu.memory_space<hbm>>) target_semaphore(%run_scoped3A : memref<!tpu.dma_semaphore, #tpu.memory_space<semaphore_mem>>)
      %dma_wait3A = arith.constant 0 : i32
      %dma_wait3A_52 = arith.constant 0 : i32
      %dma_wait3A_53 = tpu.memref_slice %arg5[%arg0, %dma_wait3A, %dma_wait3A_52] : memref<2x10112x144xf32, #tpu.memory_space<hbm>> -> memref<1x10112x144xf32, #tpu.memory_space<hbm>>
      %dma_wait3A_54 = tpu.memref_squeeze %dma_wait3A_53 : memref<1x10112x144xf32, #tpu.memory_space<hbm>> -> memref<10112x144xf32, #tpu.memory_space<hbm>>
      %dma_wait3A_55 = arith.constant 0 : i32
      %dma_wait3A_56 = tpu.memref_slice %dma_wait3A_54[%mul3A_4, %dma_wait3A_55] : memref<10112x144xf32, #tpu.memory_space<hbm>> -> memref<632x144xf32, #tpu.memory_space<hbm>>
      %dma_wait3A_57 = arith.constant 0 : i32
      %dma_wait3A_58 = tpu.memref_slice %arg10[%mul3A_4, %dma_wait3A_57] : memref<10112x144xf32, #tpu.memory_space<vmem_shared>> -> memref<632x144xf32, #tpu.memory_space<vmem_shared>>
      tpu.wait_dma2 semaphore(%run_scoped3A : memref<!tpu.dma_semaphore, #tpu.memory_space<semaphore_mem>>) src(%dma_wait3A_58 : memref<632x144xf32, #tpu.memory_space<vmem_shared>>) dst(%dma_wait3A_56 : memref<632x144xf32, #tpu.memory_space<hbm>>)
      tpu.yield
    }) : () -> ()
    return
  }
}

module attributes {stable_mosaic.version = 14 : i64} {
  func.func @_lin_body(%arg0: memref<10000x128xf32, #tpu.memory_space<vmem>>, %arg1: memref<128x128xf32, #tpu.memory_space<vmem>>, %arg2: memref<10000x128xf32, #tpu.memory_space<vmem>>) attributes {dimension_semantics = [], scalar_prefetch = 0 : i64, scratch_operands = 0 : i64, tpu.core_type = #tpu.core_type<tc>} {
    %get3A = arith.constant 0 : index
    %get3A_0 = arith.constant 0 : index
    %get3A_1 = vector.load %arg0[%get3A, %get3A_0] : memref<10000x128xf32, #tpu.memory_space<vmem>>, vector<10000x128xf32>
    %get3A_2 = arith.constant 0 : index
    %get3A_3 = arith.constant 0 : index
    %get3A_4 = vector.load %arg1[%get3A_2, %get3A_3] : memref<128x128xf32, #tpu.memory_space<vmem>>, vector<128x128xf32>
    %dot_general3A = arith.constant dense<0.000000e+00> : vector<10000x128xf32>
    %dot_general3A_5 = tpu.matmul %get3A_1, %get3A_4, %dot_general3A {dimension_numbers = #tpu.dot_dimension_numbers<[1], [1], [0], [0], [0, 0, 1, 0], [], []>, transpose_lhs_hint = false} : vector<10000x128xf32>, vector<128x128xf32>, vector<10000x128xf32> -> vector<10000x128xf32>
    %swap3A = arith.constant 0 : index
    %swap3A_6 = arith.constant 0 : index
    %swap3A_7 = vector.load %arg2[%swap3A, %swap3A_6] : memref<10000x128xf32, #tpu.memory_space<vmem>>, vector<10000x128xf32>
    tpu.vector_store %arg2[%swap3A, %swap3A_6], %dot_general3A_5 {strides = array<i32>} : memref<10000x128xf32, #tpu.memory_space<vmem>>, vector<10000x128xf32>,
    return
  }
}

module attributes {stable_mosaic.version = 14 : i64} {
  func.func @_dense1_body(%arg0: memref<2x10112x144xf32, #tpu.memory_space<vmem>>, %arg1: memref<10000x128xf32, #tpu.memory_space<vmem>>, %arg2: memref<128x128xf32, #tpu.memory_space<vmem>>, %arg3: memref<1x128xf32, #tpu.memory_space<vmem>>, %arg4: memref<1x128xf32, #tpu.memory_space<vmem>>, %arg5: memref<1x128xf32, #tpu.memory_space<vmem>>, %arg6: memref<10000x128xf32, #tpu.memory_space<vmem>>) attributes {dimension_semantics = [], scalar_prefetch = 0 : i64, scratch_operands = 0 : i64, tpu.core_type = #tpu.core_type<tc>} {
    %get3A = arith.constant 0 : index
    %get3A_0 = arith.constant 0 : index
    %get3A_1 = arith.constant 0 : index
    %get3A_2 = vector.load %arg0[%get3A, %get3A_0, %get3A_1] : memref<2x10112x144xf32, #tpu.memory_space<vmem>>, vector<2x10112x144xf32>
    %slice3A = vector.extract_strided_slice %get3A_2 {offsets = [0, 0, 0], sizes = [1, 10000, 128], strides = [1, 1, 1]} : vector<2x10112x144xf32> to vector<1x10000x128xf32>
    %squeeze3A = vector.shape_cast %slice3A : vector<1x10000x128xf32> to vector<10000x128xf32>
    %slice3A_3 = vector.extract_strided_slice %get3A_2 {offsets = [1, 0, 0], sizes = [1, 10000, 128], strides = [1, 1, 1]} : vector<2x10112x144xf32> to vector<1x10000x128xf32>
    %squeeze3A_4 = vector.shape_cast %slice3A_3 : vector<1x10000x128xf32> to vector<10000x128xf32>
    %add3A = arith.addf %squeeze3A, %squeeze3A_4 : vector<10000x128xf32>
    %slice3A_5 = vector.extract_strided_slice %get3A_2 {offsets = [0, 0, 128], sizes = [1, 10000, 1], strides = [1, 1, 1]} : vector<2x10112x144xf32> to vector<1x10000x1xf32>
    %squeeze3A_6 = vector.shape_cast %slice3A_5 : vector<1x10000x1xf32> to vector<10000x1xf32>
    %slice3A_7 = vector.extract_strided_slice %get3A_2 {offsets = [1, 0, 128], sizes = [1, 10000, 1], strides = [1, 1, 1]} : vector<2x10112x144xf32> to vector<1x10000x1xf32>
    %squeeze3A_8 = vector.shape_cast %slice3A_7 : vector<1x10000x1xf32> to vector<10000x1xf32>
    %add3A_9 = arith.addf %squeeze3A_6, %squeeze3A_8 : vector<10000x1xf32>
    %get3A_10 = arith.constant 0 : index
    %get3A_11 = arith.constant 0 : index
    %get3A_12 = vector.load %arg1[%get3A_10, %get3A_11] : memref<10000x128xf32, #tpu.memory_space<vmem>>, vector<10000x128xf32>
    %get3A_13 = arith.constant 0 : index
    %get3A_14 = arith.constant 0 : index
    %get3A_15 = vector.load %arg2[%get3A_13, %get3A_14] : memref<128x128xf32, #tpu.memory_space<vmem>>, vector<128x128xf32>
    %get3A_16 = arith.constant 0 : index
    %get3A_17 = arith.constant 0 : index
    %get3A_18 = vector.load %arg3[%get3A_16, %get3A_17] : memref<1x128xf32, #tpu.memory_space<vmem>>, vector<1x128xf32>
    %get3A_19 = arith.constant 0 : index
    %get3A_20 = arith.constant 0 : index
    %get3A_21 = vector.load %arg4[%get3A_19, %get3A_20] : memref<1x128xf32, #tpu.memory_space<vmem>>, vector<1x128xf32>
    %get3A_22 = arith.constant 0 : index
    %get3A_23 = arith.constant 0 : index
    %get3A_24 = vector.load %arg5[%get3A_22, %get3A_23] : memref<1x128xf32, #tpu.memory_space<vmem>>, vector<1x128xf32>
    %max3A = arith.constant 1.000000e+00 : f32
    %max3A_25 = vector.broadcast %max3A : f32 to vector<10000x1xf32>
    %max3A_26 = arith.maximumf %add3A_9, %max3A_25 : vector<10000x1xf32>
    %div3A = vector.broadcast %max3A_26 : vector<10000x1xf32> to vector<10000x128xf32>
    %div3A_27 = arith.divf %add3A, %div3A : vector<10000x128xf32>
    %dot_general3A = arith.constant dense<0.000000e+00> : vector<10000x128xf32>
    %dot_general3A_28 = tpu.matmul %div3A_27, %get3A_15, %dot_general3A {dimension_numbers = #tpu.dot_dimension_numbers<[1], [1], [0], [0], [0, 0, 1, 0], [], []>, transpose_lhs_hint = false} : vector<10000x128xf32>, vector<128x128xf32>, vector<10000x128xf32> -> vector<10000x128xf32>
    %add3A_29 = vector.broadcast %get3A_18 : vector<1x128xf32> to vector<10000x128xf32>
    %add3A_30 = arith.addf %dot_general3A_28, %add3A_29 : vector<10000x128xf32>
    %add3A_31 = arith.addf %add3A_30, %get3A_12 : vector<10000x128xf32>
    %reduce_sum3A = arith.constant dense<0.000000e+00> : vector<128xf32>
    %reduce_sum3A_32 = vector.multi_reduction <add>, %add3A_31, %reduce_sum3A [0] : vector<10000x128xf32> to vector<128xf32>
    %broadcast_in_dim3A = vector.shape_cast %reduce_sum3A_32 : vector<128xf32> to vector<1x128xf32>
    %div3A_33 = arith.constant 1.000000e+04 : f32
    %div3A_34 = vector.broadcast %div3A_33 : f32 to vector<1x128xf32>
    %div3A_35 = arith.divf %broadcast_in_dim3A, %div3A_34 : vector<1x128xf32>
    %sub3A = vector.broadcast %div3A_35 : vector<1x128xf32> to vector<10000x128xf32>
    %sub3A_36 = arith.subf %add3A_31, %sub3A : vector<10000x128xf32>
    %integer_pow3A = arith.mulf %sub3A_36, %sub3A_36 : vector<10000x128xf32>
    %reduce_sum3A_37 = arith.constant dense<0.000000e+00> : vector<128xf32>
    %reduce_sum3A_38 = vector.multi_reduction <add>, %integer_pow3A, %reduce_sum3A_37 [0] : vector<10000x128xf32> to vector<128xf32>
    %broadcast_in_dim3A_39 = vector.shape_cast %reduce_sum3A_38 : vector<128xf32> to vector<1x128xf32>
    %div3A_40 = arith.constant 1.000000e+04 : f32
    %div3A_41 = vector.broadcast %div3A_40 : f32 to vector<1x128xf32>
    %div3A_42 = arith.divf %broadcast_in_dim3A_39, %div3A_41 : vector<1x128xf32>
    %sub3A_43 = vector.broadcast %div3A_35 : vector<1x128xf32> to vector<10000x128xf32>
    %sub3A_44 = arith.subf %add3A_31, %sub3A_43 : vector<10000x128xf32>
    %add3A_45 = arith.constant 9.99999974E-6 : f32
    %add3A_46 = vector.broadcast %add3A_45 : f32 to vector<1x128xf32>
    %add3A_47 = arith.addf %div3A_42, %add3A_46 : vector<1x128xf32>
    %rsqrt3A = math.rsqrt %add3A_47 : vector<1x128xf32>
    %mul3A = vector.broadcast %rsqrt3A : vector<1x128xf32> to vector<10000x128xf32>
    %mul3A_48 = arith.mulf %sub3A_44, %mul3A : vector<10000x128xf32>
    %mul3A_49 = vector.broadcast %get3A_21 : vector<1x128xf32> to vector<10000x128xf32>
    %mul3A_50 = arith.mulf %mul3A_48, %mul3A_49 : vector<10000x128xf32>
    %add3A_51 = vector.broadcast %get3A_24 : vector<1x128xf32> to vector<10000x128xf32>
    %add3A_52 = arith.addf %mul3A_50, %add3A_51 : vector<10000x128xf32>
    %max3A_53 = arith.constant 0.000000e+00 : f32
    %max3A_54 = vector.broadcast %max3A_53 : f32 to vector<10000x128xf32>
    %max3A_55 = arith.maximumf %add3A_52, %max3A_54 : vector<10000x128xf32>
    %swap3A = arith.constant 0 : index
    %swap3A_56 = arith.constant 0 : index
    %swap3A_57 = vector.load %arg6[%swap3A, %swap3A_56] : memref<10000x128xf32, #tpu.memory_space<vmem>>, vector<10000x128xf32>
    tpu.vector_store %arg6[%swap3A, %swap3A_56], %max3A_55 {strides = array<i32>} : memref<10000x128xf32, #tpu.memory_space<vmem>>, vector<10000x128xf32>,
    return
  }
}

module attributes {stable_mosaic.version = 14 : i64} {
  func.func @_dense2_body(%arg0: memref<2x10112x128xf32, #tpu.memory_space<vmem>>, %arg1: memref<2x10112x16xf32, #tpu.memory_space<vmem>>, %arg2: memref<10000x128xf32, #tpu.memory_space<vmem>>, %arg3: memref<128x128xf32, #tpu.memory_space<vmem>>, %arg4: memref<1x128xf32, #tpu.memory_space<vmem>>, %arg5: memref<1x128xf32, #tpu.memory_space<vmem>>, %arg6: memref<1x128xf32, #tpu.memory_space<vmem>>, %arg7: memref<2x128xf32, #tpu.memory_space<vmem>>, %arg8: memref<1x2xf32, #tpu.memory_space<vmem>>, %arg9: memref<10000x2xf32, #tpu.memory_space<vmem>>) attributes {dimension_semantics = [], scalar_prefetch = 0 : i64, scratch_operands = 0 : i64, tpu.core_type = #tpu.core_type<tc>} {
    %get3A = arith.constant 0 : index
    %get3A_0 = arith.constant 0 : index
    %get3A_1 = arith.constant 0 : index
    %get3A_2 = vector.load %arg0[%get3A, %get3A_0, %get3A_1] : memref<2x10112x128xf32, #tpu.memory_space<vmem>>, vector<2x10112x128xf32>
    %get3A_3 = arith.constant 0 : index
    %get3A_4 = arith.constant 0 : index
    %get3A_5 = arith.constant 0 : index
    %get3A_6 = vector.load %arg1[%get3A_3, %get3A_4, %get3A_5] : memref<2x10112x16xf32, #tpu.memory_space<vmem>>, vector<2x10112x16xf32>
    %slice3A = vector.extract_strided_slice %get3A_2 {offsets = [0, 0, 0], sizes = [1, 10000, 128], strides = [1, 1, 1]} : vector<2x10112x128xf32> to vector<1x10000x128xf32>
    %squeeze3A = vector.shape_cast %slice3A : vector<1x10000x128xf32> to vector<10000x128xf32>
    %slice3A_7 = vector.extract_strided_slice %get3A_2 {offsets = [1, 0, 0], sizes = [1, 10000, 128], strides = [1, 1, 1]} : vector<2x10112x128xf32> to vector<1x10000x128xf32>
    %squeeze3A_8 = vector.shape_cast %slice3A_7 : vector<1x10000x128xf32> to vector<10000x128xf32>
    %add3A = arith.addf %squeeze3A, %squeeze3A_8 : vector<10000x128xf32>
    %slice3A_9 = vector.extract_strided_slice %get3A_6 {offsets = [0, 0, 0], sizes = [1, 10000, 1], strides = [1, 1, 1]} : vector<2x10112x16xf32> to vector<1x10000x1xf32>
    %squeeze3A_10 = vector.shape_cast %slice3A_9 : vector<1x10000x1xf32> to vector<10000x1xf32>
    %slice3A_11 = vector.extract_strided_slice %get3A_6 {offsets = [1, 0, 0], sizes = [1, 10000, 1], strides = [1, 1, 1]} : vector<2x10112x16xf32> to vector<1x10000x1xf32>
    %squeeze3A_12 = vector.shape_cast %slice3A_11 : vector<1x10000x1xf32> to vector<10000x1xf32>
    %add3A_13 = arith.addf %squeeze3A_10, %squeeze3A_12 : vector<10000x1xf32>
    %get3A_14 = arith.constant 0 : index
    %get3A_15 = arith.constant 0 : index
    %get3A_16 = vector.load %arg2[%get3A_14, %get3A_15] : memref<10000x128xf32, #tpu.memory_space<vmem>>, vector<10000x128xf32>
    %get3A_17 = arith.constant 0 : index
    %get3A_18 = arith.constant 0 : index
    %get3A_19 = vector.load %arg3[%get3A_17, %get3A_18] : memref<128x128xf32, #tpu.memory_space<vmem>>, vector<128x128xf32>
    %get3A_20 = arith.constant 0 : index
    %get3A_21 = arith.constant 0 : index
    %get3A_22 = vector.load %arg4[%get3A_20, %get3A_21] : memref<1x128xf32, #tpu.memory_space<vmem>>, vector<1x128xf32>
    %get3A_23 = arith.constant 0 : index
    %get3A_24 = arith.constant 0 : index
    %get3A_25 = vector.load %arg5[%get3A_23, %get3A_24] : memref<1x128xf32, #tpu.memory_space<vmem>>, vector<1x128xf32>
    %get3A_26 = arith.constant 0 : index
    %get3A_27 = arith.constant 0 : index
    %get3A_28 = vector.load %arg6[%get3A_26, %get3A_27] : memref<1x128xf32, #tpu.memory_space<vmem>>, vector<1x128xf32>
    %max3A = arith.constant 1.000000e+00 : f32
    %max3A_29 = vector.broadcast %max3A : f32 to vector<10000x1xf32>
    %max3A_30 = arith.maximumf %add3A_13, %max3A_29 : vector<10000x1xf32>
    %div3A = vector.broadcast %max3A_30 : vector<10000x1xf32> to vector<10000x128xf32>
    %div3A_31 = arith.divf %add3A, %div3A : vector<10000x128xf32>
    %dot_general3A = arith.constant dense<0.000000e+00> : vector<10000x128xf32>
    %dot_general3A_32 = tpu.matmul %div3A_31, %get3A_19, %dot_general3A {dimension_numbers = #tpu.dot_dimension_numbers<[1], [1], [0], [0], [0, 0, 1, 0], [], []>, transpose_lhs_hint = false} : vector<10000x128xf32>, vector<128x128xf32>, vector<10000x128xf32> -> vector<10000x128xf32>
    %add3A_33 = vector.broadcast %get3A_22 : vector<1x128xf32> to vector<10000x128xf32>
    %add3A_34 = arith.addf %dot_general3A_32, %add3A_33 : vector<10000x128xf32>
    %add3A_35 = arith.addf %add3A_34, %get3A_16 : vector<10000x128xf32>
    %reduce_sum3A = arith.constant dense<0.000000e+00> : vector<128xf32>
    %reduce_sum3A_36 = vector.multi_reduction <add>, %add3A_35, %reduce_sum3A [0] : vector<10000x128xf32> to vector<128xf32>
    %broadcast_in_dim3A = vector.shape_cast %reduce_sum3A_36 : vector<128xf32> to vector<1x128xf32>
    %div3A_37 = arith.constant 1.000000e+04 : f32
    %div3A_38 = vector.broadcast %div3A_37 : f32 to vector<1x128xf32>
    %div3A_39 = arith.divf %broadcast_in_dim3A, %div3A_38 : vector<1x128xf32>
    %sub3A = vector.broadcast %div3A_39 : vector<1x128xf32> to vector<10000x128xf32>
    %sub3A_40 = arith.subf %add3A_35, %sub3A : vector<10000x128xf32>
    %integer_pow3A = arith.mulf %sub3A_40, %sub3A_40 : vector<10000x128xf32>
    %reduce_sum3A_41 = arith.constant dense<0.000000e+00> : vector<128xf32>
    %reduce_sum3A_42 = vector.multi_reduction <add>, %integer_pow3A, %reduce_sum3A_41 [0] : vector<10000x128xf32> to vector<128xf32>
    %broadcast_in_dim3A_43 = vector.shape_cast %reduce_sum3A_42 : vector<128xf32> to vector<1x128xf32>
    %div3A_44 = arith.constant 1.000000e+04 : f32
    %div3A_45 = vector.broadcast %div3A_44 : f32 to vector<1x128xf32>
    %div3A_46 = arith.divf %broadcast_in_dim3A_43, %div3A_45 : vector<1x128xf32>
    %sub3A_47 = vector.broadcast %div3A_39 : vector<1x128xf32> to vector<10000x128xf32>
    %sub3A_48 = arith.subf %add3A_35, %sub3A_47 : vector<10000x128xf32>
    %add3A_49 = arith.constant 9.99999974E-6 : f32
    %add3A_50 = vector.broadcast %add3A_49 : f32 to vector<1x128xf32>
    %add3A_51 = arith.addf %div3A_46, %add3A_50 : vector<1x128xf32>
    %rsqrt3A = math.rsqrt %add3A_51 : vector<1x128xf32>
    %mul3A = vector.broadcast %rsqrt3A : vector<1x128xf32> to vector<10000x128xf32>
    %mul3A_52 = arith.mulf %sub3A_48, %mul3A : vector<10000x128xf32>
    %mul3A_53 = vector.broadcast %get3A_25 : vector<1x128xf32> to vector<10000x128xf32>
    %mul3A_54 = arith.mulf %mul3A_52, %mul3A_53 : vector<10000x128xf32>
    %add3A_55 = vector.broadcast %get3A_28 : vector<1x128xf32> to vector<10000x128xf32>
    %add3A_56 = arith.addf %mul3A_54, %add3A_55 : vector<10000x128xf32>
    %max3A_57 = arith.constant 0.000000e+00 : f32
    %max3A_58 = vector.broadcast %max3A_57 : f32 to vector<10000x128xf32>
    %max3A_59 = arith.maximumf %add3A_56, %max3A_58 : vector<10000x128xf32>
    %get3A_60 = arith.constant 0 : index
    %get3A_61 = arith.constant 0 : index
    %get3A_62 = vector.load %arg7[%get3A_60, %get3A_61] : memref<2x128xf32, #tpu.memory_space<vmem>>, vector<2x128xf32>
    %dot_general3A_63 = arith.constant dense<0.000000e+00> : vector<10000x2xf32>
    %dot_general3A_64 = tpu.matmul %max3A_59, %get3A_62, %dot_general3A_63 {dimension_numbers = #tpu.dot_dimension_numbers<[1], [1], [0], [0], [0, 0, 1, 0], [], []>, transpose_lhs_hint = false} : vector<10000x128xf32>, vector<2x128xf32>, vector<10000x2xf32> -> vector<10000x2xf32>
    %get3A_65 = arith.constant 0 : index
    %get3A_66 = arith.constant 0 : index
    %get3A_67 = vector.load %arg8[%get3A_65, %get3A_66] : memref<1x2xf32, #tpu.memory_space<vmem>>, vector<1x2xf32>
    %add3A_68 = vector.broadcast %get3A_67 : vector<1x2xf32> to vector<10000x2xf32>
    %add3A_69 = arith.addf %dot_general3A_64, %add3A_68 : vector<10000x2xf32>
    %swap3A = arith.constant 0 : index
    %swap3A_70 = arith.constant 0 : index
    %swap3A_71 = vector.load %arg9[%swap3A, %swap3A_70] : memref<10000x2xf32, #tpu.memory_space<vmem>>, vector<10000x2xf32>
    tpu.vector_store %arg9[%swap3A, %swap3A_70], %add3A_69 {strides = array<i32>} : memref<10000x2xf32, #tpu.memory_space<vmem>>, vector<10000x2xf32>,
    return
  }
}

</mosaic_0001>

<sc_bundles>
// kernel: kernel.11.cloned.1.call-start
scs
__scs_entry_jumppad:
0x0: {  	(pc) =	sbr.rel $0x88, $3  }
0x1: {  	(tag) =	ssettag $0x0;
	lr =	simm.s32 $0x1  }
0x2: {  	[smem:$0x3F93] =	sst lr;
	_ =	strace $0xD0000000  }
0x3: {  	_ = 	snop  }
0x4: {  	_ = 	snop  }
0x5: {  	_ = 	snop  }
0x6: {  	_ = 	snop  }
0x7: {  	_ = 	snop  }
__scs_overlays_trampoline_lowered:
0x8: {  	[smem:$0x3FA2] =	sst s0  }
0x9: {  	[smem:$0x3FA3] =	sst s1  }
0xa: {  	[smem:$0x3FA4] =	sst s2  }
0xb: {  	[smem:$0x3FA5] =	sst s3  }
0xc: {  	[smem:$0x3FA6] =	sst s4  }
0xd: {  	[smem:$0x3FA7] =	sst s5  }
0xe: {  	[smem:$0x3FA8] =	sst s6  }
0xf: {  	[smem:$0x3FA9] =	sst s7  }
0x10: {  	[smem:$0x3FAA] =	sst s8  }
0x11: {  	[smem:$0x3FAB] =	sst s9;
	s0 =	simm.s32 @!p0 $0x0  }
0x12: {  	s1 =	sld [smem:$0x3F91];
	s0 =	simm.s32 @p0 $0x1  }
0x13: {  	[smem:$0x3FAC] =	sst s0;
	s0 =	simm.s32 @!p1 $0x0  }
0x14: {  	s2 =	sld [smem:$0x3F90];
	s0 =	simm.s32 @p1 $0x1  }
0x15: {  	[smem:$0x3FAD] =	sst s0;
	s0 =	simm.s32 @!p2 $0x0  }
0x16: {  	s3 =	sld [smem:$0x3FDB];
	s0 =	simm.s32 @p2 $0x1  }
0x17: {  	s4 =	simm.s32 $0x1BF5;
	[smem:$0x3FAF] =	sst s0  }
0x18: {  	s0 =	sld [smem:$0x3F92];
	_ =	swait.ge [sflag:s4], $0x0  }
0x19: {  	s7 =	sld [smem:$0x3F93]  }
0x1a: {  	s8 =	sadd.s32 $0xFFFFE003, lr  }
0x1b: {  	s9 =	sadd.s32 $0xFFFFFEF7, lr;
	s5 =	simm.s32 $0xFFFFFFFF;
	p2 =	slt.u32 s8, $0xFFFFF086  }
0x1c: {  	p1 =	slt.u32 s9, $0xF7A;
	s5 =	simm.s32 @!p2 $0x0  }
0x1d: {  	s5 =	simm.s32 @p1 $0x1;
	p0 =	seq.s32 s7, s2  }
0x1e: {  	s7 =	smul.u32 @!p0 $0xF7A, s2;
	p2 =	seq.s32 @!p0 s5, $0x0  }
0x1f: {  	s9 =	smul.u32 $0xF7A, s1;
	s8 =	simm.s32 @!p0 $0x1BF5;
	p2 =	por !p2, p0  }
0x20: {  	[sflag:s8] =	ssyncset.s32 @!p0 $0xFFFFF086;
	s6 =	sadd.s32 @!p0 s3, s7;
	s7 =	simm.s32 @!p0 $0x108  }
0x21: {  	s3 =	sadd.s32 s3, s9;
	s6 =	sadd.s32 @!p0 $0x88, s6;
	s7 =	simm.s32 @p2 $0x1082  }
0x22: {  	[simem:s7], [sflag:s8] =	dma.local @!p0 [hbm:s6], $0xF7A  }
0x23: {  	s9 =	sor.u32 $0xD0000000, s2;
	s6 =	simm.s32 $0x108;
	_ =	swait.ge @!p0 [sflag:s8], $0x0  }
0x24: {  	s3 =	sadd.s32 $0x88, s3;
	s6 =	simm.s32 @!p1 $0x1082;
	[sflag:s4] =	ssyncset.s32 $0xFFFFF086  }
0x25: {  	[simem:s6], [sflag:s4] =	dma.local [hbm:s3], $0xF7A  }
0x26: {  	[smem:$0x3F93] =	sst s1;
	(tag) =	ssettag s2;
	_ =	strace s9  }
0x27: {  	s1 =	sld [smem:$0x3FA3]  }
0x28: {  	s2 =	sld [smem:$0x3FA4]  }
0x29: {  	s4 =	sld [smem:$0x3FA6]  }
0x2a: {  	p0 =	seq.s32 s5, $0x0;
	s5 =	sld [smem:$0x3FA7]  }
0x2b: {  	s6 =	sld [smem:$0x3FA8]  }
0x2c: {  	s7 =	sld [smem:$0x3FA9]  }
0x2d: {  	s3 =	simm.s32 $0x108;
	s8 =	sld [smem:$0x3FAA]  }
0x2e: {  	s3 =	simm.s32 @!p0 $0x1082;
	s9 =	sld [smem:$0x3FAB]  }
0x2f: {  	lr =	sadd.s32 s0, s3;
	s0 =	sld [smem:$0x3FA2]  }
0x30: {  	s3 =	sld [smem:$0x3FA5]  }
0x31: {  	[smem:$0x3FAE] =	sst s10  }
0x32: {  	s10 =	sld [smem:$0x3FAC];
	_ =	sdelay $0x3  }
0x33: {  	p0 =	seq.s32 s10, $0x1;
	s10 =	sld [smem:$0x3FAE];
	_ =	sdelay $0x3  }
0x34: {  	[smem:$0x3FAE] =	sst s10  }
0x35: {  	s10 =	sld [smem:$0x3FAD];
	_ =	sdelay $0x3  }
0x36: {  	p1 =	seq.s32 s10, $0x1;
	s10 =	sld [smem:$0x3FAE];
	_ =	sdelay $0x3  }
0x37: {  	[smem:$0x3FAE] =	sst s10  }
0x38: {  	s10 =	sld [smem:$0x3FAF]  }
0x39: {  	_ = 	snop;
	(pc) =	sbr.ind lr, $3  }
0x3a: {  	_ = 	snop  }
0x3b: {  	_ = 	snop  }
0x3c: {  	p2 =	seq.s32 s10, $0x1;
	s10 =	sld [smem:$0x3FAE]  }
0x3d: {  	_ =	shalt  }
0x3e: {  	_ =	shalt  }
0x3f: {  	_ =	shalt  }
0x40: {  	_ =	shalt  }
0x41: {  	_ =	shalt  }
0x42: {  	_ =	shalt  }
0x43: {  	_ =	shalt  }
0x44: {  	_ =	shalt  }
0x45: {  	_ =	shalt  }
0x46: {  	_ =	shalt  }
0x47: {  	_ =	shalt  }
0x48: {  	_ =	shalt  }
0x49: {  	_ =	shalt  }
0x4a: {  	_ =	shalt  }
0x4b: {  	_ =	shalt  }
0x4c: {  	_ =	shalt  }
0x4d: {  	_ =	shalt  }
0x4e: {  	_ =	shalt  }
0x4f: {  	_ =	shalt  }
0x50: {  	_ =	shalt  }
0x51: {  	_ =	shalt  }
0x52: {  	_ =	shalt  }
0x53: {  	_ =	shalt  }
0x54: {  	_ =	shalt  }
0x55: {  	_ =	shalt  }
0x56: {  	_ =	shalt  }
0x57: {  	_ =	shalt  }
0x58: {  	_ =	shalt  }
0x59: {  	_ =	shalt  }
0x5a: {  	_ =	shalt  }
0x5b: {  	_ =	shalt  }
0x5c: {  	_ =	shalt  }
0x5d: {  	_ =	shalt  }
0x5e: {  	_ =	shalt  }
0x5f: {  	_ =	shalt  }
0x60: {  	_ =	shalt  }
0x61: {  	_ =	shalt  }
0x62: {  	_ =	shalt  }
0x63: {  	_ =	shalt  }
0x64: {  	_ =	shalt  }
0x65: {  	_ =	shalt  }
0x66: {  	_ =	shalt  }
0x67: {  	_ =	shalt  }
0x68: {  	_ =	shalt  }
0x69: {  	_ =	shalt  }
0x6a: {  	_ =	shalt  }
0x6b: {  	_ =	shalt  }
0x6c: {  	_ =	shalt  }
0x6d: {  	_ =	shalt  }
0x6e: {  	_ =	shalt  }
0x6f: {  	_ =	shalt  }
0x70: {  	_ =	shalt  }
0x71: {  	_ =	shalt  }
0x72: {  	_ =	shalt  }
0x73: {  	_ =	shalt  }
0x74: {  	_ =	shalt  }
0x75: {  	_ =	shalt  }
0x76: {  	_ =	shalt  }
0x77: {  	_ =	shalt  }
0x78: {  	_ =	shalt  }
0x79: {  	_ =	shalt  }
0x7a: {  	_ =	shalt  }
0x7b: {  	_ =	shalt  }
0x7c: {  	_ =	shalt  }
0x7d: {  	_ =	shalt  }
0x7e: {  	_ =	shalt  }
0x7f: {  	_ =	shalt  }
0x80: {  	_ =	shalt  }
0x81: {  	_ =	shalt  }
0x82: {  	_ =	shalt  }
0x83: {  	_ =	shalt  }
0x84: {  	_ =	shalt  }
0x85: {  	_ =	shalt  }
0x86: {  	_ =	shalt  }
0x87: {  	_ =	shalt  }
.Lfunc_end0:
.L_simem_size_0:
called_computation.1_lowered:
.L_overlay_start_0:
0x88: {  	s2 =	sld [smem:$0x3FD9]  }
0x89: {  	s3 =	sld [smem:$0x3FFE];
	_ =	sdelay $0x1  }
0x8a: {  	s1 =	srdreg.scid  }
0x8b: {  	s0 =	sand.u32 $0x1, s1  }
0x8c: {  	s16 =	sshll.u32 s0, $0xA;
	s2 =	sadd.s32 s3, s2  }
0x8d: {  	s2 =	sadd.s32 s2, s16  }
0x8e: {  	[smem:$0x3FBA] =	sst s2  }
0x8f: {  	_ = 	snop  }
0x90: {  	(tm) =	ssettm $0x1  }
0x91: {  	s17 =	sld [smem:$0x3FFB];
	_ =	sdelay $0x3  }
0x92: {  	_ =	strace s17  }
0x93: {  	s2 =	sld [smem:$0x3FFC];
	_ =	sdelay $0x3  }
0x94: {  	_ =	strace s2  }
0x95: {  	s2 =	sld [smem:$0x3FFD];
	_ =	sdelay $0x3  }
0x96: {  	_ =	strace s2  }
0x97: {  	_ =	strace $0x8FFFFFFF  }
0x98: {  	s18 =	sld [smem:$0x3FDB];
	_ =	sdelay $0x1  }
0x99: {  	s19 =	simm.s32 $_scs_section_size  }
0x9a: {  	s4 =	simm.s32 $_size__tile_overlayer_lowered;
	s5 =	simm.s32 $_tile_overlayer_lowered  }
0x9b: {  	s22 =	simm.s32 $0x1BFF;
	s21 =	sshll.u32 s5, $0x1;
	s2 =	sadd.s32 s19, s18  }
0x9c: {  	s6 =	simm.s32 $0x0;
	s20 =	sshll.u32 s4, $0x1;
	s4 =	sadd.s32 s21, s2  }
0x9d: {  	[timem:s6], [sflag:s22] =	dma.local [hbm:s4], s20  }
0x9e: {  	_ =	swait.ge [sflag:s22], s20  }
0x9f: {  	s3 =	ssub.s32 $0x0, s20;
	[sflag:s22] =	ssyncset.done $0x0  }
0xa0: {  	[sflag:s22] =	ssyncadd.s32 s3;
	_ =	sdelay $0x1  }
0xa1: {  	s23 =	simm.s32 $0x1B8B  }
0xa2: {  	_ =	swait.ge [sflag:s23], $0x1  }
0xa3: {  	[sflag:s23] =	ssyncset.done $0x0  }
0xa4: {  	s25 =	simm.s32 $0x1B8E;
	s24 =	sld [smem:$0x3FFE];
	[sflag:s23] =	ssyncadd.s32 $0xFFFFFFFF  }
0xa5: {  	s26 =	simm.s32 $execute0_lowered;
	[smem:$0x3FD2] =	sst s25  }
0xa6: {  	s4 =	sshll.u32 s26, $0x1;
	_ =	strace $0x80000049;
	[dreg:$0x1] =	wrdreg $0xFFFFFFFF  }
0xa7: {  	s28 =	simm.s32 $_size_execute0_lowered;
	s2 =	sadd.s32 s2, s4;
	[dreg:$0x0] =	wrdreg $0x0  }
0xa8: {  	s4 =	sshll.u32 s28, $0x1;
	[dreg:$0x2] =	wrdreg s2  }
0xa9: {  	[dreg:$0x3] =	wrdreg s4  }
0xaa: {  	[dreg:$0x4] =	wrdreg $0xC0  }
0xab: {  	_ =	task [dreg:s6], $0x5FFFF  }
0xac: {  	[dreg:$0x1] =	wrdreg $0xFFFFFFFF  }
0xad: {  	[dreg:$0x0] =	wrdreg $0x60  }
0xae: {  	[dreg:$0x2] =	wrdreg s24  }
0xaf: {  	[dreg:$0x3] =	wrdreg $0x9A800  }
0xb0: {  	[dreg:$0x4] =	wrdreg $0x9  }
0xb1: {  	_ =	task.clear_ibuf [dreg:s6], $0x5FFFF;
	_ =	strace $0x90000049  }
0xb2: {  	s29 =	simm.s32 $0x9;
	_ =	strace $0x8000004B  }
0xb3: {  	_ =	swait.ge [sflag:s29], $0x1  }
0xb4: {  	[sflag:s29] =	ssyncadd.s32 $0xFFFFFFFF  }
0xb5: {  	_ =	strace $0x9000004B  }
0xb6: {  	_ =	sfence  }
0xb7: {  	s30 =	sld [smem:$0x0];
	_ =	sdelay $0x2  }
0xb8: {  	s31 =	sshll.u32 s1, $0xD;
	s1 =	sshrl.u32 s1, $0x2  }
0xb9: {  	s3 =	sand.u32 $0x4000, s31;
	s1 =	sadd.s32 s1, s30  }
0xba: {  	s0 =	sor.u32 s3, s0;
	s1 =	sshll.u32 s1, $0x11  }
0xbb: {  	s0 =	sor.u32 s1, s0  }
0xbc: {  	s0 =	sadd.s32 $0x8F2B, s0  }
0xbd: {  	[sflag:s0] =	ssyncadd.remote.s32 $0x1  }
0xbe: {  	_ =	sfence.sel $0xFFFF  }
0xbf: {  	[dreg:$0x0] =	wrdreg $0xFFFFFFFF;
	(pc) =	sbr.abs _section_cstart, $3  }
0xc0: {  	[dreg:$0x1] =	wrdreg $0xFFFFFFFF  }
0xc1: {  	_ =	task.clear_ibuf [dreg:s6], $0x2FFFF;
	_ =	strace $0x9FFFFFFF  }
0xc2: {  	(tm) =	ssettm $0x7FFFFFFF  }
0xc3: {  	_ =	shalt  }
tec
execute0_lowered:
.L_overlay_start_1:
0x0: {  	(tag) =	ssettag $0x1  }
0x1: {  	s8 =	stileid.u32  }
0x2: {  	s0 =	srdreg.scid;
	s5 =	rddreg [dreg:$0x0]  }
0x3: {  	s2 =	rddreg [dreg:$0x1];
	s3 =	simm.s32 $0x0;
	s25 =	simm.s32 $0xC0  }
0x4: {  	s26 =	simm.s32 $0x120;
	s9 =	simm.s32 $0x5A0;
	s11 =	simm.s32 $0x180  }
0x5: {  	s13 =	simm.s32 $0x600;
	s14 =	simm.s32 $0x1E0;
	[smem:$0x7FF] =	sst s3  }
0x6: {  	s16 =	simm.s32 $0x660;
	_ =	strace $0x8000004A;
	[dreg:$0x3] =	wrdreg s25  }
0x7: {  	s17 =	simm.s32 $0x240;
	s28 =	simm.s32 $0x3;
	[dreg:$0x4] =	wrdreg s26  }
0x8: {  	s29 =	simm.s32 $0x6;
	s1 =	smul.u32 $0x46, s8;
	[dreg:$0x5] =	wrdreg s9  }
0x9: {  	s30 =	simm.s32 $0x3C0;
	s4 =	smul.u32 $0x8C, s8;
	[dreg:$0x6] =	wrdreg s11  }
0xa: {  	s31 =	simm.s32 $0x840;
	s6 =	smul.u32 $0x4F000, s8;
	[dreg:$0x7] =	wrdreg s13  }
0xb: {  	s0 =	sand.u32 $0x1, s0;
	s8 =	smul.u32 $0x13C00, s8;
	[dreg:$0x8] =	wrdreg s14  }
0xc: {  	p0 =	seq.s32 s0, $0x0;
	s7 =	smul.u32 $0x27800, s0;
	[dreg:$0x9] =	wrdreg s16  }
0xd: {  	s0 =	ssub.s32 $0x2, s0;
	s16 =	simm.s32 $0xA80;
	[dreg:$0xa] =	wrdreg s17  }
0xe: {  	s17 =	simm.s32 $0x7;
	s25 =	simm.s32 $0x7E0;
	s9 =	simm.s32 $0x960  }
0xf: {  	s11 =	simm.s32 $0xA20;
	s6 =	sshrl.u32 s6, $0x2;
	s18 =	sshrl.u32 s0, $0x1  }
0x10: {  	s24 =	sadd.s32 s8, s2;
	[dreg:$0x11] =	wrdreg s25;
	s6 =	sadd.s32 s6, s2  }
0x11: {  	s0 =	ssub.s32 s0, s18;
	s18 =	simm.s32 $0x6C0;
	[dreg:$0x1b] =	wrdreg s24  }
0x12: {  	s13 =	simm.s32 $0x0;
	s19 =	sadd.s32 $0x3000, s6;
	[dreg:$0xb] =	wrdreg s18  }
0x13: {  	s1 =	sadd.s32 $0x8C0, s1;
	s20 =	sadd.s32 $0x6000, s6;
	[dreg:$0x12] =	wrdreg s19  }
0x14: {  	s12 =	sshrl.u32 s8, $0x3;
	s21 =	sadd.s32 $0x9000, s6;
	[dreg:$0x13] =	wrdreg s20  }
0x15: {  	s25 =	simm.s32 $0x2;
	s22 =	sadd.s32 $0xC000, s6;
	[dreg:$0x14] =	wrdreg s21  }
0x16: {  	s8 =	simm.s32 $0x4E0;
	s23 =	sadd.s32 $0xF000, s6;
	[dreg:$0x15] =	wrdreg s22  }
0x17: {  	s1 =	smov.u32 @p0 s4;
	s6 =	sadd.s32 $0x12000, s6;
	[dreg:$0x16] =	wrdreg s23  }
0x18: {  	s4 =	sadd.s32 $0x3400, s5;
	s0 =	smax.u32 s0, $0x1;
	[dreg:$0x17] =	wrdreg s6  }
0x19: {  	s1 =	smul.u32 $0xC, s1;
	s18 =	simm.s32 $0x540;
	[dreg:$0x19] =	wrdreg s0  }
0x1a: {  	s19 =	simm.s32 $0x2A0;
	s20 =	simm.s32 $0x720;
	s21 =	simm.s32 $0x300  }
0x1b: {  	s22 =	simm.s32 $0x780;
	s23 =	simm.s32 $0x360;
	[dreg:$0xc] =	wrdreg s19  }
0x1c: {  	s0 =	simm.s32 $0x8A0;
	s6 =	simm.s32 $0x480;
	[dreg:$0xd] =	wrdreg s20  }
0x1d: {  	s1 =	sadd.s32 s1, s5;
	s5 =	sadd.s32 s7, s5;
	[dreg:$0xe] =	wrdreg s21  }
0x1e: {  	s7 =	simm.s32 $0xA;
	s19 =	simm.s32 $0x60;
	[dreg:$0xf] =	wrdreg s22  }
0x1f: {  	s20 =	simm.s32 $0x3A80;
	[dreg:$0x10] =	wrdreg s23;
	s7 =	simm.s32 @!p0 $0x5  }
0x20: {  	s21 =	simm.s32 $0x6A80;
	s15 =	sadd.s32 $0x39200, s1;
	[dreg:$0x18] =	wrdreg s7  }
0x21: {  	s22 =	simm.s32 $0x1;
	s1 =	sadd.s32 $0x2F400, s1;
	[dreg:$0x1a] =	wrdreg s15  }
0x22: {  	s23 =	simm.s32 $0x4;
	s10 =	sadd.s32 $0x43000, s5;
	[dreg:$0x1c] =	wrdreg s1  }
0x23: {  	s26 =	sadd.s32 s12, s10;
	s1 =	simm.s32 $0x420;
	s7 =	simm.s32 $0x900  }
0x24: {  	v0 =	vimm.f32 $0.0e+00;
	s10 =	simm.s32 $0x9C0;
	[dreg:$0x1d] =	wrdreg s26;
	s26 =	simm.s32 $0x5  }
.LBB2_1:
0x25: {  	s14 =	simm.s32 $0x70;
	s15 =	simm.s32 $0x3C0  }
.LBB2_2:
0x26: {  	p0 =	sne.s32 s15, $0xBFC0;
	[tilespmem:s14+$0xA80] =	vst v0  }
0x27: {  	[tilespmem:s14+$0xA10] =	vst v0  }
0x28: {  	[tilespmem:s14+$0xA20] =	vst v0  }
.Ltmp0:
0x29: {  	[tilespmem:s14+$0xA30] =	vst v0;
	(pc) =	sbr.rel @p0 .LBB2_2-.Ltmp0, $4  }
0x2a: {  	[tilespmem:s14+$0xA40] =	vst v0  }
0x2b: {  	[tilespmem:s14+$0xA50] =	vst v0  }
0x2c: {  	[tilespmem:s14+$0xA60] =	vst v0  }
0x2d: {  	[tilespmem:s14+$0xA70] =	vst v0;
	s14 =	sshra.s32 s15, $0x2;
	s15 =	sadd.s32 $0x200, s15  }
0x2e: {  	[tilespmem:s14+$0xA80] =	vst v0  }
0x2f: {  	[tilespmem:s14+$0xA10] =	vst v0  }
0x30: {  	[tilespmem:s14+$0xA20] =	vst v0  }
0x31: {  	[tilespmem:s14+$0xA30] =	vst v0  }
0x32: {  	[tilespmem:s14+$0xA40] =	vst v0  }
0x33: {  	[tilespmem:s14+$0xA50] =	vst v0  }
0x34: {  	[tilespmem:s14+$0xA60] =	vst v0  }
0x35: {  	[tilespmem:s14+$0xA70] =	vst v0  }
0x36: {  	[spmem:s24] =	stream.linear.scatter [tilespmem:s16], [sflag:$0x7], $0x3000, $0x38;
	[tilespmem:$0x1D680] =	vst v63  }
0x37: {  	_ =	swait.ge [sflag:s17], $0x3000  }
0x38: {  	[sflag:s17] =	ssyncset.done $0x0  }
0x39: {  	s5 =	rddreg [dreg:$0x12];
	[sflag:s17] =	ssyncadd.s32 $0xFFFFD000  }
0x3a: {  	[spmem:s5] =	stream.linear.scatter [tilespmem:s16], [sflag:$0x7], $0x3000, $0x38;
	[tilespmem:$0x1D680] =	vst v63  }
0x3b: {  	_ =	swait.ge [sflag:s17], $0x3000  }
0x3c: {  	[sflag:s17] =	ssyncset.done $0x0  }
0x3d: {  	s24 =	rddreg [dreg:$0x13];
	[sflag:s17] =	ssyncadd.s32 $0xFFFFD000  }
0x3e: {  	[spmem:s24] =	stream.linear.scatter [tilespmem:s16], [sflag:$0x7], $0x3000, $0x38;
	[tilespmem:$0x1D680] =	vst v63  }
0x3f: {  	_ =	swait.ge [sflag:s17], $0x3000  }
0x40: {  	[sflag:s17] =	ssyncset.done $0x0  }
0x41: {  	s12 =	rddreg [dreg:$0x14];
	[sflag:s17] =	ssyncadd.s32 $0xFFFFD000  }
0x42: {  	[spmem:s12] =	stream.linear.scatter [tilespmem:s16], [sflag:$0x7], $0x3000, $0x38;
	[tilespmem:$0x1D680] =	vst v63  }
0x43: {  	_ =	swait.ge [sflag:s17], $0x3000  }
0x44: {  	[sflag:s17] =	ssyncset.done $0x0  }
0x45: {  	s14 =	rddreg [dreg:$0x15];
	[sflag:s17] =	ssyncadd.s32 $0xFFFFD000  }
0x46: {  	[spmem:s14] =	stream.linear.scatter [tilespmem:s16], [sflag:$0x7], $0x3000, $0x38;
	[tilespmem:$0x1D680] =	vst v63  }
0x47: {  	_ =	swait.ge [sflag:s17], $0x3000  }
0x48: {  	[sflag:s17] =	ssyncset.done $0x0  }
0x49: {  	s15 =	rddreg [dreg:$0x16];
	[sflag:s17] =	ssyncadd.s32 $0xFFFFD000  }
0x4a: {  	[spmem:s15] =	stream.linear.scatter [tilespmem:s16], [sflag:$0x7], $0x3000, $0x38;
	[tilespmem:$0x1D680] =	vst v63  }
0x4b: {  	_ =	swait.ge [sflag:s17], $0x3000  }
0x4c: {  	[sflag:s17] =	ssyncset.done $0x0  }
0x4d: {  	s24 =	rddreg [dreg:$0x17];
	[sflag:s17] =	ssyncadd.s32 $0xFFFFD000  }
0x4e: {  	[spmem:s24] =	stream.linear.scatter [tilespmem:s16], [sflag:$0x7], $0x1C00, $0x38;
	[tilespmem:$0x1D680] =	vst v63  }
0x4f: {  	_ =	swait.ge [sflag:s17], $0x1C00  }
0x50: {  	[sflag:s17] =	ssyncset.done $0x0  }
0x51: {  	[sflag:s17] =	ssyncadd.s32 $0xFFFFE400  }
0x52: {  	[bflag:$0x0] =	sbarrier.arrive $0xFFFF  }
0x53: {  	s12 =	rddreg [dreg:$0x1a]  }
0x54: {  	[tilespmem:s3], [sflag:$0x7] =	stream.linear.gather [hbm4b:s12+s3], $0x540, $0x38;
	[tilespmem:$0x1D680] =	vst v63  }
0x55: {  	_ =	swait.ge [sflag:s17], $0x540  }
0x56: {  	[sflag:s17] =	ssyncset.done $0x0  }
0x57: {  	s15 =	rddreg [dreg:$0x1c];
	[sflag:s17] =	ssyncadd.s32 $0xFFFFFAC0  }
0x58: {  	[tilespmem:s18], [sflag:$0x7] =	stream.linear.gather [hbm4b:s15+s3], $0x540, $0x38;
	[tilespmem:$0x1D680] =	vst v63  }
0x59: {  	_ =	swait.ge [sflag:s17], $0x540  }
0x5a: {  	[sflag:s17] =	ssyncset.done $0x0  }
0x5b: {  	[sflag:s17] =	ssyncadd.s32 $0xFFFFFAC0  }
0x5c: {  	[tilespmem:s16], [sflag:$0x1] =	stream.indirect.gather [hbm4b:s4+s19], $0x80, s3, s19, $0xb8;
	[tilespmem:$0x1D680] =	vst v63  }
0x5d: {  	_ = 	snop  }
0x5e: {  	[tilespmem:s20], [sflag:$0x2] =	stream.indirect.gather [hbm4b:s4+s19], $0x80, s19, s19, $0xb8;
	[tilespmem:$0x1D680] =	vst v63  }
0x5f: {  	s5 =	rddreg [dreg:$0x3]  }
0x60: {  	[tilespmem:s21], [sflag:$0x3] =	stream.indirect.gather [hbm4b:s4+s19], $0x80, s5, s19, $0xb8;
	[tilespmem:$0x1D680] =	vst v63  }
0x61: {  	_ =	swait.ge [sflag:s22], $0x3000  }
0x62: {  	[sflag:s22] =	ssyncset.done $0x0  }
0x63: {  	[sflag:s22] =	ssyncadd.s32 $0xFFFFD000  }
0x64: {  	[spmem:s2] =	stream.indirect.scatter.add.f32 [tilespmem:s16], [sflag:$0x4], $0x80, s18, s19, $0xb8;
	[tilespmem:$0x1D680] =	vst v63  }
0x65: {  	_ =	swait.ge [sflag:s23], $0x3000  }
0x66: {  	[sflag:s23] =	ssyncset.done $0x0  }
0x67: {  	s24 =	rddreg [dreg:$0x4];
	[sflag:s23] =	ssyncadd.s32 $0xFFFFD000  }
0x68: {  	[tilespmem:s16], [sflag:$0x1] =	stream.indirect.gather [hbm4b:s4+s19], $0x80, s24, s19, $0xb8;
	[tilespmem:$0x1D680] =	vst v63  }
0x69: {  	_ =	swait.ge [sflag:s25], $0x3000  }
0x6a: {  	[sflag:s25] =	ssyncset.done $0x0  }
0x6b: {  	s5 =	rddreg [dreg:$0x5];
	[sflag:s25] =	ssyncadd.s32 $0xFFFFD000  }
0x6c: {  	[spmem:s2] =	stream.indirect.scatter.add.f32 [tilespmem:s20], [sflag:$0x5], $0x80, s5, s19, $0xb8;
	[tilespmem:$0x1D680] =	vst v63  }
0x6d: {  	_ =	swait.ge [sflag:s26], $0x3000  }
0x6e: {  	[sflag:s26] =	ssyncset.done $0x0  }
0x6f: {  	s24 =	rddreg [dreg:$0x6];
	[sflag:s26] =	ssyncadd.s32 $0xFFFFD000  }
0x70: {  	[tilespmem:s20], [sflag:$0x2] =	stream.indirect.gather [hbm4b:s4+s19], $0x80, s24, s19, $0xb8;
	[tilespmem:$0x1D680] =	vst v63  }
0x71: {  	_ =	swait.ge [sflag:s28], $0x3000  }
0x72: {  	[sflag:s28] =	ssyncset.done $0x0  }
0x73: {  	s5 =	rddreg [dreg:$0x7];
	[sflag:s28] =	ssyncadd.s32 $0xFFFFD000  }
0x74: {  	[spmem:s2] =	stream.indirect.scatter.add.f32 [tilespmem:s21], [sflag:$0x6], $0x80, s5, s19, $0xb8;
	[tilespmem:$0x1D680] =	vst v63  }
0x75: {  	_ =	swait.ge [sflag:s29], $0x3000  }
0x76: {  	[sflag:s29] =	ssyncset.done $0x0  }
0x77: {  	s24 =	rddreg [dreg:$0x8];
	[sflag:s29] =	ssyncadd.s32 $0xFFFFD000  }
0x78: {  	[tilespmem:s21], [sflag:$0x3] =	stream.indirect.gather [hbm4b:s4+s19], $0x80, s24, s19, $0xb8;
	[tilespmem:$0x1D680] =	vst v63  }
0x79: {  	_ =	swait.ge [sflag:s22], $0x3000  }
0x7a: {  	[sflag:s22] =	ssyncset.done $0x0  }
0x7b: {  	s5 =	rddreg [dreg:$0x9];
	[sflag:s22] =	ssyncadd.s32 $0xFFFFD000  }
0x7c: {  	[spmem:s2] =	stream.indirect.scatter.add.f32 [tilespmem:s16], [sflag:$0x4], $0x80, s5, s19, $0xb8;
	[tilespmem:$0x1D680] =	vst v63  }
0x7d: {  	_ =	swait.ge [sflag:s23], $0x3000  }
0x7e: {  	[sflag:s23] =	ssyncset.done $0x0  }
0x7f: {  	s24 =	rddreg [dreg:$0xa];
	[sflag:s23] =	ssyncadd.s32 $0xFFFFD000  }
0x80: {  	[tilespmem:s16], [sflag:$0x1] =	stream.indirect.gather [hbm4b:s4+s19], $0x80, s24, s19, $0xb8;
	[tilespmem:$0x1D680] =	vst v63  }
0x81: {  	_ =	swait.ge [sflag:s25], $0x3000  }
0x82: {  	[sflag:s25] =	ssyncset.done $0x0  }
0x83: {  	s5 =	rddreg [dreg:$0xb];
	[sflag:s25] =	ssyncadd.s32 $0xFFFFD000  }
0x84: {  	[spmem:s2] =	stream.indirect.scatter.add.f32 [tilespmem:s20], [sflag:$0x5], $0x80, s5, s19, $0xb8;
	[tilespmem:$0x1D680] =	vst v63  }
0x85: {  	_ =	swait.ge [sflag:s26], $0x3000  }
0x86: {  	[sflag:s26] =	ssyncset.done $0x0  }
0x87: {  	s24 =	rddreg [dreg:$0xc];
	[sflag:s26] =	ssyncadd.s32 $0xFFFFD000  }
0x88: {  	[tilespmem:s20], [sflag:$0x2] =	stream.indirect.gather [hbm4b:s4+s19], $0x80, s24, s19, $0xb8;
	[tilespmem:$0x1D680] =	vst v63  }
0x89: {  	_ =	swait.ge [sflag:s28], $0x3000  }
0x8a: {  	[sflag:s28] =	ssyncset.done $0x0  }
0x8b: {  	s5 =	rddreg [dreg:$0xd];
	[sflag:s28] =	ssyncadd.s32 $0xFFFFD000  }
0x8c: {  	[spmem:s2] =	stream.indirect.scatter.add.f32 [tilespmem:s21], [sflag:$0x6], $0x80, s5, s19, $0xb8;
	[tilespmem:$0x1D680] =	vst v63  }
0x8d: {  	_ =	swait.ge [sflag:s29], $0x3000  }
0x8e: {  	[sflag:s29] =	ssyncset.done $0x0  }
0x8f: {  	s24 =	rddreg [dreg:$0xe];
	[sflag:s29] =	ssyncadd.s32 $0xFFFFD000  }
0x90: {  	[tilespmem:s21], [sflag:$0x3] =	stream.indirect.gather [hbm4b:s4+s19], $0x80, s24, s19, $0xb8;
	[tilespmem:$0x1D680] =	vst v63  }
0x91: {  	_ =	swait.ge [sflag:s22], $0x3000  }
0x92: {  	[sflag:s22] =	ssyncset.done $0x0  }
0x93: {  	s5 =	rddreg [dreg:$0xf];
	[sflag:s22] =	ssyncadd.s32 $0xFFFFD000  }
0x94: {  	[spmem:s2] =	stream.indirect.scatter.add.f32 [tilespmem:s16], [sflag:$0x4], $0x80, s5, s19, $0xb8;
	[tilespmem:$0x1D680] =	vst v63  }
0x95: {  	_ =	swait.ge [sflag:s23], $0x3000  }
0x96: {  	[sflag:s23] =	ssyncset.done $0x0  }
0x97: {  	s24 =	rddreg [dreg:$0x10];
	[sflag:s23] =	ssyncadd.s32 $0xFFFFD000  }
0x98: {  	[tilespmem:s16], [sflag:$0x1] =	stream.indirect.gather [hbm4b:s4+s19], $0x80, s24, s19, $0xb8;
	[tilespmem:$0x1D680] =	vst v63  }
0x99: {  	_ =	swait.ge [sflag:s25], $0x3000  }
0x9a: {  	[sflag:s25] =	ssyncset.done $0x0  }
0x9b: {  	s5 =	rddreg [dreg:$0x11];
	[sflag:s25] =	ssyncadd.s32 $0xFFFFD000  }
0x9c: {  	[spmem:s2] =	stream.indirect.scatter.add.f32 [tilespmem:s20], [sflag:$0x5], $0x80, s5, s19, $0xb8;
	[tilespmem:$0x1D680] =	vst v63  }
0x9d: {  	_ =	swait.ge [sflag:s26], $0x3000  }
0x9e: {  	[sflag:s26] =	ssyncset.done $0x0  }
0x9f: {  	[sflag:s26] =	ssyncadd.s32 $0xFFFFD000  }
0xa0: {  	[tilespmem:s20], [sflag:$0x2] =	stream.indirect.gather [hbm4b:s4+s19], $0x80, s30, s19, $0xb8;
	[tilespmem:$0x1D680] =	vst v63  }
0xa1: {  	_ =	swait.ge [sflag:s28], $0x3000  }
0xa2: {  	[sflag:s28] =	ssyncset.done $0x0  }
0xa3: {  	[sflag:s28] =	ssyncadd.s32 $0xFFFFD000  }
0xa4: {  	[spmem:s2] =	stream.indirect.scatter.add.f32 [tilespmem:s21], [sflag:$0x6], $0x80, s31, s19, $0xb8;
	[tilespmem:$0x1D680] =	vst v63  }
0xa5: {  	_ =	swait.ge [sflag:s29], $0x3000  }
0xa6: {  	[sflag:s29] =	ssyncset.done $0x0  }
0xa7: {  	[sflag:s29] =	ssyncadd.s32 $0xFFFFD000  }
0xa8: {  	[tilespmem:s21], [sflag:$0x3] =	stream.indirect.gather [hbm4b:s4+s19], $0x80, s1, s19, $0xb8;
	[tilespmem:$0x1D680] =	vst v63  }
0xa9: {  	_ =	swait.ge [sflag:s22], $0x3000  }
0xaa: {  	[sflag:s22] =	ssyncset.done $0x0  }
0xab: {  	[sflag:s22] =	ssyncadd.s32 $0xFFFFD000  }
0xac: {  	[spmem:s2] =	stream.indirect.scatter.add.f32 [tilespmem:s16], [sflag:$0x4], $0x80, s0, s19, $0xb8;
	[tilespmem:$0x1D680] =	vst v63  }
0xad: {  	_ =	swait.ge [sflag:s23], $0x3000  }
0xae: {  	[sflag:s23] =	ssyncset.done $0x0  }
0xaf: {  	[sflag:s23] =	ssyncadd.s32 $0xFFFFD000  }
0xb0: {  	[tilespmem:s16], [sflag:$0x1] =	stream.indirect.gather [hbm4b:s4+s19], $0x80, s6, s19, $0xb8;
	[tilespmem:$0x1D680] =	vst v63  }
0xb1: {  	_ =	swait.ge [sflag:s25], $0x3000  }
0xb2: {  	[sflag:s25] =	ssyncset.done $0x0  }
0xb3: {  	[sflag:s25] =	ssyncadd.s32 $0xFFFFD000  }
0xb4: {  	[spmem:s2] =	stream.indirect.scatter.add.f32 [tilespmem:s20], [sflag:$0x5], $0x80, s7, s19, $0xb8;
	[tilespmem:$0x1D680] =	vst v63  }
0xb5: {  	_ =	swait.ge [sflag:s26], $0x3000  }
0xb6: {  	[sflag:s26] =	ssyncset.done $0x0  }
0xb7: {  	[sflag:s26] =	ssyncadd.s32 $0xFFFFD000  }
0xb8: {  	[tilespmem:s20], [sflag:$0x2] =	stream.indirect.gather [hbm4b:s4+s19], $0x80, s8, s19, $0xb8;
	[tilespmem:$0x1D680] =	vst v63  }
0xb9: {  	_ =	swait.ge [sflag:s28], $0x3000  }
0xba: {  	[sflag:s28] =	ssyncset.done $0x0  }
0xbb: {  	[sflag:s28] =	ssyncadd.s32 $0xFFFFD000  }
0xbc: {  	[spmem:s2] =	stream.indirect.scatter.add.f32 [tilespmem:s21], [sflag:$0x6], $0x80, s9, s19, $0xb8;
	[tilespmem:$0x1D680] =	vst v63  }
0xbd: {  	_ =	swait.ge [sflag:s22], $0x3000  }
0xbe: {  	[sflag:s22] =	ssyncset.done $0x0  }
0xbf: {  	[sflag:s22] =	ssyncadd.s32 $0xFFFFD000  }
0xc0: {  	[spmem:s2] =	stream.indirect.scatter.add.f32 [tilespmem:s16], [sflag:$0x4], $0x80, s10, s19, $0xb8;
	[tilespmem:$0x1D680] =	vst v63  }
0xc1: {  	_ =	swait.ge [sflag:s25], $0x3000  }
0xc2: {  	[sflag:s25] =	ssyncset.done $0x0  }
0xc3: {  	[sflag:s25] =	ssyncadd.s32 $0xFFFFD000  }
0xc4: {  	[spmem:s2] =	stream.indirect.scatter.add.f32 [tilespmem:s20], [sflag:$0x5], $0x80, s11, s19, $0xb8;
	[tilespmem:$0x1D680] =	vst v63  }
0xc5: {  	_ =	swait.ge [sflag:s29], $0x3000  }
0xc6: {  	[sflag:s29] =	ssyncset.done $0x0  }
0xc7: {  	[sflag:s29] =	ssyncadd.s32 $0xFFFFD000  }
0xc8: {  	_ =	swait.ge [sflag:s23], $0x3000  }
0xc9: {  	s24 =	rddreg [dreg:$0x18]  }
0xca: {  	p0 =	sne.s32 s24, $0x1  }
.Ltmp1:
0xcb: {  	_ = 	snop;
	(pc) =	sbr.rel @!p0 .LBB2_5-.Ltmp1, $4  }
0xcc: {  	[sflag:s23] =	ssyncset.done $0x0  }
0xcd: {  	[sflag:s23] =	ssyncadd.s32 $0xFFFFD000  }
0xce: {  	_ =	swait.ge [sflag:s26], $0x3000  }
0xcf: {  	s24 =	sadd.s32 $0xFFFFFFFF, s24;
	[sflag:s26] =	ssyncset.done $0x0  }
.LBB2_4:
0xd0: {  	[sflag:s26] =	ssyncadd.s32 $0xFFFFD000;
	s12 =	sadd.s32 $0xA8, s12  }
0xd1: {  	[tilespmem:s3], [sflag:$0x7] =	stream.linear.gather [hbm4b:s12+s3], $0x540, $0x38;
	[tilespmem:$0x1D680] =	vst v63  }
0xd2: {  	_ =	swait.ge [sflag:s17], $0x540  }
0xd3: {  	[sflag:s17] =	ssyncset.done $0x0  }
0xd4: {  	s15 =	sadd.s32 $0xA8, s15;
	[sflag:s17] =	ssyncadd.s32 $0xFFFFFAC0  }
0xd5: {  	[tilespmem:s18], [sflag:$0x7] =	stream.linear.gather [hbm4b:s15+s3], $0x540, $0x38;
	[tilespmem:$0x1D680] =	vst v63  }
0xd6: {  	_ =	swait.ge [sflag:s17], $0x540  }
0xd7: {  	[sflag:s17] =	ssyncset.done $0x0  }
0xd8: {  	[sflag:s17] =	ssyncadd.s32 $0xFFFFFAC0  }
0xd9: {  	[tilespmem:s16], [sflag:$0x1] =	stream.indirect.gather [hbm4b:s4+s19], $0x80, s3, s19, $0xb8;
	[tilespmem:$0x1D680] =	vst v63  }
0xda: {  	_ = 	snop  }
0xdb: {  	[tilespmem:s20], [sflag:$0x2] =	stream.indirect.gather [hbm4b:s4+s19], $0x80, s19, s19, $0xb8;
	[tilespmem:$0x1D680] =	vst v63  }
0xdc: {  	s5 =	rddreg [dreg:$0x3]  }
0xdd: {  	[tilespmem:s21], [sflag:$0x3] =	stream.indirect.gather [hbm4b:s4+s19], $0x80, s5, s19, $0xb8;
	[tilespmem:$0x1D680] =	vst v63  }
0xde: {  	_ =	swait.ge [sflag:s22], $0x3000  }
0xdf: {  	[sflag:s22] =	ssyncset.done $0x0  }
0xe0: {  	[sflag:s22] =	ssyncadd.s32 $0xFFFFD000  }
0xe1: {  	[spmem:s2] =	stream.indirect.scatter.add.f32 [tilespmem:s16], [sflag:$0x4], $0x80, s18, s19, $0xb8;
	[tilespmem:$0x1D680] =	vst v63  }
0xe2: {  	_ =	swait.ge [sflag:s23], $0x3000  }
0xe3: {  	[sflag:s23] =	ssyncset.done $0x0  }
0xe4: {  	s14 =	rddreg [dreg:$0x4];
	[sflag:s23] =	ssyncadd.s32 $0xFFFFD000  }
0xe5: {  	[tilespmem:s16], [sflag:$0x1] =	stream.indirect.gather [hbm4b:s4+s19], $0x80, s14, s19, $0xb8;
	[tilespmem:$0x1D680] =	vst v63  }
0xe6: {  	_ =	swait.ge [sflag:s25], $0x3000  }
0xe7: {  	[sflag:s25] =	ssyncset.done $0x0  }
0xe8: {  	s14 =	rddreg [dreg:$0x5];
	[sflag:s25] =	ssyncadd.s32 $0xFFFFD000  }
0xe9: {  	[spmem:s2] =	stream.indirect.scatter.add.f32 [tilespmem:s20], [sflag:$0x5], $0x80, s14, s19, $0xb8;
	[tilespmem:$0x1D680] =	vst v63  }
0xea: {  	_ =	swait.ge [sflag:s26], $0x3000  }
0xeb: {  	[sflag:s26] =	ssyncset.done $0x0  }
0xec: {  	s14 =	rddreg [dreg:$0x6];
	[sflag:s26] =	ssyncadd.s32 $0xFFFFD000  }
0xed: {  	[tilespmem:s20], [sflag:$0x2] =	stream.indirect.gather [hbm4b:s4+s19], $0x80, s14, s19, $0xb8;
	[tilespmem:$0x1D680] =	vst v63  }
0xee: {  	_ =	swait.ge [sflag:s28], $0x3000  }
0xef: {  	[sflag:s28] =	ssyncset.done $0x0  }
0xf0: {  	s14 =	rddreg [dreg:$0x7];
	[sflag:s28] =	ssyncadd.s32 $0xFFFFD000  }
0xf1: {  	[spmem:s2] =	stream.indirect.scatter.add.f32 [tilespmem:s21], [sflag:$0x6], $0x80, s14, s19, $0xb8;
	[tilespmem:$0x1D680] =	vst v63  }
0xf2: {  	_ =	swait.ge [sflag:s29], $0x3000  }
0xf3: {  	[sflag:s29] =	ssyncset.done $0x0  }
0xf4: {  	s14 =	rddreg [dreg:$0x8];
	[sflag:s29] =	ssyncadd.s32 $0xFFFFD000  }
0xf5: {  	[tilespmem:s21], [sflag:$0x3] =	stream.indirect.gather [hbm4b:s4+s19], $0x80, s14, s19, $0xb8;
	[tilespmem:$0x1D680] =	vst v63  }
0xf6: {  	_ =	swait.ge [sflag:s22], $0x3000  }
0xf7: {  	[sflag:s22] =	ssyncset.done $0x0  }
0xf8: {  	s14 =	rddreg [dreg:$0x9];
	[sflag:s22] =	ssyncadd.s32 $0xFFFFD000  }
0xf9: {  	[spmem:s2] =	stream.indirect.scatter.add.f32 [tilespmem:s16], [sflag:$0x4], $0x80, s14, s19, $0xb8;
	[tilespmem:$0x1D680] =	vst v63  }
0xfa: {  	_ =	swait.ge [sflag:s23], $0x3000  }
0xfb: {  	[sflag:s23] =	ssyncset.done $0x0  }
0xfc: {  	s14 =	rddreg [dreg:$0xa];
	[sflag:s23] =	ssyncadd.s32 $0xFFFFD000  }
0xfd: {  	[tilespmem:s16], [sflag:$0x1] =	stream.indirect.gather [hbm4b:s4+s19], $0x80, s14, s19, $0xb8;
	[tilespmem:$0x1D680] =	vst v63  }
0xfe: {  	_ =	swait.ge [sflag:s25], $0x3000  }
0xff: {  	[sflag:s25] =	ssyncset.done $0x0  }
0x100: {  	s14 =	rddreg [dreg:$0xb];
	[sflag:s25] =	ssyncadd.s32 $0xFFFFD000  }
0x101: {  	[spmem:s2] =	stream.indirect.scatter.add.f32 [tilespmem:s20], [sflag:$0x5], $0x80, s14, s19, $0xb8;
	[tilespmem:$0x1D680] =	vst v63  }
0x102: {  	_ =	swait.ge [sflag:s26], $0x3000  }
0x103: {  	[sflag:s26] =	ssyncset.done $0x0  }
0x104: {  	s14 =	rddreg [dreg:$0xc];
	[sflag:s26] =	ssyncadd.s32 $0xFFFFD000  }
0x105: {  	[tilespmem:s20], [sflag:$0x2] =	stream.indirect.gather [hbm4b:s4+s19], $0x80, s14, s19, $0xb8;
	[tilespmem:$0x1D680] =	vst v63  }
0x106: {  	_ =	swait.ge [sflag:s28], $0x3000  }
0x107: {  	[sflag:s28] =	ssyncset.done $0x0  }
0x108: {  	s14 =	rddreg [dreg:$0xd];
	[sflag:s28] =	ssyncadd.s32 $0xFFFFD000  }
0x109: {  	[spmem:s2] =	stream.indirect.scatter.add.f32 [tilespmem:s21], [sflag:$0x6], $0x80, s14, s19, $0xb8;
	[tilespmem:$0x1D680] =	vst v63  }
0x10a: {  	_ =	swait.ge [sflag:s29], $0x3000  }
0x10b: {  	[sflag:s29] =	ssyncset.done $0x0  }
0x10c: {  	s14 =	rddreg [dreg:$0xe];
	[sflag:s29] =	ssyncadd.s32 $0xFFFFD000  }
0x10d: {  	[tilespmem:s21], [sflag:$0x3] =	stream.indirect.gather [hbm4b:s4+s19], $0x80, s14, s19, $0xb8;
	[tilespmem:$0x1D680] =	vst v63  }
0x10e: {  	_ =	swait.ge [sflag:s22], $0x3000  }
0x10f: {  	[sflag:s22] =	ssyncset.done $0x0  }
0x110: {  	s14 =	rddreg [dreg:$0xf];
	[sflag:s22] =	ssyncadd.s32 $0xFFFFD000  }
0x111: {  	[spmem:s2] =	stream.indirect.scatter.add.f32 [tilespmem:s16], [sflag:$0x4], $0x80, s14, s19, $0xb8;
	[tilespmem:$0x1D680] =	vst v63  }
0x112: {  	_ =	swait.ge [sflag:s23], $0x3000  }
0x113: {  	[sflag:s23] =	ssyncset.done $0x0  }
0x114: {  	s14 =	rddreg [dreg:$0x10];
	[sflag:s23] =	ssyncadd.s32 $0xFFFFD000  }
0x115: {  	[tilespmem:s16], [sflag:$0x1] =	stream.indirect.gather [hbm4b:s4+s19], $0x80, s14, s19, $0xb8;
	[tilespmem:$0x1D680] =	vst v63  }
0x116: {  	_ =	swait.ge [sflag:s25], $0x3000  }
0x117: {  	[sflag:s25] =	ssyncset.done $0x0  }
0x118: {  	s14 =	rddreg [dreg:$0x11];
	[sflag:s25] =	ssyncadd.s32 $0xFFFFD000  }
0x119: {  	[spmem:s2] =	stream.indirect.scatter.add.f32 [tilespmem:s20], [sflag:$0x5], $0x80, s14, s19, $0xb8;
	[tilespmem:$0x1D680] =	vst v63  }
0x11a: {  	_ =	swait.ge [sflag:s26], $0x3000  }
0x11b: {  	[sflag:s26] =	ssyncset.done $0x0  }
0x11c: {  	[sflag:s26] =	ssyncadd.s32 $0xFFFFD000  }
0x11d: {  	[tilespmem:s20], [sflag:$0x2] =	stream.indirect.gather [hbm4b:s4+s19], $0x80, s30, s19, $0xb8;
	[tilespmem:$0x1D680] =	vst v63  }
0x11e: {  	_ =	swait.ge [sflag:s28], $0x3000  }
0x11f: {  	[sflag:s28] =	ssyncset.done $0x0  }
0x120: {  	[sflag:s28] =	ssyncadd.s32 $0xFFFFD000  }
0x121: {  	[spmem:s2] =	stream.indirect.scatter.add.f32 [tilespmem:s21], [sflag:$0x6], $0x80, s31, s19, $0xb8;
	[tilespmem:$0x1D680] =	vst v63  }
0x122: {  	_ =	swait.ge [sflag:s29], $0x3000  }
0x123: {  	[sflag:s29] =	ssyncset.done $0x0  }
0x124: {  	[sflag:s29] =	ssyncadd.s32 $0xFFFFD000  }
0x125: {  	[tilespmem:s21], [sflag:$0x3] =	stream.indirect.gather [hbm4b:s4+s19], $0x80, s1, s19, $0xb8;
	[tilespmem:$0x1D680] =	vst v63  }
0x126: {  	_ =	swait.ge [sflag:s22], $0x3000  }
0x127: {  	[sflag:s22] =	ssyncset.done $0x0  }
0x128: {  	[sflag:s22] =	ssyncadd.s32 $0xFFFFD000  }
0x129: {  	[spmem:s2] =	stream.indirect.scatter.add.f32 [tilespmem:s16], [sflag:$0x4], $0x80, s0, s19, $0xb8;
	[tilespmem:$0x1D680] =	vst v63  }
0x12a: {  	_ =	swait.ge [sflag:s23], $0x3000  }
0x12b: {  	[sflag:s23] =	ssyncset.done $0x0  }
0x12c: {  	[sflag:s23] =	ssyncadd.s32 $0xFFFFD000  }
0x12d: {  	[tilespmem:s16], [sflag:$0x1] =	stream.indirect.gather [hbm4b:s4+s19], $0x80, s6, s19, $0xb8;
	[tilespmem:$0x1D680] =	vst v63  }
0x12e: {  	_ =	swait.ge [sflag:s25], $0x3000  }
0x12f: {  	[sflag:s25] =	ssyncset.done $0x0  }
0x130: {  	[sflag:s25] =	ssyncadd.s32 $0xFFFFD000  }
0x131: {  	[spmem:s2] =	stream.indirect.scatter.add.f32 [tilespmem:s20], [sflag:$0x5], $0x80, s7, s19, $0xb8;
	[tilespmem:$0x1D680] =	vst v63  }
0x132: {  	_ =	swait.ge [sflag:s26], $0x3000  }
0x133: {  	[sflag:s26] =	ssyncset.done $0x0  }
0x134: {  	[sflag:s26] =	ssyncadd.s32 $0xFFFFD000  }
0x135: {  	[tilespmem:s20], [sflag:$0x2] =	stream.indirect.gather [hbm4b:s4+s19], $0x80, s8, s19, $0xb8;
	[tilespmem:$0x1D680] =	vst v63  }
0x136: {  	_ =	swait.ge [sflag:s28], $0x3000  }
0x137: {  	[sflag:s28] =	ssyncset.done $0x0  }
0x138: {  	[sflag:s28] =	ssyncadd.s32 $0xFFFFD000  }
0x139: {  	[spmem:s2] =	stream.indirect.scatter.add.f32 [tilespmem:s21], [sflag:$0x6], $0x80, s9, s19, $0xb8;
	[tilespmem:$0x1D680] =	vst v63  }
0x13a: {  	_ =	swait.ge [sflag:s22], $0x3000  }
0x13b: {  	[sflag:s22] =	ssyncset.done $0x0  }
0x13c: {  	[sflag:s22] =	ssyncadd.s32 $0xFFFFD000  }
0x13d: {  	[spmem:s2] =	stream.indirect.scatter.add.f32 [tilespmem:s16], [sflag:$0x4], $0x80, s10, s19, $0xb8;
	[tilespmem:$0x1D680] =	vst v63  }
0x13e: {  	_ =	swait.ge [sflag:s25], $0x3000  }
0x13f: {  	[sflag:s25] =	ssyncset.done $0x0  }
0x140: {  	[sflag:s25] =	ssyncadd.s32 $0xFFFFD000  }
0x141: {  	[spmem:s2] =	stream.indirect.scatter.add.f32 [tilespmem:s20], [sflag:$0x5], $0x80, s11, s19, $0xb8;
	[tilespmem:$0x1D680] =	vst v63  }
0x142: {  	_ =	swait.ge [sflag:s29], $0x3000  }
0x143: {  	[sflag:s29] =	ssyncset.done $0x0  }
0x144: {  	p0 =	sne.s32 s24, $0x1;
	[sflag:s29] =	ssyncadd.s32 $0xFFFFD000  }
.Ltmp2:
0x145: {  	_ =	swait.ge [sflag:s23], $0x3000;
	(pc) =	sbr.rel @p0 .LBB2_4-.Ltmp2, $4  }
0x146: {  	[sflag:s23] =	ssyncset.done $0x0  }
0x147: {  	[sflag:s23] =	ssyncadd.s32 $0xFFFFD000  }
0x148: {  	_ =	swait.ge [sflag:s26], $0x3000  }
0x149: {  	s24 =	sadd.s32 $0xFFFFFFFF, s24;
	[sflag:s26] =	ssyncset.done $0x0  }
.LBB2_5:
0x14a: {  	[sflag:s26] =	ssyncadd.s32 $0xFFFFD000  }
0x14b: {  	s5 =	stileid.u32;
	[bflag:$0x0] =	sbarrier.arrive $0xFFFF  }
0x14c: {  	s5 =	sshll.u32 s5, $0x6;
	s24 =	rddreg [dreg:$0x1b]  }
0x14d: {  	s5 =	sor.u32 $0x1C07, s5;
	s12 =	rddreg [dreg:$0x1d];
	s14 =	sshrl.u32 s24, $0x3  }
0x14e: {  	[hbm:s12], [sflag:s5] =	dma.local [spmem:s14], $0x2780  }
0x14f: {  	_ =	swait.ge [sflag:s17], $0x2780  }
0x150: {  	s13 =	sadd.s32 $0x1, s13;
	s15 =	rddreg [dreg:$0x19]  }
0x151: {  	p0 =	sne.s32 s13, s15  }
.Ltmp3:
0x152: {  	_ = 	snop;
	(pc) =	sbr.rel @p0 .LBB2_1-.Ltmp3, $3  }
0x153: {  	_ =	sdelay $0x1  }
0x154: {  	[sflag:s17] =	ssyncset.done $0x0  }
0x155: {  	[sflag:s17] =	ssyncadd.s32 $0xFFFFD880  }
0x156: {  	_ =	sfence.sel $0x180000  }
0x157: {  	[bflag:$0x0] =	sbarrier.arrive $0xFFFF  }
0x158: {  	_ =	strace $0x9000004A  }
0x159: {  	s0 =	stileid.u32;
	[bflag:$0x2] =	sbarrier.arrive $0xFFFF  }
0x15a: {  	p0 =	sne.s32 s0, $0x0;
	s0 =	rddreg [dreg:$0x2]  }
0x15b: {  	s0 =	sadd.s32 @!p0 $0x100000, s0  }
0x15c: {  	[sflag:s0] =	ssyncadd.tile.s32 @!p0 $0x1;
	_ =	shalt  }
.Lfunc_end2:
_tile_overlayer_lowered:
.L_overlay_start_2:
0x15d: {  	(tag) =	ssettag $0x2  }
0x15e: {  	s0 =	rddreg [dreg:$0x0];
	s2 =	stileid.u32  }
0x15f: {  	s1 =	rddreg [dreg:$0x1];
	p0 =	sne.s32 s2, $0x0  }
0x160: {  	s3 =	rddreg [dreg:$0x2];
	[bflag:$0x3] =	sbarrier.arrive $0xFFFF;
	s2 =	simm.s32 @!p0 $0x1C07  }
0x161: {  	[timem:s3], [sflag:s2] =	dma.local @!p0 [hbm:s0], s1  }
0x162: {  	s0 =	simm.s32 @!p0 $0x7  }
0x163: {  	_ =	swait.ge @!p0 [sflag:s0], s1  }
0x164: {  	s1 =	ssub.s32 @!p0 $0x0, s1;
	[sflag:s0] =	ssyncset.done @!p0 $0x0  }
0x165: {  	[sflag:s0] =	ssyncadd.s32 @!p0 s1  }
0x166: {  	[bflag:$0x3] =	sbarrier.arrive $0xFFFF  }
0x167: {  	_ =	shalt  }

// kernel: kernel.8.cloned.1.call-start
scs
__scs_entry_jumppad:
0x0: {  	(pc) =	sbr.rel $0x88, $3  }
0x1: {  	(tag) =	ssettag $0x0;
	lr =	simm.s32 $0x1  }
0x2: {  	[smem:$0x3F93] =	sst lr;
	_ =	strace $0xD0000000  }
0x3: {  	_ = 	snop  }
0x4: {  	_ = 	snop  }
0x5: {  	_ = 	snop  }
0x6: {  	_ = 	snop  }
0x7: {  	_ = 	snop  }
__scs_overlays_trampoline_lowered:
0x8: {  	[smem:$0x3FA2] =	sst s0  }
0x9: {  	[smem:$0x3FA3] =	sst s1  }
0xa: {  	[smem:$0x3FA4] =	sst s2  }
0xb: {  	[smem:$0x3FA5] =	sst s3  }
0xc: {  	[smem:$0x3FA6] =	sst s4  }
0xd: {  	[smem:$0x3FA7] =	sst s5  }
0xe: {  	[smem:$0x3FA8] =	sst s6  }
0xf: {  	[smem:$0x3FA9] =	sst s7  }
0x10: {  	[smem:$0x3FAA] =	sst s8  }
0x11: {  	[smem:$0x3FAB] =	sst s9;
	s0 =	simm.s32 @!p0 $0x0  }
0x12: {  	s1 =	sld [smem:$0x3F91];
	s0 =	simm.s32 @p0 $0x1  }
0x13: {  	[smem:$0x3FAC] =	sst s0;
	s0 =	simm.s32 @!p1 $0x0  }
0x14: {  	s2 =	sld [smem:$0x3F90];
	s0 =	simm.s32 @p1 $0x1  }
0x15: {  	[smem:$0x3FAD] =	sst s0;
	s0 =	simm.s32 @!p2 $0x0  }
0x16: {  	s3 =	sld [smem:$0x3FDB];
	s0 =	simm.s32 @p2 $0x1  }
0x17: {  	s4 =	simm.s32 $0x1BF5;
	[smem:$0x3FAF] =	sst s0  }
0x18: {  	s0 =	sld [smem:$0x3F92];
	_ =	swait.ge [sflag:s4], $0x0  }
0x19: {  	s7 =	sld [smem:$0x3F93]  }
0x1a: {  	s8 =	sadd.s32 $0xFFFFE003, lr  }
0x1b: {  	s9 =	sadd.s32 $0xFFFFFEF7, lr;
	s5 =	simm.s32 $0xFFFFFFFF;
	p2 =	slt.u32 s8, $0xFFFFF086  }
0x1c: {  	p1 =	slt.u32 s9, $0xF7A;
	s5 =	simm.s32 @!p2 $0x0  }
0x1d: {  	s5 =	simm.s32 @p1 $0x1;
	p0 =	seq.s32 s7, s2  }
0x1e: {  	s7 =	smul.u32 @!p0 $0xF7A, s2;
	p2 =	seq.s32 @!p0 s5, $0x0  }
0x1f: {  	s9 =	smul.u32 $0xF7A, s1;
	s8 =	simm.s32 @!p0 $0x1BF5;
	p2 =	por !p2, p0  }
0x20: {  	[sflag:s8] =	ssyncset.s32 @!p0 $0xFFFFF086;
	s6 =	sadd.s32 @!p0 s3, s7;
	s7 =	simm.s32 @!p0 $0x108  }
0x21: {  	s3 =	sadd.s32 s3, s9;
	s6 =	sadd.s32 @!p0 $0x88, s6;
	s7 =	simm.s32 @p2 $0x1082  }
0x22: {  	[simem:s7], [sflag:s8] =	dma.local @!p0 [hbm:s6], $0xF7A  }
0x23: {  	s9 =	sor.u32 $0xD0000000, s2;
	s6 =	simm.s32 $0x108;
	_ =	swait.ge @!p0 [sflag:s8], $0x0  }
0x24: {  	s3 =	sadd.s32 $0x88, s3;
	s6 =	simm.s32 @!p1 $0x1082;
	[sflag:s4] =	ssyncset.s32 $0xFFFFF086  }
0x25: {  	[simem:s6], [sflag:s4] =	dma.local [hbm:s3], $0xF7A  }
0x26: {  	[smem:$0x3F93] =	sst s1;
	(tag) =	ssettag s2;
	_ =	strace s9  }
0x27: {  	s1 =	sld [smem:$0x3FA3]  }
0x28: {  	s2 =	sld [smem:$0x3FA4]  }
0x29: {  	s4 =	sld [smem:$0x3FA6]  }
0x2a: {  	p0 =	seq.s32 s5, $0x0;
	s5 =	sld [smem:$0x3FA7]  }
0x2b: {  	s6 =	sld [smem:$0x3FA8]  }
0x2c: {  	s7 =	sld [smem:$0x3FA9]  }
0x2d: {  	s3 =	simm.s32 $0x108;
	s8 =	sld [smem:$0x3FAA]  }
0x2e: {  	s3 =	simm.s32 @!p0 $0x1082;
	s9 =	sld [smem:$0x3FAB]  }
0x2f: {  	lr =	sadd.s32 s0, s3;
	s0 =	sld [smem:$0x3FA2]  }
0x30: {  	s3 =	sld [smem:$0x3FA5]  }
0x31: {  	[smem:$0x3FAE] =	sst s10  }
0x32: {  	s10 =	sld [smem:$0x3FAC];
	_ =	sdelay $0x3  }
0x33: {  	p0 =	seq.s32 s10, $0x1;
	s10 =	sld [smem:$0x3FAE];
	_ =	sdelay $0x3  }
0x34: {  	[smem:$0x3FAE] =	sst s10  }
0x35: {  	s10 =	sld [smem:$0x3FAD];
	_ =	sdelay $0x3  }
0x36: {  	p1 =	seq.s32 s10, $0x1;
	s10 =	sld [smem:$0x3FAE];
	_ =	sdelay $0x3  }
0x37: {  	[smem:$0x3FAE] =	sst s10  }
0x38: {  	s10 =	sld [smem:$0x3FAF]  }
0x39: {  	_ = 	snop;
	(pc) =	sbr.ind lr, $3  }
0x3a: {  	_ = 	snop  }
0x3b: {  	_ = 	snop  }
0x3c: {  	p2 =	seq.s32 s10, $0x1;
	s10 =	sld [smem:$0x3FAE]  }
0x3d: {  	_ =	shalt  }
0x3e: {  	_ =	shalt  }
0x3f: {  	_ =	shalt  }
0x40: {  	_ =	shalt  }
0x41: {  	_ =	shalt  }
0x42: {  	_ =	shalt  }
0x43: {  	_ =	shalt  }
0x44: {  	_ =	shalt  }
0x45: {  	_ =	shalt  }
0x46: {  	_ =	shalt  }
0x47: {  	_ =	shalt  }
0x48: {  	_ =	shalt  }
0x49: {  	_ =	shalt  }
0x4a: {  	_ =	shalt  }
0x4b: {  	_ =	shalt  }
0x4c: {  	_ =	shalt  }
0x4d: {  	_ =	shalt  }
0x4e: {  	_ =	shalt  }
0x4f: {  	_ =	shalt  }
0x50: {  	_ =	shalt  }
0x51: {  	_ =	shalt  }
0x52: {  	_ =	shalt  }
0x53: {  	_ =	shalt  }
0x54: {  	_ =	shalt  }
0x55: {  	_ =	shalt  }
0x56: {  	_ =	shalt  }
0x57: {  	_ =	shalt  }
0x58: {  	_ =	shalt  }
0x59: {  	_ =	shalt  }
0x5a: {  	_ =	shalt  }
0x5b: {  	_ =	shalt  }
0x5c: {  	_ =	shalt  }
0x5d: {  	_ =	shalt  }
0x5e: {  	_ =	shalt  }
0x5f: {  	_ =	shalt  }
0x60: {  	_ =	shalt  }
0x61: {  	_ =	shalt  }
0x62: {  	_ =	shalt  }
0x63: {  	_ =	shalt  }
0x64: {  	_ =	shalt  }
0x65: {  	_ =	shalt  }
0x66: {  	_ =	shalt  }
0x67: {  	_ =	shalt  }
0x68: {  	_ =	shalt  }
0x69: {  	_ =	shalt  }
0x6a: {  	_ =	shalt  }
0x6b: {  	_ =	shalt  }
0x6c: {  	_ =	shalt  }
0x6d: {  	_ =	shalt  }
0x6e: {  	_ =	shalt  }
0x6f: {  	_ =	shalt  }
0x70: {  	_ =	shalt  }
0x71: {  	_ =	shalt  }
0x72: {  	_ =	shalt  }
0x73: {  	_ =	shalt  }
0x74: {  	_ =	shalt  }
0x75: {  	_ =	shalt  }
0x76: {  	_ =	shalt  }
0x77: {  	_ =	shalt  }
0x78: {  	_ =	shalt  }
0x79: {  	_ =	shalt  }
0x7a: {  	_ =	shalt  }
0x7b: {  	_ =	shalt  }
0x7c: {  	_ =	shalt  }
0x7d: {  	_ =	shalt  }
0x7e: {  	_ =	shalt  }
0x7f: {  	_ =	shalt  }
0x80: {  	_ =	shalt  }
0x81: {  	_ =	shalt  }
0x82: {  	_ =	shalt  }
0x83: {  	_ =	shalt  }
0x84: {  	_ =	shalt  }
0x85: {  	_ =	shalt  }
0x86: {  	_ =	shalt  }
0x87: {  	_ =	shalt  }
.Lfunc_end0:
.L_simem_size_0:
called_computation_lowered:
.L_overlay_start_0:
0x88: {  	s2 =	sld [smem:$0x3FD9]  }
0x89: {  	s3 =	sld [smem:$0x3FFE];
	_ =	sdelay $0x1  }
0x8a: {  	s1 =	srdreg.scid  }
0x8b: {  	s0 =	sand.u32 $0x1, s1  }
0x8c: {  	s16 =	sshll.u32 s0, $0xA;
	s2 =	sadd.s32 s3, s2  }
0x8d: {  	s2 =	sadd.s32 s2, s16  }
0x8e: {  	[smem:$0x3FBA] =	sst s2  }
0x8f: {  	_ = 	snop  }
0x90: {  	(tm) =	ssettm $0x1  }
0x91: {  	s17 =	sld [smem:$0x3FFB];
	_ =	sdelay $0x3  }
0x92: {  	_ =	strace s17  }
0x93: {  	s2 =	sld [smem:$0x3FFC];
	_ =	sdelay $0x3  }
0x94: {  	_ =	strace s2  }
0x95: {  	s2 =	sld [smem:$0x3FFD];
	_ =	sdelay $0x3  }
0x96: {  	_ =	strace s2  }
0x97: {  	_ =	strace $0x8FFFFFFF  }
0x98: {  	s18 =	sld [smem:$0x3FDB];
	_ =	sdelay $0x1  }
0x99: {  	s19 =	simm.s32 $_scs_section_size  }
0x9a: {  	s4 =	simm.s32 $_size__tile_overlayer_lowered;
	s5 =	simm.s32 $_tile_overlayer_lowered  }
0x9b: {  	s22 =	simm.s32 $0x1BFF;
	s21 =	sshll.u32 s5, $0x1;
	s2 =	sadd.s32 s19, s18  }
0x9c: {  	s6 =	simm.s32 $0x0;
	s20 =	sshll.u32 s4, $0x1;
	s4 =	sadd.s32 s21, s2  }
0x9d: {  	[timem:s6], [sflag:s22] =	dma.local [hbm:s4], s20  }
0x9e: {  	_ =	swait.ge [sflag:s22], s20  }
0x9f: {  	s3 =	ssub.s32 $0x0, s20;
	[sflag:s22] =	ssyncset.done $0x0  }
0xa0: {  	[sflag:s22] =	ssyncadd.s32 s3;
	_ =	sdelay $0x1  }
0xa1: {  	s23 =	simm.s32 $0x1B8B  }
0xa2: {  	_ =	swait.ge [sflag:s23], $0x1  }
0xa3: {  	[sflag:s23] =	ssyncset.done $0x0  }
0xa4: {  	s25 =	simm.s32 $0x1B8E;
	s24 =	sld [smem:$0x3FFE];
	[sflag:s23] =	ssyncadd.s32 $0xFFFFFFFF  }
0xa5: {  	s26 =	simm.s32 $execute0_lowered;
	[smem:$0x3FD2] =	sst s25  }
0xa6: {  	s4 =	sshll.u32 s26, $0x1;
	_ =	strace $0x80000046;
	[dreg:$0x1] =	wrdreg $0xFFFFFFFF  }
0xa7: {  	s28 =	simm.s32 $_size_execute0_lowered;
	s2 =	sadd.s32 s2, s4;
	[dreg:$0x0] =	wrdreg $0x0  }
0xa8: {  	s4 =	sshll.u32 s28, $0x1;
	[dreg:$0x2] =	wrdreg s2  }
0xa9: {  	[dreg:$0x3] =	wrdreg s4  }
0xaa: {  	[dreg:$0x4] =	wrdreg $0xC0  }
0xab: {  	_ =	task [dreg:s6], $0x5FFFF  }
0xac: {  	[dreg:$0x1] =	wrdreg $0xFFFFFFFF  }
0xad: {  	[dreg:$0x0] =	wrdreg $0x60  }
0xae: {  	[dreg:$0x2] =	wrdreg s24  }
0xaf: {  	[dreg:$0x3] =	wrdreg $0x76800  }
0xb0: {  	[dreg:$0x4] =	wrdreg $0x9  }
0xb1: {  	_ =	task.clear_ibuf [dreg:s6], $0x5FFFF;
	_ =	strace $0x90000046  }
0xb2: {  	s29 =	simm.s32 $0x9;
	_ =	strace $0x80000048  }
0xb3: {  	_ =	swait.ge [sflag:s29], $0x1  }
0xb4: {  	[sflag:s29] =	ssyncadd.s32 $0xFFFFFFFF  }
0xb5: {  	_ =	strace $0x90000048  }
0xb6: {  	_ =	sfence  }
0xb7: {  	s30 =	sld [smem:$0x0];
	_ =	sdelay $0x2  }
0xb8: {  	s31 =	sshll.u32 s1, $0xD;
	s1 =	sshrl.u32 s1, $0x2  }
0xb9: {  	s3 =	sand.u32 $0x4000, s31;
	s1 =	sadd.s32 s1, s30  }
0xba: {  	s0 =	sor.u32 s3, s0;
	s1 =	sshll.u32 s1, $0x11  }
0xbb: {  	s0 =	sor.u32 s1, s0  }
0xbc: {  	s0 =	sadd.s32 $0x8F2B, s0  }
0xbd: {  	[sflag:s0] =	ssyncadd.remote.s32 $0x1  }
0xbe: {  	_ =	sfence.sel $0xFFFF  }
0xbf: {  	[dreg:$0x0] =	wrdreg $0xFFFFFFFF;
	(pc) =	sbr.abs _section_cstart, $3  }
0xc0: {  	[dreg:$0x1] =	wrdreg $0xFFFFFFFF  }
0xc1: {  	_ =	task.clear_ibuf [dreg:s6], $0x2FFFF;
	_ =	strace $0x9FFFFFFF  }
0xc2: {  	(tm) =	ssettm $0x7FFFFFFF  }
0xc3: {  	_ =	shalt  }
tec
execute0_lowered:
.L_overlay_start_1:
0x0: {  	(tag) =	ssettag $0x1  }
0x1: {  	s8 =	stileid.u32  }
0x2: {  	s0 =	srdreg.scid;
	s5 =	rddreg [dreg:$0x0]  }
0x3: {  	s2 =	rddreg [dreg:$0x1];
	s3 =	simm.s32 $0x0;
	s11 =	simm.s32 $0xC0  }
0x4: {  	s13 =	simm.s32 $0x5A0;
	s14 =	simm.s32 $0x120;
	s16 =	simm.s32 $0x600  }
0x5: {  	s17 =	simm.s32 $0x180;
	s18 =	simm.s32 $0x660;
	s19 =	simm.s32 $0x1E0  }
0x6: {  	s20 =	simm.s32 $0x6C0;
	s28 =	simm.s32 $0x7E0;
	[smem:$0x7FF] =	sst s3  }
0x7: {  	s29 =	simm.s32 $0x360;
	_ =	strace $0x80000047;
	[dreg:$0x3] =	wrdreg s11  }
0x8: {  	s30 =	simm.s32 $0x840;
	s1 =	smul.u32 $0x46, s8;
	[dreg:$0x4] =	wrdreg s13  }
0x9: {  	s31 =	simm.s32 $0x3C0;
	s4 =	smul.u32 $0x8C, s8;
	[dreg:$0x5] =	wrdreg s14  }
0xa: {  	s0 =	sand.u32 $0x1, s0;
	s6 =	smul.u32 $0x58E00, s8;
	[dreg:$0x6] =	wrdreg s16  }
0xb: {  	s8 =	smul.u32 $0x16380, s8;
	p0 =	seq.s32 s0, $0x0;
	[dreg:$0x7] =	wrdreg s17  }
0xc: {  	s7 =	smul.u32 $0x2C700, s0;
	s0 =	ssub.s32 $0x2, s0;
	[dreg:$0x8] =	wrdreg s18  }
0xd: {  	s16 =	simm.s32 $0xA80;
	s17 =	simm.s32 $0x5;
	[dreg:$0x9] =	wrdreg s19  }
0xe: {  	s18 =	simm.s32 $0x540;
	s19 =	simm.s32 $0x60;
	[dreg:$0xa] =	wrdreg s20  }
0xf: {  	s20 =	simm.s32 $0x4080;
	s11 =	simm.s32 $0xA20;
	s6 =	sshrl.u32 s6, $0x2  }
0x10: {  	s21 =	sshrl.u32 s0, $0x1;
	s24 =	sadd.s32 s8, s2;
	s6 =	sadd.s32 s6, s2  }
0x11: {  	s0 =	ssub.s32 s0, s21;
	s21 =	simm.s32 $0x240;
	[dreg:$0x18] =	wrdreg s24  }
0x12: {  	s13 =	simm.s32 $0x0;
	s22 =	sadd.s32 $0x3600, s6;
	[dreg:$0xb] =	wrdreg s21  }
0x13: {  	s1 =	sadd.s32 $0x8C0, s1;
	s23 =	sadd.s32 $0x6C00, s6;
	[dreg:$0xf] =	wrdreg s22  }
0x14: {  	s12 =	sshrl.u32 s8, $0x3;
	s25 =	sadd.s32 $0xA200, s6;
	[dreg:$0x10] =	wrdreg s23  }
0x15: {  	s8 =	simm.s32 $0x960;
	s26 =	sadd.s32 $0xD800, s6;
	[dreg:$0x11] =	wrdreg s25  }
0x16: {  	s1 =	smov.u32 @p0 s4;
	s9 =	sadd.s32 $0x10E00, s6;
	[dreg:$0x12] =	wrdreg s26  }
0x17: {  	s4 =	sadd.s32 $0x3400, s5;
	s6 =	sadd.s32 $0x14400, s6;
	[dreg:$0x13] =	wrdreg s9  }
0x18: {  	s1 =	smul.u32 $0xC, s1;
	s0 =	smax.u32 s0, $0x1;
	[dreg:$0x14] =	wrdreg s6  }
0x19: {  	s21 =	simm.s32 $0x1;
	s6 =	simm.s32 $0xA;
	[dreg:$0x16] =	wrdreg s0  }
0x1a: {  	s22 =	simm.s32 $0x720;
	s23 =	simm.s32 $0x2A0;
	s25 =	simm.s32 $0x780  }
0x1b: {  	s0 =	simm.s32 $0x420;
	s9 =	simm.s32 $0x4E0;
	[dreg:$0xc] =	wrdreg s22  }
0x1c: {  	s1 =	sadd.s32 s1, s5;
	s5 =	sadd.s32 s7, s5;
	[dreg:$0xd] =	wrdreg s23  }
0x1d: {  	s6 =	simm.s32 @!p0 $0x5;
	s22 =	simm.s32 $0x3;
	[dreg:$0xe] =	wrdreg s25  }
0x1e: {  	s23 =	simm.s32 $0x2;
	s25 =	simm.s32 $0x4;
	s7 =	simm.s32 $0x480  }
0x1f: {  	[dreg:$0x15] =	wrdreg s6;
	s10 =	sadd.s32 $0x43000, s5;
	s15 =	sadd.s32 $0x39200, s1  }
0x20: {  	s1 =	sadd.s32 $0x2F400, s1;
	s6 =	simm.s32 $0x900;
	[dreg:$0x17] =	wrdreg s15  }
0x21: {  	[dreg:$0x19] =	wrdreg s1;
	s26 =	sadd.s32 s12, s10;
	s1 =	simm.s32 $0x8A0  }
0x22: {  	v0 =	vimm.f32 $0.0e+00;
	s10 =	simm.s32 $0x9C0;
	[dreg:$0x1a] =	wrdreg s26;
	s26 =	simm.s32 $0x300  }
.LBB2_1:
0x23: {  	s14 =	simm.s32 $0x80;
	s15 =	simm.s32 $0x440  }
.LBB2_2:
0x24: {  	p0 =	sne.s32 s15, $0xD7C0;
	[tilespmem:s14+$0xA80] =	vst v0  }
0x25: {  	[tilespmem:s14+$0xA00] =	vst v0  }
0x26: {  	[tilespmem:s14+$0xA10] =	vst v0  }
0x27: {  	[tilespmem:s14+$0xA20] =	vst v0  }
.Ltmp0:
0x28: {  	[tilespmem:s14+$0xA30] =	vst v0;
	(pc) =	sbr.rel @p0 .LBB2_2-.Ltmp0, $4  }
0x29: {  	[tilespmem:s14+$0xA40] =	vst v0  }
0x2a: {  	[tilespmem:s14+$0xA50] =	vst v0  }
0x2b: {  	[tilespmem:s14+$0xA60] =	vst v0  }
0x2c: {  	[tilespmem:s14+$0xA70] =	vst v0;
	s14 =	sshra.s32 s15, $0x2;
	s15 =	sadd.s32 $0x240, s15  }
0x2d: {  	[tilespmem:s14+$0xA80] =	vst v0  }
0x2e: {  	[tilespmem:s14+$0xA00] =	vst v0  }
0x2f: {  	[tilespmem:s14+$0xA10] =	vst v0  }
0x30: {  	[tilespmem:s14+$0xA20] =	vst v0  }
0x31: {  	[tilespmem:s14+$0xA30] =	vst v0  }
0x32: {  	[tilespmem:s14+$0xA40] =	vst v0  }
0x33: {  	[tilespmem:s14+$0xA50] =	vst v0  }
0x34: {  	[tilespmem:s14+$0xA60] =	vst v0  }
0x35: {  	[tilespmem:s14+$0xA70] =	vst v0  }
0x36: {  	[spmem:s24] =	stream.linear.scatter [tilespmem:s16], [sflag:$0x5], $0x3600, $0x38;
	[tilespmem:$0x1DA00] =	vst v63  }
0x37: {  	_ =	swait.ge [sflag:s17], $0x3600  }
0x38: {  	[sflag:s17] =	ssyncset.done $0x0  }
0x39: {  	s12 =	rddreg [dreg:$0xf];
	[sflag:s17] =	ssyncadd.s32 $0xFFFFCA00  }
0x3a: {  	[spmem:s12] =	stream.linear.scatter [tilespmem:s16], [sflag:$0x5], $0x3600, $0x38;
	[tilespmem:$0x1DA00] =	vst v63  }
0x3b: {  	_ =	swait.ge [sflag:s17], $0x3600  }
0x3c: {  	[sflag:s17] =	ssyncset.done $0x0  }
0x3d: {  	s15 =	rddreg [dreg:$0x10];
	[sflag:s17] =	ssyncadd.s32 $0xFFFFCA00  }
0x3e: {  	[spmem:s15] =	stream.linear.scatter [tilespmem:s16], [sflag:$0x5], $0x3600, $0x38;
	[tilespmem:$0x1DA00] =	vst v63  }
0x3f: {  	_ =	swait.ge [sflag:s17], $0x3600  }
0x40: {  	[sflag:s17] =	ssyncset.done $0x0  }
0x41: {  	s24 =	rddreg [dreg:$0x11];
	[sflag:s17] =	ssyncadd.s32 $0xFFFFCA00  }
0x42: {  	[spmem:s24] =	stream.linear.scatter [tilespmem:s16], [sflag:$0x5], $0x3600, $0x38;
	[tilespmem:$0x1DA00] =	vst v63  }
0x43: {  	_ =	swait.ge [sflag:s17], $0x3600  }
0x44: {  	[sflag:s17] =	ssyncset.done $0x0  }
0x45: {  	s5 =	rddreg [dreg:$0x12];
	[sflag:s17] =	ssyncadd.s32 $0xFFFFCA00  }
0x46: {  	[spmem:s5] =	stream.linear.scatter [tilespmem:s16], [sflag:$0x5], $0x3600, $0x38;
	[tilespmem:$0x1DA00] =	vst v63  }
0x47: {  	_ =	swait.ge [sflag:s17], $0x3600  }
0x48: {  	[sflag:s17] =	ssyncset.done $0x0  }
0x49: {  	s14 =	rddreg [dreg:$0x13];
	[sflag:s17] =	ssyncadd.s32 $0xFFFFCA00  }
0x4a: {  	[spmem:s14] =	stream.linear.scatter [tilespmem:s16], [sflag:$0x5], $0x3600, $0x38;
	[tilespmem:$0x1DA00] =	vst v63  }
0x4b: {  	_ =	swait.ge [sflag:s17], $0x3600  }
0x4c: {  	[sflag:s17] =	ssyncset.done $0x0  }
0x4d: {  	s15 =	rddreg [dreg:$0x14];
	[sflag:s17] =	ssyncadd.s32 $0xFFFFCA00  }
0x4e: {  	[spmem:s15] =	stream.linear.scatter [tilespmem:s16], [sflag:$0x5], $0x1F80, $0x38;
	[tilespmem:$0x1DA00] =	vst v63  }
0x4f: {  	_ =	swait.ge [sflag:s17], $0x1F80  }
0x50: {  	[sflag:s17] =	ssyncset.done $0x0  }
0x51: {  	[sflag:s17] =	ssyncadd.s32 $0xFFFFE080  }
0x52: {  	[bflag:$0x0] =	sbarrier.arrive $0xFFFF  }
0x53: {  	s5 =	rddreg [dreg:$0x17]  }
0x54: {  	[tilespmem:s3], [sflag:$0x5] =	stream.linear.gather [hbm4b:s5+s3], $0x540, $0x38;
	[tilespmem:$0x1DA00] =	vst v63  }
0x55: {  	_ =	swait.ge [sflag:s17], $0x540  }
0x56: {  	[sflag:s17] =	ssyncset.done $0x0  }
0x57: {  	s15 =	rddreg [dreg:$0x19];
	[sflag:s17] =	ssyncadd.s32 $0xFFFFFAC0  }
0x58: {  	[tilespmem:s18], [sflag:$0x5] =	stream.linear.gather [hbm4b:s15+s3], $0x540, $0x38;
	[tilespmem:$0x1DA00] =	vst v63  }
0x59: {  	_ =	swait.ge [sflag:s17], $0x540  }
0x5a: {  	[sflag:s17] =	ssyncset.done $0x0  }
0x5b: {  	[sflag:s17] =	ssyncadd.s32 $0xFFFFFAC0  }
0x5c: {  	[tilespmem:s16], [sflag:$0x1] =	stream.indirect.gather [hbm4b:s4+s19], $0x90, s3, s19, $0xb8;
	[tilespmem:$0x1DA00] =	vst v63  }
0x5d: {  	_ = 	snop  }
0x5e: {  	[tilespmem:s20], [sflag:$0x2] =	stream.indirect.gather [hbm4b:s4+s19], $0x90, s19, s19, $0xb8;
	[tilespmem:$0x1DA00] =	vst v63  }
0x5f: {  	_ =	swait.ge [sflag:s21], $0x3600  }
0x60: {  	[sflag:s21] =	ssyncset.done $0x0  }
0x61: {  	[sflag:s21] =	ssyncadd.s32 $0xFFFFCA00  }
0x62: {  	[spmem:s2] =	stream.indirect.scatter.add.f32 [tilespmem:s16], [sflag:$0x3], $0x90, s18, s19, $0xb8;
	[tilespmem:$0x1DA00] =	vst v63  }
0x63: {  	_ =	swait.ge [sflag:s22], $0x3600  }
0x64: {  	[sflag:s22] =	ssyncset.done $0x0  }
0x65: {  	s24 =	rddreg [dreg:$0x3];
	[sflag:s22] =	ssyncadd.s32 $0xFFFFCA00  }
0x66: {  	[tilespmem:s16], [sflag:$0x1] =	stream.indirect.gather [hbm4b:s4+s19], $0x90, s24, s19, $0xb8;
	[tilespmem:$0x1DA00] =	vst v63  }
0x67: {  	_ =	swait.ge [sflag:s23], $0x3600  }
0x68: {  	[sflag:s23] =	ssyncset.done $0x0  }
0x69: {  	s12 =	rddreg [dreg:$0x4];
	[sflag:s23] =	ssyncadd.s32 $0xFFFFCA00  }
0x6a: {  	[spmem:s2] =	stream.indirect.scatter.add.f32 [tilespmem:s20], [sflag:$0x4], $0x90, s12, s19, $0xb8;
	[tilespmem:$0x1DA00] =	vst v63  }
0x6b: {  	_ =	swait.ge [sflag:s25], $0x3600  }
0x6c: {  	[sflag:s25] =	ssyncset.done $0x0  }
0x6d: {  	s24 =	rddreg [dreg:$0x5];
	[sflag:s25] =	ssyncadd.s32 $0xFFFFCA00  }
0x6e: {  	[tilespmem:s20], [sflag:$0x2] =	stream.indirect.gather [hbm4b:s4+s19], $0x90, s24, s19, $0xb8;
	[tilespmem:$0x1DA00] =	vst v63  }
0x6f: {  	_ =	swait.ge [sflag:s21], $0x3600  }
0x70: {  	[sflag:s21] =	ssyncset.done $0x0  }
0x71: {  	s12 =	rddreg [dreg:$0x6];
	[sflag:s21] =	ssyncadd.s32 $0xFFFFCA00  }
0x72: {  	[spmem:s2] =	stream.indirect.scatter.add.f32 [tilespmem:s16], [sflag:$0x3], $0x90, s12, s19, $0xb8;
	[tilespmem:$0x1DA00] =	vst v63  }
0x73: {  	_ =	swait.ge [sflag:s22], $0x3600  }
0x74: {  	[sflag:s22] =	ssyncset.done $0x0  }
0x75: {  	s24 =	rddreg [dreg:$0x7];
	[sflag:s22] =	ssyncadd.s32 $0xFFFFCA00  }
0x76: {  	[tilespmem:s16], [sflag:$0x1] =	stream.indirect.gather [hbm4b:s4+s19], $0x90, s24, s19, $0xb8;
	[tilespmem:$0x1DA00] =	vst v63  }
0x77: {  	_ =	swait.ge [sflag:s23], $0x3600  }
0x78: {  	[sflag:s23] =	ssyncset.done $0x0  }
0x79: {  	s12 =	rddreg [dreg:$0x8];
	[sflag:s23] =	ssyncadd.s32 $0xFFFFCA00  }
0x7a: {  	[spmem:s2] =	stream.indirect.scatter.add.f32 [tilespmem:s20], [sflag:$0x4], $0x90, s12, s19, $0xb8;
	[tilespmem:$0x1DA00] =	vst v63  }
0x7b: {  	_ =	swait.ge [sflag:s25], $0x3600  }
0x7c: {  	[sflag:s25] =	ssyncset.done $0x0  }
0x7d: {  	s24 =	rddreg [dreg:$0x9];
	[sflag:s25] =	ssyncadd.s32 $0xFFFFCA00  }
0x7e: {  	[tilespmem:s20], [sflag:$0x2] =	stream.indirect.gather [hbm4b:s4+s19], $0x90, s24, s19, $0xb8;
	[tilespmem:$0x1DA00] =	vst v63  }
0x7f: {  	_ =	swait.ge [sflag:s21], $0x3600  }
0x80: {  	[sflag:s21] =	ssyncset.done $0x0  }
0x81: {  	s12 =	rddreg [dreg:$0xa];
	[sflag:s21] =	ssyncadd.s32 $0xFFFFCA00  }
0x82: {  	[spmem:s2] =	stream.indirect.scatter.add.f32 [tilespmem:s16], [sflag:$0x3], $0x90, s12, s19, $0xb8;
	[tilespmem:$0x1DA00] =	vst v63  }
0x83: {  	_ =	swait.ge [sflag:s22], $0x3600  }
0x84: {  	[sflag:s22] =	ssyncset.done $0x0  }
0x85: {  	s24 =	rddreg [dreg:$0xb];
	[sflag:s22] =	ssyncadd.s32 $0xFFFFCA00  }
0x86: {  	[tilespmem:s16], [sflag:$0x1] =	stream.indirect.gather [hbm4b:s4+s19], $0x90, s24, s19, $0xb8;
	[tilespmem:$0x1DA00] =	vst v63  }
0x87: {  	_ =	swait.ge [sflag:s23], $0x3600  }
0x88: {  	[sflag:s23] =	ssyncset.done $0x0  }
0x89: {  	s12 =	rddreg [dreg:$0xc];
	[sflag:s23] =	ssyncadd.s32 $0xFFFFCA00  }
0x8a: {  	[spmem:s2] =	stream.indirect.scatter.add.f32 [tilespmem:s20], [sflag:$0x4], $0x90, s12, s19, $0xb8;
	[tilespmem:$0x1DA00] =	vst v63  }
0x8b: {  	_ =	swait.ge [sflag:s25], $0x3600  }
0x8c: {  	[sflag:s25] =	ssyncset.done $0x0  }
0x8d: {  	s24 =	rddreg [dreg:$0xd];
	[sflag:s25] =	ssyncadd.s32 $0xFFFFCA00  }
0x8e: {  	[tilespmem:s20], [sflag:$0x2] =	stream.indirect.gather [hbm4b:s4+s19], $0x90, s24, s19, $0xb8;
	[tilespmem:$0x1DA00] =	vst v63  }
0x8f: {  	_ =	swait.ge [sflag:s21], $0x3600  }
0x90: {  	[sflag:s21] =	ssyncset.done $0x0  }
0x91: {  	s12 =	rddreg [dreg:$0xe];
	[sflag:s21] =	ssyncadd.s32 $0xFFFFCA00  }
0x92: {  	[spmem:s2] =	stream.indirect.scatter.add.f32 [tilespmem:s16], [sflag:$0x3], $0x90, s12, s19, $0xb8;
	[tilespmem:$0x1DA00] =	vst v63  }
0x93: {  	_ =	swait.ge [sflag:s22], $0x3600  }
0x94: {  	[sflag:s22] =	ssyncset.done $0x0  }
0x95: {  	[sflag:s22] =	ssyncadd.s32 $0xFFFFCA00  }
0x96: {  	[tilespmem:s16], [sflag:$0x1] =	stream.indirect.gather [hbm4b:s4+s19], $0x90, s26, s19, $0xb8;
	[tilespmem:$0x1DA00] =	vst v63  }
0x97: {  	_ =	swait.ge [sflag:s23], $0x3600  }
0x98: {  	[sflag:s23] =	ssyncset.done $0x0  }
0x99: {  	[sflag:s23] =	ssyncadd.s32 $0xFFFFCA00  }
0x9a: {  	[spmem:s2] =	stream.indirect.scatter.add.f32 [tilespmem:s20], [sflag:$0x4], $0x90, s28, s19, $0xb8;
	[tilespmem:$0x1DA00] =	vst v63  }
0x9b: {  	_ =	swait.ge [sflag:s25], $0x3600  }
0x9c: {  	[sflag:s25] =	ssyncset.done $0x0  }
0x9d: {  	[sflag:s25] =	ssyncadd.s32 $0xFFFFCA00  }
0x9e: {  	[tilespmem:s20], [sflag:$0x2] =	stream.indirect.gather [hbm4b:s4+s19], $0x90, s29, s19, $0xb8;
	[tilespmem:$0x1DA00] =	vst v63  }
0x9f: {  	_ =	swait.ge [sflag:s21], $0x3600  }
0xa0: {  	[sflag:s21] =	ssyncset.done $0x0  }
0xa1: {  	[sflag:s21] =	ssyncadd.s32 $0xFFFFCA00  }
0xa2: {  	[spmem:s2] =	stream.indirect.scatter.add.f32 [tilespmem:s16], [sflag:$0x3], $0x90, s30, s19, $0xb8;
	[tilespmem:$0x1DA00] =	vst v63  }
0xa3: {  	_ =	swait.ge [sflag:s22], $0x3600  }
0xa4: {  	[sflag:s22] =	ssyncset.done $0x0  }
0xa5: {  	[sflag:s22] =	ssyncadd.s32 $0xFFFFCA00  }
0xa6: {  	[tilespmem:s16], [sflag:$0x1] =	stream.indirect.gather [hbm4b:s4+s19], $0x90, s31, s19, $0xb8;
	[tilespmem:$0x1DA00] =	vst v63  }
0xa7: {  	_ =	swait.ge [sflag:s23], $0x3600  }
0xa8: {  	[sflag:s23] =	ssyncset.done $0x0  }
0xa9: {  	[sflag:s23] =	ssyncadd.s32 $0xFFFFCA00  }
0xaa: {  	[spmem:s2] =	stream.indirect.scatter.add.f32 [tilespmem:s20], [sflag:$0x4], $0x90, s1, s19, $0xb8;
	[tilespmem:$0x1DA00] =	vst v63  }
0xab: {  	_ =	swait.ge [sflag:s25], $0x3600  }
0xac: {  	[sflag:s25] =	ssyncset.done $0x0  }
0xad: {  	[sflag:s25] =	ssyncadd.s32 $0xFFFFCA00  }
0xae: {  	[tilespmem:s20], [sflag:$0x2] =	stream.indirect.gather [hbm4b:s4+s19], $0x90, s0, s19, $0xb8;
	[tilespmem:$0x1DA00] =	vst v63  }
0xaf: {  	_ =	swait.ge [sflag:s21], $0x3600  }
0xb0: {  	[sflag:s21] =	ssyncset.done $0x0  }
0xb1: {  	[sflag:s21] =	ssyncadd.s32 $0xFFFFCA00  }
0xb2: {  	[spmem:s2] =	stream.indirect.scatter.add.f32 [tilespmem:s16], [sflag:$0x3], $0x90, s6, s19, $0xb8;
	[tilespmem:$0x1DA00] =	vst v63  }
0xb3: {  	_ =	swait.ge [sflag:s22], $0x3600  }
0xb4: {  	[sflag:s22] =	ssyncset.done $0x0  }
0xb5: {  	[sflag:s22] =	ssyncadd.s32 $0xFFFFCA00  }
0xb6: {  	[tilespmem:s16], [sflag:$0x1] =	stream.indirect.gather [hbm4b:s4+s19], $0x90, s7, s19, $0xb8;
	[tilespmem:$0x1DA00] =	vst v63  }
0xb7: {  	_ =	swait.ge [sflag:s23], $0x3600  }
0xb8: {  	[sflag:s23] =	ssyncset.done $0x0  }
0xb9: {  	[sflag:s23] =	ssyncadd.s32 $0xFFFFCA00  }
0xba: {  	[spmem:s2] =	stream.indirect.scatter.add.f32 [tilespmem:s20], [sflag:$0x4], $0x90, s8, s19, $0xb8;
	[tilespmem:$0x1DA00] =	vst v63  }
0xbb: {  	_ =	swait.ge [sflag:s25], $0x3600  }
0xbc: {  	[sflag:s25] =	ssyncset.done $0x0  }
0xbd: {  	[sflag:s25] =	ssyncadd.s32 $0xFFFFCA00  }
0xbe: {  	[tilespmem:s20], [sflag:$0x2] =	stream.indirect.gather [hbm4b:s4+s19], $0x90, s9, s19, $0xb8;
	[tilespmem:$0x1DA00] =	vst v63  }
0xbf: {  	_ =	swait.ge [sflag:s21], $0x3600  }
0xc0: {  	[sflag:s21] =	ssyncset.done $0x0  }
0xc1: {  	[sflag:s21] =	ssyncadd.s32 $0xFFFFCA00  }
0xc2: {  	[spmem:s2] =	stream.indirect.scatter.add.f32 [tilespmem:s16], [sflag:$0x3], $0x90, s10, s19, $0xb8;
	[tilespmem:$0x1DA00] =	vst v63  }
0xc3: {  	_ =	swait.ge [sflag:s23], $0x3600  }
0xc4: {  	[sflag:s23] =	ssyncset.done $0x0  }
0xc5: {  	[sflag:s23] =	ssyncadd.s32 $0xFFFFCA00  }
0xc6: {  	[spmem:s2] =	stream.indirect.scatter.add.f32 [tilespmem:s20], [sflag:$0x4], $0x90, s11, s19, $0xb8;
	[tilespmem:$0x1DA00] =	vst v63  }
0xc7: {  	_ =	swait.ge [sflag:s22], $0x3600  }
0xc8: {  	s24 =	rddreg [dreg:$0x15]  }
0xc9: {  	p0 =	sne.s32 s24, $0x1  }
.Ltmp1:
0xca: {  	_ = 	snop;
	(pc) =	sbr.rel @!p0 .LBB2_5-.Ltmp1, $4  }
0xcb: {  	[sflag:s22] =	ssyncset.done $0x0  }
0xcc: {  	[sflag:s22] =	ssyncadd.s32 $0xFFFFCA00  }
0xcd: {  	_ =	swait.ge [sflag:s25], $0x3600  }
0xce: {  	s24 =	sadd.s32 $0xFFFFFFFF, s24;
	[sflag:s25] =	ssyncset.done $0x0  }
.LBB2_4:
0xcf: {  	[sflag:s25] =	ssyncadd.s32 $0xFFFFCA00;
	s5 =	sadd.s32 $0xA8, s5  }
0xd0: {  	[tilespmem:s3], [sflag:$0x5] =	stream.linear.gather [hbm4b:s5+s3], $0x540, $0x38;
	[tilespmem:$0x1DA00] =	vst v63  }
0xd1: {  	_ =	swait.ge [sflag:s17], $0x540  }
0xd2: {  	[sflag:s17] =	ssyncset.done $0x0  }
0xd3: {  	s15 =	sadd.s32 $0xA8, s15;
	[sflag:s17] =	ssyncadd.s32 $0xFFFFFAC0  }
0xd4: {  	[tilespmem:s18], [sflag:$0x5] =	stream.linear.gather [hbm4b:s15+s3], $0x540, $0x38;
	[tilespmem:$0x1DA00] =	vst v63  }
0xd5: {  	_ =	swait.ge [sflag:s17], $0x540  }
0xd6: {  	[sflag:s17] =	ssyncset.done $0x0  }
0xd7: {  	[sflag:s17] =	ssyncadd.s32 $0xFFFFFAC0  }
0xd8: {  	[tilespmem:s16], [sflag:$0x1] =	stream.indirect.gather [hbm4b:s4+s19], $0x90, s3, s19, $0xb8;
	[tilespmem:$0x1DA00] =	vst v63  }
0xd9: {  	_ = 	snop  }
0xda: {  	[tilespmem:s20], [sflag:$0x2] =	stream.indirect.gather [hbm4b:s4+s19], $0x90, s19, s19, $0xb8;
	[tilespmem:$0x1DA00] =	vst v63  }
0xdb: {  	_ =	swait.ge [sflag:s21], $0x3600  }
0xdc: {  	[sflag:s21] =	ssyncset.done $0x0  }
0xdd: {  	[sflag:s21] =	ssyncadd.s32 $0xFFFFCA00  }
0xde: {  	[spmem:s2] =	stream.indirect.scatter.add.f32 [tilespmem:s16], [sflag:$0x3], $0x90, s18, s19, $0xb8;
	[tilespmem:$0x1DA00] =	vst v63  }
0xdf: {  	_ =	swait.ge [sflag:s22], $0x3600  }
0xe0: {  	[sflag:s22] =	ssyncset.done $0x0  }
0xe1: {  	s12 =	rddreg [dreg:$0x3];
	[sflag:s22] =	ssyncadd.s32 $0xFFFFCA00  }
0xe2: {  	[tilespmem:s16], [sflag:$0x1] =	stream.indirect.gather [hbm4b:s4+s19], $0x90, s12, s19, $0xb8;
	[tilespmem:$0x1DA00] =	vst v63  }
0xe3: {  	_ =	swait.ge [sflag:s23], $0x3600  }
0xe4: {  	[sflag:s23] =	ssyncset.done $0x0  }
0xe5: {  	s14 =	rddreg [dreg:$0x4];
	[sflag:s23] =	ssyncadd.s32 $0xFFFFCA00  }
0xe6: {  	[spmem:s2] =	stream.indirect.scatter.add.f32 [tilespmem:s20], [sflag:$0x4], $0x90, s14, s19, $0xb8;
	[tilespmem:$0x1DA00] =	vst v63  }
0xe7: {  	_ =	swait.ge [sflag:s25], $0x3600  }
0xe8: {  	[sflag:s25] =	ssyncset.done $0x0  }
0xe9: {  	s14 =	rddreg [dreg:$0x5];
	[sflag:s25] =	ssyncadd.s32 $0xFFFFCA00  }
0xea: {  	[tilespmem:s20], [sflag:$0x2] =	stream.indirect.gather [hbm4b:s4+s19], $0x90, s14, s19, $0xb8;
	[tilespmem:$0x1DA00] =	vst v63  }
0xeb: {  	_ =	swait.ge [sflag:s21], $0x3600  }
0xec: {  	[sflag:s21] =	ssyncset.done $0x0  }
0xed: {  	s14 =	rddreg [dreg:$0x6];
	[sflag:s21] =	ssyncadd.s32 $0xFFFFCA00  }
0xee: {  	[spmem:s2] =	stream.indirect.scatter.add.f32 [tilespmem:s16], [sflag:$0x3], $0x90, s14, s19, $0xb8;
	[tilespmem:$0x1DA00] =	vst v63  }
0xef: {  	_ =	swait.ge [sflag:s22], $0x3600  }
0xf0: {  	[sflag:s22] =	ssyncset.done $0x0  }
0xf1: {  	s14 =	rddreg [dreg:$0x7];
	[sflag:s22] =	ssyncadd.s32 $0xFFFFCA00  }
0xf2: {  	[tilespmem:s16], [sflag:$0x1] =	stream.indirect.gather [hbm4b:s4+s19], $0x90, s14, s19, $0xb8;
	[tilespmem:$0x1DA00] =	vst v63  }
0xf3: {  	_ =	swait.ge [sflag:s23], $0x3600  }
0xf4: {  	[sflag:s23] =	ssyncset.done $0x0  }
0xf5: {  	s14 =	rddreg [dreg:$0x8];
	[sflag:s23] =	ssyncadd.s32 $0xFFFFCA00  }
0xf6: {  	[spmem:s2] =	stream.indirect.scatter.add.f32 [tilespmem:s20], [sflag:$0x4], $0x90, s14, s19, $0xb8;
	[tilespmem:$0x1DA00] =	vst v63  }
0xf7: {  	_ =	swait.ge [sflag:s25], $0x3600  }
0xf8: {  	[sflag:s25] =	ssyncset.done $0x0  }
0xf9: {  	s14 =	rddreg [dreg:$0x9];
	[sflag:s25] =	ssyncadd.s32 $0xFFFFCA00  }
0xfa: {  	[tilespmem:s20], [sflag:$0x2] =	stream.indirect.gather [hbm4b:s4+s19], $0x90, s14, s19, $0xb8;
	[tilespmem:$0x1DA00] =	vst v63  }
0xfb: {  	_ =	swait.ge [sflag:s21], $0x3600  }
0xfc: {  	[sflag:s21] =	ssyncset.done $0x0  }
0xfd: {  	s14 =	rddreg [dreg:$0xa];
	[sflag:s21] =	ssyncadd.s32 $0xFFFFCA00  }
0xfe: {  	[spmem:s2] =	stream.indirect.scatter.add.f32 [tilespmem:s16], [sflag:$0x3], $0x90, s14, s19, $0xb8;
	[tilespmem:$0x1DA00] =	vst v63  }
0xff: {  	_ =	swait.ge [sflag:s22], $0x3600  }
0x100: {  	[sflag:s22] =	ssyncset.done $0x0  }
0x101: {  	s14 =	rddreg [dreg:$0xb];
	[sflag:s22] =	ssyncadd.s32 $0xFFFFCA00  }
0x102: {  	[tilespmem:s16], [sflag:$0x1] =	stream.indirect.gather [hbm4b:s4+s19], $0x90, s14, s19, $0xb8;
	[tilespmem:$0x1DA00] =	vst v63  }
0x103: {  	_ =	swait.ge [sflag:s23], $0x3600  }
0x104: {  	[sflag:s23] =	ssyncset.done $0x0  }
0x105: {  	s14 =	rddreg [dreg:$0xc];
	[sflag:s23] =	ssyncadd.s32 $0xFFFFCA00  }
0x106: {  	[spmem:s2] =	stream.indirect.scatter.add.f32 [tilespmem:s20], [sflag:$0x4], $0x90, s14, s19, $0xb8;
	[tilespmem:$0x1DA00] =	vst v63  }
0x107: {  	_ =	swait.ge [sflag:s25], $0x3600  }
0x108: {  	[sflag:s25] =	ssyncset.done $0x0  }
0x109: {  	s14 =	rddreg [dreg:$0xd];
	[sflag:s25] =	ssyncadd.s32 $0xFFFFCA00  }
0x10a: {  	[tilespmem:s20], [sflag:$0x2] =	stream.indirect.gather [hbm4b:s4+s19], $0x90, s14, s19, $0xb8;
	[tilespmem:$0x1DA00] =	vst v63  }
0x10b: {  	_ =	swait.ge [sflag:s21], $0x3600  }
0x10c: {  	[sflag:s21] =	ssyncset.done $0x0  }
0x10d: {  	s14 =	rddreg [dreg:$0xe];
	[sflag:s21] =	ssyncadd.s32 $0xFFFFCA00  }
0x10e: {  	[spmem:s2] =	stream.indirect.scatter.add.f32 [tilespmem:s16], [sflag:$0x3], $0x90, s14, s19, $0xb8;
	[tilespmem:$0x1DA00] =	vst v63  }
0x10f: {  	_ =	swait.ge [sflag:s22], $0x3600  }
0x110: {  	[sflag:s22] =	ssyncset.done $0x0  }
0x111: {  	[sflag:s22] =	ssyncadd.s32 $0xFFFFCA00  }
0x112: {  	[tilespmem:s16], [sflag:$0x1] =	stream.indirect.gather [hbm4b:s4+s19], $0x90, s26, s19, $0xb8;
	[tilespmem:$0x1DA00] =	vst v63  }
0x113: {  	_ =	swait.ge [sflag:s23], $0x3600  }
0x114: {  	[sflag:s23] =	ssyncset.done $0x0  }
0x115: {  	[sflag:s23] =	ssyncadd.s32 $0xFFFFCA00  }
0x116: {  	[spmem:s2] =	stream.indirect.scatter.add.f32 [tilespmem:s20], [sflag:$0x4], $0x90, s28, s19, $0xb8;
	[tilespmem:$0x1DA00] =	vst v63  }
0x117: {  	_ =	swait.ge [sflag:s25], $0x3600  }
0x118: {  	[sflag:s25] =	ssyncset.done $0x0  }
0x119: {  	[sflag:s25] =	ssyncadd.s32 $0xFFFFCA00  }
0x11a: {  	[tilespmem:s20], [sflag:$0x2] =	stream.indirect.gather [hbm4b:s4+s19], $0x90, s29, s19, $0xb8;
	[tilespmem:$0x1DA00] =	vst v63  }
0x11b: {  	_ =	swait.ge [sflag:s21], $0x3600  }
0x11c: {  	[sflag:s21] =	ssyncset.done $0x0  }
0x11d: {  	[sflag:s21] =	ssyncadd.s32 $0xFFFFCA00  }
0x11e: {  	[spmem:s2] =	stream.indirect.scatter.add.f32 [tilespmem:s16], [sflag:$0x3], $0x90, s30, s19, $0xb8;
	[tilespmem:$0x1DA00] =	vst v63  }
0x11f: {  	_ =	swait.ge [sflag:s22], $0x3600  }
0x120: {  	[sflag:s22] =	ssyncset.done $0x0  }
0x121: {  	[sflag:s22] =	ssyncadd.s32 $0xFFFFCA00  }
0x122: {  	[tilespmem:s16], [sflag:$0x1] =	stream.indirect.gather [hbm4b:s4+s19], $0x90, s31, s19, $0xb8;
	[tilespmem:$0x1DA00] =	vst v63  }
0x123: {  	_ =	swait.ge [sflag:s23], $0x3600  }
0x124: {  	[sflag:s23] =	ssyncset.done $0x0  }
0x125: {  	[sflag:s23] =	ssyncadd.s32 $0xFFFFCA00  }
0x126: {  	[spmem:s2] =	stream.indirect.scatter.add.f32 [tilespmem:s20], [sflag:$0x4], $0x90, s1, s19, $0xb8;
	[tilespmem:$0x1DA00] =	vst v63  }
0x127: {  	_ =	swait.ge [sflag:s25], $0x3600  }
0x128: {  	[sflag:s25] =	ssyncset.done $0x0  }
0x129: {  	[sflag:s25] =	ssyncadd.s32 $0xFFFFCA00  }
0x12a: {  	[tilespmem:s20], [sflag:$0x2] =	stream.indirect.gather [hbm4b:s4+s19], $0x90, s0, s19, $0xb8;
	[tilespmem:$0x1DA00] =	vst v63  }
0x12b: {  	_ =	swait.ge [sflag:s21], $0x3600  }
0x12c: {  	[sflag:s21] =	ssyncset.done $0x0  }
0x12d: {  	[sflag:s21] =	ssyncadd.s32 $0xFFFFCA00  }
0x12e: {  	[spmem:s2] =	stream.indirect.scatter.add.f32 [tilespmem:s16], [sflag:$0x3], $0x90, s6, s19, $0xb8;
	[tilespmem:$0x1DA00] =	vst v63  }
0x12f: {  	_ =	swait.ge [sflag:s22], $0x3600  }
0x130: {  	[sflag:s22] =	ssyncset.done $0x0  }
0x131: {  	[sflag:s22] =	ssyncadd.s32 $0xFFFFCA00  }
0x132: {  	[tilespmem:s16], [sflag:$0x1] =	stream.indirect.gather [hbm4b:s4+s19], $0x90, s7, s19, $0xb8;
	[tilespmem:$0x1DA00] =	vst v63  }
0x133: {  	_ =	swait.ge [sflag:s23], $0x3600  }
0x134: {  	[sflag:s23] =	ssyncset.done $0x0  }
0x135: {  	[sflag:s23] =	ssyncadd.s32 $0xFFFFCA00  }
0x136: {  	[spmem:s2] =	stream.indirect.scatter.add.f32 [tilespmem:s20], [sflag:$0x4], $0x90, s8, s19, $0xb8;
	[tilespmem:$0x1DA00] =	vst v63  }
0x137: {  	_ =	swait.ge [sflag:s25], $0x3600  }
0x138: {  	[sflag:s25] =	ssyncset.done $0x0  }
0x139: {  	[sflag:s25] =	ssyncadd.s32 $0xFFFFCA00  }
0x13a: {  	[tilespmem:s20], [sflag:$0x2] =	stream.indirect.gather [hbm4b:s4+s19], $0x90, s9, s19, $0xb8;
	[tilespmem:$0x1DA00] =	vst v63  }
0x13b: {  	_ =	swait.ge [sflag:s21], $0x3600  }
0x13c: {  	[sflag:s21] =	ssyncset.done $0x0  }
0x13d: {  	[sflag:s21] =	ssyncadd.s32 $0xFFFFCA00  }
0x13e: {  	[spmem:s2] =	stream.indirect.scatter.add.f32 [tilespmem:s16], [sflag:$0x3], $0x90, s10, s19, $0xb8;
	[tilespmem:$0x1DA00] =	vst v63  }
0x13f: {  	_ =	swait.ge [sflag:s23], $0x3600  }
0x140: {  	[sflag:s23] =	ssyncset.done $0x0  }
0x141: {  	p0 =	sne.s32 s24, $0x1;
	[sflag:s23] =	ssyncadd.s32 $0xFFFFCA00  }
0x142: {  	[spmem:s2] =	stream.indirect.scatter.add.f32 [tilespmem:s20], [sflag:$0x4], $0x90, s11, s19, $0xb8;
	[tilespmem:$0x1DA00] =	vst v63  }
.Ltmp2:
0x143: {  	_ =	swait.ge [sflag:s22], $0x3600;
	(pc) =	sbr.rel @p0 .LBB2_4-.Ltmp2, $4  }
0x144: {  	[sflag:s22] =	ssyncset.done $0x0  }
0x145: {  	[sflag:s22] =	ssyncadd.s32 $0xFFFFCA00  }
0x146: {  	_ =	swait.ge [sflag:s25], $0x3600  }
0x147: {  	s24 =	sadd.s32 $0xFFFFFFFF, s24;
	[sflag:s25] =	ssyncset.done $0x0  }
.LBB2_5:
0x148: {  	[sflag:s25] =	ssyncadd.s32 $0xFFFFCA00  }
0x149: {  	s12 =	stileid.u32;
	[bflag:$0x0] =	sbarrier.arrive $0xFFFF  }
0x14a: {  	s12 =	sshll.u32 s12, $0x6;
	s24 =	rddreg [dreg:$0x18]  }
0x14b: {  	s12 =	sor.u32 $0x1C05, s12;
	s5 =	rddreg [dreg:$0x1a];
	s14 =	sshrl.u32 s24, $0x3  }
0x14c: {  	[hbm:s5], [sflag:s12] =	dma.local [spmem:s14], $0x2C70  }
0x14d: {  	_ =	swait.ge [sflag:s17], $0x2C70  }
0x14e: {  	s13 =	sadd.s32 $0x1, s13;
	s15 =	rddreg [dreg:$0x16]  }
0x14f: {  	p0 =	sne.s32 s13, s15  }
.Ltmp3:
0x150: {  	_ = 	snop;
	(pc) =	sbr.rel @p0 .LBB2_1-.Ltmp3, $3  }
0x151: {  	_ =	sdelay $0x1  }
0x152: {  	[sflag:s17] =	ssyncset.done $0x0  }
0x153: {  	[sflag:s17] =	ssyncadd.s32 $0xFFFFD390  }
0x154: {  	_ =	sfence.sel $0x180000  }
0x155: {  	[bflag:$0x0] =	sbarrier.arrive $0xFFFF  }
0x156: {  	_ =	strace $0x90000047  }
0x157: {  	s0 =	stileid.u32;
	[bflag:$0x2] =	sbarrier.arrive $0xFFFF  }
0x158: {  	p0 =	sne.s32 s0, $0x0;
	s0 =	rddreg [dreg:$0x2]  }
0x159: {  	s0 =	sadd.s32 @!p0 $0x100000, s0  }
0x15a: {  	[sflag:s0] =	ssyncadd.tile.s32 @!p0 $0x1;
	_ =	shalt  }
.Lfunc_end2:
_tile_overlayer_lowered:
.L_overlay_start_2:
0x15b: {  	(tag) =	ssettag $0x2  }
0x15c: {  	s0 =	rddreg [dreg:$0x0];
	s2 =	stileid.u32  }
0x15d: {  	s1 =	rddreg [dreg:$0x1];
	p0 =	sne.s32 s2, $0x0  }
0x15e: {  	s3 =	rddreg [dreg:$0x2];
	[bflag:$0x3] =	sbarrier.arrive $0xFFFF;
	s2 =	simm.s32 @!p0 $0x1C05  }
0x15f: {  	[timem:s3], [sflag:s2] =	dma.local @!p0 [hbm:s0], s1  }
0x160: {  	s0 =	simm.s32 @!p0 $0x5  }
0x161: {  	_ =	swait.ge @!p0 [sflag:s0], s1  }
0x162: {  	s1 =	ssub.s32 @!p0 $0x0, s1;
	[sflag:s0] =	ssyncset.done @!p0 $0x0  }
0x163: {  	[sflag:s0] =	ssyncadd.s32 @!p0 s1  }
0x164: {  	[bflag:$0x3] =	sbarrier.arrive $0xFFFF  }
0x165: {  	_ =	shalt  }

</sc_bundles>
